<compile_context>
chip_gen: v7x
topology: tpu7x:2x2x1
jax: 0.10.2.dev20260603
libtpu: 0.0.44.dev20260713+nightly
codegen_flags: <defaults>
</compile_context>

<pallas_src>
import jax
import jax.numpy as jnp
from jax import lax
from jax.experimental import pallas as pl
from jax.experimental.pallas import tpu as pltpu
from jax.experimental.pallas import tpu_sc as plsc

VOCAB = 1000000
D_MODEL = 32
BATCH = 16384
HIST = 50

NC = 2
NS = 16
NW = NC * NS

SCOLS = 512
COLS_PER_W = 31232
T_STAGES = COLS_PER_W // SCOLS
EXTRA0 = COLS_PER_W * NW
TAIL0 = EXTRA0 + SCOLS
TAIL_COLS = VOCAB - TAIL0
IN_PITCH = SCOLS + 3

ROWS_PER_W = BATCH // NW
STAGE_ROWS = 16
N_STAGES = ROWS_PER_W // STAGE_ROWS


def _transpose_body(tab_hbm, tail_hbm, out_hbm, in_a, in_b, out_a, out_b,
                    tail_v, isems, osems):
    wid = lax.axis_index("s") * NC + lax.axis_index("c")
    col0 = wid * COLS_PER_W
    w_lo = lax.iota(jnp.int32, 16)
    w_hi = w_lo + 16
    in_bufs = (in_a, in_b)
    out_bufs = (out_a, out_b)

    def issue_in(t, parity):
        pltpu.async_copy(
            tab_hbm.at[:, pl.ds(col0 + t * SCOLS, SCOLS)],
            in_bufs[parity].at[:, pl.ds(0, SCOLS)],
            isems[parity],
        )

    def wait_in(parity):
        pltpu.make_async_copy(
            tab_hbm.at[:, pl.ds(0, SCOLS)],
            in_bufs[parity].at[:, pl.ds(0, SCOLS)],
            isems[parity],
        ).wait()

    def drain_out(parity):
        pltpu.make_async_copy(
            out_hbm.at[pl.ds(0, SCOLS * D_MODEL)],
            out_bufs[parity],
            osems[parity],
        ).wait()

    def transpose(src, dst, n):
        @plsc.parallel_loop(0, n, unroll=32, carry=jnp.zeros((16,), jnp.int32))
        def _tr(i, iv):
            a = plsc.load_gather(src, [w_lo, iv])
            b = plsc.load_gather(src, [w_hi, iv])
            dst[pl.ds(i * D_MODEL, 16)] = a
            dst[pl.ds(i * D_MODEL + 16, 16)] = b
            return iv + 1

    def store(t, parity):
        pltpu.async_copy(
            out_bufs[parity],
            out_hbm.at[pl.ds((col0 + t * SCOLS) * D_MODEL, SCOLS * D_MODEL)],
            osems[parity],
        )

    def stage(t, parity, with_drain, with_issue):
        wait_in(parity)
        if with_drain:
            drain_out(parity)
        transpose(in_bufs[parity], out_bufs[parity], SCOLS)
        store(t, parity)
        if with_issue:
            issue_in(t + 2, parity)

    issue_in(0, 0)
    issue_in(1, 1)
    stage(0, 0, False, True)
    stage(1, 1, False, True)

    def step(k, carry):
        del carry
        stage(2 * k, 0, True, True)
        stage(2 * k + 1, 1, True, True)
        return 0

    lax.fori_loop(1, (T_STAGES - 3) // 2, step, 0, unroll=False)
    stage(T_STAGES - 3, 0, True, True)
    stage(T_STAGES - 2, 1, True, False)
    stage(T_STAGES - 1, 0, True, False)
    drain_out(0)
    drain_out(1)

    @pl.when(wid == 0)
    def _extra():
        pltpu.async_copy(
            tab_hbm.at[:, pl.ds(EXTRA0, SCOLS)],
            in_a.at[:, pl.ds(0, SCOLS)],
            isems[0],
        ).wait()
        transpose(in_a, out_a, SCOLS)
        pltpu.async_copy(
            out_a,
            out_hbm.at[pl.ds(EXTRA0 * D_MODEL, SCOLS * D_MODEL)],
            osems[0],
        ).wait()

    @pl.when(wid == 4)
    def _tail():
        pltpu.sync_copy(tail_hbm, tail_v)

        @plsc.parallel_loop(0, TAIL_COLS, unroll=8)
        def _tr(i):
            iv = jnp.broadcast_to(i, (16,)).astype(jnp.int32)
            a = plsc.load_gather(tail_v, [w_lo, iv])
            b = plsc.load_gather(tail_v, [w_hi, iv])
            out_a[pl.ds(i * D_MODEL, 16)] = a
            out_a[pl.ds(i * D_MODEL + 16, 16)] = b
        pltpu.async_copy(
            out_a.at[pl.ds(0, TAIL_COLS * D_MODEL)],
            out_hbm.at[pl.ds(TAIL0 * D_MODEL, TAIL_COLS * D_MODEL)],
            osems[0],
        ).wait()


def _gather_body(idx_hbm, table_hbm, out_hbm, idx2d_v, stage_v, gsems, osems):
    wid = lax.axis_index("s") * NC + lax.axis_index("c")
    b0 = wid * ROWS_PER_W
    pltpu.sync_copy(idx_hbm.at[pl.ds(b0, ROWS_PER_W), :], idx2d_v)

    def issue_gathers(t, parity):
        for r in range(STAGE_ROWS):
            pltpu.async_copy(
                table_hbm.at[idx2d_v.at[t * STAGE_ROWS + r]],
                stage_v.at[parity * STAGE_ROWS + r],
                gsems[parity],
            )

    def drain(sem, parity):
        pltpu.make_async_copy(
            out_hbm.at[pl.ds(0, STAGE_ROWS)],
            stage_v.at[pl.ds(parity * STAGE_ROWS, STAGE_ROWS)],
            sem,
        ).wait()

    def store(t, parity):
        pltpu.async_copy(
            stage_v.at[pl.ds(parity * STAGE_ROWS, STAGE_ROWS)],
            out_hbm.at[pl.ds(b0 + t * STAGE_ROWS, STAGE_ROWS)],
            osems[parity],
        )

    issue_gathers(0, 0)
    issue_gathers(1, 1)
    drain(gsems[0], 0)
    store(0, 0)

    def step(k, carry):
        del carry
        t0 = 2 * k
        drain(osems[0], 0)
        issue_gathers(t0, 0)
        drain(gsems[1], 1)
        store(t0 - 1, 1)
        t1 = t0 + 1
        drain(osems[1], 1)
        issue_gathers(t1, 1)
        drain(gsems[0], 0)
        store(t1 - 1, 0)
        return 0

    lax.fori_loop(1, N_STAGES // 2, step, 0, unroll=False)
    drain(gsems[1], 1)
    store(N_STAGES - 1, 1)
    drain(osems[0], 0)
    drain(osems[1], 1)


def _sc_mesh():
    return plsc.VectorSubcoreMesh(
        core_axis_name="c", subcore_axis_name="s", num_cores=NC, num_subcores=NS
    )


@jax.jit
def _embed(idx, table):
    table_cm = table.T
    tail = lax.slice(table_cm, (0, TAIL0), (D_MODEL, VOCAB))
    table_flat = pl.kernel(
        _transpose_body,
        out_type=jax.ShapeDtypeStruct((VOCAB * D_MODEL,), jnp.float32),
        mesh=_sc_mesh(),
        compiler_params=pltpu.CompilerParams(needs_layout_passes=False),
        scratch_types=[
            pltpu.VMEM((D_MODEL, IN_PITCH), jnp.float32),
            pltpu.VMEM((D_MODEL, IN_PITCH), jnp.float32),
            pltpu.VMEM((SCOLS * D_MODEL,), jnp.float32),
            pltpu.VMEM((SCOLS * D_MODEL,), jnp.float32),
            pltpu.VMEM((D_MODEL, TAIL_COLS), jnp.float32),
            (pltpu.SemaphoreType.DMA, pltpu.SemaphoreType.DMA),
            (pltpu.SemaphoreType.DMA, pltpu.SemaphoreType.DMA),
        ],
    )(table_cm, tail)
    table_rm = table_flat.reshape(VOCAB, D_MODEL)
    return pl.kernel(
        _gather_body,
        out_type=jax.ShapeDtypeStruct((BATCH, HIST, D_MODEL), jnp.float32),
        mesh=_sc_mesh(),
        compiler_params=pltpu.CompilerParams(use_tc_tiling_on_sc=False),
        scratch_types=[
            pltpu.VMEM((ROWS_PER_W, HIST), jnp.int32),
            pltpu.VMEM((2 * STAGE_ROWS, HIST, D_MODEL), jnp.float32),
            (pltpu.SemaphoreType.DMA, pltpu.SemaphoreType.DMA),
            (pltpu.SemaphoreType.DMA, pltpu.SemaphoreType.DMA),
        ],
    )(idx, table_rm)


def kernel(indice_sequence, embedding_matrix):
    return _embed(indice_sequence.astype(jnp.int32), embedding_matrix)

# --- scband reference (transcript-rebuilt; emitter-appended) ---
"""Pipeline reference for scband-embedding-layer-31344671326254 (READ-ONLY COPY).

The authoritative reference and input builder live on the scoring server;
editing this copy changes nothing except your own understanding.
"""

import jax, jax.numpy as jnp
import numpy as np

VOCAB = 1000000
D_MODEL = 32
BATCH = 16384
HIST = 50

def setup_inputs(seed: int = 0) -> dict:
    key = jax.random.key(seed)
    k_idx, k_emb = jax.random.split(key)
    indice_sequence = jax.random.randint(k_idx, (BATCH, HIST), 0, VOCAB, dtype=jnp.int64 if jax.config.jax_enable_x64 else jnp.int32)
    embedding_matrix = jax.random.normal(k_emb, (VOCAB, D_MODEL), dtype=jnp.float32) * 0.02
    return {"indice_sequence": indice_sequence, "embedding_matrix": embedding_matrix}

def reference(indice_sequence, embedding_matrix):
    # Faithful translation of: self.embedding_matrix[indice_sequence]
    return jnp.take(embedding_matrix, indice_sequence, axis=0)

if __name__ == "__main__":
    import jax
    _d = setup_inputs()
    print(jax.jit(kernel)(*tuple(_d.values())))

</pallas_src>

<mosaic_0001>
#map = affine_map<(d0, d1) -> (0, 0)>
#map1 = affine_map<(d0, d1) -> (0)>
module attributes {stable_mosaic.version = 14 : i64} {
  func.func @_transpose_body(%arg0: i32, %arg1: i32, %arg2: memref<32x1000000xf32, #tpu.memory_space<hbm>>, %arg3: memref<32x64xf32, #tpu.memory_space<hbm>>, %arg4: memref<32000000xf32, #tpu.memory_space<hbm>>, %arg5: memref<32x515xf32, #tpu.memory_space<vmem>>, %arg6: memref<32x515xf32, #tpu.memory_space<vmem>>, %arg7: memref<16384xf32, #tpu.memory_space<vmem>>, %arg8: memref<16384xf32, #tpu.memory_space<vmem>>, %arg9: memref<32x64xf32, #tpu.memory_space<vmem>>, %arg10: memref<!tpu.dma_semaphore, #tpu.memory_space<semaphore_mem>>, %arg11: memref<!tpu.dma_semaphore, #tpu.memory_space<semaphore_mem>>, %arg12: memref<!tpu.dma_semaphore, #tpu.memory_space<semaphore_mem>>, %arg13: memref<!tpu.dma_semaphore, #tpu.memory_space<semaphore_mem>>) attributes {dimension_semantics = [#tpu.dimension_semantics<core_parallel>, #tpu.dimension_semantics<subcore_parallel>], iteration_bounds = array<i64: 2, 16>, scalar_prefetch = 0 : i64, scratch_operands = 9 : i64, tpu.core_type = #tpu.core_type<sc_vector_subcore>, window_params = [{transform_indices = #map}, {transform_indices = #map}, {transform_indices = #map1}]} {
    %mul3A = arith.constant 2 : i32
    %mul3A_0 = arith.muli %arg1, %mul3A : i32
    %add3A = arith.addi %mul3A_0, %arg0 : i32
    %mul3A_1 = arith.constant 31232 : i32
    %mul3A_2 = arith.muli %add3A, %mul3A_1 : i32
    %iota3A = tpu.iota {dimensions = array<i32: 0>} : vector<16xi32>
    %add3A_3 = arith.constant 16 : i32
    %add3A_4 = vector.broadcast %add3A_3 : i32 to vector<16xi32>
    %add3A_5 = arith.addi %iota3A, %add3A_4 : vector<16xi32>
    %add3A_6 = arith.constant 0 : i32
    %add3A_7 = arith.addi %mul3A_2, %add3A_6 : i32
    %dma_start3A = arith.constant 0 : i32
    %dma_start3A_8 = arith.constant 0 : i32
    %dma_start3A_9 = tpu.memref_slice %arg5[%dma_start3A, %dma_start3A_8] : memref<32x515xf32, #tpu.memory_space<vmem>> -> memref<32x512xf32, #tpu.memory_space<vmem>>
    %dma_start3A_10 = arith.constant 0 : i32
    %dma_start3A_11 = tpu.memref_slice %arg2[%dma_start3A_10, %add3A_7] : memref<32x1000000xf32, #tpu.memory_space<hbm>> -> memref<32x512xf32, #tpu.memory_space<hbm>>
    %dma_start3A_12 = arith.constant 0 : i32
    %dma_start3A_13 = arith.constant 0 : i32
    %dma_start3A_14 = tpu.memref_slice %arg5[%dma_start3A_12, %dma_start3A_13] : memref<32x515xf32, #tpu.memory_space<vmem>> -> memref<32x512xf32, #tpu.memory_space<vmem>>
    %dma_start3A_15 = arith.constant 0 : i32
    %dma_start3A_16 = tpu.memref_slice %arg2[%dma_start3A_15, %add3A_7] : memref<32x1000000xf32, #tpu.memory_space<hbm>> -> memref<32x512xf32, #tpu.memory_space<hbm>>
    tpu.enqueue_dma source(%dma_start3A_16 : memref<32x512xf32, #tpu.memory_space<hbm>>) target(%dma_start3A_14 : memref<32x512xf32, #tpu.memory_space<vmem>>) target_semaphore(%arg10 : memref<!tpu.dma_semaphore, #tpu.memory_space<semaphore_mem>>)
    %add3A_17 = arith.constant 512 : i32
    %add3A_18 = arith.addi %mul3A_2, %add3A_17 : i32
    %dma_start3A_19 = arith.constant 0 : i32
    %dma_start3A_20 = arith.constant 0 : i32
    %dma_start3A_21 = tpu.memref_slice %arg6[%dma_start3A_19, %dma_start3A_20] : memref<32x515xf32, #tpu.memory_space<vmem>> -> memref<32x512xf32, #tpu.memory_space<vmem>>
    %dma_start3A_22 = arith.constant 0 : i32
    %dma_start3A_23 = tpu.memref_slice %arg2[%dma_start3A_22, %add3A_18] : memref<32x1000000xf32, #tpu.memory_space<hbm>> -> memref<32x512xf32, #tpu.memory_space<hbm>>
    %dma_start3A_24 = arith.constant 0 : i32
    %dma_start3A_25 = arith.constant 0 : i32
    %dma_start3A_26 = tpu.memref_slice %arg6[%dma_start3A_24, %dma_start3A_25] : memref<32x515xf32, #tpu.memory_space<vmem>> -> memref<32x512xf32, #tpu.memory_space<vmem>>
    %dma_start3A_27 = arith.constant 0 : i32
    %dma_start3A_28 = tpu.memref_slice %arg2[%dma_start3A_27, %add3A_18] : memref<32x1000000xf32, #tpu.memory_space<hbm>> -> memref<32x512xf32, #tpu.memory_space<hbm>>
    tpu.enqueue_dma source(%dma_start3A_28 : memref<32x512xf32, #tpu.memory_space<hbm>>) target(%dma_start3A_26 : memref<32x512xf32, #tpu.memory_space<vmem>>) target_semaphore(%arg11 : memref<!tpu.dma_semaphore, #tpu.memory_space<semaphore_mem>>)
    %dma_wait3A = arith.constant 0 : i32
    %dma_wait3A_29 = arith.constant 0 : i32
    %dma_wait3A_30 = tpu.memref_slice %arg5[%dma_wait3A, %dma_wait3A_29] : memref<32x515xf32, #tpu.memory_space<vmem>> -> memref<32x512xf32, #tpu.memory_space<vmem>>
    %dma_wait3A_31 = arith.constant 0 : i32
    %dma_wait3A_32 = arith.constant 0 : i32
    %dma_wait3A_33 = tpu.memref_slice %arg2[%dma_wait3A_31, %dma_wait3A_32] : memref<32x1000000xf32, #tpu.memory_space<hbm>> -> memref<32x512xf32, #tpu.memory_space<hbm>>
    %dma_wait3A_34 = arith.constant 0 : i32
    %dma_wait3A_35 = arith.constant 0 : i32
    %dma_wait3A_36 = tpu.memref_slice %arg5[%dma_wait3A_34, %dma_wait3A_35] : memref<32x515xf32, #tpu.memory_space<vmem>> -> memref<32x512xf32, #tpu.memory_space<vmem>>
    %dma_wait3A_37 = arith.constant 0 : i32
    %dma_wait3A_38 = arith.constant 0 : i32
    %dma_wait3A_39 = tpu.memref_slice %arg2[%dma_wait3A_37, %dma_wait3A_38] : memref<32x1000000xf32, #tpu.memory_space<hbm>> -> memref<32x512xf32, #tpu.memory_space<hbm>>
    tpu.wait_dma2 semaphore(%arg10 : memref<!tpu.dma_semaphore, #tpu.memory_space<semaphore_mem>>) src(%dma_wait3A_39 : memref<32x512xf32, #tpu.memory_space<hbm>>) dst(%dma_wait3A_36 : memref<32x512xf32, #tpu.memory_space<vmem>>)
    %broadcast_in_dim3A = arith.constant 0 : i32
    %broadcast_in_dim3A_40 = vector.broadcast %broadcast_in_dim3A : i32 to vector<16xi32>
    %parallel_loop3A = arith.constant 0 : i32
    %parallel_loop3A_41 = arith.constant 512 : i32
    %parallel_loop3A_42 = arith.constant 1 : i32
    %parallel_loop3A_43 = scf.for %parallel_loop3A_215 = %parallel_loop3A to %parallel_loop3A_41 step %parallel_loop3A_42 iter_args(%parallel_loop3A_216 = %broadcast_in_dim3A_40) -> (vector<16xi32>)  : i32 {
      %parallel_loop3A_217 = tpu.vector_load_idx %arg5[%iota3A, %parallel_loop3A_216] : memref<32x515xf32, #tpu.memory_space<vmem>>[vector<16xi32>, vector<16xi32>], vector<16xf32>,
      %parallel_loop3A_218 = tpu.vector_load_idx %arg5[%add3A_5, %parallel_loop3A_216] : memref<32x515xf32, #tpu.memory_space<vmem>>[vector<16xi32>, vector<16xi32>], vector<16xf32>,
      %parallel_loop3A_219 = arith.constant 32 : i32
      %parallel_loop3A_220 = arith.muli %parallel_loop3A_215, %parallel_loop3A_219 : i32
      %parallel_loop3A_221 = arith.index_cast %parallel_loop3A_220 : i32 to index
      %parallel_loop3A_222 = tpu.vector_load %arg7[%parallel_loop3A_221] {strides = array<i32>} : memref<16384xf32, #tpu.memory_space<vmem>>, vector<16xf32>,
      tpu.vector_store %arg7[%parallel_loop3A_221], %parallel_loop3A_217 {strides = array<i32>} : memref<16384xf32, #tpu.memory_space<vmem>>, vector<16xf32>,
      %parallel_loop3A_223 = arith.constant 32 : i32
      %parallel_loop3A_224 = arith.muli %parallel_loop3A_215, %parallel_loop3A_223 : i32
      %parallel_loop3A_225 = arith.constant 16 : i32
      %parallel_loop3A_226 = arith.addi %parallel_loop3A_224, %parallel_loop3A_225 : i32
      %parallel_loop3A_227 = arith.index_cast %parallel_loop3A_226 : i32 to index
      %parallel_loop3A_228 = tpu.vector_load %arg7[%parallel_loop3A_227] {strides = array<i32>} : memref<16384xf32, #tpu.memory_space<vmem>>, vector<16xf32>,
      tpu.vector_store %arg7[%parallel_loop3A_227], %parallel_loop3A_218 {strides = array<i32>} : memref<16384xf32, #tpu.memory_space<vmem>>, vector<16xf32>,
      %parallel_loop3A_229 = arith.constant 1 : i32
      %parallel_loop3A_230 = vector.broadcast %parallel_loop3A_229 : i32 to vector<16xi32>
      %parallel_loop3A_231 = arith.addi %parallel_loop3A_216, %parallel_loop3A_230 : vector<16xi32>
      scf.yield %parallel_loop3A_231 : vector<16xi32>
    } {sc.loop_unroll_factor = 32 : i64, sc.parallel_access}
    %add3A_44 = arith.constant 0 : i32
    %add3A_45 = arith.addi %mul3A_2, %add3A_44 : i32
    %mul3A_46 = arith.constant 32 : i32
    %mul3A_47 = arith.muli %add3A_45, %mul3A_46 : i32
    %dma_start3A_48 = tpu.memref_slice %arg4[%mul3A_47] : memref<32000000xf32, #tpu.memory_space<hbm>> -> memref<16384xf32, #tpu.memory_space<hbm>>
    %dma_start3A_49 = tpu.memref_slice %arg4[%mul3A_47] : memref<32000000xf32, #tpu.memory_space<hbm>> -> memref<16384xf32, #tpu.memory_space<hbm>>
    tpu.enqueue_dma source(%arg7 : memref<16384xf32, #tpu.memory_space<vmem>>) target(%dma_start3A_49 : memref<16384xf32, #tpu.memory_space<hbm>>) target_semaphore(%arg12 : memref<!tpu.dma_semaphore, #tpu.memory_space<semaphore_mem>>)
    %add3A_50 = arith.constant 1024 : i32
    %add3A_51 = arith.addi %mul3A_2, %add3A_50 : i32
    %dma_start3A_52 = arith.constant 0 : i32
    %dma_start3A_53 = arith.constant 0 : i32
    %dma_start3A_54 = tpu.memref_slice %arg5[%dma_start3A_52, %dma_start3A_53] : memref<32x515xf32, #tpu.memory_space<vmem>> -> memref<32x512xf32, #tpu.memory_space<vmem>>
    %dma_start3A_55 = arith.constant 0 : i32
    %dma_start3A_56 = tpu.memref_slice %arg2[%dma_start3A_55, %add3A_51] : memref<32x1000000xf32, #tpu.memory_space<hbm>> -> memref<32x512xf32, #tpu.memory_space<hbm>>
    %dma_start3A_57 = arith.constant 0 : i32
    %dma_start3A_58 = arith.constant 0 : i32
    %dma_start3A_59 = tpu.memref_slice %arg5[%dma_start3A_57, %dma_start3A_58] : memref<32x515xf32, #tpu.memory_space<vmem>> -> memref<32x512xf32, #tpu.memory_space<vmem>>
    %dma_start3A_60 = arith.constant 0 : i32
    %dma_start3A_61 = tpu.memref_slice %arg2[%dma_start3A_60, %add3A_51] : memref<32x1000000xf32, #tpu.memory_space<hbm>> -> memref<32x512xf32, #tpu.memory_space<hbm>>
    tpu.enqueue_dma source(%dma_start3A_61 : memref<32x512xf32, #tpu.memory_space<hbm>>) target(%dma_start3A_59 : memref<32x512xf32, #tpu.memory_space<vmem>>) target_semaphore(%arg10 : memref<!tpu.dma_semaphore, #tpu.memory_space<semaphore_mem>>)
    %dma_wait3A_62 = arith.constant 0 : i32
    %dma_wait3A_63 = arith.constant 0 : i32
    %dma_wait3A_64 = tpu.memref_slice %arg6[%dma_wait3A_62, %dma_wait3A_63] : memref<32x515xf32, #tpu.memory_space<vmem>> -> memref<32x512xf32, #tpu.memory_space<vmem>>
    %dma_wait3A_65 = arith.constant 0 : i32
    %dma_wait3A_66 = arith.constant 0 : i32
    %dma_wait3A_67 = tpu.memref_slice %arg2[%dma_wait3A_65, %dma_wait3A_66] : memref<32x1000000xf32, #tpu.memory_space<hbm>> -> memref<32x512xf32, #tpu.memory_space<hbm>>
    %dma_wait3A_68 = arith.constant 0 : i32
    %dma_wait3A_69 = arith.constant 0 : i32
    %dma_wait3A_70 = tpu.memref_slice %arg6[%dma_wait3A_68, %dma_wait3A_69] : memref<32x515xf32, #tpu.memory_space<vmem>> -> memref<32x512xf32, #tpu.memory_space<vmem>>
    %dma_wait3A_71 = arith.constant 0 : i32
    %dma_wait3A_72 = arith.constant 0 : i32
    %dma_wait3A_73 = tpu.memref_slice %arg2[%dma_wait3A_71, %dma_wait3A_72] : memref<32x1000000xf32, #tpu.memory_space<hbm>> -> memref<32x512xf32, #tpu.memory_space<hbm>>
    tpu.wait_dma2 semaphore(%arg11 : memref<!tpu.dma_semaphore, #tpu.memory_space<semaphore_mem>>) src(%dma_wait3A_73 : memref<32x512xf32, #tpu.memory_space<hbm>>) dst(%dma_wait3A_70 : memref<32x512xf32, #tpu.memory_space<vmem>>)
    %broadcast_in_dim3A_74 = arith.constant 0 : i32
    %broadcast_in_dim3A_75 = vector.broadcast %broadcast_in_dim3A_74 : i32 to vector<16xi32>
    %parallel_loop3A_76 = arith.constant 0 : i32
    %parallel_loop3A_77 = arith.constant 512 : i32
    %parallel_loop3A_78 = arith.constant 1 : i32
    %parallel_loop3A_79 = scf.for %parallel_loop3A_215 = %parallel_loop3A_76 to %parallel_loop3A_77 step %parallel_loop3A_78 iter_args(%parallel_loop3A_216 = %broadcast_in_dim3A_75) -> (vector<16xi32>)  : i32 {
      %parallel_loop3A_217 = tpu.vector_load_idx %arg6[%iota3A, %parallel_loop3A_216] : memref<32x515xf32, #tpu.memory_space<vmem>>[vector<16xi32>, vector<16xi32>], vector<16xf32>,
      %parallel_loop3A_218 = tpu.vector_load_idx %arg6[%add3A_5, %parallel_loop3A_216] : memref<32x515xf32, #tpu.memory_space<vmem>>[vector<16xi32>, vector<16xi32>], vector<16xf32>,
      %parallel_loop3A_219 = arith.constant 32 : i32
      %parallel_loop3A_220 = arith.muli %parallel_loop3A_215, %parallel_loop3A_219 : i32
      %parallel_loop3A_221 = arith.index_cast %parallel_loop3A_220 : i32 to index
      %parallel_loop3A_222 = tpu.vector_load %arg8[%parallel_loop3A_221] {strides = array<i32>} : memref<16384xf32, #tpu.memory_space<vmem>>, vector<16xf32>,
      tpu.vector_store %arg8[%parallel_loop3A_221], %parallel_loop3A_217 {strides = array<i32>} : memref<16384xf32, #tpu.memory_space<vmem>>, vector<16xf32>,
      %parallel_loop3A_223 = arith.constant 32 : i32
      %parallel_loop3A_224 = arith.muli %parallel_loop3A_215, %parallel_loop3A_223 : i32
      %parallel_loop3A_225 = arith.constant 16 : i32
      %parallel_loop3A_226 = arith.addi %parallel_loop3A_224, %parallel_loop3A_225 : i32
      %parallel_loop3A_227 = arith.index_cast %parallel_loop3A_226 : i32 to index
      %parallel_loop3A_228 = tpu.vector_load %arg8[%parallel_loop3A_227] {strides = array<i32>} : memref<16384xf32, #tpu.memory_space<vmem>>, vector<16xf32>,
      tpu.vector_store %arg8[%parallel_loop3A_227], %parallel_loop3A_218 {strides = array<i32>} : memref<16384xf32, #tpu.memory_space<vmem>>, vector<16xf32>,
      %parallel_loop3A_229 = arith.constant 1 : i32
      %parallel_loop3A_230 = vector.broadcast %parallel_loop3A_229 : i32 to vector<16xi32>
      %parallel_loop3A_231 = arith.addi %parallel_loop3A_216, %parallel_loop3A_230 : vector<16xi32>
      scf.yield %parallel_loop3A_231 : vector<16xi32>
    } {sc.loop_unroll_factor = 32 : i64, sc.parallel_access}
    %add3A_80 = arith.constant 512 : i32
    %add3A_81 = arith.addi %mul3A_2, %add3A_80 : i32
    %mul3A_82 = arith.constant 32 : i32
    %mul3A_83 = arith.muli %add3A_81, %mul3A_82 : i32
    %dma_start3A_84 = tpu.memref_slice %arg4[%mul3A_83] : memref<32000000xf32, #tpu.memory_space<hbm>> -> memref<16384xf32, #tpu.memory_space<hbm>>
    %dma_start3A_85 = tpu.memref_slice %arg4[%mul3A_83] : memref<32000000xf32, #tpu.memory_space<hbm>> -> memref<16384xf32, #tpu.memory_space<hbm>>
    tpu.enqueue_dma source(%arg8 : memref<16384xf32, #tpu.memory_space<vmem>>) target(%dma_start3A_85 : memref<16384xf32, #tpu.memory_space<hbm>>) target_semaphore(%arg13 : memref<!tpu.dma_semaphore, #tpu.memory_space<semaphore_mem>>)
    %add3A_86 = arith.constant 1536 : i32
    %add3A_87 = arith.addi %mul3A_2, %add3A_86 : i32
    %dma_start3A_88 = arith.constant 0 : i32
    %dma_start3A_89 = arith.constant 0 : i32
    %dma_start3A_90 = tpu.memref_slice %arg6[%dma_start3A_88, %dma_start3A_89] : memref<32x515xf32, #tpu.memory_space<vmem>> -> memref<32x512xf32, #tpu.memory_space<vmem>>
    %dma_start3A_91 = arith.constant 0 : i32
    %dma_start3A_92 = tpu.memref_slice %arg2[%dma_start3A_91, %add3A_87] : memref<32x1000000xf32, #tpu.memory_space<hbm>> -> memref<32x512xf32, #tpu.memory_space<hbm>>
    %dma_start3A_93 = arith.constant 0 : i32
    %dma_start3A_94 = arith.constant 0 : i32
    %dma_start3A_95 = tpu.memref_slice %arg6[%dma_start3A_93, %dma_start3A_94] : memref<32x515xf32, #tpu.memory_space<vmem>> -> memref<32x512xf32, #tpu.memory_space<vmem>>
    %dma_start3A_96 = arith.constant 0 : i32
    %dma_start3A_97 = tpu.memref_slice %arg2[%dma_start3A_96, %add3A_87] : memref<32x1000000xf32, #tpu.memory_space<hbm>> -> memref<32x512xf32, #tpu.memory_space<hbm>>
    tpu.enqueue_dma source(%dma_start3A_97 : memref<32x512xf32, #tpu.memory_space<hbm>>) target(%dma_start3A_95 : memref<32x512xf32, #tpu.memory_space<vmem>>) target_semaphore(%arg11 : memref<!tpu.dma_semaphore, #tpu.memory_space<semaphore_mem>>)
    %scan3A = arith.constant 0 : i32
    %scan3A_98 = arith.constant 1 : i32
    %scan3A_99 = arith.constant 28 : i32
    %scan3A_100 = arith.addi %scan3A_98, %scan3A_99 : i32
    %scan3A_101 = arith.constant 1 : i32
    %scan3A_102 = scf.for %scan3A_215 = %scan3A_98 to %scan3A_100 step %scan3A_101 iter_args(%scan3A_216 = %scan3A) -> (i32)  : i32 {
      %mul3A_217 = arith.constant 2 : i32
      %mul3A_218 = arith.muli %mul3A_217, %scan3A_215 : i32
      %dma_wait3A_219 = arith.constant 0 : i32
      %dma_wait3A_220 = arith.constant 0 : i32
      %dma_wait3A_221 = tpu.memref_slice %arg5[%dma_wait3A_219, %dma_wait3A_220] : memref<32x515xf32, #tpu.memory_space<vmem>> -> memref<32x512xf32, #tpu.memory_space<vmem>>
      %dma_wait3A_222 = arith.constant 0 : i32
      %dma_wait3A_223 = arith.constant 0 : i32
      %dma_wait3A_224 = tpu.memref_slice %arg2[%dma_wait3A_222, %dma_wait3A_223] : memref<32x1000000xf32, #tpu.memory_space<hbm>> -> memref<32x512xf32, #tpu.memory_space<hbm>>
      %dma_wait3A_225 = arith.constant 0 : i32
      %dma_wait3A_226 = arith.constant 0 : i32
      %dma_wait3A_227 = tpu.memref_slice %arg5[%dma_wait3A_225, %dma_wait3A_226] : memref<32x515xf32, #tpu.memory_space<vmem>> -> memref<32x512xf32, #tpu.memory_space<vmem>>
      %dma_wait3A_228 = arith.constant 0 : i32
      %dma_wait3A_229 = arith.constant 0 : i32
      %dma_wait3A_230 = tpu.memref_slice %arg2[%dma_wait3A_228, %dma_wait3A_229] : memref<32x1000000xf32, #tpu.memory_space<hbm>> -> memref<32x512xf32, #tpu.memory_space<hbm>>
      tpu.wait_dma2 semaphore(%arg10 : memref<!tpu.dma_semaphore, #tpu.memory_space<semaphore_mem>>) src(%dma_wait3A_230 : memref<32x512xf32, #tpu.memory_space<hbm>>) dst(%dma_wait3A_227 : memref<32x512xf32, #tpu.memory_space<vmem>>)
      %dma_wait3A_231 = arith.constant 0 : i32
      %dma_wait3A_232 = tpu.memref_slice %arg4[%dma_wait3A_231] : memref<32000000xf32, #tpu.memory_space<hbm>> -> memref<16384xf32, #tpu.memory_space<hbm>>
      %dma_wait3A_233 = arith.constant 0 : i32
      %dma_wait3A_234 = tpu.memref_slice %arg4[%dma_wait3A_233] : memref<32000000xf32, #tpu.memory_space<hbm>> -> memref<16384xf32, #tpu.memory_space<hbm>>
      tpu.wait_dma2 semaphore(%arg12 : memref<!tpu.dma_semaphore, #tpu.memory_space<semaphore_mem>>) src(%dma_wait3A_234 : memref<16384xf32, #tpu.memory_space<hbm>>) dst(%arg7 : memref<16384xf32, #tpu.memory_space<vmem>>)
      %broadcast_in_dim3A_235 = arith.constant 0 : i32
      %broadcast_in_dim3A_236 = vector.broadcast %broadcast_in_dim3A_235 : i32 to vector<16xi32>
      %parallel_loop3A_237 = arith.constant 0 : i32
      %parallel_loop3A_238 = arith.constant 512 : i32
      %parallel_loop3A_239 = arith.constant 1 : i32
      %parallel_loop3A_240 = scf.for %parallel_loop3A_312 = %parallel_loop3A_237 to %parallel_loop3A_238 step %parallel_loop3A_239 iter_args(%parallel_loop3A_313 = %broadcast_in_dim3A_236) -> (vector<16xi32>)  : i32 {
        %parallel_loop3A_314 = tpu.vector_load_idx %arg5[%iota3A, %parallel_loop3A_313] : memref<32x515xf32, #tpu.memory_space<vmem>>[vector<16xi32>, vector<16xi32>], vector<16xf32>,
        %parallel_loop3A_315 = tpu.vector_load_idx %arg5[%add3A_5, %parallel_loop3A_313] : memref<32x515xf32, #tpu.memory_space<vmem>>[vector<16xi32>, vector<16xi32>], vector<16xf32>,
        %parallel_loop3A_316 = arith.constant 32 : i32
        %parallel_loop3A_317 = arith.muli %parallel_loop3A_312, %parallel_loop3A_316 : i32
        %parallel_loop3A_318 = arith.index_cast %parallel_loop3A_317 : i32 to index
        %parallel_loop3A_319 = tpu.vector_load %arg7[%parallel_loop3A_318] {strides = array<i32>} : memref<16384xf32, #tpu.memory_space<vmem>>, vector<16xf32>,
        tpu.vector_store %arg7[%parallel_loop3A_318], %parallel_loop3A_314 {strides = array<i32>} : memref<16384xf32, #tpu.memory_space<vmem>>, vector<16xf32>,
        %parallel_loop3A_320 = arith.constant 32 : i32
        %parallel_loop3A_321 = arith.muli %parallel_loop3A_312, %parallel_loop3A_320 : i32
        %parallel_loop3A_322 = arith.constant 16 : i32
        %parallel_loop3A_323 = arith.addi %parallel_loop3A_321, %parallel_loop3A_322 : i32
        %parallel_loop3A_324 = arith.index_cast %parallel_loop3A_323 : i32 to index
        %parallel_loop3A_325 = tpu.vector_load %arg7[%parallel_loop3A_324] {strides = array<i32>} : memref<16384xf32, #tpu.memory_space<vmem>>, vector<16xf32>,
        tpu.vector_store %arg7[%parallel_loop3A_324], %parallel_loop3A_315 {strides = array<i32>} : memref<16384xf32, #tpu.memory_space<vmem>>, vector<16xf32>,
        %parallel_loop3A_326 = arith.constant 1 : i32
        %parallel_loop3A_327 = vector.broadcast %parallel_loop3A_326 : i32 to vector<16xi32>
        %parallel_loop3A_328 = arith.addi %parallel_loop3A_313, %parallel_loop3A_327 : vector<16xi32>
        scf.yield %parallel_loop3A_328 : vector<16xi32>
      } {sc.loop_unroll_factor = 32 : i64, sc.parallel_access}
      %mul3A_241 = arith.constant 512 : i32
      %mul3A_242 = arith.muli %mul3A_218, %mul3A_241 : i32
      %add3A_243 = arith.addi %mul3A_2, %mul3A_242 : i32
      %mul3A_244 = arith.constant 32 : i32
      %mul3A_245 = arith.muli %add3A_243, %mul3A_244 : i32
      %dma_start3A_246 = tpu.memref_slice %arg4[%mul3A_245] : memref<32000000xf32, #tpu.memory_space<hbm>> -> memref<16384xf32, #tpu.memory_space<hbm>>
      %dma_start3A_247 = tpu.memref_slice %arg4[%mul3A_245] : memref<32000000xf32, #tpu.memory_space<hbm>> -> memref<16384xf32, #tpu.memory_space<hbm>>
      tpu.enqueue_dma source(%arg7 : memref<16384xf32, #tpu.memory_space<vmem>>) target(%dma_start3A_247 : memref<16384xf32, #tpu.memory_space<hbm>>) target_semaphore(%arg12 : memref<!tpu.dma_semaphore, #tpu.memory_space<semaphore_mem>>)
      %add3A_248 = arith.constant 2 : i32
      %add3A_249 = arith.addi %mul3A_218, %add3A_248 : i32
      %mul3A_250 = arith.constant 512 : i32
      %mul3A_251 = arith.muli %add3A_249, %mul3A_250 : i32
      %add3A_252 = arith.addi %mul3A_2, %mul3A_251 : i32
      %dma_start3A_253 = arith.constant 0 : i32
      %dma_start3A_254 = arith.constant 0 : i32
      %dma_start3A_255 = tpu.memref_slice %arg5[%dma_start3A_253, %dma_start3A_254] : memref<32x515xf32, #tpu.memory_space<vmem>> -> memref<32x512xf32, #tpu.memory_space<vmem>>
      %dma_start3A_256 = arith.constant 0 : i32
      %dma_start3A_257 = tpu.memref_slice %arg2[%dma_start3A_256, %add3A_252] : memref<32x1000000xf32, #tpu.memory_space<hbm>> -> memref<32x512xf32, #tpu.memory_space<hbm>>
      %dma_start3A_258 = arith.constant 0 : i32
      %dma_start3A_259 = arith.constant 0 : i32
      %dma_start3A_260 = tpu.memref_slice %arg5[%dma_start3A_258, %dma_start3A_259] : memref<32x515xf32, #tpu.memory_space<vmem>> -> memref<32x512xf32, #tpu.memory_space<vmem>>
      %dma_start3A_261 = arith.constant 0 : i32
      %dma_start3A_262 = tpu.memref_slice %arg2[%dma_start3A_261, %add3A_252] : memref<32x1000000xf32, #tpu.memory_space<hbm>> -> memref<32x512xf32, #tpu.memory_space<hbm>>
      tpu.enqueue_dma source(%dma_start3A_262 : memref<32x512xf32, #tpu.memory_space<hbm>>) target(%dma_start3A_260 : memref<32x512xf32, #tpu.memory_space<vmem>>) target_semaphore(%arg10 : memref<!tpu.dma_semaphore, #tpu.memory_space<semaphore_mem>>)
      %mul3A_263 = arith.constant 2 : i32
      %mul3A_264 = arith.muli %mul3A_263, %scan3A_215 : i32
      %add3A_265 = arith.constant 1 : i32
      %add3A_266 = arith.addi %mul3A_264, %add3A_265 : i32
      %dma_wait3A_267 = arith.constant 0 : i32
      %dma_wait3A_268 = arith.constant 0 : i32
      %dma_wait3A_269 = tpu.memref_slice %arg6[%dma_wait3A_267, %dma_wait3A_268] : memref<32x515xf32, #tpu.memory_space<vmem>> -> memref<32x512xf32, #tpu.memory_space<vmem>>
      %dma_wait3A_270 = arith.constant 0 : i32
      %dma_wait3A_271 = arith.constant 0 : i32
      %dma_wait3A_272 = tpu.memref_slice %arg2[%dma_wait3A_270, %dma_wait3A_271] : memref<32x1000000xf32, #tpu.memory_space<hbm>> -> memref<32x512xf32, #tpu.memory_space<hbm>>
      %dma_wait3A_273 = arith.constant 0 : i32
      %dma_wait3A_274 = arith.constant 0 : i32
      %dma_wait3A_275 = tpu.memref_slice %arg6[%dma_wait3A_273, %dma_wait3A_274] : memref<32x515xf32, #tpu.memory_space<vmem>> -> memref<32x512xf32, #tpu.memory_space<vmem>>
      %dma_wait3A_276 = arith.constant 0 : i32
      %dma_wait3A_277 = arith.constant 0 : i32
      %dma_wait3A_278 = tpu.memref_slice %arg2[%dma_wait3A_276, %dma_wait3A_277] : memref<32x1000000xf32, #tpu.memory_space<hbm>> -> memref<32x512xf32, #tpu.memory_space<hbm>>
      tpu.wait_dma2 semaphore(%arg11 : memref<!tpu.dma_semaphore, #tpu.memory_space<semaphore_mem>>) src(%dma_wait3A_278 : memref<32x512xf32, #tpu.memory_space<hbm>>) dst(%dma_wait3A_275 : memref<32x512xf32, #tpu.memory_space<vmem>>)
      %dma_wait3A_279 = arith.constant 0 : i32
      %dma_wait3A_280 = tpu.memref_slice %arg4[%dma_wait3A_279] : memref<32000000xf32, #tpu.memory_space<hbm>> -> memref<16384xf32, #tpu.memory_space<hbm>>
      %dma_wait3A_281 = arith.constant 0 : i32
      %dma_wait3A_282 = tpu.memref_slice %arg4[%dma_wait3A_281] : memref<32000000xf32, #tpu.memory_space<hbm>> -> memref<16384xf32, #tpu.memory_space<hbm>>
      tpu.wait_dma2 semaphore(%arg13 : memref<!tpu.dma_semaphore, #tpu.memory_space<semaphore_mem>>) src(%dma_wait3A_282 : memref<16384xf32, #tpu.memory_space<hbm>>) dst(%arg8 : memref<16384xf32, #tpu.memory_space<vmem>>)
      %broadcast_in_dim3A_283 = arith.constant 0 : i32
      %broadcast_in_dim3A_284 = vector.broadcast %broadcast_in_dim3A_283 : i32 to vector<16xi32>
      %parallel_loop3A_285 = arith.constant 0 : i32
      %parallel_loop3A_286 = arith.constant 512 : i32
      %parallel_loop3A_287 = arith.constant 1 : i32
      %parallel_loop3A_288 = scf.for %parallel_loop3A_312 = %parallel_loop3A_285 to %parallel_loop3A_286 step %parallel_loop3A_287 iter_args(%parallel_loop3A_313 = %broadcast_in_dim3A_284) -> (vector<16xi32>)  : i32 {
        %parallel_loop3A_314 = tpu.vector_load_idx %arg6[%iota3A, %parallel_loop3A_313] : memref<32x515xf32, #tpu.memory_space<vmem>>[vector<16xi32>, vector<16xi32>], vector<16xf32>,
        %parallel_loop3A_315 = tpu.vector_load_idx %arg6[%add3A_5, %parallel_loop3A_313] : memref<32x515xf32, #tpu.memory_space<vmem>>[vector<16xi32>, vector<16xi32>], vector<16xf32>,
        %parallel_loop3A_316 = arith.constant 32 : i32
        %parallel_loop3A_317 = arith.muli %parallel_loop3A_312, %parallel_loop3A_316 : i32
        %parallel_loop3A_318 = arith.index_cast %parallel_loop3A_317 : i32 to index
        %parallel_loop3A_319 = tpu.vector_load %arg8[%parallel_loop3A_318] {strides = array<i32>} : memref<16384xf32, #tpu.memory_space<vmem>>, vector<16xf32>,
        tpu.vector_store %arg8[%parallel_loop3A_318], %parallel_loop3A_314 {strides = array<i32>} : memref<16384xf32, #tpu.memory_space<vmem>>, vector<16xf32>,
        %parallel_loop3A_320 = arith.constant 32 : i32
        %parallel_loop3A_321 = arith.muli %parallel_loop3A_312, %parallel_loop3A_320 : i32
        %parallel_loop3A_322 = arith.constant 16 : i32
        %parallel_loop3A_323 = arith.addi %parallel_loop3A_321, %parallel_loop3A_322 : i32
        %parallel_loop3A_324 = arith.index_cast %parallel_loop3A_323 : i32 to index
        %parallel_loop3A_325 = tpu.vector_load %arg8[%parallel_loop3A_324] {strides = array<i32>} : memref<16384xf32, #tpu.memory_space<vmem>>, vector<16xf32>,
        tpu.vector_store %arg8[%parallel_loop3A_324], %parallel_loop3A_315 {strides = array<i32>} : memref<16384xf32, #tpu.memory_space<vmem>>, vector<16xf32>,
        %parallel_loop3A_326 = arith.constant 1 : i32
        %parallel_loop3A_327 = vector.broadcast %parallel_loop3A_326 : i32 to vector<16xi32>
        %parallel_loop3A_328 = arith.addi %parallel_loop3A_313, %parallel_loop3A_327 : vector<16xi32>
        scf.yield %parallel_loop3A_328 : vector<16xi32>
      } {sc.loop_unroll_factor = 32 : i64, sc.parallel_access}
      %mul3A_289 = arith.constant 512 : i32
      %mul3A_290 = arith.muli %add3A_266, %mul3A_289 : i32
      %add3A_291 = arith.addi %mul3A_2, %mul3A_290 : i32
      %mul3A_292 = arith.constant 32 : i32
      %mul3A_293 = arith.muli %add3A_291, %mul3A_292 : i32
      %dma_start3A_294 = tpu.memref_slice %arg4[%mul3A_293] : memref<32000000xf32, #tpu.memory_space<hbm>> -> memref<16384xf32, #tpu.memory_space<hbm>>
      %dma_start3A_295 = tpu.memref_slice %arg4[%mul3A_293] : memref<32000000xf32, #tpu.memory_space<hbm>> -> memref<16384xf32, #tpu.memory_space<hbm>>
      tpu.enqueue_dma source(%arg8 : memref<16384xf32, #tpu.memory_space<vmem>>) target(%dma_start3A_295 : memref<16384xf32, #tpu.memory_space<hbm>>) target_semaphore(%arg13 : memref<!tpu.dma_semaphore, #tpu.memory_space<semaphore_mem>>)
      %add3A_296 = arith.constant 2 : i32
      %add3A_297 = arith.addi %add3A_266, %add3A_296 : i32
      %mul3A_298 = arith.constant 512 : i32
      %mul3A_299 = arith.muli %add3A_297, %mul3A_298 : i32
      %add3A_300 = arith.addi %mul3A_2, %mul3A_299 : i32
      %dma_start3A_301 = arith.constant 0 : i32
      %dma_start3A_302 = arith.constant 0 : i32
      %dma_start3A_303 = tpu.memref_slice %arg6[%dma_start3A_301, %dma_start3A_302] : memref<32x515xf32, #tpu.memory_space<vmem>> -> memref<32x512xf32, #tpu.memory_space<vmem>>
      %dma_start3A_304 = arith.constant 0 : i32
      %dma_start3A_305 = tpu.memref_slice %arg2[%dma_start3A_304, %add3A_300] : memref<32x1000000xf32, #tpu.memory_space<hbm>> -> memref<32x512xf32, #tpu.memory_space<hbm>>
      %dma_start3A_306 = arith.constant 0 : i32
      %dma_start3A_307 = arith.constant 0 : i32
      %dma_start3A_308 = tpu.memref_slice %arg6[%dma_start3A_306, %dma_start3A_307] : memref<32x515xf32, #tpu.memory_space<vmem>> -> memref<32x512xf32, #tpu.memory_space<vmem>>
      %dma_start3A_309 = arith.constant 0 : i32
      %dma_start3A_310 = tpu.memref_slice %arg2[%dma_start3A_309, %add3A_300] : memref<32x1000000xf32, #tpu.memory_space<hbm>> -> memref<32x512xf32, #tpu.memory_space<hbm>>
      tpu.enqueue_dma source(%dma_start3A_310 : memref<32x512xf32, #tpu.memory_space<hbm>>) target(%dma_start3A_308 : memref<32x512xf32, #tpu.memory_space<vmem>>) target_semaphore(%arg11 : memref<!tpu.dma_semaphore, #tpu.memory_space<semaphore_mem>>)
      %scan3A_311 = arith.constant 0 : i32
      scf.yield %scan3A_311 : i32
    }
    %scan3A_103 = arith.constant 28 : i32
    %dma_wait3A_104 = arith.constant 0 : i32
    %dma_wait3A_105 = arith.constant 0 : i32
    %dma_wait3A_106 = tpu.memref_slice %arg5[%dma_wait3A_104, %dma_wait3A_105] : memref<32x515xf32, #tpu.memory_space<vmem>> -> memref<32x512xf32, #tpu.memory_space<vmem>>
    %dma_wait3A_107 = arith.constant 0 : i32
    %dma_wait3A_108 = arith.constant 0 : i32
    %dma_wait3A_109 = tpu.memref_slice %arg2[%dma_wait3A_107, %dma_wait3A_108] : memref<32x1000000xf32, #tpu.memory_space<hbm>> -> memref<32x512xf32, #tpu.memory_space<hbm>>
    %dma_wait3A_110 = arith.constant 0 : i32
    %dma_wait3A_111 = arith.constant 0 : i32
    %dma_wait3A_112 = tpu.memref_slice %arg5[%dma_wait3A_110, %dma_wait3A_111] : memref<32x515xf32, #tpu.memory_space<vmem>> -> memref<32x512xf32, #tpu.memory_space<vmem>>
    %dma_wait3A_113 = arith.constant 0 : i32
    %dma_wait3A_114 = arith.constant 0 : i32
    %dma_wait3A_115 = tpu.memref_slice %arg2[%dma_wait3A_113, %dma_wait3A_114] : memref<32x1000000xf32, #tpu.memory_space<hbm>> -> memref<32x512xf32, #tpu.memory_space<hbm>>
    tpu.wait_dma2 semaphore(%arg10 : memref<!tpu.dma_semaphore, #tpu.memory_space<semaphore_mem>>) src(%dma_wait3A_115 : memref<32x512xf32, #tpu.memory_space<hbm>>) dst(%dma_wait3A_112 : memref<32x512xf32, #tpu.memory_space<vmem>>)
    %dma_wait3A_116 = arith.constant 0 : i32
    %dma_wait3A_117 = tpu.memref_slice %arg4[%dma_wait3A_116] : memref<32000000xf32, #tpu.memory_space<hbm>> -> memref<16384xf32, #tpu.memory_space<hbm>>
    %dma_wait3A_118 = arith.constant 0 : i32
    %dma_wait3A_119 = tpu.memref_slice %arg4[%dma_wait3A_118] : memref<32000000xf32, #tpu.memory_space<hbm>> -> memref<16384xf32, #tpu.memory_space<hbm>>
    tpu.wait_dma2 semaphore(%arg12 : memref<!tpu.dma_semaphore, #tpu.memory_space<semaphore_mem>>) src(%dma_wait3A_119 : memref<16384xf32, #tpu.memory_space<hbm>>) dst(%arg7 : memref<16384xf32, #tpu.memory_space<vmem>>)
    %broadcast_in_dim3A_120 = arith.constant 0 : i32
    %broadcast_in_dim3A_121 = vector.broadcast %broadcast_in_dim3A_120 : i32 to vector<16xi32>
    %parallel_loop3A_122 = arith.constant 0 : i32
    %parallel_loop3A_123 = arith.constant 512 : i32
    %parallel_loop3A_124 = arith.constant 1 : i32
    %parallel_loop3A_125 = scf.for %parallel_loop3A_215 = %parallel_loop3A_122 to %parallel_loop3A_123 step %parallel_loop3A_124 iter_args(%parallel_loop3A_216 = %broadcast_in_dim3A_121) -> (vector<16xi32>)  : i32 {
      %parallel_loop3A_217 = tpu.vector_load_idx %arg5[%iota3A, %parallel_loop3A_216] : memref<32x515xf32, #tpu.memory_space<vmem>>[vector<16xi32>, vector<16xi32>], vector<16xf32>,
      %parallel_loop3A_218 = tpu.vector_load_idx %arg5[%add3A_5, %parallel_loop3A_216] : memref<32x515xf32, #tpu.memory_space<vmem>>[vector<16xi32>, vector<16xi32>], vector<16xf32>,
      %parallel_loop3A_219 = arith.constant 32 : i32
      %parallel_loop3A_220 = arith.muli %parallel_loop3A_215, %parallel_loop3A_219 : i32
      %parallel_loop3A_221 = arith.index_cast %parallel_loop3A_220 : i32 to index
      %parallel_loop3A_222 = tpu.vector_load %arg7[%parallel_loop3A_221] {strides = array<i32>} : memref<16384xf32, #tpu.memory_space<vmem>>, vector<16xf32>,
      tpu.vector_store %arg7[%parallel_loop3A_221], %parallel_loop3A_217 {strides = array<i32>} : memref<16384xf32, #tpu.memory_space<vmem>>, vector<16xf32>,
      %parallel_loop3A_223 = arith.constant 32 : i32
      %parallel_loop3A_224 = arith.muli %parallel_loop3A_215, %parallel_loop3A_223 : i32
      %parallel_loop3A_225 = arith.constant 16 : i32
      %parallel_loop3A_226 = arith.addi %parallel_loop3A_224, %parallel_loop3A_225 : i32
      %parallel_loop3A_227 = arith.index_cast %parallel_loop3A_226 : i32 to index
      %parallel_loop3A_228 = tpu.vector_load %arg7[%parallel_loop3A_227] {strides = array<i32>} : memref<16384xf32, #tpu.memory_space<vmem>>, vector<16xf32>,
      tpu.vector_store %arg7[%parallel_loop3A_227], %parallel_loop3A_218 {strides = array<i32>} : memref<16384xf32, #tpu.memory_space<vmem>>, vector<16xf32>,
      %parallel_loop3A_229 = arith.constant 1 : i32
      %parallel_loop3A_230 = vector.broadcast %parallel_loop3A_229 : i32 to vector<16xi32>
      %parallel_loop3A_231 = arith.addi %parallel_loop3A_216, %parallel_loop3A_230 : vector<16xi32>
      scf.yield %parallel_loop3A_231 : vector<16xi32>
    } {sc.loop_unroll_factor = 32 : i64, sc.parallel_access}
    %add3A_126 = arith.constant 29696 : i32
    %add3A_127 = arith.addi %mul3A_2, %add3A_126 : i32
    %mul3A_128 = arith.constant 32 : i32
    %mul3A_129 = arith.muli %add3A_127, %mul3A_128 : i32
    %dma_start3A_130 = tpu.memref_slice %arg4[%mul3A_129] : memref<32000000xf32, #tpu.memory_space<hbm>> -> memref<16384xf32, #tpu.memory_space<hbm>>
    %dma_start3A_131 = tpu.memref_slice %arg4[%mul3A_129] : memref<32000000xf32, #tpu.memory_space<hbm>> -> memref<16384xf32, #tpu.memory_space<hbm>>
    tpu.enqueue_dma source(%arg7 : memref<16384xf32, #tpu.memory_space<vmem>>) target(%dma_start3A_131 : memref<16384xf32, #tpu.memory_space<hbm>>) target_semaphore(%arg12 : memref<!tpu.dma_semaphore, #tpu.memory_space<semaphore_mem>>)
    %add3A_132 = arith.constant 30720 : i32
    %add3A_133 = arith.addi %mul3A_2, %add3A_132 : i32
    %dma_start3A_134 = arith.constant 0 : i32
    %dma_start3A_135 = arith.constant 0 : i32
    %dma_start3A_136 = tpu.memref_slice %arg5[%dma_start3A_134, %dma_start3A_135] : memref<32x515xf32, #tpu.memory_space<vmem>> -> memref<32x512xf32, #tpu.memory_space<vmem>>
    %dma_start3A_137 = arith.constant 0 : i32
    %dma_start3A_138 = tpu.memref_slice %arg2[%dma_start3A_137, %add3A_133] : memref<32x1000000xf32, #tpu.memory_space<hbm>> -> memref<32x512xf32, #tpu.memory_space<hbm>>
    %dma_start3A_139 = arith.constant 0 : i32
    %dma_start3A_140 = arith.constant 0 : i32
    %dma_start3A_141 = tpu.memref_slice %arg5[%dma_start3A_139, %dma_start3A_140] : memref<32x515xf32, #tpu.memory_space<vmem>> -> memref<32x512xf32, #tpu.memory_space<vmem>>
    %dma_start3A_142 = arith.constant 0 : i32
    %dma_start3A_143 = tpu.memref_slice %arg2[%dma_start3A_142, %add3A_133] : memref<32x1000000xf32, #tpu.memory_space<hbm>> -> memref<32x512xf32, #tpu.memory_space<hbm>>
    tpu.enqueue_dma source(%dma_start3A_143 : memref<32x512xf32, #tpu.memory_space<hbm>>) target(%dma_start3A_141 : memref<32x512xf32, #tpu.memory_space<vmem>>) target_semaphore(%arg10 : memref<!tpu.dma_semaphore, #tpu.memory_space<semaphore_mem>>)
    %dma_wait3A_144 = arith.constant 0 : i32
    %dma_wait3A_145 = arith.constant 0 : i32
    %dma_wait3A_146 = tpu.memref_slice %arg6[%dma_wait3A_144, %dma_wait3A_145] : memref<32x515xf32, #tpu.memory_space<vmem>> -> memref<32x512xf32, #tpu.memory_space<vmem>>
    %dma_wait3A_147 = arith.constant 0 : i32
    %dma_wait3A_148 = arith.constant 0 : i32
    %dma_wait3A_149 = tpu.memref_slice %arg2[%dma_wait3A_147, %dma_wait3A_148] : memref<32x1000000xf32, #tpu.memory_space<hbm>> -> memref<32x512xf32, #tpu.memory_space<hbm>>
    %dma_wait3A_150 = arith.constant 0 : i32
    %dma_wait3A_151 = arith.constant 0 : i32
    %dma_wait3A_152 = tpu.memref_slice %arg6[%dma_wait3A_150, %dma_wait3A_151] : memref<32x515xf32, #tpu.memory_space<vmem>> -> memref<32x512xf32, #tpu.memory_space<vmem>>
    %dma_wait3A_153 = arith.constant 0 : i32
    %dma_wait3A_154 = arith.constant 0 : i32
    %dma_wait3A_155 = tpu.memref_slice %arg2[%dma_wait3A_153, %dma_wait3A_154] : memref<32x1000000xf32, #tpu.memory_space<hbm>> -> memref<32x512xf32, #tpu.memory_space<hbm>>
    tpu.wait_dma2 semaphore(%arg11 : memref<!tpu.dma_semaphore, #tpu.memory_space<semaphore_mem>>) src(%dma_wait3A_155 : memref<32x512xf32, #tpu.memory_space<hbm>>) dst(%dma_wait3A_152 : memref<32x512xf32, #tpu.memory_space<vmem>>)
    %dma_wait3A_156 = arith.constant 0 : i32
    %dma_wait3A_157 = tpu.memref_slice %arg4[%dma_wait3A_156] : memref<32000000xf32, #tpu.memory_space<hbm>> -> memref<16384xf32, #tpu.memory_space<hbm>>
    %dma_wait3A_158 = arith.constant 0 : i32
    %dma_wait3A_159 = tpu.memref_slice %arg4[%dma_wait3A_158] : memref<32000000xf32, #tpu.memory_space<hbm>> -> memref<16384xf32, #tpu.memory_space<hbm>>
    tpu.wait_dma2 semaphore(%arg13 : memref<!tpu.dma_semaphore, #tpu.memory_space<semaphore_mem>>) src(%dma_wait3A_159 : memref<16384xf32, #tpu.memory_space<hbm>>) dst(%arg8 : memref<16384xf32, #tpu.memory_space<vmem>>)
    %broadcast_in_dim3A_160 = arith.constant 0 : i32
    %broadcast_in_dim3A_161 = vector.broadcast %broadcast_in_dim3A_160 : i32 to vector<16xi32>
    %parallel_loop3A_162 = arith.constant 0 : i32
    %parallel_loop3A_163 = arith.constant 512 : i32
    %parallel_loop3A_164 = arith.constant 1 : i32
    %parallel_loop3A_165 = scf.for %parallel_loop3A_215 = %parallel_loop3A_162 to %parallel_loop3A_163 step %parallel_loop3A_164 iter_args(%parallel_loop3A_216 = %broadcast_in_dim3A_161) -> (vector<16xi32>)  : i32 {
      %parallel_loop3A_217 = tpu.vector_load_idx %arg6[%iota3A, %parallel_loop3A_216] : memref<32x515xf32, #tpu.memory_space<vmem>>[vector<16xi32>, vector<16xi32>], vector<16xf32>,
      %parallel_loop3A_218 = tpu.vector_load_idx %arg6[%add3A_5, %parallel_loop3A_216] : memref<32x515xf32, #tpu.memory_space<vmem>>[vector<16xi32>, vector<16xi32>], vector<16xf32>,
      %parallel_loop3A_219 = arith.constant 32 : i32
      %parallel_loop3A_220 = arith.muli %parallel_loop3A_215, %parallel_loop3A_219 : i32
      %parallel_loop3A_221 = arith.index_cast %parallel_loop3A_220 : i32 to index
      %parallel_loop3A_222 = tpu.vector_load %arg8[%parallel_loop3A_221] {strides = array<i32>} : memref<16384xf32, #tpu.memory_space<vmem>>, vector<16xf32>,
      tpu.vector_store %arg8[%parallel_loop3A_221], %parallel_loop3A_217 {strides = array<i32>} : memref<16384xf32, #tpu.memory_space<vmem>>, vector<16xf32>,
      %parallel_loop3A_223 = arith.constant 32 : i32
      %parallel_loop3A_224 = arith.muli %parallel_loop3A_215, %parallel_loop3A_223 : i32
      %parallel_loop3A_225 = arith.constant 16 : i32
      %parallel_loop3A_226 = arith.addi %parallel_loop3A_224, %parallel_loop3A_225 : i32
      %parallel_loop3A_227 = arith.index_cast %parallel_loop3A_226 : i32 to index
      %parallel_loop3A_228 = tpu.vector_load %arg8[%parallel_loop3A_227] {strides = array<i32>} : memref<16384xf32, #tpu.memory_space<vmem>>, vector<16xf32>,
      tpu.vector_store %arg8[%parallel_loop3A_227], %parallel_loop3A_218 {strides = array<i32>} : memref<16384xf32, #tpu.memory_space<vmem>>, vector<16xf32>,
      %parallel_loop3A_229 = arith.constant 1 : i32
      %parallel_loop3A_230 = vector.broadcast %parallel_loop3A_229 : i32 to vector<16xi32>
      %parallel_loop3A_231 = arith.addi %parallel_loop3A_216, %parallel_loop3A_230 : vector<16xi32>
      scf.yield %parallel_loop3A_231 : vector<16xi32>
    } {sc.loop_unroll_factor = 32 : i64, sc.parallel_access}
    %add3A_166 = arith.constant 30208 : i32
    %add3A_167 = arith.addi %mul3A_2, %add3A_166 : i32
    %mul3A_168 = arith.constant 32 : i32
    %mul3A_169 = arith.muli %add3A_167, %mul3A_168 : i32
    %dma_start3A_170 = tpu.memref_slice %arg4[%mul3A_169] : memref<32000000xf32, #tpu.memory_space<hbm>> -> memref<16384xf32, #tpu.memory_space<hbm>>
    %dma_start3A_171 = tpu.memref_slice %arg4[%mul3A_169] : memref<32000000xf32, #tpu.memory_space<hbm>> -> memref<16384xf32, #tpu.memory_space<hbm>>
    tpu.enqueue_dma source(%arg8 : memref<16384xf32, #tpu.memory_space<vmem>>) target(%dma_start3A_171 : memref<16384xf32, #tpu.memory_space<hbm>>) target_semaphore(%arg13 : memref<!tpu.dma_semaphore, #tpu.memory_space<semaphore_mem>>)
    %dma_wait3A_172 = arith.constant 0 : i32
    %dma_wait3A_173 = arith.constant 0 : i32
    %dma_wait3A_174 = tpu.memref_slice %arg5[%dma_wait3A_172, %dma_wait3A_173] : memref<32x515xf32, #tpu.memory_space<vmem>> -> memref<32x512xf32, #tpu.memory_space<vmem>>
    %dma_wait3A_175 = arith.constant 0 : i32
    %dma_wait3A_176 = arith.constant 0 : i32
    %dma_wait3A_177 = tpu.memref_slice %arg2[%dma_wait3A_175, %dma_wait3A_176] : memref<32x1000000xf32, #tpu.memory_space<hbm>> -> memref<32x512xf32, #tpu.memory_space<hbm>>
    %dma_wait3A_178 = arith.constant 0 : i32
    %dma_wait3A_179 = arith.constant 0 : i32
    %dma_wait3A_180 = tpu.memref_slice %arg5[%dma_wait3A_178, %dma_wait3A_179] : memref<32x515xf32, #tpu.memory_space<vmem>> -> memref<32x512xf32, #tpu.memory_space<vmem>>
    %dma_wait3A_181 = arith.constant 0 : i32
    %dma_wait3A_182 = arith.constant 0 : i32
    %dma_wait3A_183 = tpu.memref_slice %arg2[%dma_wait3A_181, %dma_wait3A_182] : memref<32x1000000xf32, #tpu.memory_space<hbm>> -> memref<32x512xf32, #tpu.memory_space<hbm>>
    tpu.wait_dma2 semaphore(%arg10 : memref<!tpu.dma_semaphore, #tpu.memory_space<semaphore_mem>>) src(%dma_wait3A_183 : memref<32x512xf32, #tpu.memory_space<hbm>>) dst(%dma_wait3A_180 : memref<32x512xf32, #tpu.memory_space<vmem>>)
    %dma_wait3A_184 = arith.constant 0 : i32
    %dma_wait3A_185 = tpu.memref_slice %arg4[%dma_wait3A_184] : memref<32000000xf32, #tpu.memory_space<hbm>> -> memref<16384xf32, #tpu.memory_space<hbm>>
    %dma_wait3A_186 = arith.constant 0 : i32
    %dma_wait3A_187 = tpu.memref_slice %arg4[%dma_wait3A_186] : memref<32000000xf32, #tpu.memory_space<hbm>> -> memref<16384xf32, #tpu.memory_space<hbm>>
    tpu.wait_dma2 semaphore(%arg12 : memref<!tpu.dma_semaphore, #tpu.memory_space<semaphore_mem>>) src(%dma_wait3A_187 : memref<16384xf32, #tpu.memory_space<hbm>>) dst(%arg7 : memref<16384xf32, #tpu.memory_space<vmem>>)
    %broadcast_in_dim3A_188 = arith.constant 0 : i32
    %broadcast_in_dim3A_189 = vector.broadcast %broadcast_in_dim3A_188 : i32 to vector<16xi32>
    %parallel_loop3A_190 = arith.constant 0 : i32
    %parallel_loop3A_191 = arith.constant 512 : i32
    %parallel_loop3A_192 = arith.constant 1 : i32
    %parallel_loop3A_193 = scf.for %parallel_loop3A_215 = %parallel_loop3A_190 to %parallel_loop3A_191 step %parallel_loop3A_192 iter_args(%parallel_loop3A_216 = %broadcast_in_dim3A_189) -> (vector<16xi32>)  : i32 {
      %parallel_loop3A_217 = tpu.vector_load_idx %arg5[%iota3A, %parallel_loop3A_216] : memref<32x515xf32, #tpu.memory_space<vmem>>[vector<16xi32>, vector<16xi32>], vector<16xf32>,
      %parallel_loop3A_218 = tpu.vector_load_idx %arg5[%add3A_5, %parallel_loop3A_216] : memref<32x515xf32, #tpu.memory_space<vmem>>[vector<16xi32>, vector<16xi32>], vector<16xf32>,
      %parallel_loop3A_219 = arith.constant 32 : i32
      %parallel_loop3A_220 = arith.muli %parallel_loop3A_215, %parallel_loop3A_219 : i32
      %parallel_loop3A_221 = arith.index_cast %parallel_loop3A_220 : i32 to index
      %parallel_loop3A_222 = tpu.vector_load %arg7[%parallel_loop3A_221] {strides = array<i32>} : memref<16384xf32, #tpu.memory_space<vmem>>, vector<16xf32>,
      tpu.vector_store %arg7[%parallel_loop3A_221], %parallel_loop3A_217 {strides = array<i32>} : memref<16384xf32, #tpu.memory_space<vmem>>, vector<16xf32>,
      %parallel_loop3A_223 = arith.constant 32 : i32
      %parallel_loop3A_224 = arith.muli %parallel_loop3A_215, %parallel_loop3A_223 : i32
      %parallel_loop3A_225 = arith.constant 16 : i32
      %parallel_loop3A_226 = arith.addi %parallel_loop3A_224, %parallel_loop3A_225 : i32
      %parallel_loop3A_227 = arith.index_cast %parallel_loop3A_226 : i32 to index
      %parallel_loop3A_228 = tpu.vector_load %arg7[%parallel_loop3A_227] {strides = array<i32>} : memref<16384xf32, #tpu.memory_space<vmem>>, vector<16xf32>,
      tpu.vector_store %arg7[%parallel_loop3A_227], %parallel_loop3A_218 {strides = array<i32>} : memref<16384xf32, #tpu.memory_space<vmem>>, vector<16xf32>,
      %parallel_loop3A_229 = arith.constant 1 : i32
      %parallel_loop3A_230 = vector.broadcast %parallel_loop3A_229 : i32 to vector<16xi32>
      %parallel_loop3A_231 = arith.addi %parallel_loop3A_216, %parallel_loop3A_230 : vector<16xi32>
      scf.yield %parallel_loop3A_231 : vector<16xi32>
    } {sc.loop_unroll_factor = 32 : i64, sc.parallel_access}
    %add3A_194 = arith.constant 30720 : i32
    %add3A_195 = arith.addi %mul3A_2, %add3A_194 : i32
    %mul3A_196 = arith.constant 32 : i32
    %mul3A_197 = arith.muli %add3A_195, %mul3A_196 : i32
    %dma_start3A_198 = tpu.memref_slice %arg4[%mul3A_197] : memref<32000000xf32, #tpu.memory_space<hbm>> -> memref<16384xf32, #tpu.memory_space<hbm>>
    %dma_start3A_199 = tpu.memref_slice %arg4[%mul3A_197] : memref<32000000xf32, #tpu.memory_space<hbm>> -> memref<16384xf32, #tpu.memory_space<hbm>>
    tpu.enqueue_dma source(%arg7 : memref<16384xf32, #tpu.memory_space<vmem>>) target(%dma_start3A_199 : memref<16384xf32, #tpu.memory_space<hbm>>) target_semaphore(%arg12 : memref<!tpu.dma_semaphore, #tpu.memory_space<semaphore_mem>>)
    %dma_wait3A_200 = arith.constant 0 : i32
    %dma_wait3A_201 = tpu.memref_slice %arg4[%dma_wait3A_200] : memref<32000000xf32, #tpu.memory_space<hbm>> -> memref<16384xf32, #tpu.memory_space<hbm>>
    %dma_wait3A_202 = arith.constant 0 : i32
    %dma_wait3A_203 = tpu.memref_slice %arg4[%dma_wait3A_202] : memref<32000000xf32, #tpu.memory_space<hbm>> -> memref<16384xf32, #tpu.memory_space<hbm>>
    tpu.wait_dma2 semaphore(%arg12 : memref<!tpu.dma_semaphore, #tpu.memory_space<semaphore_mem>>) src(%dma_wait3A_203 : memref<16384xf32, #tpu.memory_space<hbm>>) dst(%arg7 : memref<16384xf32, #tpu.memory_space<vmem>>)
    %dma_wait3A_204 = arith.constant 0 : i32
    %dma_wait3A_205 = tpu.memref_slice %arg4[%dma_wait3A_204] : memref<32000000xf32, #tpu.memory_space<hbm>> -> memref<16384xf32, #tpu.memory_space<hbm>>
    %dma_wait3A_206 = arith.constant 0 : i32
    %dma_wait3A_207 = tpu.memref_slice %arg4[%dma_wait3A_206] : memref<32000000xf32, #tpu.memory_space<hbm>> -> memref<16384xf32, #tpu.memory_space<hbm>>
    tpu.wait_dma2 semaphore(%arg13 : memref<!tpu.dma_semaphore, #tpu.memory_space<semaphore_mem>>) src(%dma_wait3A_207 : memref<16384xf32, #tpu.memory_space<hbm>>) dst(%arg8 : memref<16384xf32, #tpu.memory_space<vmem>>)
    %eq3A = arith.constant 0 : i32
    %eq3A_208 = arith.cmpi eq, %add3A, %eq3A : i32
    %convert_element_type3A = arith.extui %eq3A_208 : i1 to i32
    %cond3A = arith.constant 0 : i32
    %cond3A_209 = arith.cmpi ne, %convert_element_type3A, %cond3A : i32
    scf.if %cond3A_209 {
      %dma_start3A_215 = arith.constant 0 : i32
      %dma_start3A_216 = arith.constant 0 : i32
      %dma_start3A_217 = tpu.memref_slice %arg5[%dma_start3A_215, %dma_start3A_216] : memref<32x515xf32, #tpu.memory_space<vmem>> -> memref<32x512xf32, #tpu.memory_space<vmem>>
      %dma_start3A_218 = arith.constant 0 : i32
      %dma_start3A_219 = arith.constant 999424 : i32
      %dma_start3A_220 = tpu.memref_slice %arg2[%dma_start3A_218, %dma_start3A_219] : memref<32x1000000xf32, #tpu.memory_space<hbm>> -> memref<32x512xf32, #tpu.memory_space<hbm>>
      %dma_start3A_221 = arith.constant 0 : i32
      %dma_start3A_222 = arith.constant 0 : i32
      %dma_start3A_223 = tpu.memref_slice %arg5[%dma_start3A_221, %dma_start3A_222] : memref<32x515xf32, #tpu.memory_space<vmem>> -> memref<32x512xf32, #tpu.memory_space<vmem>>
      %dma_start3A_224 = arith.constant 0 : i32
      %dma_start3A_225 = arith.constant 999424 : i32
      %dma_start3A_226 = tpu.memref_slice %arg2[%dma_start3A_224, %dma_start3A_225] : memref<32x1000000xf32, #tpu.memory_space<hbm>> -> memref<32x512xf32, #tpu.memory_space<hbm>>
      tpu.enqueue_dma source(%dma_start3A_226 : memref<32x512xf32, #tpu.memory_space<hbm>>) target(%dma_start3A_223 : memref<32x512xf32, #tpu.memory_space<vmem>>) target_semaphore(%arg10 : memref<!tpu.dma_semaphore, #tpu.memory_space<semaphore_mem>>)
      %dma_wait3A_227 = arith.constant 0 : i32
      %dma_wait3A_228 = arith.constant 0 : i32
      %dma_wait3A_229 = tpu.memref_slice %arg5[%dma_wait3A_227, %dma_wait3A_228] : memref<32x515xf32, #tpu.memory_space<vmem>> -> memref<32x512xf32, #tpu.memory_space<vmem>>
      %dma_wait3A_230 = arith.constant 0 : i32
      %dma_wait3A_231 = arith.constant 999424 : i32
      %dma_wait3A_232 = tpu.memref_slice %arg2[%dma_wait3A_230, %dma_wait3A_231] : memref<32x1000000xf32, #tpu.memory_space<hbm>> -> memref<32x512xf32, #tpu.memory_space<hbm>>
      %dma_wait3A_233 = arith.constant 0 : i32
      %dma_wait3A_234 = arith.constant 0 : i32
      %dma_wait3A_235 = tpu.memref_slice %arg5[%dma_wait3A_233, %dma_wait3A_234] : memref<32x515xf32, #tpu.memory_space<vmem>> -> memref<32x512xf32, #tpu.memory_space<vmem>>
      %dma_wait3A_236 = arith.constant 0 : i32
      %dma_wait3A_237 = arith.constant 999424 : i32
      %dma_wait3A_238 = tpu.memref_slice %arg2[%dma_wait3A_236, %dma_wait3A_237] : memref<32x1000000xf32, #tpu.memory_space<hbm>> -> memref<32x512xf32, #tpu.memory_space<hbm>>
      tpu.wait_dma2 semaphore(%arg10 : memref<!tpu.dma_semaphore, #tpu.memory_space<semaphore_mem>>) src(%dma_wait3A_238 : memref<32x512xf32, #tpu.memory_space<hbm>>) dst(%dma_wait3A_235 : memref<32x512xf32, #tpu.memory_space<vmem>>)
      %broadcast_in_dim3A_239 = arith.constant 0 : i32
      %broadcast_in_dim3A_240 = vector.broadcast %broadcast_in_dim3A_239 : i32 to vector<16xi32>
      %parallel_loop3A_241 = arith.constant 0 : i32
      %parallel_loop3A_242 = arith.constant 512 : i32
      %parallel_loop3A_243 = arith.constant 1 : i32
      %parallel_loop3A_244 = scf.for %parallel_loop3A_253 = %parallel_loop3A_241 to %parallel_loop3A_242 step %parallel_loop3A_243 iter_args(%parallel_loop3A_254 = %broadcast_in_dim3A_240) -> (vector<16xi32>)  : i32 {
        %parallel_loop3A_255 = tpu.vector_load_idx %arg5[%iota3A, %parallel_loop3A_254] : memref<32x515xf32, #tpu.memory_space<vmem>>[vector<16xi32>, vector<16xi32>], vector<16xf32>,
        %parallel_loop3A_256 = tpu.vector_load_idx %arg5[%add3A_5, %parallel_loop3A_254] : memref<32x515xf32, #tpu.memory_space<vmem>>[vector<16xi32>, vector<16xi32>], vector<16xf32>,
        %parallel_loop3A_257 = arith.constant 32 : i32
        %parallel_loop3A_258 = arith.muli %parallel_loop3A_253, %parallel_loop3A_257 : i32
        %parallel_loop3A_259 = arith.index_cast %parallel_loop3A_258 : i32 to index
        %parallel_loop3A_260 = tpu.vector_load %arg7[%parallel_loop3A_259] {strides = array<i32>} : memref<16384xf32, #tpu.memory_space<vmem>>, vector<16xf32>,
        tpu.vector_store %arg7[%parallel_loop3A_259], %parallel_loop3A_255 {strides = array<i32>} : memref<16384xf32, #tpu.memory_space<vmem>>, vector<16xf32>,
        %parallel_loop3A_261 = arith.constant 32 : i32
        %parallel_loop3A_262 = arith.muli %parallel_loop3A_253, %parallel_loop3A_261 : i32
        %parallel_loop3A_263 = arith.constant 16 : i32
        %parallel_loop3A_264 = arith.addi %parallel_loop3A_262, %parallel_loop3A_263 : i32
        %parallel_loop3A_265 = arith.index_cast %parallel_loop3A_264 : i32 to index
        %parallel_loop3A_266 = tpu.vector_load %arg7[%parallel_loop3A_265] {strides = array<i32>} : memref<16384xf32, #tpu.memory_space<vmem>>, vector<16xf32>,
        tpu.vector_store %arg7[%parallel_loop3A_265], %parallel_loop3A_256 {strides = array<i32>} : memref<16384xf32, #tpu.memory_space<vmem>>, vector<16xf32>,
        %parallel_loop3A_267 = arith.constant 1 : i32
        %parallel_loop3A_268 = vector.broadcast %parallel_loop3A_267 : i32 to vector<16xi32>
        %parallel_loop3A_269 = arith.addi %parallel_loop3A_254, %parallel_loop3A_268 : vector<16xi32>
        scf.yield %parallel_loop3A_269 : vector<16xi32>
      } {sc.loop_unroll_factor = 32 : i64, sc.parallel_access}
      %dma_start3A_245 = arith.constant 31981568 : i32
      %dma_start3A_246 = tpu.memref_slice %arg4[%dma_start3A_245] : memref<32000000xf32, #tpu.memory_space<hbm>> -> memref<16384xf32, #tpu.memory_space<hbm>>
      %dma_start3A_247 = arith.constant 31981568 : i32
      %dma_start3A_248 = tpu.memref_slice %arg4[%dma_start3A_247] : memref<32000000xf32, #tpu.memory_space<hbm>> -> memref<16384xf32, #tpu.memory_space<hbm>>
      tpu.enqueue_dma source(%arg7 : memref<16384xf32, #tpu.memory_space<vmem>>) target(%dma_start3A_248 : memref<16384xf32, #tpu.memory_space<hbm>>) target_semaphore(%arg12 : memref<!tpu.dma_semaphore, #tpu.memory_space<semaphore_mem>>)
      %dma_wait3A_249 = arith.constant 31981568 : i32
      %dma_wait3A_250 = tpu.memref_slice %arg4[%dma_wait3A_249] : memref<32000000xf32, #tpu.memory_space<hbm>> -> memref<16384xf32, #tpu.memory_space<hbm>>
      %dma_wait3A_251 = arith.constant 31981568 : i32
      %dma_wait3A_252 = tpu.memref_slice %arg4[%dma_wait3A_251] : memref<32000000xf32, #tpu.memory_space<hbm>> -> memref<16384xf32, #tpu.memory_space<hbm>>
      tpu.wait_dma2 semaphore(%arg12 : memref<!tpu.dma_semaphore, #tpu.memory_space<semaphore_mem>>) src(%arg7 : memref<16384xf32, #tpu.memory_space<vmem>>) dst(%dma_wait3A_252 : memref<16384xf32, #tpu.memory_space<hbm>>)
    } else {
    }
    %eq3A_210 = arith.constant 4 : i32
    %eq3A_211 = arith.cmpi eq, %add3A, %eq3A_210 : i32
    %convert_element_type3A_212 = arith.extui %eq3A_211 : i1 to i32
    %cond3A_213 = arith.constant 0 : i32
    %cond3A_214 = arith.cmpi ne, %convert_element_type3A_212, %cond3A_213 : i32
    scf.if %cond3A_214 {
      "tpu.region"() ({
        %run_scoped3A = tpu.sem_alloc : memref<!tpu.dma_semaphore, #tpu.memory_space<semaphore_mem>>
        tpu.enqueue_dma source(%arg3 : memref<32x64xf32, #tpu.memory_space<hbm>>) target(%arg9 : memref<32x64xf32, #tpu.memory_space<vmem>>) target_semaphore(%run_scoped3A : memref<!tpu.dma_semaphore, #tpu.memory_space<semaphore_mem>>)
        tpu.wait_dma2 semaphore(%run_scoped3A : memref<!tpu.dma_semaphore, #tpu.memory_space<semaphore_mem>>) src(%arg3 : memref<32x64xf32, #tpu.memory_space<hbm>>) dst(%arg9 : memref<32x64xf32, #tpu.memory_space<vmem>>)
        tpu.yield
      }) : () -> ()
      %parallel_loop3A_215 = arith.constant 0 : i32
      %parallel_loop3A_216 = arith.constant 64 : i32
      %parallel_loop3A_217 = arith.constant 1 : i32
      scf.for %parallel_loop3A_234 = %parallel_loop3A_215 to %parallel_loop3A_216 step %parallel_loop3A_217  : i32 {
        %parallel_loop3A_235 = vector.broadcast %parallel_loop3A_234 : i32 to vector<16xi32>
        %parallel_loop3A_236 = tpu.vector_load_idx %arg9[%iota3A, %parallel_loop3A_235] : memref<32x64xf32, #tpu.memory_space<vmem>>[vector<16xi32>, vector<16xi32>], vector<16xf32>,
        %parallel_loop3A_237 = tpu.vector_load_idx %arg9[%add3A_5, %parallel_loop3A_235] : memref<32x64xf32, #tpu.memory_space<vmem>>[vector<16xi32>, vector<16xi32>], vector<16xf32>,
        %parallel_loop3A_238 = arith.constant 32 : i32
        %parallel_loop3A_239 = arith.muli %parallel_loop3A_234, %parallel_loop3A_238 : i32
        %parallel_loop3A_240 = arith.index_cast %parallel_loop3A_239 : i32 to index
        %parallel_loop3A_241 = tpu.vector_load %arg7[%parallel_loop3A_240] {strides = array<i32>} : memref<16384xf32, #tpu.memory_space<vmem>>, vector<16xf32>,
        tpu.vector_store %arg7[%parallel_loop3A_240], %parallel_loop3A_236 {strides = array<i32>} : memref<16384xf32, #tpu.memory_space<vmem>>, vector<16xf32>,
        %parallel_loop3A_242 = arith.constant 32 : i32
        %parallel_loop3A_243 = arith.muli %parallel_loop3A_234, %parallel_loop3A_242 : i32
        %parallel_loop3A_244 = arith.constant 16 : i32
        %parallel_loop3A_245 = arith.addi %parallel_loop3A_243, %parallel_loop3A_244 : i32
        %parallel_loop3A_246 = arith.index_cast %parallel_loop3A_245 : i32 to index
        %parallel_loop3A_247 = tpu.vector_load %arg7[%parallel_loop3A_246] {strides = array<i32>} : memref<16384xf32, #tpu.memory_space<vmem>>, vector<16xf32>,
        tpu.vector_store %arg7[%parallel_loop3A_246], %parallel_loop3A_237 {strides = array<i32>} : memref<16384xf32, #tpu.memory_space<vmem>>, vector<16xf32>,
      } {sc.loop_unroll_factor = 8 : i64, sc.parallel_access}
      %dma_start3A_218 = arith.constant 0 : i32
      %dma_start3A_219 = tpu.memref_slice %arg7[%dma_start3A_218] : memref<16384xf32, #tpu.memory_space<vmem>> -> memref<2048xf32, #tpu.memory_space<vmem>>
      %dma_start3A_220 = arith.constant 31997952 : i32
      %dma_start3A_221 = tpu.memref_slice %arg4[%dma_start3A_220] : memref<32000000xf32, #tpu.memory_space<hbm>> -> memref<2048xf32, #tpu.memory_space<hbm>>
      %dma_start3A_222 = arith.constant 31997952 : i32
      %dma_start3A_223 = tpu.memref_slice %arg4[%dma_start3A_222] : memref<32000000xf32, #tpu.memory_space<hbm>> -> memref<2048xf32, #tpu.memory_space<hbm>>
      %dma_start3A_224 = arith.constant 0 : i32
      %dma_start3A_225 = tpu.memref_slice %arg7[%dma_start3A_224] : memref<16384xf32, #tpu.memory_space<vmem>> -> memref<2048xf32, #tpu.memory_space<vmem>>
      tpu.enqueue_dma source(%dma_start3A_225 : memref<2048xf32, #tpu.memory_space<vmem>>) target(%dma_start3A_223 : memref<2048xf32, #tpu.memory_space<hbm>>) target_semaphore(%arg12 : memref<!tpu.dma_semaphore, #tpu.memory_space<semaphore_mem>>)
      %dma_wait3A_226 = arith.constant 0 : i32
      %dma_wait3A_227 = tpu.memref_slice %arg7[%dma_wait3A_226] : memref<16384xf32, #tpu.memory_space<vmem>> -> memref<2048xf32, #tpu.memory_space<vmem>>
      %dma_wait3A_228 = arith.constant 31997952 : i32
      %dma_wait3A_229 = tpu.memref_slice %arg4[%dma_wait3A_228] : memref<32000000xf32, #tpu.memory_space<hbm>> -> memref<2048xf32, #tpu.memory_space<hbm>>
      %dma_wait3A_230 = arith.constant 31997952 : i32
      %dma_wait3A_231 = tpu.memref_slice %arg4[%dma_wait3A_230] : memref<32000000xf32, #tpu.memory_space<hbm>> -> memref<2048xf32, #tpu.memory_space<hbm>>
      %dma_wait3A_232 = arith.constant 0 : i32
      %dma_wait3A_233 = tpu.memref_slice %arg7[%dma_wait3A_232] : memref<16384xf32, #tpu.memory_space<vmem>> -> memref<2048xf32, #tpu.memory_space<vmem>>
      tpu.wait_dma2 semaphore(%arg12 : memref<!tpu.dma_semaphore, #tpu.memory_space<semaphore_mem>>) src(%dma_wait3A_233 : memref<2048xf32, #tpu.memory_space<vmem>>) dst(%dma_wait3A_231 : memref<2048xf32, #tpu.memory_space<hbm>>)
    } else {
    }
    return
  }
}

#map = affine_map<(d0, d1) -> (0, 0)>
#map1 = affine_map<(d0, d1) -> (0, 0, 0)>
module attributes {stable_mosaic.version = 14 : i64} {
  func.func @_gather_body(%arg0: i32, %arg1: i32, %arg2: memref<16384x50xi32, #tpu.memory_space<hbm>>, %arg3: memref<1000000x32xf32, #tpu.memory_space<hbm>>, %arg4: memref<16384x50x32xf32, #tpu.memory_space<hbm>>, %arg5: memref<512x50xi32, #tpu.memory_space<vmem>>, %arg6: memref<32x50x32xf32, #tpu.memory_space<vmem>>, %arg7: memref<!tpu.dma_semaphore, #tpu.memory_space<semaphore_mem>>, %arg8: memref<!tpu.dma_semaphore, #tpu.memory_space<semaphore_mem>>, %arg9: memref<!tpu.dma_semaphore, #tpu.memory_space<semaphore_mem>>, %arg10: memref<!tpu.dma_semaphore, #tpu.memory_space<semaphore_mem>>) attributes {dimension_semantics = [#tpu.dimension_semantics<core_parallel>, #tpu.dimension_semantics<subcore_parallel>], iteration_bounds = array<i64: 2, 16>, scalar_prefetch = 0 : i64, scratch_operands = 6 : i64, tpu.core_type = #tpu.core_type<sc_vector_subcore>, window_params = [{transform_indices = #map}, {transform_indices = #map}, {transform_indices = #map1}]} {
    %mul3A = arith.constant 2 : i32
    %mul3A_0 = arith.muli %arg1, %mul3A : i32
    %add3A = arith.addi %mul3A_0, %arg0 : i32
    %mul3A_1 = arith.constant 512 : i32
    %mul3A_2 = arith.muli %add3A, %mul3A_1 : i32
    "tpu.region"() ({
      %run_scoped3A = tpu.sem_alloc : memref<!tpu.dma_semaphore, #tpu.memory_space<semaphore_mem>>
      %dma_start3A_487 = arith.constant 0 : i32
      %dma_start3A_488 = tpu.memref_slice %arg2[%mul3A_2, %dma_start3A_487] : memref<16384x50xi32, #tpu.memory_space<hbm>> -> memref<512x50xi32, #tpu.memory_space<hbm>>
      %dma_start3A_489 = arith.constant 0 : i32
      %dma_start3A_490 = tpu.memref_slice %arg2[%mul3A_2, %dma_start3A_489] : memref<16384x50xi32, #tpu.memory_space<hbm>> -> memref<512x50xi32, #tpu.memory_space<hbm>>
      tpu.enqueue_dma source(%dma_start3A_490 : memref<512x50xi32, #tpu.memory_space<hbm>>) target(%arg5 : memref<512x50xi32, #tpu.memory_space<vmem>>) target_semaphore(%run_scoped3A : memref<!tpu.dma_semaphore, #tpu.memory_space<semaphore_mem>>)
      %dma_wait3A_491 = arith.constant 0 : i32
      %dma_wait3A_492 = tpu.memref_slice %arg2[%mul3A_2, %dma_wait3A_491] : memref<16384x50xi32, #tpu.memory_space<hbm>> -> memref<512x50xi32, #tpu.memory_space<hbm>>
      %dma_wait3A_493 = arith.constant 0 : i32
      %dma_wait3A_494 = tpu.memref_slice %arg2[%mul3A_2, %dma_wait3A_493] : memref<16384x50xi32, #tpu.memory_space<hbm>> -> memref<512x50xi32, #tpu.memory_space<hbm>>
      tpu.wait_dma2 semaphore(%run_scoped3A : memref<!tpu.dma_semaphore, #tpu.memory_space<semaphore_mem>>) src(%dma_wait3A_494 : memref<512x50xi32, #tpu.memory_space<hbm>>) dst(%arg5 : memref<512x50xi32, #tpu.memory_space<vmem>>)
      tpu.yield
    }) : () -> ()
    %dma_start3A = arith.constant 0 : i32
    %dma_start3A_3 = arith.constant 0 : i32
    %dma_start3A_4 = arith.constant 0 : i32
    %dma_start3A_5 = arith.constant 0 : i32
    %dma_start3A_6 = tpu.memref_slice %arg6[%dma_start3A_3, %dma_start3A_4, %dma_start3A_5] : memref<32x50x32xf32, #tpu.memory_space<vmem>> -> memref<1x50x32xf32, #tpu.memory_space<vmem>>
    %dma_start3A_7 = tpu.memref_squeeze %dma_start3A_6 : memref<1x50x32xf32, #tpu.memory_space<vmem>> -> memref<50x32xf32, #tpu.memory_space<vmem>>
    %dma_start3A_8 = arith.constant 0 : i32
    %dma_start3A_9 = tpu.memref_slice %arg5[%dma_start3A, %dma_start3A_8] : memref<512x50xi32, #tpu.memory_space<vmem>> -> memref<1x50xi32, #tpu.memory_space<vmem>>
    %dma_start3A_10 = tpu.memref_squeeze %dma_start3A_9 : memref<1x50xi32, #tpu.memory_space<vmem>> -> memref<50xi32, #tpu.memory_space<vmem>>
    %dma_start3A_11 = arith.constant 0 : i32
    %dma_start3A_12 = arith.constant 0 : i32
    %dma_start3A_13 = tpu.memref_slice %arg3[%dma_start3A_11, %dma_start3A_12] : memref<1000000x32xf32, #tpu.memory_space<hbm>> -> memref<1000000x32xf32, #tpu.memory_space<hbm>>
    tpu.enqueue_indirect_dma source(%dma_start3A_13 : memref<1000000x32xf32, #tpu.memory_space<hbm>>) target(%dma_start3A_7 : memref<50x32xf32, #tpu.memory_space<vmem>>) offsets(%dma_start3A_10 : memref<50xi32, #tpu.memory_space<vmem>>) semaphore(%arg7 : memref<!tpu.dma_semaphore, #tpu.memory_space<semaphore_mem>>)
    %dma_start3A_14 = arith.constant 1 : i32
    %dma_start3A_15 = arith.constant 1 : i32
    %dma_start3A_16 = arith.constant 0 : i32
    %dma_start3A_17 = arith.constant 0 : i32
    %dma_start3A_18 = tpu.memref_slice %arg6[%dma_start3A_15, %dma_start3A_16, %dma_start3A_17] : memref<32x50x32xf32, #tpu.memory_space<vmem>> -> memref<1x50x32xf32, #tpu.memory_space<vmem>>
    %dma_start3A_19 = tpu.memref_squeeze %dma_start3A_18 : memref<1x50x32xf32, #tpu.memory_space<vmem>> -> memref<50x32xf32, #tpu.memory_space<vmem>>
    %dma_start3A_20 = arith.constant 0 : i32
    %dma_start3A_21 = tpu.memref_slice %arg5[%dma_start3A_14, %dma_start3A_20] : memref<512x50xi32, #tpu.memory_space<vmem>> -> memref<1x50xi32, #tpu.memory_space<vmem>>
    %dma_start3A_22 = tpu.memref_squeeze %dma_start3A_21 : memref<1x50xi32, #tpu.memory_space<vmem>> -> memref<50xi32, #tpu.memory_space<vmem>>
    %dma_start3A_23 = arith.constant 0 : i32
    %dma_start3A_24 = arith.constant 0 : i32
    %dma_start3A_25 = tpu.memref_slice %arg3[%dma_start3A_23, %dma_start3A_24] : memref<1000000x32xf32, #tpu.memory_space<hbm>> -> memref<1000000x32xf32, #tpu.memory_space<hbm>>
    tpu.enqueue_indirect_dma source(%dma_start3A_25 : memref<1000000x32xf32, #tpu.memory_space<hbm>>) target(%dma_start3A_19 : memref<50x32xf32, #tpu.memory_space<vmem>>) offsets(%dma_start3A_22 : memref<50xi32, #tpu.memory_space<vmem>>) semaphore(%arg7 : memref<!tpu.dma_semaphore, #tpu.memory_space<semaphore_mem>>)
    %dma_start3A_26 = arith.constant 2 : i32
    %dma_start3A_27 = arith.constant 2 : i32
    %dma_start3A_28 = arith.constant 0 : i32
    %dma_start3A_29 = arith.constant 0 : i32
    %dma_start3A_30 = tpu.memref_slice %arg6[%dma_start3A_27, %dma_start3A_28, %dma_start3A_29] : memref<32x50x32xf32, #tpu.memory_space<vmem>> -> memref<1x50x32xf32, #tpu.memory_space<vmem>>
    %dma_start3A_31 = tpu.memref_squeeze %dma_start3A_30 : memref<1x50x32xf32, #tpu.memory_space<vmem>> -> memref<50x32xf32, #tpu.memory_space<vmem>>
    %dma_start3A_32 = arith.constant 0 : i32
    %dma_start3A_33 = tpu.memref_slice %arg5[%dma_start3A_26, %dma_start3A_32] : memref<512x50xi32, #tpu.memory_space<vmem>> -> memref<1x50xi32, #tpu.memory_space<vmem>>
    %dma_start3A_34 = tpu.memref_squeeze %dma_start3A_33 : memref<1x50xi32, #tpu.memory_space<vmem>> -> memref<50xi32, #tpu.memory_space<vmem>>
    %dma_start3A_35 = arith.constant 0 : i32
    %dma_start3A_36 = arith.constant 0 : i32
    %dma_start3A_37 = tpu.memref_slice %arg3[%dma_start3A_35, %dma_start3A_36] : memref<1000000x32xf32, #tpu.memory_space<hbm>> -> memref<1000000x32xf32, #tpu.memory_space<hbm>>
    tpu.enqueue_indirect_dma source(%dma_start3A_37 : memref<1000000x32xf32, #tpu.memory_space<hbm>>) target(%dma_start3A_31 : memref<50x32xf32, #tpu.memory_space<vmem>>) offsets(%dma_start3A_34 : memref<50xi32, #tpu.memory_space<vmem>>) semaphore(%arg7 : memref<!tpu.dma_semaphore, #tpu.memory_space<semaphore_mem>>)
    %dma_start3A_38 = arith.constant 3 : i32
    %dma_start3A_39 = arith.constant 3 : i32
    %dma_start3A_40 = arith.constant 0 : i32
    %dma_start3A_41 = arith.constant 0 : i32
    %dma_start3A_42 = tpu.memref_slice %arg6[%dma_start3A_39, %dma_start3A_40, %dma_start3A_41] : memref<32x50x32xf32, #tpu.memory_space<vmem>> -> memref<1x50x32xf32, #tpu.memory_space<vmem>>
    %dma_start3A_43 = tpu.memref_squeeze %dma_start3A_42 : memref<1x50x32xf32, #tpu.memory_space<vmem>> -> memref<50x32xf32, #tpu.memory_space<vmem>>
    %dma_start3A_44 = arith.constant 0 : i32
    %dma_start3A_45 = tpu.memref_slice %arg5[%dma_start3A_38, %dma_start3A_44] : memref<512x50xi32, #tpu.memory_space<vmem>> -> memref<1x50xi32, #tpu.memory_space<vmem>>
    %dma_start3A_46 = tpu.memref_squeeze %dma_start3A_45 : memref<1x50xi32, #tpu.memory_space<vmem>> -> memref<50xi32, #tpu.memory_space<vmem>>
    %dma_start3A_47 = arith.constant 0 : i32
    %dma_start3A_48 = arith.constant 0 : i32
    %dma_start3A_49 = tpu.memref_slice %arg3[%dma_start3A_47, %dma_start3A_48] : memref<1000000x32xf32, #tpu.memory_space<hbm>> -> memref<1000000x32xf32, #tpu.memory_space<hbm>>
    tpu.enqueue_indirect_dma source(%dma_start3A_49 : memref<1000000x32xf32, #tpu.memory_space<hbm>>) target(%dma_start3A_43 : memref<50x32xf32, #tpu.memory_space<vmem>>) offsets(%dma_start3A_46 : memref<50xi32, #tpu.memory_space<vmem>>) semaphore(%arg7 : memref<!tpu.dma_semaphore, #tpu.memory_space<semaphore_mem>>)
    %dma_start3A_50 = arith.constant 4 : i32
    %dma_start3A_51 = arith.constant 4 : i32
    %dma_start3A_52 = arith.constant 0 : i32
    %dma_start3A_53 = arith.constant 0 : i32
    %dma_start3A_54 = tpu.memref_slice %arg6[%dma_start3A_51, %dma_start3A_52, %dma_start3A_53] : memref<32x50x32xf32, #tpu.memory_space<vmem>> -> memref<1x50x32xf32, #tpu.memory_space<vmem>>
    %dma_start3A_55 = tpu.memref_squeeze %dma_start3A_54 : memref<1x50x32xf32, #tpu.memory_space<vmem>> -> memref<50x32xf32, #tpu.memory_space<vmem>>
    %dma_start3A_56 = arith.constant 0 : i32
    %dma_start3A_57 = tpu.memref_slice %arg5[%dma_start3A_50, %dma_start3A_56] : memref<512x50xi32, #tpu.memory_space<vmem>> -> memref<1x50xi32, #tpu.memory_space<vmem>>
    %dma_start3A_58 = tpu.memref_squeeze %dma_start3A_57 : memref<1x50xi32, #tpu.memory_space<vmem>> -> memref<50xi32, #tpu.memory_space<vmem>>
    %dma_start3A_59 = arith.constant 0 : i32
    %dma_start3A_60 = arith.constant 0 : i32
    %dma_start3A_61 = tpu.memref_slice %arg3[%dma_start3A_59, %dma_start3A_60] : memref<1000000x32xf32, #tpu.memory_space<hbm>> -> memref<1000000x32xf32, #tpu.memory_space<hbm>>
    tpu.enqueue_indirect_dma source(%dma_start3A_61 : memref<1000000x32xf32, #tpu.memory_space<hbm>>) target(%dma_start3A_55 : memref<50x32xf32, #tpu.memory_space<vmem>>) offsets(%dma_start3A_58 : memref<50xi32, #tpu.memory_space<vmem>>) semaphore(%arg7 : memref<!tpu.dma_semaphore, #tpu.memory_space<semaphore_mem>>)
    %dma_start3A_62 = arith.constant 5 : i32
    %dma_start3A_63 = arith.constant 5 : i32
    %dma_start3A_64 = arith.constant 0 : i32
    %dma_start3A_65 = arith.constant 0 : i32
    %dma_start3A_66 = tpu.memref_slice %arg6[%dma_start3A_63, %dma_start3A_64, %dma_start3A_65] : memref<32x50x32xf32, #tpu.memory_space<vmem>> -> memref<1x50x32xf32, #tpu.memory_space<vmem>>
    %dma_start3A_67 = tpu.memref_squeeze %dma_start3A_66 : memref<1x50x32xf32, #tpu.memory_space<vmem>> -> memref<50x32xf32, #tpu.memory_space<vmem>>
    %dma_start3A_68 = arith.constant 0 : i32
    %dma_start3A_69 = tpu.memref_slice %arg5[%dma_start3A_62, %dma_start3A_68] : memref<512x50xi32, #tpu.memory_space<vmem>> -> memref<1x50xi32, #tpu.memory_space<vmem>>
    %dma_start3A_70 = tpu.memref_squeeze %dma_start3A_69 : memref<1x50xi32, #tpu.memory_space<vmem>> -> memref<50xi32, #tpu.memory_space<vmem>>
    %dma_start3A_71 = arith.constant 0 : i32
    %dma_start3A_72 = arith.constant 0 : i32
    %dma_start3A_73 = tpu.memref_slice %arg3[%dma_start3A_71, %dma_start3A_72] : memref<1000000x32xf32, #tpu.memory_space<hbm>> -> memref<1000000x32xf32, #tpu.memory_space<hbm>>
    tpu.enqueue_indirect_dma source(%dma_start3A_73 : memref<1000000x32xf32, #tpu.memory_space<hbm>>) target(%dma_start3A_67 : memref<50x32xf32, #tpu.memory_space<vmem>>) offsets(%dma_start3A_70 : memref<50xi32, #tpu.memory_space<vmem>>) semaphore(%arg7 : memref<!tpu.dma_semaphore, #tpu.memory_space<semaphore_mem>>)
    %dma_start3A_74 = arith.constant 6 : i32
    %dma_start3A_75 = arith.constant 6 : i32
    %dma_start3A_76 = arith.constant 0 : i32
    %dma_start3A_77 = arith.constant 0 : i32
    %dma_start3A_78 = tpu.memref_slice %arg6[%dma_start3A_75, %dma_start3A_76, %dma_start3A_77] : memref<32x50x32xf32, #tpu.memory_space<vmem>> -> memref<1x50x32xf32, #tpu.memory_space<vmem>>
    %dma_start3A_79 = tpu.memref_squeeze %dma_start3A_78 : memref<1x50x32xf32, #tpu.memory_space<vmem>> -> memref<50x32xf32, #tpu.memory_space<vmem>>
    %dma_start3A_80 = arith.constant 0 : i32
    %dma_start3A_81 = tpu.memref_slice %arg5[%dma_start3A_74, %dma_start3A_80] : memref<512x50xi32, #tpu.memory_space<vmem>> -> memref<1x50xi32, #tpu.memory_space<vmem>>
    %dma_start3A_82 = tpu.memref_squeeze %dma_start3A_81 : memref<1x50xi32, #tpu.memory_space<vmem>> -> memref<50xi32, #tpu.memory_space<vmem>>
    %dma_start3A_83 = arith.constant 0 : i32
    %dma_start3A_84 = arith.constant 0 : i32
    %dma_start3A_85 = tpu.memref_slice %arg3[%dma_start3A_83, %dma_start3A_84] : memref<1000000x32xf32, #tpu.memory_space<hbm>> -> memref<1000000x32xf32, #tpu.memory_space<hbm>>
    tpu.enqueue_indirect_dma source(%dma_start3A_85 : memref<1000000x32xf32, #tpu.memory_space<hbm>>) target(%dma_start3A_79 : memref<50x32xf32, #tpu.memory_space<vmem>>) offsets(%dma_start3A_82 : memref<50xi32, #tpu.memory_space<vmem>>) semaphore(%arg7 : memref<!tpu.dma_semaphore, #tpu.memory_space<semaphore_mem>>)
    %dma_start3A_86 = arith.constant 7 : i32
    %dma_start3A_87 = arith.constant 7 : i32
    %dma_start3A_88 = arith.constant 0 : i32
    %dma_start3A_89 = arith.constant 0 : i32
    %dma_start3A_90 = tpu.memref_slice %arg6[%dma_start3A_87, %dma_start3A_88, %dma_start3A_89] : memref<32x50x32xf32, #tpu.memory_space<vmem>> -> memref<1x50x32xf32, #tpu.memory_space<vmem>>
    %dma_start3A_91 = tpu.memref_squeeze %dma_start3A_90 : memref<1x50x32xf32, #tpu.memory_space<vmem>> -> memref<50x32xf32, #tpu.memory_space<vmem>>
    %dma_start3A_92 = arith.constant 0 : i32
    %dma_start3A_93 = tpu.memref_slice %arg5[%dma_start3A_86, %dma_start3A_92] : memref<512x50xi32, #tpu.memory_space<vmem>> -> memref<1x50xi32, #tpu.memory_space<vmem>>
    %dma_start3A_94 = tpu.memref_squeeze %dma_start3A_93 : memref<1x50xi32, #tpu.memory_space<vmem>> -> memref<50xi32, #tpu.memory_space<vmem>>
    %dma_start3A_95 = arith.constant 0 : i32
    %dma_start3A_96 = arith.constant 0 : i32
    %dma_start3A_97 = tpu.memref_slice %arg3[%dma_start3A_95, %dma_start3A_96] : memref<1000000x32xf32, #tpu.memory_space<hbm>> -> memref<1000000x32xf32, #tpu.memory_space<hbm>>
    tpu.enqueue_indirect_dma source(%dma_start3A_97 : memref<1000000x32xf32, #tpu.memory_space<hbm>>) target(%dma_start3A_91 : memref<50x32xf32, #tpu.memory_space<vmem>>) offsets(%dma_start3A_94 : memref<50xi32, #tpu.memory_space<vmem>>) semaphore(%arg7 : memref<!tpu.dma_semaphore, #tpu.memory_space<semaphore_mem>>)
    %dma_start3A_98 = arith.constant 8 : i32
    %dma_start3A_99 = arith.constant 8 : i32
    %dma_start3A_100 = arith.constant 0 : i32
    %dma_start3A_101 = arith.constant 0 : i32
    %dma_start3A_102 = tpu.memref_slice %arg6[%dma_start3A_99, %dma_start3A_100, %dma_start3A_101] : memref<32x50x32xf32, #tpu.memory_space<vmem>> -> memref<1x50x32xf32, #tpu.memory_space<vmem>>
    %dma_start3A_103 = tpu.memref_squeeze %dma_start3A_102 : memref<1x50x32xf32, #tpu.memory_space<vmem>> -> memref<50x32xf32, #tpu.memory_space<vmem>>
    %dma_start3A_104 = arith.constant 0 : i32
    %dma_start3A_105 = tpu.memref_slice %arg5[%dma_start3A_98, %dma_start3A_104] : memref<512x50xi32, #tpu.memory_space<vmem>> -> memref<1x50xi32, #tpu.memory_space<vmem>>
    %dma_start3A_106 = tpu.memref_squeeze %dma_start3A_105 : memref<1x50xi32, #tpu.memory_space<vmem>> -> memref<50xi32, #tpu.memory_space<vmem>>
    %dma_start3A_107 = arith.constant 0 : i32
    %dma_start3A_108 = arith.constant 0 : i32
    %dma_start3A_109 = tpu.memref_slice %arg3[%dma_start3A_107, %dma_start3A_108] : memref<1000000x32xf32, #tpu.memory_space<hbm>> -> memref<1000000x32xf32, #tpu.memory_space<hbm>>
    tpu.enqueue_indirect_dma source(%dma_start3A_109 : memref<1000000x32xf32, #tpu.memory_space<hbm>>) target(%dma_start3A_103 : memref<50x32xf32, #tpu.memory_space<vmem>>) offsets(%dma_start3A_106 : memref<50xi32, #tpu.memory_space<vmem>>) semaphore(%arg7 : memref<!tpu.dma_semaphore, #tpu.memory_space<semaphore_mem>>)
    %dma_start3A_110 = arith.constant 9 : i32
    %dma_start3A_111 = arith.constant 9 : i32
    %dma_start3A_112 = arith.constant 0 : i32
    %dma_start3A_113 = arith.constant 0 : i32
    %dma_start3A_114 = tpu.memref_slice %arg6[%dma_start3A_111, %dma_start3A_112, %dma_start3A_113] : memref<32x50x32xf32, #tpu.memory_space<vmem>> -> memref<1x50x32xf32, #tpu.memory_space<vmem>>
    %dma_start3A_115 = tpu.memref_squeeze %dma_start3A_114 : memref<1x50x32xf32, #tpu.memory_space<vmem>> -> memref<50x32xf32, #tpu.memory_space<vmem>>
    %dma_start3A_116 = arith.constant 0 : i32
    %dma_start3A_117 = tpu.memref_slice %arg5[%dma_start3A_110, %dma_start3A_116] : memref<512x50xi32, #tpu.memory_space<vmem>> -> memref<1x50xi32, #tpu.memory_space<vmem>>
    %dma_start3A_118 = tpu.memref_squeeze %dma_start3A_117 : memref<1x50xi32, #tpu.memory_space<vmem>> -> memref<50xi32, #tpu.memory_space<vmem>>
    %dma_start3A_119 = arith.constant 0 : i32
    %dma_start3A_120 = arith.constant 0 : i32
    %dma_start3A_121 = tpu.memref_slice %arg3[%dma_start3A_119, %dma_start3A_120] : memref<1000000x32xf32, #tpu.memory_space<hbm>> -> memref<1000000x32xf32, #tpu.memory_space<hbm>>
    tpu.enqueue_indirect_dma source(%dma_start3A_121 : memref<1000000x32xf32, #tpu.memory_space<hbm>>) target(%dma_start3A_115 : memref<50x32xf32, #tpu.memory_space<vmem>>) offsets(%dma_start3A_118 : memref<50xi32, #tpu.memory_space<vmem>>) semaphore(%arg7 : memref<!tpu.dma_semaphore, #tpu.memory_space<semaphore_mem>>)
    %dma_start3A_122 = arith.constant 10 : i32
    %dma_start3A_123 = arith.constant 10 : i32
    %dma_start3A_124 = arith.constant 0 : i32
    %dma_start3A_125 = arith.constant 0 : i32
    %dma_start3A_126 = tpu.memref_slice %arg6[%dma_start3A_123, %dma_start3A_124, %dma_start3A_125] : memref<32x50x32xf32, #tpu.memory_space<vmem>> -> memref<1x50x32xf32, #tpu.memory_space<vmem>>
    %dma_start3A_127 = tpu.memref_squeeze %dma_start3A_126 : memref<1x50x32xf32, #tpu.memory_space<vmem>> -> memref<50x32xf32, #tpu.memory_space<vmem>>
    %dma_start3A_128 = arith.constant 0 : i32
    %dma_start3A_129 = tpu.memref_slice %arg5[%dma_start3A_122, %dma_start3A_128] : memref<512x50xi32, #tpu.memory_space<vmem>> -> memref<1x50xi32, #tpu.memory_space<vmem>>
    %dma_start3A_130 = tpu.memref_squeeze %dma_start3A_129 : memref<1x50xi32, #tpu.memory_space<vmem>> -> memref<50xi32, #tpu.memory_space<vmem>>
    %dma_start3A_131 = arith.constant 0 : i32
    %dma_start3A_132 = arith.constant 0 : i32
    %dma_start3A_133 = tpu.memref_slice %arg3[%dma_start3A_131, %dma_start3A_132] : memref<1000000x32xf32, #tpu.memory_space<hbm>> -> memref<1000000x32xf32, #tpu.memory_space<hbm>>
    tpu.enqueue_indirect_dma source(%dma_start3A_133 : memref<1000000x32xf32, #tpu.memory_space<hbm>>) target(%dma_start3A_127 : memref<50x32xf32, #tpu.memory_space<vmem>>) offsets(%dma_start3A_130 : memref<50xi32, #tpu.memory_space<vmem>>) semaphore(%arg7 : memref<!tpu.dma_semaphore, #tpu.memory_space<semaphore_mem>>)
    %dma_start3A_134 = arith.constant 11 : i32
    %dma_start3A_135 = arith.constant 11 : i32
    %dma_start3A_136 = arith.constant 0 : i32
    %dma_start3A_137 = arith.constant 0 : i32
    %dma_start3A_138 = tpu.memref_slice %arg6[%dma_start3A_135, %dma_start3A_136, %dma_start3A_137] : memref<32x50x32xf32, #tpu.memory_space<vmem>> -> memref<1x50x32xf32, #tpu.memory_space<vmem>>
    %dma_start3A_139 = tpu.memref_squeeze %dma_start3A_138 : memref<1x50x32xf32, #tpu.memory_space<vmem>> -> memref<50x32xf32, #tpu.memory_space<vmem>>
    %dma_start3A_140 = arith.constant 0 : i32
    %dma_start3A_141 = tpu.memref_slice %arg5[%dma_start3A_134, %dma_start3A_140] : memref<512x50xi32, #tpu.memory_space<vmem>> -> memref<1x50xi32, #tpu.memory_space<vmem>>
    %dma_start3A_142 = tpu.memref_squeeze %dma_start3A_141 : memref<1x50xi32, #tpu.memory_space<vmem>> -> memref<50xi32, #tpu.memory_space<vmem>>
    %dma_start3A_143 = arith.constant 0 : i32
    %dma_start3A_144 = arith.constant 0 : i32
    %dma_start3A_145 = tpu.memref_slice %arg3[%dma_start3A_143, %dma_start3A_144] : memref<1000000x32xf32, #tpu.memory_space<hbm>> -> memref<1000000x32xf32, #tpu.memory_space<hbm>>
    tpu.enqueue_indirect_dma source(%dma_start3A_145 : memref<1000000x32xf32, #tpu.memory_space<hbm>>) target(%dma_start3A_139 : memref<50x32xf32, #tpu.memory_space<vmem>>) offsets(%dma_start3A_142 : memref<50xi32, #tpu.memory_space<vmem>>) semaphore(%arg7 : memref<!tpu.dma_semaphore, #tpu.memory_space<semaphore_mem>>)
    %dma_start3A_146 = arith.constant 12 : i32
    %dma_start3A_147 = arith.constant 12 : i32
    %dma_start3A_148 = arith.constant 0 : i32
    %dma_start3A_149 = arith.constant 0 : i32
    %dma_start3A_150 = tpu.memref_slice %arg6[%dma_start3A_147, %dma_start3A_148, %dma_start3A_149] : memref<32x50x32xf32, #tpu.memory_space<vmem>> -> memref<1x50x32xf32, #tpu.memory_space<vmem>>
    %dma_start3A_151 = tpu.memref_squeeze %dma_start3A_150 : memref<1x50x32xf32, #tpu.memory_space<vmem>> -> memref<50x32xf32, #tpu.memory_space<vmem>>
    %dma_start3A_152 = arith.constant 0 : i32
    %dma_start3A_153 = tpu.memref_slice %arg5[%dma_start3A_146, %dma_start3A_152] : memref<512x50xi32, #tpu.memory_space<vmem>> -> memref<1x50xi32, #tpu.memory_space<vmem>>
    %dma_start3A_154 = tpu.memref_squeeze %dma_start3A_153 : memref<1x50xi32, #tpu.memory_space<vmem>> -> memref<50xi32, #tpu.memory_space<vmem>>
    %dma_start3A_155 = arith.constant 0 : i32
    %dma_start3A_156 = arith.constant 0 : i32
    %dma_start3A_157 = tpu.memref_slice %arg3[%dma_start3A_155, %dma_start3A_156] : memref<1000000x32xf32, #tpu.memory_space<hbm>> -> memref<1000000x32xf32, #tpu.memory_space<hbm>>
    tpu.enqueue_indirect_dma source(%dma_start3A_157 : memref<1000000x32xf32, #tpu.memory_space<hbm>>) target(%dma_start3A_151 : memref<50x32xf32, #tpu.memory_space<vmem>>) offsets(%dma_start3A_154 : memref<50xi32, #tpu.memory_space<vmem>>) semaphore(%arg7 : memref<!tpu.dma_semaphore, #tpu.memory_space<semaphore_mem>>)
    %dma_start3A_158 = arith.constant 13 : i32
    %dma_start3A_159 = arith.constant 13 : i32
    %dma_start3A_160 = arith.constant 0 : i32
    %dma_start3A_161 = arith.constant 0 : i32
    %dma_start3A_162 = tpu.memref_slice %arg6[%dma_start3A_159, %dma_start3A_160, %dma_start3A_161] : memref<32x50x32xf32, #tpu.memory_space<vmem>> -> memref<1x50x32xf32, #tpu.memory_space<vmem>>
    %dma_start3A_163 = tpu.memref_squeeze %dma_start3A_162 : memref<1x50x32xf32, #tpu.memory_space<vmem>> -> memref<50x32xf32, #tpu.memory_space<vmem>>
    %dma_start3A_164 = arith.constant 0 : i32
    %dma_start3A_165 = tpu.memref_slice %arg5[%dma_start3A_158, %dma_start3A_164] : memref<512x50xi32, #tpu.memory_space<vmem>> -> memref<1x50xi32, #tpu.memory_space<vmem>>
    %dma_start3A_166 = tpu.memref_squeeze %dma_start3A_165 : memref<1x50xi32, #tpu.memory_space<vmem>> -> memref<50xi32, #tpu.memory_space<vmem>>
    %dma_start3A_167 = arith.constant 0 : i32
    %dma_start3A_168 = arith.constant 0 : i32
    %dma_start3A_169 = tpu.memref_slice %arg3[%dma_start3A_167, %dma_start3A_168] : memref<1000000x32xf32, #tpu.memory_space<hbm>> -> memref<1000000x32xf32, #tpu.memory_space<hbm>>
    tpu.enqueue_indirect_dma source(%dma_start3A_169 : memref<1000000x32xf32, #tpu.memory_space<hbm>>) target(%dma_start3A_163 : memref<50x32xf32, #tpu.memory_space<vmem>>) offsets(%dma_start3A_166 : memref<50xi32, #tpu.memory_space<vmem>>) semaphore(%arg7 : memref<!tpu.dma_semaphore, #tpu.memory_space<semaphore_mem>>)
    %dma_start3A_170 = arith.constant 14 : i32
    %dma_start3A_171 = arith.constant 14 : i32
    %dma_start3A_172 = arith.constant 0 : i32
    %dma_start3A_173 = arith.constant 0 : i32
    %dma_start3A_174 = tpu.memref_slice %arg6[%dma_start3A_171, %dma_start3A_172, %dma_start3A_173] : memref<32x50x32xf32, #tpu.memory_space<vmem>> -> memref<1x50x32xf32, #tpu.memory_space<vmem>>
    %dma_start3A_175 = tpu.memref_squeeze %dma_start3A_174 : memref<1x50x32xf32, #tpu.memory_space<vmem>> -> memref<50x32xf32, #tpu.memory_space<vmem>>
    %dma_start3A_176 = arith.constant 0 : i32
    %dma_start3A_177 = tpu.memref_slice %arg5[%dma_start3A_170, %dma_start3A_176] : memref<512x50xi32, #tpu.memory_space<vmem>> -> memref<1x50xi32, #tpu.memory_space<vmem>>
    %dma_start3A_178 = tpu.memref_squeeze %dma_start3A_177 : memref<1x50xi32, #tpu.memory_space<vmem>> -> memref<50xi32, #tpu.memory_space<vmem>>
    %dma_start3A_179 = arith.constant 0 : i32
    %dma_start3A_180 = arith.constant 0 : i32
    %dma_start3A_181 = tpu.memref_slice %arg3[%dma_start3A_179, %dma_start3A_180] : memref<1000000x32xf32, #tpu.memory_space<hbm>> -> memref<1000000x32xf32, #tpu.memory_space<hbm>>
    tpu.enqueue_indirect_dma source(%dma_start3A_181 : memref<1000000x32xf32, #tpu.memory_space<hbm>>) target(%dma_start3A_175 : memref<50x32xf32, #tpu.memory_space<vmem>>) offsets(%dma_start3A_178 : memref<50xi32, #tpu.memory_space<vmem>>) semaphore(%arg7 : memref<!tpu.dma_semaphore, #tpu.memory_space<semaphore_mem>>)
    %dma_start3A_182 = arith.constant 15 : i32
    %dma_start3A_183 = arith.constant 15 : i32
    %dma_start3A_184 = arith.constant 0 : i32
    %dma_start3A_185 = arith.constant 0 : i32
    %dma_start3A_186 = tpu.memref_slice %arg6[%dma_start3A_183, %dma_start3A_184, %dma_start3A_185] : memref<32x50x32xf32, #tpu.memory_space<vmem>> -> memref<1x50x32xf32, #tpu.memory_space<vmem>>
    %dma_start3A_187 = tpu.memref_squeeze %dma_start3A_186 : memref<1x50x32xf32, #tpu.memory_space<vmem>> -> memref<50x32xf32, #tpu.memory_space<vmem>>
    %dma_start3A_188 = arith.constant 0 : i32
    %dma_start3A_189 = tpu.memref_slice %arg5[%dma_start3A_182, %dma_start3A_188] : memref<512x50xi32, #tpu.memory_space<vmem>> -> memref<1x50xi32, #tpu.memory_space<vmem>>
    %dma_start3A_190 = tpu.memref_squeeze %dma_start3A_189 : memref<1x50xi32, #tpu.memory_space<vmem>> -> memref<50xi32, #tpu.memory_space<vmem>>
    %dma_start3A_191 = arith.constant 0 : i32
    %dma_start3A_192 = arith.constant 0 : i32
    %dma_start3A_193 = tpu.memref_slice %arg3[%dma_start3A_191, %dma_start3A_192] : memref<1000000x32xf32, #tpu.memory_space<hbm>> -> memref<1000000x32xf32, #tpu.memory_space<hbm>>
    tpu.enqueue_indirect_dma source(%dma_start3A_193 : memref<1000000x32xf32, #tpu.memory_space<hbm>>) target(%dma_start3A_187 : memref<50x32xf32, #tpu.memory_space<vmem>>) offsets(%dma_start3A_190 : memref<50xi32, #tpu.memory_space<vmem>>) semaphore(%arg7 : memref<!tpu.dma_semaphore, #tpu.memory_space<semaphore_mem>>)
    %dma_start3A_194 = arith.constant 16 : i32
    %dma_start3A_195 = arith.constant 16 : i32
    %dma_start3A_196 = arith.constant 0 : i32
    %dma_start3A_197 = arith.constant 0 : i32
    %dma_start3A_198 = tpu.memref_slice %arg6[%dma_start3A_195, %dma_start3A_196, %dma_start3A_197] : memref<32x50x32xf32, #tpu.memory_space<vmem>> -> memref<1x50x32xf32, #tpu.memory_space<vmem>>
    %dma_start3A_199 = tpu.memref_squeeze %dma_start3A_198 : memref<1x50x32xf32, #tpu.memory_space<vmem>> -> memref<50x32xf32, #tpu.memory_space<vmem>>
    %dma_start3A_200 = arith.constant 0 : i32
    %dma_start3A_201 = tpu.memref_slice %arg5[%dma_start3A_194, %dma_start3A_200] : memref<512x50xi32, #tpu.memory_space<vmem>> -> memref<1x50xi32, #tpu.memory_space<vmem>>
    %dma_start3A_202 = tpu.memref_squeeze %dma_start3A_201 : memref<1x50xi32, #tpu.memory_space<vmem>> -> memref<50xi32, #tpu.memory_space<vmem>>
    %dma_start3A_203 = arith.constant 0 : i32
    %dma_start3A_204 = arith.constant 0 : i32
    %dma_start3A_205 = tpu.memref_slice %arg3[%dma_start3A_203, %dma_start3A_204] : memref<1000000x32xf32, #tpu.memory_space<hbm>> -> memref<1000000x32xf32, #tpu.memory_space<hbm>>
    tpu.enqueue_indirect_dma source(%dma_start3A_205 : memref<1000000x32xf32, #tpu.memory_space<hbm>>) target(%dma_start3A_199 : memref<50x32xf32, #tpu.memory_space<vmem>>) offsets(%dma_start3A_202 : memref<50xi32, #tpu.memory_space<vmem>>) semaphore(%arg8 : memref<!tpu.dma_semaphore, #tpu.memory_space<semaphore_mem>>)
    %dma_start3A_206 = arith.constant 17 : i32
    %dma_start3A_207 = arith.constant 17 : i32
    %dma_start3A_208 = arith.constant 0 : i32
    %dma_start3A_209 = arith.constant 0 : i32
    %dma_start3A_210 = tpu.memref_slice %arg6[%dma_start3A_207, %dma_start3A_208, %dma_start3A_209] : memref<32x50x32xf32, #tpu.memory_space<vmem>> -> memref<1x50x32xf32, #tpu.memory_space<vmem>>
    %dma_start3A_211 = tpu.memref_squeeze %dma_start3A_210 : memref<1x50x32xf32, #tpu.memory_space<vmem>> -> memref<50x32xf32, #tpu.memory_space<vmem>>
    %dma_start3A_212 = arith.constant 0 : i32
    %dma_start3A_213 = tpu.memref_slice %arg5[%dma_start3A_206, %dma_start3A_212] : memref<512x50xi32, #tpu.memory_space<vmem>> -> memref<1x50xi32, #tpu.memory_space<vmem>>
    %dma_start3A_214 = tpu.memref_squeeze %dma_start3A_213 : memref<1x50xi32, #tpu.memory_space<vmem>> -> memref<50xi32, #tpu.memory_space<vmem>>
    %dma_start3A_215 = arith.constant 0 : i32
    %dma_start3A_216 = arith.constant 0 : i32
    %dma_start3A_217 = tpu.memref_slice %arg3[%dma_start3A_215, %dma_start3A_216] : memref<1000000x32xf32, #tpu.memory_space<hbm>> -> memref<1000000x32xf32, #tpu.memory_space<hbm>>
    tpu.enqueue_indirect_dma source(%dma_start3A_217 : memref<1000000x32xf32, #tpu.memory_space<hbm>>) target(%dma_start3A_211 : memref<50x32xf32, #tpu.memory_space<vmem>>) offsets(%dma_start3A_214 : memref<50xi32, #tpu.memory_space<vmem>>) semaphore(%arg8 : memref<!tpu.dma_semaphore, #tpu.memory_space<semaphore_mem>>)
    %dma_start3A_218 = arith.constant 18 : i32
    %dma_start3A_219 = arith.constant 18 : i32
    %dma_start3A_220 = arith.constant 0 : i32
    %dma_start3A_221 = arith.constant 0 : i32
    %dma_start3A_222 = tpu.memref_slice %arg6[%dma_start3A_219, %dma_start3A_220, %dma_start3A_221] : memref<32x50x32xf32, #tpu.memory_space<vmem>> -> memref<1x50x32xf32, #tpu.memory_space<vmem>>
    %dma_start3A_223 = tpu.memref_squeeze %dma_start3A_222 : memref<1x50x32xf32, #tpu.memory_space<vmem>> -> memref<50x32xf32, #tpu.memory_space<vmem>>
    %dma_start3A_224 = arith.constant 0 : i32
    %dma_start3A_225 = tpu.memref_slice %arg5[%dma_start3A_218, %dma_start3A_224] : memref<512x50xi32, #tpu.memory_space<vmem>> -> memref<1x50xi32, #tpu.memory_space<vmem>>
    %dma_start3A_226 = tpu.memref_squeeze %dma_start3A_225 : memref<1x50xi32, #tpu.memory_space<vmem>> -> memref<50xi32, #tpu.memory_space<vmem>>
    %dma_start3A_227 = arith.constant 0 : i32
    %dma_start3A_228 = arith.constant 0 : i32
    %dma_start3A_229 = tpu.memref_slice %arg3[%dma_start3A_227, %dma_start3A_228] : memref<1000000x32xf32, #tpu.memory_space<hbm>> -> memref<1000000x32xf32, #tpu.memory_space<hbm>>
    tpu.enqueue_indirect_dma source(%dma_start3A_229 : memref<1000000x32xf32, #tpu.memory_space<hbm>>) target(%dma_start3A_223 : memref<50x32xf32, #tpu.memory_space<vmem>>) offsets(%dma_start3A_226 : memref<50xi32, #tpu.memory_space<vmem>>) semaphore(%arg8 : memref<!tpu.dma_semaphore, #tpu.memory_space<semaphore_mem>>)
    %dma_start3A_230 = arith.constant 19 : i32
    %dma_start3A_231 = arith.constant 19 : i32
    %dma_start3A_232 = arith.constant 0 : i32
    %dma_start3A_233 = arith.constant 0 : i32
    %dma_start3A_234 = tpu.memref_slice %arg6[%dma_start3A_231, %dma_start3A_232, %dma_start3A_233] : memref<32x50x32xf32, #tpu.memory_space<vmem>> -> memref<1x50x32xf32, #tpu.memory_space<vmem>>
    %dma_start3A_235 = tpu.memref_squeeze %dma_start3A_234 : memref<1x50x32xf32, #tpu.memory_space<vmem>> -> memref<50x32xf32, #tpu.memory_space<vmem>>
    %dma_start3A_236 = arith.constant 0 : i32
    %dma_start3A_237 = tpu.memref_slice %arg5[%dma_start3A_230, %dma_start3A_236] : memref<512x50xi32, #tpu.memory_space<vmem>> -> memref<1x50xi32, #tpu.memory_space<vmem>>
    %dma_start3A_238 = tpu.memref_squeeze %dma_start3A_237 : memref<1x50xi32, #tpu.memory_space<vmem>> -> memref<50xi32, #tpu.memory_space<vmem>>
    %dma_start3A_239 = arith.constant 0 : i32
    %dma_start3A_240 = arith.constant 0 : i32
    %dma_start3A_241 = tpu.memref_slice %arg3[%dma_start3A_239, %dma_start3A_240] : memref<1000000x32xf32, #tpu.memory_space<hbm>> -> memref<1000000x32xf32, #tpu.memory_space<hbm>>
    tpu.enqueue_indirect_dma source(%dma_start3A_241 : memref<1000000x32xf32, #tpu.memory_space<hbm>>) target(%dma_start3A_235 : memref<50x32xf32, #tpu.memory_space<vmem>>) offsets(%dma_start3A_238 : memref<50xi32, #tpu.memory_space<vmem>>) semaphore(%arg8 : memref<!tpu.dma_semaphore, #tpu.memory_space<semaphore_mem>>)
    %dma_start3A_242 = arith.constant 20 : i32
    %dma_start3A_243 = arith.constant 20 : i32
    %dma_start3A_244 = arith.constant 0 : i32
    %dma_start3A_245 = arith.constant 0 : i32
    %dma_start3A_246 = tpu.memref_slice %arg6[%dma_start3A_243, %dma_start3A_244, %dma_start3A_245] : memref<32x50x32xf32, #tpu.memory_space<vmem>> -> memref<1x50x32xf32, #tpu.memory_space<vmem>>
    %dma_start3A_247 = tpu.memref_squeeze %dma_start3A_246 : memref<1x50x32xf32, #tpu.memory_space<vmem>> -> memref<50x32xf32, #tpu.memory_space<vmem>>
    %dma_start3A_248 = arith.constant 0 : i32
    %dma_start3A_249 = tpu.memref_slice %arg5[%dma_start3A_242, %dma_start3A_248] : memref<512x50xi32, #tpu.memory_space<vmem>> -> memref<1x50xi32, #tpu.memory_space<vmem>>
    %dma_start3A_250 = tpu.memref_squeeze %dma_start3A_249 : memref<1x50xi32, #tpu.memory_space<vmem>> -> memref<50xi32, #tpu.memory_space<vmem>>
    %dma_start3A_251 = arith.constant 0 : i32
    %dma_start3A_252 = arith.constant 0 : i32
    %dma_start3A_253 = tpu.memref_slice %arg3[%dma_start3A_251, %dma_start3A_252] : memref<1000000x32xf32, #tpu.memory_space<hbm>> -> memref<1000000x32xf32, #tpu.memory_space<hbm>>
    tpu.enqueue_indirect_dma source(%dma_start3A_253 : memref<1000000x32xf32, #tpu.memory_space<hbm>>) target(%dma_start3A_247 : memref<50x32xf32, #tpu.memory_space<vmem>>) offsets(%dma_start3A_250 : memref<50xi32, #tpu.memory_space<vmem>>) semaphore(%arg8 : memref<!tpu.dma_semaphore, #tpu.memory_space<semaphore_mem>>)
    %dma_start3A_254 = arith.constant 21 : i32
    %dma_start3A_255 = arith.constant 21 : i32
    %dma_start3A_256 = arith.constant 0 : i32
    %dma_start3A_257 = arith.constant 0 : i32
    %dma_start3A_258 = tpu.memref_slice %arg6[%dma_start3A_255, %dma_start3A_256, %dma_start3A_257] : memref<32x50x32xf32, #tpu.memory_space<vmem>> -> memref<1x50x32xf32, #tpu.memory_space<vmem>>
    %dma_start3A_259 = tpu.memref_squeeze %dma_start3A_258 : memref<1x50x32xf32, #tpu.memory_space<vmem>> -> memref<50x32xf32, #tpu.memory_space<vmem>>
    %dma_start3A_260 = arith.constant 0 : i32
    %dma_start3A_261 = tpu.memref_slice %arg5[%dma_start3A_254, %dma_start3A_260] : memref<512x50xi32, #tpu.memory_space<vmem>> -> memref<1x50xi32, #tpu.memory_space<vmem>>
    %dma_start3A_262 = tpu.memref_squeeze %dma_start3A_261 : memref<1x50xi32, #tpu.memory_space<vmem>> -> memref<50xi32, #tpu.memory_space<vmem>>
    %dma_start3A_263 = arith.constant 0 : i32
    %dma_start3A_264 = arith.constant 0 : i32
    %dma_start3A_265 = tpu.memref_slice %arg3[%dma_start3A_263, %dma_start3A_264] : memref<1000000x32xf32, #tpu.memory_space<hbm>> -> memref<1000000x32xf32, #tpu.memory_space<hbm>>
    tpu.enqueue_indirect_dma source(%dma_start3A_265 : memref<1000000x32xf32, #tpu.memory_space<hbm>>) target(%dma_start3A_259 : memref<50x32xf32, #tpu.memory_space<vmem>>) offsets(%dma_start3A_262 : memref<50xi32, #tpu.memory_space<vmem>>) semaphore(%arg8 : memref<!tpu.dma_semaphore, #tpu.memory_space<semaphore_mem>>)
    %dma_start3A_266 = arith.constant 22 : i32
    %dma_start3A_267 = arith.constant 22 : i32
    %dma_start3A_268 = arith.constant 0 : i32
    %dma_start3A_269 = arith.constant 0 : i32
    %dma_start3A_270 = tpu.memref_slice %arg6[%dma_start3A_267, %dma_start3A_268, %dma_start3A_269] : memref<32x50x32xf32, #tpu.memory_space<vmem>> -> memref<1x50x32xf32, #tpu.memory_space<vmem>>
    %dma_start3A_271 = tpu.memref_squeeze %dma_start3A_270 : memref<1x50x32xf32, #tpu.memory_space<vmem>> -> memref<50x32xf32, #tpu.memory_space<vmem>>
    %dma_start3A_272 = arith.constant 0 : i32
    %dma_start3A_273 = tpu.memref_slice %arg5[%dma_start3A_266, %dma_start3A_272] : memref<512x50xi32, #tpu.memory_space<vmem>> -> memref<1x50xi32, #tpu.memory_space<vmem>>
    %dma_start3A_274 = tpu.memref_squeeze %dma_start3A_273 : memref<1x50xi32, #tpu.memory_space<vmem>> -> memref<50xi32, #tpu.memory_space<vmem>>
    %dma_start3A_275 = arith.constant 0 : i32
    %dma_start3A_276 = arith.constant 0 : i32
    %dma_start3A_277 = tpu.memref_slice %arg3[%dma_start3A_275, %dma_start3A_276] : memref<1000000x32xf32, #tpu.memory_space<hbm>> -> memref<1000000x32xf32, #tpu.memory_space<hbm>>
    tpu.enqueue_indirect_dma source(%dma_start3A_277 : memref<1000000x32xf32, #tpu.memory_space<hbm>>) target(%dma_start3A_271 : memref<50x32xf32, #tpu.memory_space<vmem>>) offsets(%dma_start3A_274 : memref<50xi32, #tpu.memory_space<vmem>>) semaphore(%arg8 : memref<!tpu.dma_semaphore, #tpu.memory_space<semaphore_mem>>)
    %dma_start3A_278 = arith.constant 23 : i32
    %dma_start3A_279 = arith.constant 23 : i32
    %dma_start3A_280 = arith.constant 0 : i32
    %dma_start3A_281 = arith.constant 0 : i32
    %dma_start3A_282 = tpu.memref_slice %arg6[%dma_start3A_279, %dma_start3A_280, %dma_start3A_281] : memref<32x50x32xf32, #tpu.memory_space<vmem>> -> memref<1x50x32xf32, #tpu.memory_space<vmem>>
    %dma_start3A_283 = tpu.memref_squeeze %dma_start3A_282 : memref<1x50x32xf32, #tpu.memory_space<vmem>> -> memref<50x32xf32, #tpu.memory_space<vmem>>
    %dma_start3A_284 = arith.constant 0 : i32
    %dma_start3A_285 = tpu.memref_slice %arg5[%dma_start3A_278, %dma_start3A_284] : memref<512x50xi32, #tpu.memory_space<vmem>> -> memref<1x50xi32, #tpu.memory_space<vmem>>
    %dma_start3A_286 = tpu.memref_squeeze %dma_start3A_285 : memref<1x50xi32, #tpu.memory_space<vmem>> -> memref<50xi32, #tpu.memory_space<vmem>>
    %dma_start3A_287 = arith.constant 0 : i32
    %dma_start3A_288 = arith.constant 0 : i32
    %dma_start3A_289 = tpu.memref_slice %arg3[%dma_start3A_287, %dma_start3A_288] : memref<1000000x32xf32, #tpu.memory_space<hbm>> -> memref<1000000x32xf32, #tpu.memory_space<hbm>>
    tpu.enqueue_indirect_dma source(%dma_start3A_289 : memref<1000000x32xf32, #tpu.memory_space<hbm>>) target(%dma_start3A_283 : memref<50x32xf32, #tpu.memory_space<vmem>>) offsets(%dma_start3A_286 : memref<50xi32, #tpu.memory_space<vmem>>) semaphore(%arg8 : memref<!tpu.dma_semaphore, #tpu.memory_space<semaphore_mem>>)
    %dma_start3A_290 = arith.constant 24 : i32
    %dma_start3A_291 = arith.constant 24 : i32
    %dma_start3A_292 = arith.constant 0 : i32
    %dma_start3A_293 = arith.constant 0 : i32
    %dma_start3A_294 = tpu.memref_slice %arg6[%dma_start3A_291, %dma_start3A_292, %dma_start3A_293] : memref<32x50x32xf32, #tpu.memory_space<vmem>> -> memref<1x50x32xf32, #tpu.memory_space<vmem>>
    %dma_start3A_295 = tpu.memref_squeeze %dma_start3A_294 : memref<1x50x32xf32, #tpu.memory_space<vmem>> -> memref<50x32xf32, #tpu.memory_space<vmem>>
    %dma_start3A_296 = arith.constant 0 : i32
    %dma_start3A_297 = tpu.memref_slice %arg5[%dma_start3A_290, %dma_start3A_296] : memref<512x50xi32, #tpu.memory_space<vmem>> -> memref<1x50xi32, #tpu.memory_space<vmem>>
    %dma_start3A_298 = tpu.memref_squeeze %dma_start3A_297 : memref<1x50xi32, #tpu.memory_space<vmem>> -> memref<50xi32, #tpu.memory_space<vmem>>
    %dma_start3A_299 = arith.constant 0 : i32
    %dma_start3A_300 = arith.constant 0 : i32
    %dma_start3A_301 = tpu.memref_slice %arg3[%dma_start3A_299, %dma_start3A_300] : memref<1000000x32xf32, #tpu.memory_space<hbm>> -> memref<1000000x32xf32, #tpu.memory_space<hbm>>
    tpu.enqueue_indirect_dma source(%dma_start3A_301 : memref<1000000x32xf32, #tpu.memory_space<hbm>>) target(%dma_start3A_295 : memref<50x32xf32, #tpu.memory_space<vmem>>) offsets(%dma_start3A_298 : memref<50xi32, #tpu.memory_space<vmem>>) semaphore(%arg8 : memref<!tpu.dma_semaphore, #tpu.memory_space<semaphore_mem>>)
    %dma_start3A_302 = arith.constant 25 : i32
    %dma_start3A_303 = arith.constant 25 : i32
    %dma_start3A_304 = arith.constant 0 : i32
    %dma_start3A_305 = arith.constant 0 : i32
    %dma_start3A_306 = tpu.memref_slice %arg6[%dma_start3A_303, %dma_start3A_304, %dma_start3A_305] : memref<32x50x32xf32, #tpu.memory_space<vmem>> -> memref<1x50x32xf32, #tpu.memory_space<vmem>>
    %dma_start3A_307 = tpu.memref_squeeze %dma_start3A_306 : memref<1x50x32xf32, #tpu.memory_space<vmem>> -> memref<50x32xf32, #tpu.memory_space<vmem>>
    %dma_start3A_308 = arith.constant 0 : i32
    %dma_start3A_309 = tpu.memref_slice %arg5[%dma_start3A_302, %dma_start3A_308] : memref<512x50xi32, #tpu.memory_space<vmem>> -> memref<1x50xi32, #tpu.memory_space<vmem>>
    %dma_start3A_310 = tpu.memref_squeeze %dma_start3A_309 : memref<1x50xi32, #tpu.memory_space<vmem>> -> memref<50xi32, #tpu.memory_space<vmem>>
    %dma_start3A_311 = arith.constant 0 : i32
    %dma_start3A_312 = arith.constant 0 : i32
    %dma_start3A_313 = tpu.memref_slice %arg3[%dma_start3A_311, %dma_start3A_312] : memref<1000000x32xf32, #tpu.memory_space<hbm>> -> memref<1000000x32xf32, #tpu.memory_space<hbm>>
    tpu.enqueue_indirect_dma source(%dma_start3A_313 : memref<1000000x32xf32, #tpu.memory_space<hbm>>) target(%dma_start3A_307 : memref<50x32xf32, #tpu.memory_space<vmem>>) offsets(%dma_start3A_310 : memref<50xi32, #tpu.memory_space<vmem>>) semaphore(%arg8 : memref<!tpu.dma_semaphore, #tpu.memory_space<semaphore_mem>>)
    %dma_start3A_314 = arith.constant 26 : i32
    %dma_start3A_315 = arith.constant 26 : i32
    %dma_start3A_316 = arith.constant 0 : i32
    %dma_start3A_317 = arith.constant 0 : i32
    %dma_start3A_318 = tpu.memref_slice %arg6[%dma_start3A_315, %dma_start3A_316, %dma_start3A_317] : memref<32x50x32xf32, #tpu.memory_space<vmem>> -> memref<1x50x32xf32, #tpu.memory_space<vmem>>
    %dma_start3A_319 = tpu.memref_squeeze %dma_start3A_318 : memref<1x50x32xf32, #tpu.memory_space<vmem>> -> memref<50x32xf32, #tpu.memory_space<vmem>>
    %dma_start3A_320 = arith.constant 0 : i32
    %dma_start3A_321 = tpu.memref_slice %arg5[%dma_start3A_314, %dma_start3A_320] : memref<512x50xi32, #tpu.memory_space<vmem>> -> memref<1x50xi32, #tpu.memory_space<vmem>>
    %dma_start3A_322 = tpu.memref_squeeze %dma_start3A_321 : memref<1x50xi32, #tpu.memory_space<vmem>> -> memref<50xi32, #tpu.memory_space<vmem>>
    %dma_start3A_323 = arith.constant 0 : i32
    %dma_start3A_324 = arith.constant 0 : i32
    %dma_start3A_325 = tpu.memref_slice %arg3[%dma_start3A_323, %dma_start3A_324] : memref<1000000x32xf32, #tpu.memory_space<hbm>> -> memref<1000000x32xf32, #tpu.memory_space<hbm>>
    tpu.enqueue_indirect_dma source(%dma_start3A_325 : memref<1000000x32xf32, #tpu.memory_space<hbm>>) target(%dma_start3A_319 : memref<50x32xf32, #tpu.memory_space<vmem>>) offsets(%dma_start3A_322 : memref<50xi32, #tpu.memory_space<vmem>>) semaphore(%arg8 : memref<!tpu.dma_semaphore, #tpu.memory_space<semaphore_mem>>)
    %dma_start3A_326 = arith.constant 27 : i32
    %dma_start3A_327 = arith.constant 27 : i32
    %dma_start3A_328 = arith.constant 0 : i32
    %dma_start3A_329 = arith.constant 0 : i32
    %dma_start3A_330 = tpu.memref_slice %arg6[%dma_start3A_327, %dma_start3A_328, %dma_start3A_329] : memref<32x50x32xf32, #tpu.memory_space<vmem>> -> memref<1x50x32xf32, #tpu.memory_space<vmem>>
    %dma_start3A_331 = tpu.memref_squeeze %dma_start3A_330 : memref<1x50x32xf32, #tpu.memory_space<vmem>> -> memref<50x32xf32, #tpu.memory_space<vmem>>
    %dma_start3A_332 = arith.constant 0 : i32
    %dma_start3A_333 = tpu.memref_slice %arg5[%dma_start3A_326, %dma_start3A_332] : memref<512x50xi32, #tpu.memory_space<vmem>> -> memref<1x50xi32, #tpu.memory_space<vmem>>
    %dma_start3A_334 = tpu.memref_squeeze %dma_start3A_333 : memref<1x50xi32, #tpu.memory_space<vmem>> -> memref<50xi32, #tpu.memory_space<vmem>>
    %dma_start3A_335 = arith.constant 0 : i32
    %dma_start3A_336 = arith.constant 0 : i32
    %dma_start3A_337 = tpu.memref_slice %arg3[%dma_start3A_335, %dma_start3A_336] : memref<1000000x32xf32, #tpu.memory_space<hbm>> -> memref<1000000x32xf32, #tpu.memory_space<hbm>>
    tpu.enqueue_indirect_dma source(%dma_start3A_337 : memref<1000000x32xf32, #tpu.memory_space<hbm>>) target(%dma_start3A_331 : memref<50x32xf32, #tpu.memory_space<vmem>>) offsets(%dma_start3A_334 : memref<50xi32, #tpu.memory_space<vmem>>) semaphore(%arg8 : memref<!tpu.dma_semaphore, #tpu.memory_space<semaphore_mem>>)
    %dma_start3A_338 = arith.constant 28 : i32
    %dma_start3A_339 = arith.constant 28 : i32
    %dma_start3A_340 = arith.constant 0 : i32
    %dma_start3A_341 = arith.constant 0 : i32
    %dma_start3A_342 = tpu.memref_slice %arg6[%dma_start3A_339, %dma_start3A_340, %dma_start3A_341] : memref<32x50x32xf32, #tpu.memory_space<vmem>> -> memref<1x50x32xf32, #tpu.memory_space<vmem>>
    %dma_start3A_343 = tpu.memref_squeeze %dma_start3A_342 : memref<1x50x32xf32, #tpu.memory_space<vmem>> -> memref<50x32xf32, #tpu.memory_space<vmem>>
    %dma_start3A_344 = arith.constant 0 : i32
    %dma_start3A_345 = tpu.memref_slice %arg5[%dma_start3A_338, %dma_start3A_344] : memref<512x50xi32, #tpu.memory_space<vmem>> -> memref<1x50xi32, #tpu.memory_space<vmem>>
    %dma_start3A_346 = tpu.memref_squeeze %dma_start3A_345 : memref<1x50xi32, #tpu.memory_space<vmem>> -> memref<50xi32, #tpu.memory_space<vmem>>
    %dma_start3A_347 = arith.constant 0 : i32
    %dma_start3A_348 = arith.constant 0 : i32
    %dma_start3A_349 = tpu.memref_slice %arg3[%dma_start3A_347, %dma_start3A_348] : memref<1000000x32xf32, #tpu.memory_space<hbm>> -> memref<1000000x32xf32, #tpu.memory_space<hbm>>
    tpu.enqueue_indirect_dma source(%dma_start3A_349 : memref<1000000x32xf32, #tpu.memory_space<hbm>>) target(%dma_start3A_343 : memref<50x32xf32, #tpu.memory_space<vmem>>) offsets(%dma_start3A_346 : memref<50xi32, #tpu.memory_space<vmem>>) semaphore(%arg8 : memref<!tpu.dma_semaphore, #tpu.memory_space<semaphore_mem>>)
    %dma_start3A_350 = arith.constant 29 : i32
    %dma_start3A_351 = arith.constant 29 : i32
    %dma_start3A_352 = arith.constant 0 : i32
    %dma_start3A_353 = arith.constant 0 : i32
    %dma_start3A_354 = tpu.memref_slice %arg6[%dma_start3A_351, %dma_start3A_352, %dma_start3A_353] : memref<32x50x32xf32, #tpu.memory_space<vmem>> -> memref<1x50x32xf32, #tpu.memory_space<vmem>>
    %dma_start3A_355 = tpu.memref_squeeze %dma_start3A_354 : memref<1x50x32xf32, #tpu.memory_space<vmem>> -> memref<50x32xf32, #tpu.memory_space<vmem>>
    %dma_start3A_356 = arith.constant 0 : i32
    %dma_start3A_357 = tpu.memref_slice %arg5[%dma_start3A_350, %dma_start3A_356] : memref<512x50xi32, #tpu.memory_space<vmem>> -> memref<1x50xi32, #tpu.memory_space<vmem>>
    %dma_start3A_358 = tpu.memref_squeeze %dma_start3A_357 : memref<1x50xi32, #tpu.memory_space<vmem>> -> memref<50xi32, #tpu.memory_space<vmem>>
    %dma_start3A_359 = arith.constant 0 : i32
    %dma_start3A_360 = arith.constant 0 : i32
    %dma_start3A_361 = tpu.memref_slice %arg3[%dma_start3A_359, %dma_start3A_360] : memref<1000000x32xf32, #tpu.memory_space<hbm>> -> memref<1000000x32xf32, #tpu.memory_space<hbm>>
    tpu.enqueue_indirect_dma source(%dma_start3A_361 : memref<1000000x32xf32, #tpu.memory_space<hbm>>) target(%dma_start3A_355 : memref<50x32xf32, #tpu.memory_space<vmem>>) offsets(%dma_start3A_358 : memref<50xi32, #tpu.memory_space<vmem>>) semaphore(%arg8 : memref<!tpu.dma_semaphore, #tpu.memory_space<semaphore_mem>>)
    %dma_start3A_362 = arith.constant 30 : i32
    %dma_start3A_363 = arith.constant 30 : i32
    %dma_start3A_364 = arith.constant 0 : i32
    %dma_start3A_365 = arith.constant 0 : i32
    %dma_start3A_366 = tpu.memref_slice %arg6[%dma_start3A_363, %dma_start3A_364, %dma_start3A_365] : memref<32x50x32xf32, #tpu.memory_space<vmem>> -> memref<1x50x32xf32, #tpu.memory_space<vmem>>
    %dma_start3A_367 = tpu.memref_squeeze %dma_start3A_366 : memref<1x50x32xf32, #tpu.memory_space<vmem>> -> memref<50x32xf32, #tpu.memory_space<vmem>>
    %dma_start3A_368 = arith.constant 0 : i32
    %dma_start3A_369 = tpu.memref_slice %arg5[%dma_start3A_362, %dma_start3A_368] : memref<512x50xi32, #tpu.memory_space<vmem>> -> memref<1x50xi32, #tpu.memory_space<vmem>>
    %dma_start3A_370 = tpu.memref_squeeze %dma_start3A_369 : memref<1x50xi32, #tpu.memory_space<vmem>> -> memref<50xi32, #tpu.memory_space<vmem>>
    %dma_start3A_371 = arith.constant 0 : i32
    %dma_start3A_372 = arith.constant 0 : i32
    %dma_start3A_373 = tpu.memref_slice %arg3[%dma_start3A_371, %dma_start3A_372] : memref<1000000x32xf32, #tpu.memory_space<hbm>> -> memref<1000000x32xf32, #tpu.memory_space<hbm>>
    tpu.enqueue_indirect_dma source(%dma_start3A_373 : memref<1000000x32xf32, #tpu.memory_space<hbm>>) target(%dma_start3A_367 : memref<50x32xf32, #tpu.memory_space<vmem>>) offsets(%dma_start3A_370 : memref<50xi32, #tpu.memory_space<vmem>>) semaphore(%arg8 : memref<!tpu.dma_semaphore, #tpu.memory_space<semaphore_mem>>)
    %dma_start3A_374 = arith.constant 31 : i32
    %dma_start3A_375 = arith.constant 31 : i32
    %dma_start3A_376 = arith.constant 0 : i32
    %dma_start3A_377 = arith.constant 0 : i32
    %dma_start3A_378 = tpu.memref_slice %arg6[%dma_start3A_375, %dma_start3A_376, %dma_start3A_377] : memref<32x50x32xf32, #tpu.memory_space<vmem>> -> memref<1x50x32xf32, #tpu.memory_space<vmem>>
    %dma_start3A_379 = tpu.memref_squeeze %dma_start3A_378 : memref<1x50x32xf32, #tpu.memory_space<vmem>> -> memref<50x32xf32, #tpu.memory_space<vmem>>
    %dma_start3A_380 = arith.constant 0 : i32
    %dma_start3A_381 = tpu.memref_slice %arg5[%dma_start3A_374, %dma_start3A_380] : memref<512x50xi32, #tpu.memory_space<vmem>> -> memref<1x50xi32, #tpu.memory_space<vmem>>
    %dma_start3A_382 = tpu.memref_squeeze %dma_start3A_381 : memref<1x50xi32, #tpu.memory_space<vmem>> -> memref<50xi32, #tpu.memory_space<vmem>>
    %dma_start3A_383 = arith.constant 0 : i32
    %dma_start3A_384 = arith.constant 0 : i32
    %dma_start3A_385 = tpu.memref_slice %arg3[%dma_start3A_383, %dma_start3A_384] : memref<1000000x32xf32, #tpu.memory_space<hbm>> -> memref<1000000x32xf32, #tpu.memory_space<hbm>>
    tpu.enqueue_indirect_dma source(%dma_start3A_385 : memref<1000000x32xf32, #tpu.memory_space<hbm>>) target(%dma_start3A_379 : memref<50x32xf32, #tpu.memory_space<vmem>>) offsets(%dma_start3A_382 : memref<50xi32, #tpu.memory_space<vmem>>) semaphore(%arg8 : memref<!tpu.dma_semaphore, #tpu.memory_space<semaphore_mem>>)
    %dma_wait3A = arith.constant 0 : i32
    %dma_wait3A_386 = arith.constant 0 : i32
    %dma_wait3A_387 = arith.constant 0 : i32
    %dma_wait3A_388 = tpu.memref_slice %arg6[%dma_wait3A, %dma_wait3A_386, %dma_wait3A_387] : memref<32x50x32xf32, #tpu.memory_space<vmem>> -> memref<16x50x32xf32, #tpu.memory_space<vmem>>
    %dma_wait3A_389 = arith.constant 0 : i32
    %dma_wait3A_390 = arith.constant 0 : i32
    %dma_wait3A_391 = arith.constant 0 : i32
    %dma_wait3A_392 = tpu.memref_slice %arg4[%dma_wait3A_389, %dma_wait3A_390, %dma_wait3A_391] : memref<16384x50x32xf32, #tpu.memory_space<hbm>> -> memref<16x50x32xf32, #tpu.memory_space<hbm>>
    %dma_wait3A_393 = arith.constant 0 : i32
    %dma_wait3A_394 = arith.constant 0 : i32
    %dma_wait3A_395 = arith.constant 0 : i32
    %dma_wait3A_396 = tpu.memref_slice %arg6[%dma_wait3A_393, %dma_wait3A_394, %dma_wait3A_395] : memref<32x50x32xf32, #tpu.memory_space<vmem>> -> memref<16x50x32xf32, #tpu.memory_space<vmem>>
    %dma_wait3A_397 = arith.constant 0 : i32
    %dma_wait3A_398 = arith.constant 0 : i32
    %dma_wait3A_399 = arith.constant 0 : i32
    %dma_wait3A_400 = tpu.memref_slice %arg4[%dma_wait3A_397, %dma_wait3A_398, %dma_wait3A_399] : memref<16384x50x32xf32, #tpu.memory_space<hbm>> -> memref<16x50x32xf32, #tpu.memory_space<hbm>>
    tpu.wait_dma2 semaphore(%arg7 : memref<!tpu.dma_semaphore, #tpu.memory_space<semaphore_mem>>) src(%dma_wait3A_400 : memref<16x50x32xf32, #tpu.memory_space<hbm>>) dst(%dma_wait3A_396 : memref<16x50x32xf32, #tpu.memory_space<vmem>>)
    %add3A_401 = arith.constant 0 : i32
    %add3A_402 = arith.addi %mul3A_2, %add3A_401 : i32
    %dma_start3A_403 = arith.constant 0 : i32
    %dma_start3A_404 = arith.constant 0 : i32
    %dma_start3A_405 = arith.constant 0 : i32
    %dma_start3A_406 = tpu.memref_slice %arg6[%dma_start3A_403, %dma_start3A_404, %dma_start3A_405] : memref<32x50x32xf32, #tpu.memory_space<vmem>> -> memref<16x50x32xf32, #tpu.memory_space<vmem>>
    %dma_start3A_407 = arith.constant 0 : i32
    %dma_start3A_408 = arith.constant 0 : i32
    %dma_start3A_409 = tpu.memref_slice %arg4[%add3A_402, %dma_start3A_407, %dma_start3A_408] : memref<16384x50x32xf32, #tpu.memory_space<hbm>> -> memref<16x50x32xf32, #tpu.memory_space<hbm>>
    %dma_start3A_410 = arith.constant 0 : i32
    %dma_start3A_411 = arith.constant 0 : i32
    %dma_start3A_412 = tpu.memref_slice %arg4[%add3A_402, %dma_start3A_410, %dma_start3A_411] : memref<16384x50x32xf32, #tpu.memory_space<hbm>> -> memref<16x50x32xf32, #tpu.memory_space<hbm>>
    %dma_start3A_413 = arith.constant 0 : i32
    %dma_start3A_414 = arith.constant 0 : i32
    %dma_start3A_415 = arith.constant 0 : i32
    %dma_start3A_416 = tpu.memref_slice %arg6[%dma_start3A_413, %dma_start3A_414, %dma_start3A_415] : memref<32x50x32xf32, #tpu.memory_space<vmem>> -> memref<16x50x32xf32, #tpu.memory_space<vmem>>
    tpu.enqueue_dma source(%dma_start3A_416 : memref<16x50x32xf32, #tpu.memory_space<vmem>>) target(%dma_start3A_412 : memref<16x50x32xf32, #tpu.memory_space<hbm>>) target_semaphore(%arg9 : memref<!tpu.dma_semaphore, #tpu.memory_space<semaphore_mem>>)
    %scan3A = arith.constant 0 : i32
    %scan3A_417 = arith.constant 1 : i32
    %scan3A_418 = arith.constant 15 : i32
    %scan3A_419 = arith.addi %scan3A_417, %scan3A_418 : i32
    %scan3A_420 = arith.constant 1 : i32
    %scan3A_421 = scf.for %scan3A_487 = %scan3A_417 to %scan3A_419 step %scan3A_420 iter_args(%scan3A_488 = %scan3A) -> (i32)  : i32 {
      %mul3A_489 = arith.constant 2 : i32
      %mul3A_490 = arith.muli %mul3A_489, %scan3A_487 : i32
      %dma_wait3A_491 = arith.constant 0 : i32
      %dma_wait3A_492 = arith.constant 0 : i32
      %dma_wait3A_493 = arith.constant 0 : i32
      %dma_wait3A_494 = tpu.memref_slice %arg6[%dma_wait3A_491, %dma_wait3A_492, %dma_wait3A_493] : memref<32x50x32xf32, #tpu.memory_space<vmem>> -> memref<16x50x32xf32, #tpu.memory_space<vmem>>
      %dma_wait3A_495 = arith.constant 0 : i32
      %dma_wait3A_496 = arith.constant 0 : i32
      %dma_wait3A_497 = arith.constant 0 : i32
      %dma_wait3A_498 = tpu.memref_slice %arg4[%dma_wait3A_495, %dma_wait3A_496, %dma_wait3A_497] : memref<16384x50x32xf32, #tpu.memory_space<hbm>> -> memref<16x50x32xf32, #tpu.memory_space<hbm>>
      %dma_wait3A_499 = arith.constant 0 : i32
      %dma_wait3A_500 = arith.constant 0 : i32
      %dma_wait3A_501 = arith.constant 0 : i32
      %dma_wait3A_502 = tpu.memref_slice %arg6[%dma_wait3A_499, %dma_wait3A_500, %dma_wait3A_501] : memref<32x50x32xf32, #tpu.memory_space<vmem>> -> memref<16x50x32xf32, #tpu.memory_space<vmem>>
      %dma_wait3A_503 = arith.constant 0 : i32
      %dma_wait3A_504 = arith.constant 0 : i32
      %dma_wait3A_505 = arith.constant 0 : i32
      %dma_wait3A_506 = tpu.memref_slice %arg4[%dma_wait3A_503, %dma_wait3A_504, %dma_wait3A_505] : memref<16384x50x32xf32, #tpu.memory_space<hbm>> -> memref<16x50x32xf32, #tpu.memory_space<hbm>>
      tpu.wait_dma2 semaphore(%arg9 : memref<!tpu.dma_semaphore, #tpu.memory_space<semaphore_mem>>) src(%dma_wait3A_506 : memref<16x50x32xf32, #tpu.memory_space<hbm>>) dst(%dma_wait3A_502 : memref<16x50x32xf32, #tpu.memory_space<vmem>>)
      %mul3A_507 = arith.constant 16 : i32
      %mul3A_508 = arith.muli %mul3A_490, %mul3A_507 : i32
      %add3A_509 = arith.constant 0 : i32
      %add3A_510 = arith.addi %mul3A_508, %add3A_509 : i32
      %dma_start3A_511 = arith.constant 0 : i32
      %dma_start3A_512 = arith.constant 0 : i32
      %dma_start3A_513 = arith.constant 0 : i32
      %dma_start3A_514 = tpu.memref_slice %arg6[%dma_start3A_511, %dma_start3A_512, %dma_start3A_513] : memref<32x50x32xf32, #tpu.memory_space<vmem>> -> memref<1x50x32xf32, #tpu.memory_space<vmem>>
      %dma_start3A_515 = tpu.memref_squeeze %dma_start3A_514 : memref<1x50x32xf32, #tpu.memory_space<vmem>> -> memref<50x32xf32, #tpu.memory_space<vmem>>
      %dma_start3A_516 = arith.constant 0 : i32
      %dma_start3A_517 = tpu.memref_slice %arg5[%add3A_510, %dma_start3A_516] : memref<512x50xi32, #tpu.memory_space<vmem>> -> memref<1x50xi32, #tpu.memory_space<vmem>>
      %dma_start3A_518 = tpu.memref_squeeze %dma_start3A_517 : memref<1x50xi32, #tpu.memory_space<vmem>> -> memref<50xi32, #tpu.memory_space<vmem>>
      %dma_start3A_519 = arith.constant 0 : i32
      %dma_start3A_520 = arith.constant 0 : i32
      %dma_start3A_521 = tpu.memref_slice %arg3[%dma_start3A_519, %dma_start3A_520] : memref<1000000x32xf32, #tpu.memory_space<hbm>> -> memref<1000000x32xf32, #tpu.memory_space<hbm>>
      tpu.enqueue_indirect_dma source(%dma_start3A_521 : memref<1000000x32xf32, #tpu.memory_space<hbm>>) target(%dma_start3A_515 : memref<50x32xf32, #tpu.memory_space<vmem>>) offsets(%dma_start3A_518 : memref<50xi32, #tpu.memory_space<vmem>>) semaphore(%arg7 : memref<!tpu.dma_semaphore, #tpu.memory_space<semaphore_mem>>)
      %mul3A_522 = arith.constant 16 : i32
      %mul3A_523 = arith.muli %mul3A_490, %mul3A_522 : i32
      %add3A_524 = arith.constant 1 : i32
      %add3A_525 = arith.addi %mul3A_523, %add3A_524 : i32
      %dma_start3A_526 = arith.constant 1 : i32
      %dma_start3A_527 = arith.constant 0 : i32
      %dma_start3A_528 = arith.constant 0 : i32
      %dma_start3A_529 = tpu.memref_slice %arg6[%dma_start3A_526, %dma_start3A_527, %dma_start3A_528] : memref<32x50x32xf32, #tpu.memory_space<vmem>> -> memref<1x50x32xf32, #tpu.memory_space<vmem>>
      %dma_start3A_530 = tpu.memref_squeeze %dma_start3A_529 : memref<1x50x32xf32, #tpu.memory_space<vmem>> -> memref<50x32xf32, #tpu.memory_space<vmem>>
      %dma_start3A_531 = arith.constant 0 : i32
      %dma_start3A_532 = tpu.memref_slice %arg5[%add3A_525, %dma_start3A_531] : memref<512x50xi32, #tpu.memory_space<vmem>> -> memref<1x50xi32, #tpu.memory_space<vmem>>
      %dma_start3A_533 = tpu.memref_squeeze %dma_start3A_532 : memref<1x50xi32, #tpu.memory_space<vmem>> -> memref<50xi32, #tpu.memory_space<vmem>>
      %dma_start3A_534 = arith.constant 0 : i32
      %dma_start3A_535 = arith.constant 0 : i32
      %dma_start3A_536 = tpu.memref_slice %arg3[%dma_start3A_534, %dma_start3A_535] : memref<1000000x32xf32, #tpu.memory_space<hbm>> -> memref<1000000x32xf32, #tpu.memory_space<hbm>>
      tpu.enqueue_indirect_dma source(%dma_start3A_536 : memref<1000000x32xf32, #tpu.memory_space<hbm>>) target(%dma_start3A_530 : memref<50x32xf32, #tpu.memory_space<vmem>>) offsets(%dma_start3A_533 : memref<50xi32, #tpu.memory_space<vmem>>) semaphore(%arg7 : memref<!tpu.dma_semaphore, #tpu.memory_space<semaphore_mem>>)
      %mul3A_537 = arith.constant 16 : i32
      %mul3A_538 = arith.muli %mul3A_490, %mul3A_537 : i32
      %add3A_539 = arith.constant 2 : i32
      %add3A_540 = arith.addi %mul3A_538, %add3A_539 : i32
      %dma_start3A_541 = arith.constant 2 : i32
      %dma_start3A_542 = arith.constant 0 : i32
      %dma_start3A_543 = arith.constant 0 : i32
      %dma_start3A_544 = tpu.memref_slice %arg6[%dma_start3A_541, %dma_start3A_542, %dma_start3A_543] : memref<32x50x32xf32, #tpu.memory_space<vmem>> -> memref<1x50x32xf32, #tpu.memory_space<vmem>>
      %dma_start3A_545 = tpu.memref_squeeze %dma_start3A_544 : memref<1x50x32xf32, #tpu.memory_space<vmem>> -> memref<50x32xf32, #tpu.memory_space<vmem>>
      %dma_start3A_546 = arith.constant 0 : i32
      %dma_start3A_547 = tpu.memref_slice %arg5[%add3A_540, %dma_start3A_546] : memref<512x50xi32, #tpu.memory_space<vmem>> -> memref<1x50xi32, #tpu.memory_space<vmem>>
      %dma_start3A_548 = tpu.memref_squeeze %dma_start3A_547 : memref<1x50xi32, #tpu.memory_space<vmem>> -> memref<50xi32, #tpu.memory_space<vmem>>
      %dma_start3A_549 = arith.constant 0 : i32
      %dma_start3A_550 = arith.constant 0 : i32
      %dma_start3A_551 = tpu.memref_slice %arg3[%dma_start3A_549, %dma_start3A_550] : memref<1000000x32xf32, #tpu.memory_space<hbm>> -> memref<1000000x32xf32, #tpu.memory_space<hbm>>
      tpu.enqueue_indirect_dma source(%dma_start3A_551 : memref<1000000x32xf32, #tpu.memory_space<hbm>>) target(%dma_start3A_545 : memref<50x32xf32, #tpu.memory_space<vmem>>) offsets(%dma_start3A_548 : memref<50xi32, #tpu.memory_space<vmem>>) semaphore(%arg7 : memref<!tpu.dma_semaphore, #tpu.memory_space<semaphore_mem>>)
      %mul3A_552 = arith.constant 16 : i32
      %mul3A_553 = arith.muli %mul3A_490, %mul3A_552 : i32
      %add3A_554 = arith.constant 3 : i32
      %add3A_555 = arith.addi %mul3A_553, %add3A_554 : i32
      %dma_start3A_556 = arith.constant 3 : i32
      %dma_start3A_557 = arith.constant 0 : i32
      %dma_start3A_558 = arith.constant 0 : i32
      %dma_start3A_559 = tpu.memref_slice %arg6[%dma_start3A_556, %dma_start3A_557, %dma_start3A_558] : memref<32x50x32xf32, #tpu.memory_space<vmem>> -> memref<1x50x32xf32, #tpu.memory_space<vmem>>
      %dma_start3A_560 = tpu.memref_squeeze %dma_start3A_559 : memref<1x50x32xf32, #tpu.memory_space<vmem>> -> memref<50x32xf32, #tpu.memory_space<vmem>>
      %dma_start3A_561 = arith.constant 0 : i32
      %dma_start3A_562 = tpu.memref_slice %arg5[%add3A_555, %dma_start3A_561] : memref<512x50xi32, #tpu.memory_space<vmem>> -> memref<1x50xi32, #tpu.memory_space<vmem>>
      %dma_start3A_563 = tpu.memref_squeeze %dma_start3A_562 : memref<1x50xi32, #tpu.memory_space<vmem>> -> memref<50xi32, #tpu.memory_space<vmem>>
      %dma_start3A_564 = arith.constant 0 : i32
      %dma_start3A_565 = arith.constant 0 : i32
      %dma_start3A_566 = tpu.memref_slice %arg3[%dma_start3A_564, %dma_start3A_565] : memref<1000000x32xf32, #tpu.memory_space<hbm>> -> memref<1000000x32xf32, #tpu.memory_space<hbm>>
      tpu.enqueue_indirect_dma source(%dma_start3A_566 : memref<1000000x32xf32, #tpu.memory_space<hbm>>) target(%dma_start3A_560 : memref<50x32xf32, #tpu.memory_space<vmem>>) offsets(%dma_start3A_563 : memref<50xi32, #tpu.memory_space<vmem>>) semaphore(%arg7 : memref<!tpu.dma_semaphore, #tpu.memory_space<semaphore_mem>>)
      %mul3A_567 = arith.constant 16 : i32
      %mul3A_568 = arith.muli %mul3A_490, %mul3A_567 : i32
      %add3A_569 = arith.constant 4 : i32
      %add3A_570 = arith.addi %mul3A_568, %add3A_569 : i32
      %dma_start3A_571 = arith.constant 4 : i32
      %dma_start3A_572 = arith.constant 0 : i32
      %dma_start3A_573 = arith.constant 0 : i32
      %dma_start3A_574 = tpu.memref_slice %arg6[%dma_start3A_571, %dma_start3A_572, %dma_start3A_573] : memref<32x50x32xf32, #tpu.memory_space<vmem>> -> memref<1x50x32xf32, #tpu.memory_space<vmem>>
      %dma_start3A_575 = tpu.memref_squeeze %dma_start3A_574 : memref<1x50x32xf32, #tpu.memory_space<vmem>> -> memref<50x32xf32, #tpu.memory_space<vmem>>
      %dma_start3A_576 = arith.constant 0 : i32
      %dma_start3A_577 = tpu.memref_slice %arg5[%add3A_570, %dma_start3A_576] : memref<512x50xi32, #tpu.memory_space<vmem>> -> memref<1x50xi32, #tpu.memory_space<vmem>>
      %dma_start3A_578 = tpu.memref_squeeze %dma_start3A_577 : memref<1x50xi32, #tpu.memory_space<vmem>> -> memref<50xi32, #tpu.memory_space<vmem>>
      %dma_start3A_579 = arith.constant 0 : i32
      %dma_start3A_580 = arith.constant 0 : i32
      %dma_start3A_581 = tpu.memref_slice %arg3[%dma_start3A_579, %dma_start3A_580] : memref<1000000x32xf32, #tpu.memory_space<hbm>> -> memref<1000000x32xf32, #tpu.memory_space<hbm>>
      tpu.enqueue_indirect_dma source(%dma_start3A_581 : memref<1000000x32xf32, #tpu.memory_space<hbm>>) target(%dma_start3A_575 : memref<50x32xf32, #tpu.memory_space<vmem>>) offsets(%dma_start3A_578 : memref<50xi32, #tpu.memory_space<vmem>>) semaphore(%arg7 : memref<!tpu.dma_semaphore, #tpu.memory_space<semaphore_mem>>)
      %mul3A_582 = arith.constant 16 : i32
      %mul3A_583 = arith.muli %mul3A_490, %mul3A_582 : i32
      %add3A_584 = arith.constant 5 : i32
      %add3A_585 = arith.addi %mul3A_583, %add3A_584 : i32
      %dma_start3A_586 = arith.constant 5 : i32
      %dma_start3A_587 = arith.constant 0 : i32
      %dma_start3A_588 = arith.constant 0 : i32
      %dma_start3A_589 = tpu.memref_slice %arg6[%dma_start3A_586, %dma_start3A_587, %dma_start3A_588] : memref<32x50x32xf32, #tpu.memory_space<vmem>> -> memref<1x50x32xf32, #tpu.memory_space<vmem>>
      %dma_start3A_590 = tpu.memref_squeeze %dma_start3A_589 : memref<1x50x32xf32, #tpu.memory_space<vmem>> -> memref<50x32xf32, #tpu.memory_space<vmem>>
      %dma_start3A_591 = arith.constant 0 : i32
      %dma_start3A_592 = tpu.memref_slice %arg5[%add3A_585, %dma_start3A_591] : memref<512x50xi32, #tpu.memory_space<vmem>> -> memref<1x50xi32, #tpu.memory_space<vmem>>
      %dma_start3A_593 = tpu.memref_squeeze %dma_start3A_592 : memref<1x50xi32, #tpu.memory_space<vmem>> -> memref<50xi32, #tpu.memory_space<vmem>>
      %dma_start3A_594 = arith.constant 0 : i32
      %dma_start3A_595 = arith.constant 0 : i32
      %dma_start3A_596 = tpu.memref_slice %arg3[%dma_start3A_594, %dma_start3A_595] : memref<1000000x32xf32, #tpu.memory_space<hbm>> -> memref<1000000x32xf32, #tpu.memory_space<hbm>>
      tpu.enqueue_indirect_dma source(%dma_start3A_596 : memref<1000000x32xf32, #tpu.memory_space<hbm>>) target(%dma_start3A_590 : memref<50x32xf32, #tpu.memory_space<vmem>>) offsets(%dma_start3A_593 : memref<50xi32, #tpu.memory_space<vmem>>) semaphore(%arg7 : memref<!tpu.dma_semaphore, #tpu.memory_space<semaphore_mem>>)
      %mul3A_597 = arith.constant 16 : i32
      %mul3A_598 = arith.muli %mul3A_490, %mul3A_597 : i32
      %add3A_599 = arith.constant 6 : i32
      %add3A_600 = arith.addi %mul3A_598, %add3A_599 : i32
      %dma_start3A_601 = arith.constant 6 : i32
      %dma_start3A_602 = arith.constant 0 : i32
      %dma_start3A_603 = arith.constant 0 : i32
      %dma_start3A_604 = tpu.memref_slice %arg6[%dma_start3A_601, %dma_start3A_602, %dma_start3A_603] : memref<32x50x32xf32, #tpu.memory_space<vmem>> -> memref<1x50x32xf32, #tpu.memory_space<vmem>>
      %dma_start3A_605 = tpu.memref_squeeze %dma_start3A_604 : memref<1x50x32xf32, #tpu.memory_space<vmem>> -> memref<50x32xf32, #tpu.memory_space<vmem>>
      %dma_start3A_606 = arith.constant 0 : i32
      %dma_start3A_607 = tpu.memref_slice %arg5[%add3A_600, %dma_start3A_606] : memref<512x50xi32, #tpu.memory_space<vmem>> -> memref<1x50xi32, #tpu.memory_space<vmem>>
      %dma_start3A_608 = tpu.memref_squeeze %dma_start3A_607 : memref<1x50xi32, #tpu.memory_space<vmem>> -> memref<50xi32, #tpu.memory_space<vmem>>
      %dma_start3A_609 = arith.constant 0 : i32
      %dma_start3A_610 = arith.constant 0 : i32
      %dma_start3A_611 = tpu.memref_slice %arg3[%dma_start3A_609, %dma_start3A_610] : memref<1000000x32xf32, #tpu.memory_space<hbm>> -> memref<1000000x32xf32, #tpu.memory_space<hbm>>
      tpu.enqueue_indirect_dma source(%dma_start3A_611 : memref<1000000x32xf32, #tpu.memory_space<hbm>>) target(%dma_start3A_605 : memref<50x32xf32, #tpu.memory_space<vmem>>) offsets(%dma_start3A_608 : memref<50xi32, #tpu.memory_space<vmem>>) semaphore(%arg7 : memref<!tpu.dma_semaphore, #tpu.memory_space<semaphore_mem>>)
      %mul3A_612 = arith.constant 16 : i32
      %mul3A_613 = arith.muli %mul3A_490, %mul3A_612 : i32
      %add3A_614 = arith.constant 7 : i32
      %add3A_615 = arith.addi %mul3A_613, %add3A_614 : i32
      %dma_start3A_616 = arith.constant 7 : i32
      %dma_start3A_617 = arith.constant 0 : i32
      %dma_start3A_618 = arith.constant 0 : i32
      %dma_start3A_619 = tpu.memref_slice %arg6[%dma_start3A_616, %dma_start3A_617, %dma_start3A_618] : memref<32x50x32xf32, #tpu.memory_space<vmem>> -> memref<1x50x32xf32, #tpu.memory_space<vmem>>
      %dma_start3A_620 = tpu.memref_squeeze %dma_start3A_619 : memref<1x50x32xf32, #tpu.memory_space<vmem>> -> memref<50x32xf32, #tpu.memory_space<vmem>>
      %dma_start3A_621 = arith.constant 0 : i32
      %dma_start3A_622 = tpu.memref_slice %arg5[%add3A_615, %dma_start3A_621] : memref<512x50xi32, #tpu.memory_space<vmem>> -> memref<1x50xi32, #tpu.memory_space<vmem>>
      %dma_start3A_623 = tpu.memref_squeeze %dma_start3A_622 : memref<1x50xi32, #tpu.memory_space<vmem>> -> memref<50xi32, #tpu.memory_space<vmem>>
      %dma_start3A_624 = arith.constant 0 : i32
      %dma_start3A_625 = arith.constant 0 : i32
      %dma_start3A_626 = tpu.memref_slice %arg3[%dma_start3A_624, %dma_start3A_625] : memref<1000000x32xf32, #tpu.memory_space<hbm>> -> memref<1000000x32xf32, #tpu.memory_space<hbm>>
      tpu.enqueue_indirect_dma source(%dma_start3A_626 : memref<1000000x32xf32, #tpu.memory_space<hbm>>) target(%dma_start3A_620 : memref<50x32xf32, #tpu.memory_space<vmem>>) offsets(%dma_start3A_623 : memref<50xi32, #tpu.memory_space<vmem>>) semaphore(%arg7 : memref<!tpu.dma_semaphore, #tpu.memory_space<semaphore_mem>>)
      %mul3A_627 = arith.constant 16 : i32
      %mul3A_628 = arith.muli %mul3A_490, %mul3A_627 : i32
      %add3A_629 = arith.constant 8 : i32
      %add3A_630 = arith.addi %mul3A_628, %add3A_629 : i32
      %dma_start3A_631 = arith.constant 8 : i32
      %dma_start3A_632 = arith.constant 0 : i32
      %dma_start3A_633 = arith.constant 0 : i32
      %dma_start3A_634 = tpu.memref_slice %arg6[%dma_start3A_631, %dma_start3A_632, %dma_start3A_633] : memref<32x50x32xf32, #tpu.memory_space<vmem>> -> memref<1x50x32xf32, #tpu.memory_space<vmem>>
      %dma_start3A_635 = tpu.memref_squeeze %dma_start3A_634 : memref<1x50x32xf32, #tpu.memory_space<vmem>> -> memref<50x32xf32, #tpu.memory_space<vmem>>
      %dma_start3A_636 = arith.constant 0 : i32
      %dma_start3A_637 = tpu.memref_slice %arg5[%add3A_630, %dma_start3A_636] : memref<512x50xi32, #tpu.memory_space<vmem>> -> memref<1x50xi32, #tpu.memory_space<vmem>>
      %dma_start3A_638 = tpu.memref_squeeze %dma_start3A_637 : memref<1x50xi32, #tpu.memory_space<vmem>> -> memref<50xi32, #tpu.memory_space<vmem>>
      %dma_start3A_639 = arith.constant 0 : i32
      %dma_start3A_640 = arith.constant 0 : i32
      %dma_start3A_641 = tpu.memref_slice %arg3[%dma_start3A_639, %dma_start3A_640] : memref<1000000x32xf32, #tpu.memory_space<hbm>> -> memref<1000000x32xf32, #tpu.memory_space<hbm>>
      tpu.enqueue_indirect_dma source(%dma_start3A_641 : memref<1000000x32xf32, #tpu.memory_space<hbm>>) target(%dma_start3A_635 : memref<50x32xf32, #tpu.memory_space<vmem>>) offsets(%dma_start3A_638 : memref<50xi32, #tpu.memory_space<vmem>>) semaphore(%arg7 : memref<!tpu.dma_semaphore, #tpu.memory_space<semaphore_mem>>)
      %mul3A_642 = arith.constant 16 : i32
      %mul3A_643 = arith.muli %mul3A_490, %mul3A_642 : i32
      %add3A_644 = arith.constant 9 : i32
      %add3A_645 = arith.addi %mul3A_643, %add3A_644 : i32
      %dma_start3A_646 = arith.constant 9 : i32
      %dma_start3A_647 = arith.constant 0 : i32
      %dma_start3A_648 = arith.constant 0 : i32
      %dma_start3A_649 = tpu.memref_slice %arg6[%dma_start3A_646, %dma_start3A_647, %dma_start3A_648] : memref<32x50x32xf32, #tpu.memory_space<vmem>> -> memref<1x50x32xf32, #tpu.memory_space<vmem>>
      %dma_start3A_650 = tpu.memref_squeeze %dma_start3A_649 : memref<1x50x32xf32, #tpu.memory_space<vmem>> -> memref<50x32xf32, #tpu.memory_space<vmem>>
      %dma_start3A_651 = arith.constant 0 : i32
      %dma_start3A_652 = tpu.memref_slice %arg5[%add3A_645, %dma_start3A_651] : memref<512x50xi32, #tpu.memory_space<vmem>> -> memref<1x50xi32, #tpu.memory_space<vmem>>
      %dma_start3A_653 = tpu.memref_squeeze %dma_start3A_652 : memref<1x50xi32, #tpu.memory_space<vmem>> -> memref<50xi32, #tpu.memory_space<vmem>>
      %dma_start3A_654 = arith.constant 0 : i32
      %dma_start3A_655 = arith.constant 0 : i32
      %dma_start3A_656 = tpu.memref_slice %arg3[%dma_start3A_654, %dma_start3A_655] : memref<1000000x32xf32, #tpu.memory_space<hbm>> -> memref<1000000x32xf32, #tpu.memory_space<hbm>>
      tpu.enqueue_indirect_dma source(%dma_start3A_656 : memref<1000000x32xf32, #tpu.memory_space<hbm>>) target(%dma_start3A_650 : memref<50x32xf32, #tpu.memory_space<vmem>>) offsets(%dma_start3A_653 : memref<50xi32, #tpu.memory_space<vmem>>) semaphore(%arg7 : memref<!tpu.dma_semaphore, #tpu.memory_space<semaphore_mem>>)
      %mul3A_657 = arith.constant 16 : i32
      %mul3A_658 = arith.muli %mul3A_490, %mul3A_657 : i32
      %add3A_659 = arith.constant 10 : i32
      %add3A_660 = arith.addi %mul3A_658, %add3A_659 : i32
      %dma_start3A_661 = arith.constant 10 : i32
      %dma_start3A_662 = arith.constant 0 : i32
      %dma_start3A_663 = arith.constant 0 : i32
      %dma_start3A_664 = tpu.memref_slice %arg6[%dma_start3A_661, %dma_start3A_662, %dma_start3A_663] : memref<32x50x32xf32, #tpu.memory_space<vmem>> -> memref<1x50x32xf32, #tpu.memory_space<vmem>>
      %dma_start3A_665 = tpu.memref_squeeze %dma_start3A_664 : memref<1x50x32xf32, #tpu.memory_space<vmem>> -> memref<50x32xf32, #tpu.memory_space<vmem>>
      %dma_start3A_666 = arith.constant 0 : i32
      %dma_start3A_667 = tpu.memref_slice %arg5[%add3A_660, %dma_start3A_666] : memref<512x50xi32, #tpu.memory_space<vmem>> -> memref<1x50xi32, #tpu.memory_space<vmem>>
      %dma_start3A_668 = tpu.memref_squeeze %dma_start3A_667 : memref<1x50xi32, #tpu.memory_space<vmem>> -> memref<50xi32, #tpu.memory_space<vmem>>
      %dma_start3A_669 = arith.constant 0 : i32
      %dma_start3A_670 = arith.constant 0 : i32
      %dma_start3A_671 = tpu.memref_slice %arg3[%dma_start3A_669, %dma_start3A_670] : memref<1000000x32xf32, #tpu.memory_space<hbm>> -> memref<1000000x32xf32, #tpu.memory_space<hbm>>
      tpu.enqueue_indirect_dma source(%dma_start3A_671 : memref<1000000x32xf32, #tpu.memory_space<hbm>>) target(%dma_start3A_665 : memref<50x32xf32, #tpu.memory_space<vmem>>) offsets(%dma_start3A_668 : memref<50xi32, #tpu.memory_space<vmem>>) semaphore(%arg7 : memref<!tpu.dma_semaphore, #tpu.memory_space<semaphore_mem>>)
      %mul3A_672 = arith.constant 16 : i32
      %mul3A_673 = arith.muli %mul3A_490, %mul3A_672 : i32
      %add3A_674 = arith.constant 11 : i32
      %add3A_675 = arith.addi %mul3A_673, %add3A_674 : i32
      %dma_start3A_676 = arith.constant 11 : i32
      %dma_start3A_677 = arith.constant 0 : i32
      %dma_start3A_678 = arith.constant 0 : i32
      %dma_start3A_679 = tpu.memref_slice %arg6[%dma_start3A_676, %dma_start3A_677, %dma_start3A_678] : memref<32x50x32xf32, #tpu.memory_space<vmem>> -> memref<1x50x32xf32, #tpu.memory_space<vmem>>
      %dma_start3A_680 = tpu.memref_squeeze %dma_start3A_679 : memref<1x50x32xf32, #tpu.memory_space<vmem>> -> memref<50x32xf32, #tpu.memory_space<vmem>>
      %dma_start3A_681 = arith.constant 0 : i32
      %dma_start3A_682 = tpu.memref_slice %arg5[%add3A_675, %dma_start3A_681] : memref<512x50xi32, #tpu.memory_space<vmem>> -> memref<1x50xi32, #tpu.memory_space<vmem>>
      %dma_start3A_683 = tpu.memref_squeeze %dma_start3A_682 : memref<1x50xi32, #tpu.memory_space<vmem>> -> memref<50xi32, #tpu.memory_space<vmem>>
      %dma_start3A_684 = arith.constant 0 : i32
      %dma_start3A_685 = arith.constant 0 : i32
      %dma_start3A_686 = tpu.memref_slice %arg3[%dma_start3A_684, %dma_start3A_685] : memref<1000000x32xf32, #tpu.memory_space<hbm>> -> memref<1000000x32xf32, #tpu.memory_space<hbm>>
      tpu.enqueue_indirect_dma source(%dma_start3A_686 : memref<1000000x32xf32, #tpu.memory_space<hbm>>) target(%dma_start3A_680 : memref<50x32xf32, #tpu.memory_space<vmem>>) offsets(%dma_start3A_683 : memref<50xi32, #tpu.memory_space<vmem>>) semaphore(%arg7 : memref<!tpu.dma_semaphore, #tpu.memory_space<semaphore_mem>>)
      %mul3A_687 = arith.constant 16 : i32
      %mul3A_688 = arith.muli %mul3A_490, %mul3A_687 : i32
      %add3A_689 = arith.constant 12 : i32
      %add3A_690 = arith.addi %mul3A_688, %add3A_689 : i32
      %dma_start3A_691 = arith.constant 12 : i32
      %dma_start3A_692 = arith.constant 0 : i32
      %dma_start3A_693 = arith.constant 0 : i32
      %dma_start3A_694 = tpu.memref_slice %arg6[%dma_start3A_691, %dma_start3A_692, %dma_start3A_693] : memref<32x50x32xf32, #tpu.memory_space<vmem>> -> memref<1x50x32xf32, #tpu.memory_space<vmem>>
      %dma_start3A_695 = tpu.memref_squeeze %dma_start3A_694 : memref<1x50x32xf32, #tpu.memory_space<vmem>> -> memref<50x32xf32, #tpu.memory_space<vmem>>
      %dma_start3A_696 = arith.constant 0 : i32
      %dma_start3A_697 = tpu.memref_slice %arg5[%add3A_690, %dma_start3A_696] : memref<512x50xi32, #tpu.memory_space<vmem>> -> memref<1x50xi32, #tpu.memory_space<vmem>>
      %dma_start3A_698 = tpu.memref_squeeze %dma_start3A_697 : memref<1x50xi32, #tpu.memory_space<vmem>> -> memref<50xi32, #tpu.memory_space<vmem>>
      %dma_start3A_699 = arith.constant 0 : i32
      %dma_start3A_700 = arith.constant 0 : i32
      %dma_start3A_701 = tpu.memref_slice %arg3[%dma_start3A_699, %dma_start3A_700] : memref<1000000x32xf32, #tpu.memory_space<hbm>> -> memref<1000000x32xf32, #tpu.memory_space<hbm>>
      tpu.enqueue_indirect_dma source(%dma_start3A_701 : memref<1000000x32xf32, #tpu.memory_space<hbm>>) target(%dma_start3A_695 : memref<50x32xf32, #tpu.memory_space<vmem>>) offsets(%dma_start3A_698 : memref<50xi32, #tpu.memory_space<vmem>>) semaphore(%arg7 : memref<!tpu.dma_semaphore, #tpu.memory_space<semaphore_mem>>)
      %mul3A_702 = arith.constant 16 : i32
      %mul3A_703 = arith.muli %mul3A_490, %mul3A_702 : i32
      %add3A_704 = arith.constant 13 : i32
      %add3A_705 = arith.addi %mul3A_703, %add3A_704 : i32
      %dma_start3A_706 = arith.constant 13 : i32
      %dma_start3A_707 = arith.constant 0 : i32
      %dma_start3A_708 = arith.constant 0 : i32
      %dma_start3A_709 = tpu.memref_slice %arg6[%dma_start3A_706, %dma_start3A_707, %dma_start3A_708] : memref<32x50x32xf32, #tpu.memory_space<vmem>> -> memref<1x50x32xf32, #tpu.memory_space<vmem>>
      %dma_start3A_710 = tpu.memref_squeeze %dma_start3A_709 : memref<1x50x32xf32, #tpu.memory_space<vmem>> -> memref<50x32xf32, #tpu.memory_space<vmem>>
      %dma_start3A_711 = arith.constant 0 : i32
      %dma_start3A_712 = tpu.memref_slice %arg5[%add3A_705, %dma_start3A_711] : memref<512x50xi32, #tpu.memory_space<vmem>> -> memref<1x50xi32, #tpu.memory_space<vmem>>
      %dma_start3A_713 = tpu.memref_squeeze %dma_start3A_712 : memref<1x50xi32, #tpu.memory_space<vmem>> -> memref<50xi32, #tpu.memory_space<vmem>>
      %dma_start3A_714 = arith.constant 0 : i32
      %dma_start3A_715 = arith.constant 0 : i32
      %dma_start3A_716 = tpu.memref_slice %arg3[%dma_start3A_714, %dma_start3A_715] : memref<1000000x32xf32, #tpu.memory_space<hbm>> -> memref<1000000x32xf32, #tpu.memory_space<hbm>>
      tpu.enqueue_indirect_dma source(%dma_start3A_716 : memref<1000000x32xf32, #tpu.memory_space<hbm>>) target(%dma_start3A_710 : memref<50x32xf32, #tpu.memory_space<vmem>>) offsets(%dma_start3A_713 : memref<50xi32, #tpu.memory_space<vmem>>) semaphore(%arg7 : memref<!tpu.dma_semaphore, #tpu.memory_space<semaphore_mem>>)
      %mul3A_717 = arith.constant 16 : i32
      %mul3A_718 = arith.muli %mul3A_490, %mul3A_717 : i32
      %add3A_719 = arith.constant 14 : i32
      %add3A_720 = arith.addi %mul3A_718, %add3A_719 : i32
      %dma_start3A_721 = arith.constant 14 : i32
      %dma_start3A_722 = arith.constant 0 : i32
      %dma_start3A_723 = arith.constant 0 : i32
      %dma_start3A_724 = tpu.memref_slice %arg6[%dma_start3A_721, %dma_start3A_722, %dma_start3A_723] : memref<32x50x32xf32, #tpu.memory_space<vmem>> -> memref<1x50x32xf32, #tpu.memory_space<vmem>>
      %dma_start3A_725 = tpu.memref_squeeze %dma_start3A_724 : memref<1x50x32xf32, #tpu.memory_space<vmem>> -> memref<50x32xf32, #tpu.memory_space<vmem>>
      %dma_start3A_726 = arith.constant 0 : i32
      %dma_start3A_727 = tpu.memref_slice %arg5[%add3A_720, %dma_start3A_726] : memref<512x50xi32, #tpu.memory_space<vmem>> -> memref<1x50xi32, #tpu.memory_space<vmem>>
      %dma_start3A_728 = tpu.memref_squeeze %dma_start3A_727 : memref<1x50xi32, #tpu.memory_space<vmem>> -> memref<50xi32, #tpu.memory_space<vmem>>
      %dma_start3A_729 = arith.constant 0 : i32
      %dma_start3A_730 = arith.constant 0 : i32
      %dma_start3A_731 = tpu.memref_slice %arg3[%dma_start3A_729, %dma_start3A_730] : memref<1000000x32xf32, #tpu.memory_space<hbm>> -> memref<1000000x32xf32, #tpu.memory_space<hbm>>
      tpu.enqueue_indirect_dma source(%dma_start3A_731 : memref<1000000x32xf32, #tpu.memory_space<hbm>>) target(%dma_start3A_725 : memref<50x32xf32, #tpu.memory_space<vmem>>) offsets(%dma_start3A_728 : memref<50xi32, #tpu.memory_space<vmem>>) semaphore(%arg7 : memref<!tpu.dma_semaphore, #tpu.memory_space<semaphore_mem>>)
      %mul3A_732 = arith.constant 16 : i32
      %mul3A_733 = arith.muli %mul3A_490, %mul3A_732 : i32
      %add3A_734 = arith.constant 15 : i32
      %add3A_735 = arith.addi %mul3A_733, %add3A_734 : i32
      %dma_start3A_736 = arith.constant 15 : i32
      %dma_start3A_737 = arith.constant 0 : i32
      %dma_start3A_738 = arith.constant 0 : i32
      %dma_start3A_739 = tpu.memref_slice %arg6[%dma_start3A_736, %dma_start3A_737, %dma_start3A_738] : memref<32x50x32xf32, #tpu.memory_space<vmem>> -> memref<1x50x32xf32, #tpu.memory_space<vmem>>
      %dma_start3A_740 = tpu.memref_squeeze %dma_start3A_739 : memref<1x50x32xf32, #tpu.memory_space<vmem>> -> memref<50x32xf32, #tpu.memory_space<vmem>>
      %dma_start3A_741 = arith.constant 0 : i32
      %dma_start3A_742 = tpu.memref_slice %arg5[%add3A_735, %dma_start3A_741] : memref<512x50xi32, #tpu.memory_space<vmem>> -> memref<1x50xi32, #tpu.memory_space<vmem>>
      %dma_start3A_743 = tpu.memref_squeeze %dma_start3A_742 : memref<1x50xi32, #tpu.memory_space<vmem>> -> memref<50xi32, #tpu.memory_space<vmem>>
      %dma_start3A_744 = arith.constant 0 : i32
      %dma_start3A_745 = arith.constant 0 : i32
      %dma_start3A_746 = tpu.memref_slice %arg3[%dma_start3A_744, %dma_start3A_745] : memref<1000000x32xf32, #tpu.memory_space<hbm>> -> memref<1000000x32xf32, #tpu.memory_space<hbm>>
      tpu.enqueue_indirect_dma source(%dma_start3A_746 : memref<1000000x32xf32, #tpu.memory_space<hbm>>) target(%dma_start3A_740 : memref<50x32xf32, #tpu.memory_space<vmem>>) offsets(%dma_start3A_743 : memref<50xi32, #tpu.memory_space<vmem>>) semaphore(%arg7 : memref<!tpu.dma_semaphore, #tpu.memory_space<semaphore_mem>>)
      %dma_wait3A_747 = arith.constant 16 : i32
      %dma_wait3A_748 = arith.constant 0 : i32
      %dma_wait3A_749 = arith.constant 0 : i32
      %dma_wait3A_750 = tpu.memref_slice %arg6[%dma_wait3A_747, %dma_wait3A_748, %dma_wait3A_749] : memref<32x50x32xf32, #tpu.memory_space<vmem>> -> memref<16x50x32xf32, #tpu.memory_space<vmem>>
      %dma_wait3A_751 = arith.constant 0 : i32
      %dma_wait3A_752 = arith.constant 0 : i32
      %dma_wait3A_753 = arith.constant 0 : i32
      %dma_wait3A_754 = tpu.memref_slice %arg4[%dma_wait3A_751, %dma_wait3A_752, %dma_wait3A_753] : memref<16384x50x32xf32, #tpu.memory_space<hbm>> -> memref<16x50x32xf32, #tpu.memory_space<hbm>>
      %dma_wait3A_755 = arith.constant 16 : i32
      %dma_wait3A_756 = arith.constant 0 : i32
      %dma_wait3A_757 = arith.constant 0 : i32
      %dma_wait3A_758 = tpu.memref_slice %arg6[%dma_wait3A_755, %dma_wait3A_756, %dma_wait3A_757] : memref<32x50x32xf32, #tpu.memory_space<vmem>> -> memref<16x50x32xf32, #tpu.memory_space<vmem>>
      %dma_wait3A_759 = arith.constant 0 : i32
      %dma_wait3A_760 = arith.constant 0 : i32
      %dma_wait3A_761 = arith.constant 0 : i32
      %dma_wait3A_762 = tpu.memref_slice %arg4[%dma_wait3A_759, %dma_wait3A_760, %dma_wait3A_761] : memref<16384x50x32xf32, #tpu.memory_space<hbm>> -> memref<16x50x32xf32, #tpu.memory_space<hbm>>
      tpu.wait_dma2 semaphore(%arg8 : memref<!tpu.dma_semaphore, #tpu.memory_space<semaphore_mem>>) src(%dma_wait3A_762 : memref<16x50x32xf32, #tpu.memory_space<hbm>>) dst(%dma_wait3A_758 : memref<16x50x32xf32, #tpu.memory_space<vmem>>)
      %sub3A = arith.constant 1 : i32
      %sub3A_763 = arith.subi %mul3A_490, %sub3A : i32
      %mul3A_764 = arith.constant 16 : i32
      %mul3A_765 = arith.muli %sub3A_763, %mul3A_764 : i32
      %add3A_766 = arith.addi %mul3A_2, %mul3A_765 : i32
      %dma_start3A_767 = arith.constant 16 : i32
      %dma_start3A_768 = arith.constant 0 : i32
      %dma_start3A_769 = arith.constant 0 : i32
      %dma_start3A_770 = tpu.memref_slice %arg6[%dma_start3A_767, %dma_start3A_768, %dma_start3A_769] : memref<32x50x32xf32, #tpu.memory_space<vmem>> -> memref<16x50x32xf32, #tpu.memory_space<vmem>>
      %dma_start3A_771 = arith.constant 0 : i32
      %dma_start3A_772 = arith.constant 0 : i32
      %dma_start3A_773 = tpu.memref_slice %arg4[%add3A_766, %dma_start3A_771, %dma_start3A_772] : memref<16384x50x32xf32, #tpu.memory_space<hbm>> -> memref<16x50x32xf32, #tpu.memory_space<hbm>>
      %dma_start3A_774 = arith.constant 0 : i32
      %dma_start3A_775 = arith.constant 0 : i32
      %dma_start3A_776 = tpu.memref_slice %arg4[%add3A_766, %dma_start3A_774, %dma_start3A_775] : memref<16384x50x32xf32, #tpu.memory_space<hbm>> -> memref<16x50x32xf32, #tpu.memory_space<hbm>>
      %dma_start3A_777 = arith.constant 16 : i32
      %dma_start3A_778 = arith.constant 0 : i32
      %dma_start3A_779 = arith.constant 0 : i32
      %dma_start3A_780 = tpu.memref_slice %arg6[%dma_start3A_777, %dma_start3A_778, %dma_start3A_779] : memref<32x50x32xf32, #tpu.memory_space<vmem>> -> memref<16x50x32xf32, #tpu.memory_space<vmem>>
      tpu.enqueue_dma source(%dma_start3A_780 : memref<16x50x32xf32, #tpu.memory_space<vmem>>) target(%dma_start3A_776 : memref<16x50x32xf32, #tpu.memory_space<hbm>>) target_semaphore(%arg10 : memref<!tpu.dma_semaphore, #tpu.memory_space<semaphore_mem>>)
      %add3A_781 = arith.constant 1 : i32
      %add3A_782 = arith.addi %mul3A_490, %add3A_781 : i32
      %dma_wait3A_783 = arith.constant 16 : i32
      %dma_wait3A_784 = arith.constant 0 : i32
      %dma_wait3A_785 = arith.constant 0 : i32
      %dma_wait3A_786 = tpu.memref_slice %arg6[%dma_wait3A_783, %dma_wait3A_784, %dma_wait3A_785] : memref<32x50x32xf32, #tpu.memory_space<vmem>> -> memref<16x50x32xf32, #tpu.memory_space<vmem>>
      %dma_wait3A_787 = arith.constant 0 : i32
      %dma_wait3A_788 = arith.constant 0 : i32
      %dma_wait3A_789 = arith.constant 0 : i32
      %dma_wait3A_790 = tpu.memref_slice %arg4[%dma_wait3A_787, %dma_wait3A_788, %dma_wait3A_789] : memref<16384x50x32xf32, #tpu.memory_space<hbm>> -> memref<16x50x32xf32, #tpu.memory_space<hbm>>
      %dma_wait3A_791 = arith.constant 16 : i32
      %dma_wait3A_792 = arith.constant 0 : i32
      %dma_wait3A_793 = arith.constant 0 : i32
      %dma_wait3A_794 = tpu.memref_slice %arg6[%dma_wait3A_791, %dma_wait3A_792, %dma_wait3A_793] : memref<32x50x32xf32, #tpu.memory_space<vmem>> -> memref<16x50x32xf32, #tpu.memory_space<vmem>>
      %dma_wait3A_795 = arith.constant 0 : i32
      %dma_wait3A_796 = arith.constant 0 : i32
      %dma_wait3A_797 = arith.constant 0 : i32
      %dma_wait3A_798 = tpu.memref_slice %arg4[%dma_wait3A_795, %dma_wait3A_796, %dma_wait3A_797] : memref<16384x50x32xf32, #tpu.memory_space<hbm>> -> memref<16x50x32xf32, #tpu.memory_space<hbm>>
      tpu.wait_dma2 semaphore(%arg10 : memref<!tpu.dma_semaphore, #tpu.memory_space<semaphore_mem>>) src(%dma_wait3A_798 : memref<16x50x32xf32, #tpu.memory_space<hbm>>) dst(%dma_wait3A_794 : memref<16x50x32xf32, #tpu.memory_space<vmem>>)
      %mul3A_799 = arith.constant 16 : i32
      %mul3A_800 = arith.muli %add3A_782, %mul3A_799 : i32
      %add3A_801 = arith.constant 0 : i32
      %add3A_802 = arith.addi %mul3A_800, %add3A_801 : i32
      %dma_start3A_803 = arith.constant 16 : i32
      %dma_start3A_804 = arith.constant 0 : i32
      %dma_start3A_805 = arith.constant 0 : i32
      %dma_start3A_806 = tpu.memref_slice %arg6[%dma_start3A_803, %dma_start3A_804, %dma_start3A_805] : memref<32x50x32xf32, #tpu.memory_space<vmem>> -> memref<1x50x32xf32, #tpu.memory_space<vmem>>
      %dma_start3A_807 = tpu.memref_squeeze %dma_start3A_806 : memref<1x50x32xf32, #tpu.memory_space<vmem>> -> memref<50x32xf32, #tpu.memory_space<vmem>>
      %dma_start3A_808 = arith.constant 0 : i32
      %dma_start3A_809 = tpu.memref_slice %arg5[%add3A_802, %dma_start3A_808] : memref<512x50xi32, #tpu.memory_space<vmem>> -> memref<1x50xi32, #tpu.memory_space<vmem>>
      %dma_start3A_810 = tpu.memref_squeeze %dma_start3A_809 : memref<1x50xi32, #tpu.memory_space<vmem>> -> memref<50xi32, #tpu.memory_space<vmem>>
      %dma_start3A_811 = arith.constant 0 : i32
      %dma_start3A_812 = arith.constant 0 : i32
      %dma_start3A_813 = tpu.memref_slice %arg3[%dma_start3A_811, %dma_start3A_812] : memref<1000000x32xf32, #tpu.memory_space<hbm>> -> memref<1000000x32xf32, #tpu.memory_space<hbm>>
      tpu.enqueue_indirect_dma source(%dma_start3A_813 : memref<1000000x32xf32, #tpu.memory_space<hbm>>) target(%dma_start3A_807 : memref<50x32xf32, #tpu.memory_space<vmem>>) offsets(%dma_start3A_810 : memref<50xi32, #tpu.memory_space<vmem>>) semaphore(%arg8 : memref<!tpu.dma_semaphore, #tpu.memory_space<semaphore_mem>>)
      %mul3A_814 = arith.constant 16 : i32
      %mul3A_815 = arith.muli %add3A_782, %mul3A_814 : i32
      %add3A_816 = arith.constant 1 : i32
      %add3A_817 = arith.addi %mul3A_815, %add3A_816 : i32
      %dma_start3A_818 = arith.constant 17 : i32
      %dma_start3A_819 = arith.constant 0 : i32
      %dma_start3A_820 = arith.constant 0 : i32
      %dma_start3A_821 = tpu.memref_slice %arg6[%dma_start3A_818, %dma_start3A_819, %dma_start3A_820] : memref<32x50x32xf32, #tpu.memory_space<vmem>> -> memref<1x50x32xf32, #tpu.memory_space<vmem>>
      %dma_start3A_822 = tpu.memref_squeeze %dma_start3A_821 : memref<1x50x32xf32, #tpu.memory_space<vmem>> -> memref<50x32xf32, #tpu.memory_space<vmem>>
      %dma_start3A_823 = arith.constant 0 : i32
      %dma_start3A_824 = tpu.memref_slice %arg5[%add3A_817, %dma_start3A_823] : memref<512x50xi32, #tpu.memory_space<vmem>> -> memref<1x50xi32, #tpu.memory_space<vmem>>
      %dma_start3A_825 = tpu.memref_squeeze %dma_start3A_824 : memref<1x50xi32, #tpu.memory_space<vmem>> -> memref<50xi32, #tpu.memory_space<vmem>>
      %dma_start3A_826 = arith.constant 0 : i32
      %dma_start3A_827 = arith.constant 0 : i32
      %dma_start3A_828 = tpu.memref_slice %arg3[%dma_start3A_826, %dma_start3A_827] : memref<1000000x32xf32, #tpu.memory_space<hbm>> -> memref<1000000x32xf32, #tpu.memory_space<hbm>>
      tpu.enqueue_indirect_dma source(%dma_start3A_828 : memref<1000000x32xf32, #tpu.memory_space<hbm>>) target(%dma_start3A_822 : memref<50x32xf32, #tpu.memory_space<vmem>>) offsets(%dma_start3A_825 : memref<50xi32, #tpu.memory_space<vmem>>) semaphore(%arg8 : memref<!tpu.dma_semaphore, #tpu.memory_space<semaphore_mem>>)
      %mul3A_829 = arith.constant 16 : i32
      %mul3A_830 = arith.muli %add3A_782, %mul3A_829 : i32
      %add3A_831 = arith.constant 2 : i32
      %add3A_832 = arith.addi %mul3A_830, %add3A_831 : i32
      %dma_start3A_833 = arith.constant 18 : i32
      %dma_start3A_834 = arith.constant 0 : i32
      %dma_start3A_835 = arith.constant 0 : i32
      %dma_start3A_836 = tpu.memref_slice %arg6[%dma_start3A_833, %dma_start3A_834, %dma_start3A_835] : memref<32x50x32xf32, #tpu.memory_space<vmem>> -> memref<1x50x32xf32, #tpu.memory_space<vmem>>
      %dma_start3A_837 = tpu.memref_squeeze %dma_start3A_836 : memref<1x50x32xf32, #tpu.memory_space<vmem>> -> memref<50x32xf32, #tpu.memory_space<vmem>>
      %dma_start3A_838 = arith.constant 0 : i32
      %dma_start3A_839 = tpu.memref_slice %arg5[%add3A_832, %dma_start3A_838] : memref<512x50xi32, #tpu.memory_space<vmem>> -> memref<1x50xi32, #tpu.memory_space<vmem>>
      %dma_start3A_840 = tpu.memref_squeeze %dma_start3A_839 : memref<1x50xi32, #tpu.memory_space<vmem>> -> memref<50xi32, #tpu.memory_space<vmem>>
      %dma_start3A_841 = arith.constant 0 : i32
      %dma_start3A_842 = arith.constant 0 : i32
      %dma_start3A_843 = tpu.memref_slice %arg3[%dma_start3A_841, %dma_start3A_842] : memref<1000000x32xf32, #tpu.memory_space<hbm>> -> memref<1000000x32xf32, #tpu.memory_space<hbm>>
      tpu.enqueue_indirect_dma source(%dma_start3A_843 : memref<1000000x32xf32, #tpu.memory_space<hbm>>) target(%dma_start3A_837 : memref<50x32xf32, #tpu.memory_space<vmem>>) offsets(%dma_start3A_840 : memref<50xi32, #tpu.memory_space<vmem>>) semaphore(%arg8 : memref<!tpu.dma_semaphore, #tpu.memory_space<semaphore_mem>>)
      %mul3A_844 = arith.constant 16 : i32
      %mul3A_845 = arith.muli %add3A_782, %mul3A_844 : i32
      %add3A_846 = arith.constant 3 : i32
      %add3A_847 = arith.addi %mul3A_845, %add3A_846 : i32
      %dma_start3A_848 = arith.constant 19 : i32
      %dma_start3A_849 = arith.constant 0 : i32
      %dma_start3A_850 = arith.constant 0 : i32
      %dma_start3A_851 = tpu.memref_slice %arg6[%dma_start3A_848, %dma_start3A_849, %dma_start3A_850] : memref<32x50x32xf32, #tpu.memory_space<vmem>> -> memref<1x50x32xf32, #tpu.memory_space<vmem>>
      %dma_start3A_852 = tpu.memref_squeeze %dma_start3A_851 : memref<1x50x32xf32, #tpu.memory_space<vmem>> -> memref<50x32xf32, #tpu.memory_space<vmem>>
      %dma_start3A_853 = arith.constant 0 : i32
      %dma_start3A_854 = tpu.memref_slice %arg5[%add3A_847, %dma_start3A_853] : memref<512x50xi32, #tpu.memory_space<vmem>> -> memref<1x50xi32, #tpu.memory_space<vmem>>
      %dma_start3A_855 = tpu.memref_squeeze %dma_start3A_854 : memref<1x50xi32, #tpu.memory_space<vmem>> -> memref<50xi32, #tpu.memory_space<vmem>>
      %dma_start3A_856 = arith.constant 0 : i32
      %dma_start3A_857 = arith.constant 0 : i32
      %dma_start3A_858 = tpu.memref_slice %arg3[%dma_start3A_856, %dma_start3A_857] : memref<1000000x32xf32, #tpu.memory_space<hbm>> -> memref<1000000x32xf32, #tpu.memory_space<hbm>>
      tpu.enqueue_indirect_dma source(%dma_start3A_858 : memref<1000000x32xf32, #tpu.memory_space<hbm>>) target(%dma_start3A_852 : memref<50x32xf32, #tpu.memory_space<vmem>>) offsets(%dma_start3A_855 : memref<50xi32, #tpu.memory_space<vmem>>) semaphore(%arg8 : memref<!tpu.dma_semaphore, #tpu.memory_space<semaphore_mem>>)
      %mul3A_859 = arith.constant 16 : i32
      %mul3A_860 = arith.muli %add3A_782, %mul3A_859 : i32
      %add3A_861 = arith.constant 4 : i32
      %add3A_862 = arith.addi %mul3A_860, %add3A_861 : i32
      %dma_start3A_863 = arith.constant 20 : i32
      %dma_start3A_864 = arith.constant 0 : i32
      %dma_start3A_865 = arith.constant 0 : i32
      %dma_start3A_866 = tpu.memref_slice %arg6[%dma_start3A_863, %dma_start3A_864, %dma_start3A_865] : memref<32x50x32xf32, #tpu.memory_space<vmem>> -> memref<1x50x32xf32, #tpu.memory_space<vmem>>
      %dma_start3A_867 = tpu.memref_squeeze %dma_start3A_866 : memref<1x50x32xf32, #tpu.memory_space<vmem>> -> memref<50x32xf32, #tpu.memory_space<vmem>>
      %dma_start3A_868 = arith.constant 0 : i32
      %dma_start3A_869 = tpu.memref_slice %arg5[%add3A_862, %dma_start3A_868] : memref<512x50xi32, #tpu.memory_space<vmem>> -> memref<1x50xi32, #tpu.memory_space<vmem>>
      %dma_start3A_870 = tpu.memref_squeeze %dma_start3A_869 : memref<1x50xi32, #tpu.memory_space<vmem>> -> memref<50xi32, #tpu.memory_space<vmem>>
      %dma_start3A_871 = arith.constant 0 : i32
      %dma_start3A_872 = arith.constant 0 : i32
      %dma_start3A_873 = tpu.memref_slice %arg3[%dma_start3A_871, %dma_start3A_872] : memref<1000000x32xf32, #tpu.memory_space<hbm>> -> memref<1000000x32xf32, #tpu.memory_space<hbm>>
      tpu.enqueue_indirect_dma source(%dma_start3A_873 : memref<1000000x32xf32, #tpu.memory_space<hbm>>) target(%dma_start3A_867 : memref<50x32xf32, #tpu.memory_space<vmem>>) offsets(%dma_start3A_870 : memref<50xi32, #tpu.memory_space<vmem>>) semaphore(%arg8 : memref<!tpu.dma_semaphore, #tpu.memory_space<semaphore_mem>>)
      %mul3A_874 = arith.constant 16 : i32
      %mul3A_875 = arith.muli %add3A_782, %mul3A_874 : i32
      %add3A_876 = arith.constant 5 : i32
      %add3A_877 = arith.addi %mul3A_875, %add3A_876 : i32
      %dma_start3A_878 = arith.constant 21 : i32
      %dma_start3A_879 = arith.constant 0 : i32
      %dma_start3A_880 = arith.constant 0 : i32
      %dma_start3A_881 = tpu.memref_slice %arg6[%dma_start3A_878, %dma_start3A_879, %dma_start3A_880] : memref<32x50x32xf32, #tpu.memory_space<vmem>> -> memref<1x50x32xf32, #tpu.memory_space<vmem>>
      %dma_start3A_882 = tpu.memref_squeeze %dma_start3A_881 : memref<1x50x32xf32, #tpu.memory_space<vmem>> -> memref<50x32xf32, #tpu.memory_space<vmem>>
      %dma_start3A_883 = arith.constant 0 : i32
      %dma_start3A_884 = tpu.memref_slice %arg5[%add3A_877, %dma_start3A_883] : memref<512x50xi32, #tpu.memory_space<vmem>> -> memref<1x50xi32, #tpu.memory_space<vmem>>
      %dma_start3A_885 = tpu.memref_squeeze %dma_start3A_884 : memref<1x50xi32, #tpu.memory_space<vmem>> -> memref<50xi32, #tpu.memory_space<vmem>>
      %dma_start3A_886 = arith.constant 0 : i32
      %dma_start3A_887 = arith.constant 0 : i32
      %dma_start3A_888 = tpu.memref_slice %arg3[%dma_start3A_886, %dma_start3A_887] : memref<1000000x32xf32, #tpu.memory_space<hbm>> -> memref<1000000x32xf32, #tpu.memory_space<hbm>>
      tpu.enqueue_indirect_dma source(%dma_start3A_888 : memref<1000000x32xf32, #tpu.memory_space<hbm>>) target(%dma_start3A_882 : memref<50x32xf32, #tpu.memory_space<vmem>>) offsets(%dma_start3A_885 : memref<50xi32, #tpu.memory_space<vmem>>) semaphore(%arg8 : memref<!tpu.dma_semaphore, #tpu.memory_space<semaphore_mem>>)
      %mul3A_889 = arith.constant 16 : i32
      %mul3A_890 = arith.muli %add3A_782, %mul3A_889 : i32
      %add3A_891 = arith.constant 6 : i32
      %add3A_892 = arith.addi %mul3A_890, %add3A_891 : i32
      %dma_start3A_893 = arith.constant 22 : i32
      %dma_start3A_894 = arith.constant 0 : i32
      %dma_start3A_895 = arith.constant 0 : i32
      %dma_start3A_896 = tpu.memref_slice %arg6[%dma_start3A_893, %dma_start3A_894, %dma_start3A_895] : memref<32x50x32xf32, #tpu.memory_space<vmem>> -> memref<1x50x32xf32, #tpu.memory_space<vmem>>
      %dma_start3A_897 = tpu.memref_squeeze %dma_start3A_896 : memref<1x50x32xf32, #tpu.memory_space<vmem>> -> memref<50x32xf32, #tpu.memory_space<vmem>>
      %dma_start3A_898 = arith.constant 0 : i32
      %dma_start3A_899 = tpu.memref_slice %arg5[%add3A_892, %dma_start3A_898] : memref<512x50xi32, #tpu.memory_space<vmem>> -> memref<1x50xi32, #tpu.memory_space<vmem>>
      %dma_start3A_900 = tpu.memref_squeeze %dma_start3A_899 : memref<1x50xi32, #tpu.memory_space<vmem>> -> memref<50xi32, #tpu.memory_space<vmem>>
      %dma_start3A_901 = arith.constant 0 : i32
      %dma_start3A_902 = arith.constant 0 : i32
      %dma_start3A_903 = tpu.memref_slice %arg3[%dma_start3A_901, %dma_start3A_902] : memref<1000000x32xf32, #tpu.memory_space<hbm>> -> memref<1000000x32xf32, #tpu.memory_space<hbm>>
      tpu.enqueue_indirect_dma source(%dma_start3A_903 : memref<1000000x32xf32, #tpu.memory_space<hbm>>) target(%dma_start3A_897 : memref<50x32xf32, #tpu.memory_space<vmem>>) offsets(%dma_start3A_900 : memref<50xi32, #tpu.memory_space<vmem>>) semaphore(%arg8 : memref<!tpu.dma_semaphore, #tpu.memory_space<semaphore_mem>>)
      %mul3A_904 = arith.constant 16 : i32
      %mul3A_905 = arith.muli %add3A_782, %mul3A_904 : i32
      %add3A_906 = arith.constant 7 : i32
      %add3A_907 = arith.addi %mul3A_905, %add3A_906 : i32
      %dma_start3A_908 = arith.constant 23 : i32
      %dma_start3A_909 = arith.constant 0 : i32
      %dma_start3A_910 = arith.constant 0 : i32
      %dma_start3A_911 = tpu.memref_slice %arg6[%dma_start3A_908, %dma_start3A_909, %dma_start3A_910] : memref<32x50x32xf32, #tpu.memory_space<vmem>> -> memref<1x50x32xf32, #tpu.memory_space<vmem>>
      %dma_start3A_912 = tpu.memref_squeeze %dma_start3A_911 : memref<1x50x32xf32, #tpu.memory_space<vmem>> -> memref<50x32xf32, #tpu.memory_space<vmem>>
      %dma_start3A_913 = arith.constant 0 : i32
      %dma_start3A_914 = tpu.memref_slice %arg5[%add3A_907, %dma_start3A_913] : memref<512x50xi32, #tpu.memory_space<vmem>> -> memref<1x50xi32, #tpu.memory_space<vmem>>
      %dma_start3A_915 = tpu.memref_squeeze %dma_start3A_914 : memref<1x50xi32, #tpu.memory_space<vmem>> -> memref<50xi32, #tpu.memory_space<vmem>>
      %dma_start3A_916 = arith.constant 0 : i32
      %dma_start3A_917 = arith.constant 0 : i32
      %dma_start3A_918 = tpu.memref_slice %arg3[%dma_start3A_916, %dma_start3A_917] : memref<1000000x32xf32, #tpu.memory_space<hbm>> -> memref<1000000x32xf32, #tpu.memory_space<hbm>>
      tpu.enqueue_indirect_dma source(%dma_start3A_918 : memref<1000000x32xf32, #tpu.memory_space<hbm>>) target(%dma_start3A_912 : memref<50x32xf32, #tpu.memory_space<vmem>>) offsets(%dma_start3A_915 : memref<50xi32, #tpu.memory_space<vmem>>) semaphore(%arg8 : memref<!tpu.dma_semaphore, #tpu.memory_space<semaphore_mem>>)
      %mul3A_919 = arith.constant 16 : i32
      %mul3A_920 = arith.muli %add3A_782, %mul3A_919 : i32
      %add3A_921 = arith.constant 8 : i32
      %add3A_922 = arith.addi %mul3A_920, %add3A_921 : i32
      %dma_start3A_923 = arith.constant 24 : i32
      %dma_start3A_924 = arith.constant 0 : i32
      %dma_start3A_925 = arith.constant 0 : i32
      %dma_start3A_926 = tpu.memref_slice %arg6[%dma_start3A_923, %dma_start3A_924, %dma_start3A_925] : memref<32x50x32xf32, #tpu.memory_space<vmem>> -> memref<1x50x32xf32, #tpu.memory_space<vmem>>
      %dma_start3A_927 = tpu.memref_squeeze %dma_start3A_926 : memref<1x50x32xf32, #tpu.memory_space<vmem>> -> memref<50x32xf32, #tpu.memory_space<vmem>>
      %dma_start3A_928 = arith.constant 0 : i32
      %dma_start3A_929 = tpu.memref_slice %arg5[%add3A_922, %dma_start3A_928] : memref<512x50xi32, #tpu.memory_space<vmem>> -> memref<1x50xi32, #tpu.memory_space<vmem>>
      %dma_start3A_930 = tpu.memref_squeeze %dma_start3A_929 : memref<1x50xi32, #tpu.memory_space<vmem>> -> memref<50xi32, #tpu.memory_space<vmem>>
      %dma_start3A_931 = arith.constant 0 : i32
      %dma_start3A_932 = arith.constant 0 : i32
      %dma_start3A_933 = tpu.memref_slice %arg3[%dma_start3A_931, %dma_start3A_932] : memref<1000000x32xf32, #tpu.memory_space<hbm>> -> memref<1000000x32xf32, #tpu.memory_space<hbm>>
      tpu.enqueue_indirect_dma source(%dma_start3A_933 : memref<1000000x32xf32, #tpu.memory_space<hbm>>) target(%dma_start3A_927 : memref<50x32xf32, #tpu.memory_space<vmem>>) offsets(%dma_start3A_930 : memref<50xi32, #tpu.memory_space<vmem>>) semaphore(%arg8 : memref<!tpu.dma_semaphore, #tpu.memory_space<semaphore_mem>>)
      %mul3A_934 = arith.constant 16 : i32
      %mul3A_935 = arith.muli %add3A_782, %mul3A_934 : i32
      %add3A_936 = arith.constant 9 : i32
      %add3A_937 = arith.addi %mul3A_935, %add3A_936 : i32
      %dma_start3A_938 = arith.constant 25 : i32
      %dma_start3A_939 = arith.constant 0 : i32
      %dma_start3A_940 = arith.constant 0 : i32
      %dma_start3A_941 = tpu.memref_slice %arg6[%dma_start3A_938, %dma_start3A_939, %dma_start3A_940] : memref<32x50x32xf32, #tpu.memory_space<vmem>> -> memref<1x50x32xf32, #tpu.memory_space<vmem>>
      %dma_start3A_942 = tpu.memref_squeeze %dma_start3A_941 : memref<1x50x32xf32, #tpu.memory_space<vmem>> -> memref<50x32xf32, #tpu.memory_space<vmem>>
      %dma_start3A_943 = arith.constant 0 : i32
      %dma_start3A_944 = tpu.memref_slice %arg5[%add3A_937, %dma_start3A_943] : memref<512x50xi32, #tpu.memory_space<vmem>> -> memref<1x50xi32, #tpu.memory_space<vmem>>
      %dma_start3A_945 = tpu.memref_squeeze %dma_start3A_944 : memref<1x50xi32, #tpu.memory_space<vmem>> -> memref<50xi32, #tpu.memory_space<vmem>>
      %dma_start3A_946 = arith.constant 0 : i32
      %dma_start3A_947 = arith.constant 0 : i32
      %dma_start3A_948 = tpu.memref_slice %arg3[%dma_start3A_946, %dma_start3A_947] : memref<1000000x32xf32, #tpu.memory_space<hbm>> -> memref<1000000x32xf32, #tpu.memory_space<hbm>>
      tpu.enqueue_indirect_dma source(%dma_start3A_948 : memref<1000000x32xf32, #tpu.memory_space<hbm>>) target(%dma_start3A_942 : memref<50x32xf32, #tpu.memory_space<vmem>>) offsets(%dma_start3A_945 : memref<50xi32, #tpu.memory_space<vmem>>) semaphore(%arg8 : memref<!tpu.dma_semaphore, #tpu.memory_space<semaphore_mem>>)
      %mul3A_949 = arith.constant 16 : i32
      %mul3A_950 = arith.muli %add3A_782, %mul3A_949 : i32
      %add3A_951 = arith.constant 10 : i32
      %add3A_952 = arith.addi %mul3A_950, %add3A_951 : i32
      %dma_start3A_953 = arith.constant 26 : i32
      %dma_start3A_954 = arith.constant 0 : i32
      %dma_start3A_955 = arith.constant 0 : i32
      %dma_start3A_956 = tpu.memref_slice %arg6[%dma_start3A_953, %dma_start3A_954, %dma_start3A_955] : memref<32x50x32xf32, #tpu.memory_space<vmem>> -> memref<1x50x32xf32, #tpu.memory_space<vmem>>
      %dma_start3A_957 = tpu.memref_squeeze %dma_start3A_956 : memref<1x50x32xf32, #tpu.memory_space<vmem>> -> memref<50x32xf32, #tpu.memory_space<vmem>>
      %dma_start3A_958 = arith.constant 0 : i32
      %dma_start3A_959 = tpu.memref_slice %arg5[%add3A_952, %dma_start3A_958] : memref<512x50xi32, #tpu.memory_space<vmem>> -> memref<1x50xi32, #tpu.memory_space<vmem>>
      %dma_start3A_960 = tpu.memref_squeeze %dma_start3A_959 : memref<1x50xi32, #tpu.memory_space<vmem>> -> memref<50xi32, #tpu.memory_space<vmem>>
      %dma_start3A_961 = arith.constant 0 : i32
      %dma_start3A_962 = arith.constant 0 : i32
      %dma_start3A_963 = tpu.memref_slice %arg3[%dma_start3A_961, %dma_start3A_962] : memref<1000000x32xf32, #tpu.memory_space<hbm>> -> memref<1000000x32xf32, #tpu.memory_space<hbm>>
      tpu.enqueue_indirect_dma source(%dma_start3A_963 : memref<1000000x32xf32, #tpu.memory_space<hbm>>) target(%dma_start3A_957 : memref<50x32xf32, #tpu.memory_space<vmem>>) offsets(%dma_start3A_960 : memref<50xi32, #tpu.memory_space<vmem>>) semaphore(%arg8 : memref<!tpu.dma_semaphore, #tpu.memory_space<semaphore_mem>>)
      %mul3A_964 = arith.constant 16 : i32
      %mul3A_965 = arith.muli %add3A_782, %mul3A_964 : i32
      %add3A_966 = arith.constant 11 : i32
      %add3A_967 = arith.addi %mul3A_965, %add3A_966 : i32
      %dma_start3A_968 = arith.constant 27 : i32
      %dma_start3A_969 = arith.constant 0 : i32
      %dma_start3A_970 = arith.constant 0 : i32
      %dma_start3A_971 = tpu.memref_slice %arg6[%dma_start3A_968, %dma_start3A_969, %dma_start3A_970] : memref<32x50x32xf32, #tpu.memory_space<vmem>> -> memref<1x50x32xf32, #tpu.memory_space<vmem>>
      %dma_start3A_972 = tpu.memref_squeeze %dma_start3A_971 : memref<1x50x32xf32, #tpu.memory_space<vmem>> -> memref<50x32xf32, #tpu.memory_space<vmem>>
      %dma_start3A_973 = arith.constant 0 : i32
      %dma_start3A_974 = tpu.memref_slice %arg5[%add3A_967, %dma_start3A_973] : memref<512x50xi32, #tpu.memory_space<vmem>> -> memref<1x50xi32, #tpu.memory_space<vmem>>
      %dma_start3A_975 = tpu.memref_squeeze %dma_start3A_974 : memref<1x50xi32, #tpu.memory_space<vmem>> -> memref<50xi32, #tpu.memory_space<vmem>>
      %dma_start3A_976 = arith.constant 0 : i32
      %dma_start3A_977 = arith.constant 0 : i32
      %dma_start3A_978 = tpu.memref_slice %arg3[%dma_start3A_976, %dma_start3A_977] : memref<1000000x32xf32, #tpu.memory_space<hbm>> -> memref<1000000x32xf32, #tpu.memory_space<hbm>>
      tpu.enqueue_indirect_dma source(%dma_start3A_978 : memref<1000000x32xf32, #tpu.memory_space<hbm>>) target(%dma_start3A_972 : memref<50x32xf32, #tpu.memory_space<vmem>>) offsets(%dma_start3A_975 : memref<50xi32, #tpu.memory_space<vmem>>) semaphore(%arg8 : memref<!tpu.dma_semaphore, #tpu.memory_space<semaphore_mem>>)
      %mul3A_979 = arith.constant 16 : i32
      %mul3A_980 = arith.muli %add3A_782, %mul3A_979 : i32
      %add3A_981 = arith.constant 12 : i32
      %add3A_982 = arith.addi %mul3A_980, %add3A_981 : i32
      %dma_start3A_983 = arith.constant 28 : i32
      %dma_start3A_984 = arith.constant 0 : i32
      %dma_start3A_985 = arith.constant 0 : i32
      %dma_start3A_986 = tpu.memref_slice %arg6[%dma_start3A_983, %dma_start3A_984, %dma_start3A_985] : memref<32x50x32xf32, #tpu.memory_space<vmem>> -> memref<1x50x32xf32, #tpu.memory_space<vmem>>
      %dma_start3A_987 = tpu.memref_squeeze %dma_start3A_986 : memref<1x50x32xf32, #tpu.memory_space<vmem>> -> memref<50x32xf32, #tpu.memory_space<vmem>>
      %dma_start3A_988 = arith.constant 0 : i32
      %dma_start3A_989 = tpu.memref_slice %arg5[%add3A_982, %dma_start3A_988] : memref<512x50xi32, #tpu.memory_space<vmem>> -> memref<1x50xi32, #tpu.memory_space<vmem>>
      %dma_start3A_990 = tpu.memref_squeeze %dma_start3A_989 : memref<1x50xi32, #tpu.memory_space<vmem>> -> memref<50xi32, #tpu.memory_space<vmem>>
      %dma_start3A_991 = arith.constant 0 : i32
      %dma_start3A_992 = arith.constant 0 : i32
      %dma_start3A_993 = tpu.memref_slice %arg3[%dma_start3A_991, %dma_start3A_992] : memref<1000000x32xf32, #tpu.memory_space<hbm>> -> memref<1000000x32xf32, #tpu.memory_space<hbm>>
      tpu.enqueue_indirect_dma source(%dma_start3A_993 : memref<1000000x32xf32, #tpu.memory_space<hbm>>) target(%dma_start3A_987 : memref<50x32xf32, #tpu.memory_space<vmem>>) offsets(%dma_start3A_990 : memref<50xi32, #tpu.memory_space<vmem>>) semaphore(%arg8 : memref<!tpu.dma_semaphore, #tpu.memory_space<semaphore_mem>>)
      %mul3A_994 = arith.constant 16 : i32
      %mul3A_995 = arith.muli %add3A_782, %mul3A_994 : i32
      %add3A_996 = arith.constant 13 : i32
      %add3A_997 = arith.addi %mul3A_995, %add3A_996 : i32
      %dma_start3A_998 = arith.constant 29 : i32
      %dma_start3A_999 = arith.constant 0 : i32
      %dma_start3A_1000 = arith.constant 0 : i32
      %dma_start3A_1001 = tpu.memref_slice %arg6[%dma_start3A_998, %dma_start3A_999, %dma_start3A_1000] : memref<32x50x32xf32, #tpu.memory_space<vmem>> -> memref<1x50x32xf32, #tpu.memory_space<vmem>>
      %dma_start3A_1002 = tpu.memref_squeeze %dma_start3A_1001 : memref<1x50x32xf32, #tpu.memory_space<vmem>> -> memref<50x32xf32, #tpu.memory_space<vmem>>
      %dma_start3A_1003 = arith.constant 0 : i32
      %dma_start3A_1004 = tpu.memref_slice %arg5[%add3A_997, %dma_start3A_1003] : memref<512x50xi32, #tpu.memory_space<vmem>> -> memref<1x50xi32, #tpu.memory_space<vmem>>
      %dma_start3A_1005 = tpu.memref_squeeze %dma_start3A_1004 : memref<1x50xi32, #tpu.memory_space<vmem>> -> memref<50xi32, #tpu.memory_space<vmem>>
      %dma_start3A_1006 = arith.constant 0 : i32
      %dma_start3A_1007 = arith.constant 0 : i32
      %dma_start3A_1008 = tpu.memref_slice %arg3[%dma_start3A_1006, %dma_start3A_1007] : memref<1000000x32xf32, #tpu.memory_space<hbm>> -> memref<1000000x32xf32, #tpu.memory_space<hbm>>
      tpu.enqueue_indirect_dma source(%dma_start3A_1008 : memref<1000000x32xf32, #tpu.memory_space<hbm>>) target(%dma_start3A_1002 : memref<50x32xf32, #tpu.memory_space<vmem>>) offsets(%dma_start3A_1005 : memref<50xi32, #tpu.memory_space<vmem>>) semaphore(%arg8 : memref<!tpu.dma_semaphore, #tpu.memory_space<semaphore_mem>>)
      %mul3A_1009 = arith.constant 16 : i32
      %mul3A_1010 = arith.muli %add3A_782, %mul3A_1009 : i32
      %add3A_1011 = arith.constant 14 : i32
      %add3A_1012 = arith.addi %mul3A_1010, %add3A_1011 : i32
      %dma_start3A_1013 = arith.constant 30 : i32
      %dma_start3A_1014 = arith.constant 0 : i32
      %dma_start3A_1015 = arith.constant 0 : i32
      %dma_start3A_1016 = tpu.memref_slice %arg6[%dma_start3A_1013, %dma_start3A_1014, %dma_start3A_1015] : memref<32x50x32xf32, #tpu.memory_space<vmem>> -> memref<1x50x32xf32, #tpu.memory_space<vmem>>
      %dma_start3A_1017 = tpu.memref_squeeze %dma_start3A_1016 : memref<1x50x32xf32, #tpu.memory_space<vmem>> -> memref<50x32xf32, #tpu.memory_space<vmem>>
      %dma_start3A_1018 = arith.constant 0 : i32
      %dma_start3A_1019 = tpu.memref_slice %arg5[%add3A_1012, %dma_start3A_1018] : memref<512x50xi32, #tpu.memory_space<vmem>> -> memref<1x50xi32, #tpu.memory_space<vmem>>
      %dma_start3A_1020 = tpu.memref_squeeze %dma_start3A_1019 : memref<1x50xi32, #tpu.memory_space<vmem>> -> memref<50xi32, #tpu.memory_space<vmem>>
      %dma_start3A_1021 = arith.constant 0 : i32
      %dma_start3A_1022 = arith.constant 0 : i32
      %dma_start3A_1023 = tpu.memref_slice %arg3[%dma_start3A_1021, %dma_start3A_1022] : memref<1000000x32xf32, #tpu.memory_space<hbm>> -> memref<1000000x32xf32, #tpu.memory_space<hbm>>
      tpu.enqueue_indirect_dma source(%dma_start3A_1023 : memref<1000000x32xf32, #tpu.memory_space<hbm>>) target(%dma_start3A_1017 : memref<50x32xf32, #tpu.memory_space<vmem>>) offsets(%dma_start3A_1020 : memref<50xi32, #tpu.memory_space<vmem>>) semaphore(%arg8 : memref<!tpu.dma_semaphore, #tpu.memory_space<semaphore_mem>>)
      %mul3A_1024 = arith.constant 16 : i32
      %mul3A_1025 = arith.muli %add3A_782, %mul3A_1024 : i32
      %add3A_1026 = arith.constant 15 : i32
      %add3A_1027 = arith.addi %mul3A_1025, %add3A_1026 : i32
      %dma_start3A_1028 = arith.constant 31 : i32
      %dma_start3A_1029 = arith.constant 0 : i32
      %dma_start3A_1030 = arith.constant 0 : i32
      %dma_start3A_1031 = tpu.memref_slice %arg6[%dma_start3A_1028, %dma_start3A_1029, %dma_start3A_1030] : memref<32x50x32xf32, #tpu.memory_space<vmem>> -> memref<1x50x32xf32, #tpu.memory_space<vmem>>
      %dma_start3A_1032 = tpu.memref_squeeze %dma_start3A_1031 : memref<1x50x32xf32, #tpu.memory_space<vmem>> -> memref<50x32xf32, #tpu.memory_space<vmem>>
      %dma_start3A_1033 = arith.constant 0 : i32
      %dma_start3A_1034 = tpu.memref_slice %arg5[%add3A_1027, %dma_start3A_1033] : memref<512x50xi32, #tpu.memory_space<vmem>> -> memref<1x50xi32, #tpu.memory_space<vmem>>
      %dma_start3A_1035 = tpu.memref_squeeze %dma_start3A_1034 : memref<1x50xi32, #tpu.memory_space<vmem>> -> memref<50xi32, #tpu.memory_space<vmem>>
      %dma_start3A_1036 = arith.constant 0 : i32
      %dma_start3A_1037 = arith.constant 0 : i32
      %dma_start3A_1038 = tpu.memref_slice %arg3[%dma_start3A_1036, %dma_start3A_1037] : memref<1000000x32xf32, #tpu.memory_space<hbm>> -> memref<1000000x32xf32, #tpu.memory_space<hbm>>
      tpu.enqueue_indirect_dma source(%dma_start3A_1038 : memref<1000000x32xf32, #tpu.memory_space<hbm>>) target(%dma_start3A_1032 : memref<50x32xf32, #tpu.memory_space<vmem>>) offsets(%dma_start3A_1035 : memref<50xi32, #tpu.memory_space<vmem>>) semaphore(%arg8 : memref<!tpu.dma_semaphore, #tpu.memory_space<semaphore_mem>>)
      %dma_wait3A_1039 = arith.constant 0 : i32
      %dma_wait3A_1040 = arith.constant 0 : i32
      %dma_wait3A_1041 = arith.constant 0 : i32
      %dma_wait3A_1042 = tpu.memref_slice %arg6[%dma_wait3A_1039, %dma_wait3A_1040, %dma_wait3A_1041] : memref<32x50x32xf32, #tpu.memory_space<vmem>> -> memref<16x50x32xf32, #tpu.memory_space<vmem>>
      %dma_wait3A_1043 = arith.constant 0 : i32
      %dma_wait3A_1044 = arith.constant 0 : i32
      %dma_wait3A_1045 = arith.constant 0 : i32
      %dma_wait3A_1046 = tpu.memref_slice %arg4[%dma_wait3A_1043, %dma_wait3A_1044, %dma_wait3A_1045] : memref<16384x50x32xf32, #tpu.memory_space<hbm>> -> memref<16x50x32xf32, #tpu.memory_space<hbm>>
      %dma_wait3A_1047 = arith.constant 0 : i32
      %dma_wait3A_1048 = arith.constant 0 : i32
      %dma_wait3A_1049 = arith.constant 0 : i32
      %dma_wait3A_1050 = tpu.memref_slice %arg6[%dma_wait3A_1047, %dma_wait3A_1048, %dma_wait3A_1049] : memref<32x50x32xf32, #tpu.memory_space<vmem>> -> memref<16x50x32xf32, #tpu.memory_space<vmem>>
      %dma_wait3A_1051 = arith.constant 0 : i32
      %dma_wait3A_1052 = arith.constant 0 : i32
      %dma_wait3A_1053 = arith.constant 0 : i32
      %dma_wait3A_1054 = tpu.memref_slice %arg4[%dma_wait3A_1051, %dma_wait3A_1052, %dma_wait3A_1053] : memref<16384x50x32xf32, #tpu.memory_space<hbm>> -> memref<16x50x32xf32, #tpu.memory_space<hbm>>
      tpu.wait_dma2 semaphore(%arg7 : memref<!tpu.dma_semaphore, #tpu.memory_space<semaphore_mem>>) src(%dma_wait3A_1054 : memref<16x50x32xf32, #tpu.memory_space<hbm>>) dst(%dma_wait3A_1050 : memref<16x50x32xf32, #tpu.memory_space<vmem>>)
      %sub3A_1055 = arith.constant 1 : i32
      %sub3A_1056 = arith.subi %add3A_782, %sub3A_1055 : i32
      %mul3A_1057 = arith.constant 16 : i32
      %mul3A_1058 = arith.muli %sub3A_1056, %mul3A_1057 : i32
      %add3A_1059 = arith.addi %mul3A_2, %mul3A_1058 : i32
      %dma_start3A_1060 = arith.constant 0 : i32
      %dma_start3A_1061 = arith.constant 0 : i32
      %dma_start3A_1062 = arith.constant 0 : i32
      %dma_start3A_1063 = tpu.memref_slice %arg6[%dma_start3A_1060, %dma_start3A_1061, %dma_start3A_1062] : memref<32x50x32xf32, #tpu.memory_space<vmem>> -> memref<16x50x32xf32, #tpu.memory_space<vmem>>
      %dma_start3A_1064 = arith.constant 0 : i32
      %dma_start3A_1065 = arith.constant 0 : i32
      %dma_start3A_1066 = tpu.memref_slice %arg4[%add3A_1059, %dma_start3A_1064, %dma_start3A_1065] : memref<16384x50x32xf32, #tpu.memory_space<hbm>> -> memref<16x50x32xf32, #tpu.memory_space<hbm>>
      %dma_start3A_1067 = arith.constant 0 : i32
      %dma_start3A_1068 = arith.constant 0 : i32
      %dma_start3A_1069 = tpu.memref_slice %arg4[%add3A_1059, %dma_start3A_1067, %dma_start3A_1068] : memref<16384x50x32xf32, #tpu.memory_space<hbm>> -> memref<16x50x32xf32, #tpu.memory_space<hbm>>
      %dma_start3A_1070 = arith.constant 0 : i32
      %dma_start3A_1071 = arith.constant 0 : i32
      %dma_start3A_1072 = arith.constant 0 : i32
      %dma_start3A_1073 = tpu.memref_slice %arg6[%dma_start3A_1070, %dma_start3A_1071, %dma_start3A_1072] : memref<32x50x32xf32, #tpu.memory_space<vmem>> -> memref<16x50x32xf32, #tpu.memory_space<vmem>>
      tpu.enqueue_dma source(%dma_start3A_1073 : memref<16x50x32xf32, #tpu.memory_space<vmem>>) target(%dma_start3A_1069 : memref<16x50x32xf32, #tpu.memory_space<hbm>>) target_semaphore(%arg9 : memref<!tpu.dma_semaphore, #tpu.memory_space<semaphore_mem>>)
      %scan3A_1074 = arith.constant 0 : i32
      scf.yield %scan3A_1074 : i32
    }
    %scan3A_422 = arith.constant 15 : i32
    %dma_wait3A_423 = arith.constant 16 : i32
    %dma_wait3A_424 = arith.constant 0 : i32
    %dma_wait3A_425 = arith.constant 0 : i32
    %dma_wait3A_426 = tpu.memref_slice %arg6[%dma_wait3A_423, %dma_wait3A_424, %dma_wait3A_425] : memref<32x50x32xf32, #tpu.memory_space<vmem>> -> memref<16x50x32xf32, #tpu.memory_space<vmem>>
    %dma_wait3A_427 = arith.constant 0 : i32
    %dma_wait3A_428 = arith.constant 0 : i32
    %dma_wait3A_429 = arith.constant 0 : i32
    %dma_wait3A_430 = tpu.memref_slice %arg4[%dma_wait3A_427, %dma_wait3A_428, %dma_wait3A_429] : memref<16384x50x32xf32, #tpu.memory_space<hbm>> -> memref<16x50x32xf32, #tpu.memory_space<hbm>>
    %dma_wait3A_431 = arith.constant 16 : i32
    %dma_wait3A_432 = arith.constant 0 : i32
    %dma_wait3A_433 = arith.constant 0 : i32
    %dma_wait3A_434 = tpu.memref_slice %arg6[%dma_wait3A_431, %dma_wait3A_432, %dma_wait3A_433] : memref<32x50x32xf32, #tpu.memory_space<vmem>> -> memref<16x50x32xf32, #tpu.memory_space<vmem>>
    %dma_wait3A_435 = arith.constant 0 : i32
    %dma_wait3A_436 = arith.constant 0 : i32
    %dma_wait3A_437 = arith.constant 0 : i32
    %dma_wait3A_438 = tpu.memref_slice %arg4[%dma_wait3A_435, %dma_wait3A_436, %dma_wait3A_437] : memref<16384x50x32xf32, #tpu.memory_space<hbm>> -> memref<16x50x32xf32, #tpu.memory_space<hbm>>
    tpu.wait_dma2 semaphore(%arg8 : memref<!tpu.dma_semaphore, #tpu.memory_space<semaphore_mem>>) src(%dma_wait3A_438 : memref<16x50x32xf32, #tpu.memory_space<hbm>>) dst(%dma_wait3A_434 : memref<16x50x32xf32, #tpu.memory_space<vmem>>)
    %add3A_439 = arith.constant 496 : i32
    %add3A_440 = arith.addi %mul3A_2, %add3A_439 : i32
    %dma_start3A_441 = arith.constant 16 : i32
    %dma_start3A_442 = arith.constant 0 : i32
    %dma_start3A_443 = arith.constant 0 : i32
    %dma_start3A_444 = tpu.memref_slice %arg6[%dma_start3A_441, %dma_start3A_442, %dma_start3A_443] : memref<32x50x32xf32, #tpu.memory_space<vmem>> -> memref<16x50x32xf32, #tpu.memory_space<vmem>>
    %dma_start3A_445 = arith.constant 0 : i32
    %dma_start3A_446 = arith.constant 0 : i32
    %dma_start3A_447 = tpu.memref_slice %arg4[%add3A_440, %dma_start3A_445, %dma_start3A_446] : memref<16384x50x32xf32, #tpu.memory_space<hbm>> -> memref<16x50x32xf32, #tpu.memory_space<hbm>>
    %dma_start3A_448 = arith.constant 0 : i32
    %dma_start3A_449 = arith.constant 0 : i32
    %dma_start3A_450 = tpu.memref_slice %arg4[%add3A_440, %dma_start3A_448, %dma_start3A_449] : memref<16384x50x32xf32, #tpu.memory_space<hbm>> -> memref<16x50x32xf32, #tpu.memory_space<hbm>>
    %dma_start3A_451 = arith.constant 16 : i32
    %dma_start3A_452 = arith.constant 0 : i32
    %dma_start3A_453 = arith.constant 0 : i32
    %dma_start3A_454 = tpu.memref_slice %arg6[%dma_start3A_451, %dma_start3A_452, %dma_start3A_453] : memref<32x50x32xf32, #tpu.memory_space<vmem>> -> memref<16x50x32xf32, #tpu.memory_space<vmem>>
    tpu.enqueue_dma source(%dma_start3A_454 : memref<16x50x32xf32, #tpu.memory_space<vmem>>) target(%dma_start3A_450 : memref<16x50x32xf32, #tpu.memory_space<hbm>>) target_semaphore(%arg10 : memref<!tpu.dma_semaphore, #tpu.memory_space<semaphore_mem>>)
    %dma_wait3A_455 = arith.constant 0 : i32
    %dma_wait3A_456 = arith.constant 0 : i32
    %dma_wait3A_457 = arith.constant 0 : i32
    %dma_wait3A_458 = tpu.memref_slice %arg6[%dma_wait3A_455, %dma_wait3A_456, %dma_wait3A_457] : memref<32x50x32xf32, #tpu.memory_space<vmem>> -> memref<16x50x32xf32, #tpu.memory_space<vmem>>
    %dma_wait3A_459 = arith.constant 0 : i32
    %dma_wait3A_460 = arith.constant 0 : i32
    %dma_wait3A_461 = arith.constant 0 : i32
    %dma_wait3A_462 = tpu.memref_slice %arg4[%dma_wait3A_459, %dma_wait3A_460, %dma_wait3A_461] : memref<16384x50x32xf32, #tpu.memory_space<hbm>> -> memref<16x50x32xf32, #tpu.memory_space<hbm>>
    %dma_wait3A_463 = arith.constant 0 : i32
    %dma_wait3A_464 = arith.constant 0 : i32
    %dma_wait3A_465 = arith.constant 0 : i32
    %dma_wait3A_466 = tpu.memref_slice %arg6[%dma_wait3A_463, %dma_wait3A_464, %dma_wait3A_465] : memref<32x50x32xf32, #tpu.memory_space<vmem>> -> memref<16x50x32xf32, #tpu.memory_space<vmem>>
    %dma_wait3A_467 = arith.constant 0 : i32
    %dma_wait3A_468 = arith.constant 0 : i32
    %dma_wait3A_469 = arith.constant 0 : i32
    %dma_wait3A_470 = tpu.memref_slice %arg4[%dma_wait3A_467, %dma_wait3A_468, %dma_wait3A_469] : memref<16384x50x32xf32, #tpu.memory_space<hbm>> -> memref<16x50x32xf32, #tpu.memory_space<hbm>>
    tpu.wait_dma2 semaphore(%arg9 : memref<!tpu.dma_semaphore, #tpu.memory_space<semaphore_mem>>) src(%dma_wait3A_470 : memref<16x50x32xf32, #tpu.memory_space<hbm>>) dst(%dma_wait3A_466 : memref<16x50x32xf32, #tpu.memory_space<vmem>>)
    %dma_wait3A_471 = arith.constant 16 : i32
    %dma_wait3A_472 = arith.constant 0 : i32
    %dma_wait3A_473 = arith.constant 0 : i32
    %dma_wait3A_474 = tpu.memref_slice %arg6[%dma_wait3A_471, %dma_wait3A_472, %dma_wait3A_473] : memref<32x50x32xf32, #tpu.memory_space<vmem>> -> memref<16x50x32xf32, #tpu.memory_space<vmem>>
    %dma_wait3A_475 = arith.constant 0 : i32
    %dma_wait3A_476 = arith.constant 0 : i32
    %dma_wait3A_477 = arith.constant 0 : i32
    %dma_wait3A_478 = tpu.memref_slice %arg4[%dma_wait3A_475, %dma_wait3A_476, %dma_wait3A_477] : memref<16384x50x32xf32, #tpu.memory_space<hbm>> -> memref<16x50x32xf32, #tpu.memory_space<hbm>>
    %dma_wait3A_479 = arith.constant 16 : i32
    %dma_wait3A_480 = arith.constant 0 : i32
    %dma_wait3A_481 = arith.constant 0 : i32
    %dma_wait3A_482 = tpu.memref_slice %arg6[%dma_wait3A_479, %dma_wait3A_480, %dma_wait3A_481] : memref<32x50x32xf32, #tpu.memory_space<vmem>> -> memref<16x50x32xf32, #tpu.memory_space<vmem>>
    %dma_wait3A_483 = arith.constant 0 : i32
    %dma_wait3A_484 = arith.constant 0 : i32
    %dma_wait3A_485 = arith.constant 0 : i32
    %dma_wait3A_486 = tpu.memref_slice %arg4[%dma_wait3A_483, %dma_wait3A_484, %dma_wait3A_485] : memref<16384x50x32xf32, #tpu.memory_space<hbm>> -> memref<16x50x32xf32, #tpu.memory_space<hbm>>
    tpu.wait_dma2 semaphore(%arg10 : memref<!tpu.dma_semaphore, #tpu.memory_space<semaphore_mem>>) src(%dma_wait3A_486 : memref<16x50x32xf32, #tpu.memory_space<hbm>>) dst(%dma_wait3A_482 : memref<16x50x32xf32, #tpu.memory_space<vmem>>)
    return
  }
}

</mosaic_0001>

<sc_bundles>
// kernel: _embed.4.cloned.1.call-start
scs
__scs_entry_jumppad:
0x0: {  	(pc) =	sbr.rel $0x88, $3  }
0x1: {  	(tag) =	ssettag $0x0;
	lr =	simm.s32 $0x1  }
0x2: {  	[smem:$0x3F9F] =	sst lr;
	_ =	strace $0xD0000000  }
0x3: {  	_ = 	snop  }
0x4: {  	_ = 	snop  }
0x5: {  	_ = 	snop  }
0x6: {  	_ = 	snop  }
0x7: {  	_ = 	snop  }
__scs_overlays_trampoline_lowered:
0x8: {  	[smem:$0x3FAE] =	sst s0  }
0x9: {  	[smem:$0x3FAF] =	sst s1  }
0xa: {  	[smem:$0x3FB0] =	sst s2  }
0xb: {  	[smem:$0x3FB1] =	sst s3  }
0xc: {  	[smem:$0x3FB2] =	sst s4  }
0xd: {  	[smem:$0x3FB3] =	sst s5  }
0xe: {  	[smem:$0x3FB4] =	sst s6  }
0xf: {  	[smem:$0x3FB5] =	sst s7  }
0x10: {  	[smem:$0x3FB6] =	sst s8  }
0x11: {  	[smem:$0x3FB7] =	sst s9;
	s0 =	simm.s32 @!p0 $0x0  }
0x12: {  	s1 =	sld [smem:$0x3F9D];
	s0 =	simm.s32 @p0 $0x1  }
0x13: {  	[smem:$0x3FB8] =	sst s0;
	s0 =	simm.s32 @!p1 $0x0  }
0x14: {  	s2 =	sld [smem:$0x3F9C];
	s0 =	simm.s32 @p1 $0x1  }
0x15: {  	[smem:$0x3FB9] =	sst s0;
	s0 =	simm.s32 @!p2 $0x0  }
0x16: {  	s3 =	sld [smem:$0x3FDB];
	s0 =	simm.s32 @p2 $0x1  }
0x17: {  	s4 =	simm.s32 $0x1BF5;
	[smem:$0x3FBB] =	sst s0  }
0x18: {  	s0 =	sld [smem:$0x3F9E];
	_ =	swait.ge [sflag:s4], $0x0  }
0x19: {  	s7 =	sld [smem:$0x3F9F]  }
0x1a: {  	s8 =	sadd.s32 $0xFFFFE003, lr  }
0x1b: {  	s9 =	sadd.s32 $0xFFFFFEF7, lr;
	s5 =	simm.s32 $0xFFFFFFFF;
	p2 =	slt.u32 s8, $0xFFFFF086  }
0x1c: {  	p1 =	slt.u32 s9, $0xF7A;
	s5 =	simm.s32 @!p2 $0x0  }
0x1d: {  	s5 =	simm.s32 @p1 $0x1;
	p0 =	seq.s32 s7, s2  }
0x1e: {  	s7 =	smul.u32 @!p0 $0xF7A, s2;
	p2 =	seq.s32 @!p0 s5, $0x0  }
0x1f: {  	s9 =	smul.u32 $0xF7A, s1;
	s8 =	simm.s32 @!p0 $0x1BF5;
	p2 =	por !p2, p0  }
0x20: {  	[sflag:s8] =	ssyncset.s32 @!p0 $0xFFFFF086;
	s6 =	sadd.s32 @!p0 s3, s7;
	s7 =	simm.s32 @!p0 $0x108  }
0x21: {  	s3 =	sadd.s32 s3, s9;
	s6 =	sadd.s32 @!p0 $0x88, s6;
	s7 =	simm.s32 @p2 $0x1082  }
0x22: {  	[simem:s7], [sflag:s8] =	dma.local @!p0 [hbm:s6], $0xF7A  }
0x23: {  	s9 =	sor.u32 $0xD0000000, s2;
	s6 =	simm.s32 $0x108;
	_ =	swait.ge @!p0 [sflag:s8], $0x0  }
0x24: {  	s3 =	sadd.s32 $0x88, s3;
	s6 =	simm.s32 @!p1 $0x1082;
	[sflag:s4] =	ssyncset.s32 $0xFFFFF086  }
0x25: {  	[simem:s6], [sflag:s4] =	dma.local [hbm:s3], $0xF7A  }
0x26: {  	[smem:$0x3F9F] =	sst s1;
	(tag) =	ssettag s2;
	_ =	strace s9  }
0x27: {  	s1 =	sld [smem:$0x3FAF]  }
0x28: {  	s2 =	sld [smem:$0x3FB0]  }
0x29: {  	s4 =	sld [smem:$0x3FB2]  }
0x2a: {  	p0 =	seq.s32 s5, $0x0;
	s5 =	sld [smem:$0x3FB3]  }
0x2b: {  	s6 =	sld [smem:$0x3FB4]  }
0x2c: {  	s7 =	sld [smem:$0x3FB5]  }
0x2d: {  	s3 =	simm.s32 $0x108;
	s8 =	sld [smem:$0x3FB6]  }
0x2e: {  	s3 =	simm.s32 @!p0 $0x1082;
	s9 =	sld [smem:$0x3FB7]  }
0x2f: {  	lr =	sadd.s32 s0, s3;
	s0 =	sld [smem:$0x3FAE]  }
0x30: {  	s3 =	sld [smem:$0x3FB1]  }
0x31: {  	[smem:$0x3FBA] =	sst s10  }
0x32: {  	s10 =	sld [smem:$0x3FB8];
	_ =	sdelay $0x3  }
0x33: {  	p0 =	seq.s32 s10, $0x1;
	s10 =	sld [smem:$0x3FBA];
	_ =	sdelay $0x3  }
0x34: {  	[smem:$0x3FBA] =	sst s10  }
0x35: {  	s10 =	sld [smem:$0x3FB9];
	_ =	sdelay $0x3  }
0x36: {  	p1 =	seq.s32 s10, $0x1;
	s10 =	sld [smem:$0x3FBA];
	_ =	sdelay $0x3  }
0x37: {  	[smem:$0x3FBA] =	sst s10  }
0x38: {  	s10 =	sld [smem:$0x3FBB]  }
0x39: {  	_ = 	snop;
	(pc) =	sbr.ind lr, $3  }
0x3a: {  	_ = 	snop  }
0x3b: {  	_ = 	snop  }
0x3c: {  	p2 =	seq.s32 s10, $0x1;
	s10 =	sld [smem:$0x3FBA]  }
0x3d: {  	_ =	shalt  }
0x3e: {  	_ =	shalt  }
0x3f: {  	_ =	shalt  }
0x40: {  	_ =	shalt  }
0x41: {  	_ =	shalt  }
0x42: {  	_ =	shalt  }
0x43: {  	_ =	shalt  }
0x44: {  	_ =	shalt  }
0x45: {  	_ =	shalt  }
0x46: {  	_ =	shalt  }
0x47: {  	_ =	shalt  }
0x48: {  	_ =	shalt  }
0x49: {  	_ =	shalt  }
0x4a: {  	_ =	shalt  }
0x4b: {  	_ =	shalt  }
0x4c: {  	_ =	shalt  }
0x4d: {  	_ =	shalt  }
0x4e: {  	_ =	shalt  }
0x4f: {  	_ =	shalt  }
0x50: {  	_ =	shalt  }
0x51: {  	_ =	shalt  }
0x52: {  	_ =	shalt  }
0x53: {  	_ =	shalt  }
0x54: {  	_ =	shalt  }
0x55: {  	_ =	shalt  }
0x56: {  	_ =	shalt  }
0x57: {  	_ =	shalt  }
0x58: {  	_ =	shalt  }
0x59: {  	_ =	shalt  }
0x5a: {  	_ =	shalt  }
0x5b: {  	_ =	shalt  }
0x5c: {  	_ =	shalt  }
0x5d: {  	_ =	shalt  }
0x5e: {  	_ =	shalt  }
0x5f: {  	_ =	shalt  }
0x60: {  	_ =	shalt  }
0x61: {  	_ =	shalt  }
0x62: {  	_ =	shalt  }
0x63: {  	_ =	shalt  }
0x64: {  	_ =	shalt  }
0x65: {  	_ =	shalt  }
0x66: {  	_ =	shalt  }
0x67: {  	_ =	shalt  }
0x68: {  	_ =	shalt  }
0x69: {  	_ =	shalt  }
0x6a: {  	_ =	shalt  }
0x6b: {  	_ =	shalt  }
0x6c: {  	_ =	shalt  }
0x6d: {  	_ =	shalt  }
0x6e: {  	_ =	shalt  }
0x6f: {  	_ =	shalt  }
0x70: {  	_ =	shalt  }
0x71: {  	_ =	shalt  }
0x72: {  	_ =	shalt  }
0x73: {  	_ =	shalt  }
0x74: {  	_ =	shalt  }
0x75: {  	_ =	shalt  }
0x76: {  	_ =	shalt  }
0x77: {  	_ =	shalt  }
0x78: {  	_ =	shalt  }
0x79: {  	_ =	shalt  }
0x7a: {  	_ =	shalt  }
0x7b: {  	_ =	shalt  }
0x7c: {  	_ =	shalt  }
0x7d: {  	_ =	shalt  }
0x7e: {  	_ =	shalt  }
0x7f: {  	_ =	shalt  }
0x80: {  	_ =	shalt  }
0x81: {  	_ =	shalt  }
0x82: {  	_ =	shalt  }
0x83: {  	_ =	shalt  }
0x84: {  	_ =	shalt  }
0x85: {  	_ =	shalt  }
0x86: {  	_ =	shalt  }
0x87: {  	_ =	shalt  }
.Lfunc_end0:
.L_simem_size_0:
called_computation.1_lowered:
.L_overlay_start_0:
0x88: {  	s2 =	sld [smem:$0x3FD9]  }
0x89: {  	s3 =	sld [smem:$0x3FFE];
	_ =	sdelay $0x1  }
0x8a: {  	s1 =	srdreg.scid  }
0x8b: {  	s0 =	sand.u32 $0x1, s1  }
0x8c: {  	s17 =	sshll.u32 s0, $0xA;
	s2 =	sadd.s32 s3, s2  }
0x8d: {  	s2 =	sadd.s32 s2, s17  }
0x8e: {  	[smem:$0x3FC6] =	sst s2  }
0x8f: {  	_ = 	snop  }
0x90: {  	s2 =	sld [smem:$0x3FC8]  }
0x91: {  	s18 =	sld [smem:$0x3FD0];
	(tm) =	ssettm $0x1  }
0x92: {  	s4 =	sld [smem:$0x3FFB];
	_ =	sdelay $0x3  }
0x93: {  	_ =	strace s4  }
0x94: {  	s4 =	sld [smem:$0x3FFC];
	_ =	sdelay $0x3  }
0x95: {  	_ =	strace s4  }
0x96: {  	s4 =	sld [smem:$0x3FFD];
	_ =	sdelay $0x3  }
0x97: {  	_ =	strace s4  }
0x98: {  	_ =	strace $0x8FFFFFFF  }
0x99: {  	s19 =	sld [smem:$0x3FDB];
	_ =	sdelay $0x1  }
0x9a: {  	s5 =	simm.s32 $_scs_section_size  }
0x9b: {  	s6 =	simm.s32 $_size__tile_overlayer_lowered;
	s7 =	simm.s32 $_tile_overlayer_lowered  }
0x9c: {  	s22 =	simm.s32 $0x1BFF;
	s21 =	sshll.u32 s7, $0x1;
	s4 =	sadd.s32 s5, s19  }
0x9d: {  	s8 =	simm.s32 $0x0;
	s20 =	sshll.u32 s6, $0x1;
	s6 =	sadd.s32 s21, s4  }
0x9e: {  	[timem:s8], [sflag:s22] =	dma.local [hbm:s6], s20  }
0x9f: {  	_ =	swait.ge [sflag:s22], s20  }
0xa0: {  	s5 =	ssub.s32 $0x0, s20;
	[sflag:s22] =	ssyncset.done $0x0  }
0xa1: {  	[sflag:s22] =	ssyncadd.s32 s5;
	_ =	sdelay $0x1  }
0xa2: {  	s23 =	simm.s32 $0x1B8B  }
0xa3: {  	_ =	swait.ge [sflag:s23], $0x1  }
0xa4: {  	[sflag:s23] =	ssyncset.done $0x0  }
0xa5: {  	s25 =	simm.s32 $0x1B8E;
	s24 =	sld [smem:$0x3FFE];
	[sflag:s23] =	ssyncadd.s32 $0xFFFFFFFF  }
0xa6: {  	s26 =	simm.s32 $execute0_lowered;
	[smem:$0x3FD2] =	sst s25  }
0xa7: {  	s6 =	sshll.u32 s26, $0x1;
	_ =	strace $0x80000046;
	[dreg:$0x1] =	wrdreg $0xFFFFFFFF  }
0xa8: {  	s28 =	simm.s32 $_size_execute0_lowered;
	s4 =	sadd.s32 s4, s6;
	[dreg:$0x0] =	wrdreg $0x0  }
0xa9: {  	s6 =	sshll.u32 s28, $0x1;
	[dreg:$0x2] =	wrdreg s4  }
0xaa: {  	[dreg:$0x3] =	wrdreg s6  }
0xab: {  	[dreg:$0x4] =	wrdreg $0xC0  }
0xac: {  	_ =	task [dreg:s8], $0x5FFFF  }
0xad: {  	[dreg:$0x1] =	wrdreg $0xFFFFFFFF  }
0xae: {  	[dreg:$0x0] =	wrdreg $0x60  }
0xaf: {  	[dreg:$0x2] =	wrdreg s2  }
0xb0: {  	[dreg:$0x3] =	wrdreg s18  }
0xb1: {  	[dreg:$0x4] =	wrdreg s24  }
0xb2: {  	[dreg:$0x5] =	wrdreg $0x9  }
0xb3: {  	_ =	task.clear_ibuf [dreg:s8], $0x6FFFF;
	_ =	strace $0x90000046  }
0xb4: {  	s29 =	simm.s32 $0x9;
	_ =	strace $0x80000048  }
0xb5: {  	_ =	swait.ge [sflag:s29], $0x1  }
0xb6: {  	[sflag:s29] =	ssyncadd.s32 $0xFFFFFFFF  }
0xb7: {  	_ =	strace $0x90000048  }
0xb8: {  	_ =	sfence  }
0xb9: {  	s30 =	sld [smem:$0x0];
	_ =	sdelay $0x2  }
0xba: {  	s31 =	sshll.u32 s1, $0xD;
	s1 =	sshrl.u32 s1, $0x2  }
0xbb: {  	s3 =	sand.u32 $0x4000, s31;
	s1 =	sadd.s32 s1, s30  }
0xbc: {  	s0 =	sor.u32 s3, s0;
	s1 =	sshll.u32 s1, $0x11  }
0xbd: {  	s0 =	sor.u32 s1, s0  }
0xbe: {  	s0 =	sadd.s32 $0x8F2B, s0  }
0xbf: {  	[sflag:s0] =	ssyncadd.remote.s32 $0x1  }
0xc0: {  	_ =	sfence.sel $0xFFFF  }
0xc1: {  	[dreg:$0x0] =	wrdreg $0xFFFFFFFF;
	(pc) =	sbr.abs _section_cstart, $3  }
0xc2: {  	[dreg:$0x1] =	wrdreg $0xFFFFFFFF  }
0xc3: {  	_ =	task.clear_ibuf [dreg:s8], $0x2FFFF;
	_ =	strace $0x9FFFFFFF  }
0xc4: {  	(tm) =	ssettm $0x7FFFFFFF  }
0xc5: {  	_ =	shalt  }
tec
execute0_lowered:
.L_overlay_start_1:
0x0: {  	(tag) =	ssettag $0x1  }
0x1: {  	s1 =	rddreg [dreg:$0x0]  }
0x2: {  	s2 =	rddreg [dreg:$0x2];
	s0 =	srdreg.scid  }
0x3: {  	s5 =	stileid.u32;
	s3 =	simm.s32 $0x0;
	s30 =	simm.s32 $0x1400  }
0x4: {  	s31 =	simm.s32 $0x2800;
	s4 =	sand.u32 $0x1, s0;
	[smem:$0x7FF] =	sst s3  }
0x5: {  	s13 =	sshll.u32 s5, $0x1;
	s18 =	sadd.s32 $0x3D1600, s2;
	s19 =	sadd.s32 $0x3D0E00, s2  }
0x6: {  	s0 =	sor.u32 s4, s13;
	_ =	strace $0x80000047;
	[dreg:$0xc] =	wrdreg s18  }
0x7: {  	s14 =	ssub.s32 $0x2, s4;
	s4 =	sadd.s32 $0xE00, s2;
	[dreg:$0xe] =	wrdreg s19  }
0x8: {  	s2 =	simm.s32 $0x6400;
	s19 =	simm.s32 $0x7800;
	s7 =	smul.u32 $0x7A00, s0  }
0x9: {  	s18 =	simm.s32 $0x3;
	s6 =	sshrl.u32 s14, $0x1;
	s8 =	smul.u32 $0x3D000, s0  }
0xa: {  	s10 =	smul.u32 $0x1E800, s0;
	p0 =	seq.s32 s0, $0x4;
	p1 =	sne.s32 s0, $0x0  }
0xb: {  	s9 =	ssub.s32 s14, s6;
	s5 =	sadd.s32 s1, s7;
	s6 =	sadd.s32 $0x200, s7  }
0xc: {  	s8 =	sshrl.u32 s8, $0x3;
	s10 =	sadd.s32 s4, s10;
	s7 =	sadd.s32 $0x7800, s7  }
0xd: {  	v0 =	vimm.s32 $0x1780;
	s21 =	smax.u32 s9, $0x1;
	s9 =	simm.s32 $0x1;
	s16 =	sadd.s32 s1, s6  }
0xe: {  	vm0 =	vcmask $0x300;
	vm1 =	vcmask $0x704;
	v1 =	vimm.s32 $0x3F80;
	s11 =	sadd.s32 s1, s8;
	s12 =	sshll.u32 s6, $0x2;
	[dreg:$0xf] =	wrdreg s21  }
0xf: {  	vm2 =	vcmask $0xB08;
	v0 =	vsel vm0, $0x0, v0;
	v1 =	vsel vm0, $0x2800, v1;
	s8 =	smul.u32 $0xF4000, s0;
	s17 =	sadd.s32 s1, s7;
	[dreg:$0x4] =	wrdreg s10  }
0x10: {  	vm3 =	vcmask $0xF0C;
	v0 =	vsel vm1, $0x80, v0;
	v1 =	vsel vm1, $0x2880, v1;
	s13 =	sadd.s32 $0x400, s5;
	s1 =	sadd.s32 $0xF4000, s1;
	[dreg:$0x9] =	wrdreg s17  }
0x11: {  	vm15 =	vcmask $0x1310;
	v0 =	vsel vm2, $0x100, v0;
	v1 =	vsel vm2, $0x2900, v1;
	s14 =	sadd.s32 $0x600, s5;
	s22 =	sadd.s32 $0xF4280, s5;
	[dreg:$0xd] =	wrdreg s1  }
0x12: {  	vm6 =	vcmask $0x1714;
	v0 =	vsel vm3, $0x180, v0;
	v1 =	vsel vm3, $0x2980, v1;
	s7 =	sshll.u32 s7, $0x2;
	s23 =	sadd.s32 $0x1E8500, s5;
	[dreg:$0x10] =	wrdreg s22  }
0x13: {  	vm7 =	vcmask $0x1B18;
	v0 =	vsel vm15, $0x200, v0;
	v1 =	vsel vm15, $0x2A00, v1;
	s25 =	sadd.s32 $0x2DC780, s5;
	s0 =	simm.s32 $0x3C00;
	[dreg:$0x11] =	wrdreg s23  }
0x14: {  	vm8 =	vcmask $0x1F1C;
	v0 =	vsel vm6, $0x280, v0;
	v1 =	vsel vm6, $0x2A80, v1;
	s21 =	simm.s32 $0x8C00;
	s7 =	sadd.s32 s4, s7;
	[dreg:$0x12] =	wrdreg s25  }
0x15: {  	vm9 =	vcmask $0x2320;
	s20 =	sadd.s32 $0x400, s11;
	v0 =	vsel vm7, $0x300, v0;
	v1 =	vsel vm7, $0x2B00, v1;
	s26 =	sadd.s32 $0x1E8500, s16;
	[dreg:$0xb] =	wrdreg s7  }
0x16: {  	vm10 =	vcmask $0x2724;
	s12 =	sadd.s32 s4, s12;
	s28 =	sadd.s32 $0xF4280, s16;
	v0 =	vsel vm8, $0x380, v0;
	v1 =	vsel vm8, $0x2B80, v1;
	[dreg:$0x13] =	wrdreg s26  }
0x17: {  	vm11 =	vcmask $0x2B28;
	s24 =	sadd.s32 $0x600, s11;
	s29 =	sadd.s32 $0x2DC780, s16;
	[dreg:$0x14] =	wrdreg s28;
	v0 =	vsel vm9, $0x1400, v0;
	v1 =	vsel vm9, $0x3C00, v1  }
0x18: {  	vm12 =	vcmask $0x2F2C;
	s1 =	simm.s32 $0x5000;
	s17 =	simm.s32 $0xE000;
	[dreg:$0x15] =	wrdreg s29;
	v0 =	vsel vm10, $0x1480, v0;
	v1 =	vsel vm10, $0x3C80, v1  }
.Ltmp0:
0x19: {  	vm13 =	vcmask $0x3330;
	s15 =	sshrl.u32 s8, $0x3;
	[dreg:$0x5] =	wrdreg s20;
	v0 =	vsel vm11, $0x1500, v0;
	v1 =	vsel vm11, $0x3D00, v1;
	(pc) =	sbr.rel .LBB2_1-.Ltmp0, $4  }
0x1a: {  	vm14 =	vcmask $0x3734;
	s22 =	simm.s32 $0x4;
	[dreg:$0x6] =	wrdreg s12;
	s11 =	sadd.s32 s4, s15;
	v0 =	vsel vm12, $0x1580, v0;
	v1 =	vsel vm12, $0x3D80, v1  }
0x1b: {  	v2 =	vlaneseq.u32;
	s23 =	simm.s32 $0x12000;
	[dreg:$0x7] =	wrdreg s24;
	s15 =	sadd.s32 $0x1D000, s11;
	v0 =	vsel vm13, $0x1600, v0;
	v1 =	vsel vm13, $0x3E00, v1  }
0x1c: {  	vm15 =	vcmask $0x3B38;
	s25 =	simm.s32 $0x0;
	s11 =	sadd.s32 $0x1D800, s11;
	[dreg:$0x8] =	wrdreg s15;
	v0 =	vsel vm14, $0x1680, v0;
	v1 =	vsel vm14, $0x3E80, v1  }
0x1d: {  	v2 =	vmul.u32 $0x80, v2;
	[dreg:$0xa] =	wrdreg s11;
	s11 =	simm.s32 $0xA000;
	s15 =	simm.s32 $0x2;
	v0 =	vsel vm15, $0x1700, v0;
	v1 =	vsel vm15, $0x3F00, v1  }
.LBB2_25:
0x1e: {  	s25 =	sadd.s32 $0x1, s25;
	s7 =	rddreg [dreg:$0xf]  }
0x1f: {  	p2 =	sne.s32 s25, s7  }
.Ltmp1:
0x20: {  	_ = 	snop;
	(pc) =	sbr.rel @!p2 .LBB2_26-.Ltmp1, $1  }
0x21: {  	_ =	sdelay $0x3  }
.LBB2_1:
0x22: {  	[tilespmem:s3], [sflag:$0x1] =	stream.linear.gather [hbm4b:s5+s3], $0x1000, $0x38;
	[tilespmem:$0x13000] =	vst v63  }
0x23: {  	s7 =	rddreg [dreg:$0x10]  }
0x24: {  	[tilespmem:s30], [sflag:$0x1] =	stream.linear.gather [hbm4b:s7+s3], $0x1000, $0x38;
	[tilespmem:$0x13000] =	vst v63  }
0x25: {  	s26 =	rddreg [dreg:$0x11]  }
0x26: {  	[tilespmem:s31], [sflag:$0x1] =	stream.linear.gather [hbm4b:s26+s3], $0x1000, $0x38;
	[tilespmem:$0x13000] =	vst v63  }
0x27: {  	s29 =	rddreg [dreg:$0x12]  }
0x28: {  	[tilespmem:s0], [sflag:$0x1] =	stream.linear.gather [hbm4b:s29+s3], $0x1000, $0x38;
	[tilespmem:$0x13000] =	vst v63  }
0x29: {  	[dreg:$0x16] =	wrdreg s25  }
0x2a: {  	[tilespmem:s1], [sflag:$0x2] =	stream.linear.gather [hbm4b:s16+s3], $0x1000, $0x38;
	[tilespmem:$0x13000] =	vst v63  }
0x2b: {  	v13 =	vimm.s32 $0x0;
	s25 =	rddreg [dreg:$0x14]  }
0x2c: {  	v3 =	vshll.u32 v13, $0x3;
	[tilespmem:s2], [sflag:$0x2] =	stream.linear.gather [hbm4b:s25+s3], $0x1000, $0x38;
	[tilespmem:$0x13000] =	vst v63  }
0x2d: {  	v10 =	vand.u32 $0x60, v13;
	v3 =	vand.u32 $0xFFFFFC00, v3;
	s26 =	rddreg [dreg:$0x13]  }
0x2e: {  	v6 =	vor.u32 $0x1E, v10;
	v18 =	vadd.s32 v0, v3;
	[tilespmem:s19], [sflag:$0x2] =	stream.linear.gather [hbm4b:s26+s3], $0x1000, $0x38;
	[tilespmem:$0x13000] =	vst v63  }
0x2f: {  	v4 =	vor.u32 v6, v18;
	s29 =	rddreg [dreg:$0x15]  }
0x30: {  	v16 =	vadd.s32 v1, v3;
	v3 =	vor.u32 $0xA, v10;
	v5 =	vor.u32 v10, v18;
	[tilespmem:s21], [sflag:$0x2] =	stream.linear.gather [hbm4b:s29+s3], $0x1000, $0x38;
	[tilespmem:$0x13000] =	vst v63  }
0x31: {  	v17 =	vor.u32 $0x1F, v10;
	v7 =	vor.u32 v3, v16;
	_ =	swait.ge [sflag:s9], $0x4000  }
0x32: {  	v8 =	vor.u32 $0x6, v10;
	v9 =	vor.u32 v17, v16;
	[sflag:s9] =	ssyncset.done $0x0  }
0x33: {  	v11 =	vor.u32 $0x1B, v10;
	v12 =	vor.u32 v8, v16;
	[sflag:s9] =	ssyncadd.s32 $0xFFFFC000  }
0x34: {  	v19 =	vor.u32 $0x8, v10;
	v21 =	vor.u32 v11, v16;
	v22 =	vld.idx.msk [tilespmem:v4+s3+$0x0], $0xffff  }
0x35: {  	v23 =	vor.u32 v19, v18;
	v14 =	vld.idx.msk [tilespmem:v5+s3+$0x0], $0xffff  }
0x36: {  	v11 =	vor.u32 v11, v18;
	v25 =	vld.idx.msk [tilespmem:v7+s3+$0x0], $0xffff  }
0x37: {  	v6 =	vor.u32 v6, v16;
	v5 =	vld.idx.msk [tilespmem:v9+s3+$0x0], $0xffff  }
0x38: {  	v34 =	vor.u32 $0xD, v10;
	v8 =	vor.u32 v8, v18;
	v26 =	vld.idx.msk [tilespmem:v12+s3+$0x0], $0xffff  }
0x39: {  	v36 =	vor.u32 v34, v16;
	v27 =	vld.idx.msk [tilespmem:v21+s3+$0x0], $0xffff  }
0x3a: {  	v15 =	vor.u32 $0x2, v10;
	v19 =	vor.u32 v19, v16;
	v23 =	vld.idx.msk [tilespmem:v23+s3+$0x0], $0xffff  }
0x3b: {  	v20 =	vor.u32 $0x1D, v10;
	v4 =	vor.u32 v15, v16;
	v11 =	vld.idx.msk [tilespmem:v11+s3+$0x0], $0xffff  }
0x3c: {  	v7 =	vor.u32 v20, v18;
	v35 =	vld.idx.msk [tilespmem:v6+s3+$0x0], $0xffff  }
0x3d: {  	v24 =	vor.u32 $0x19, v10;
	v9 =	vor.u32 v3, v18;
	v38 =	vld.idx.msk [tilespmem:v8+s3+$0x0], $0xffff  }
0x3e: {  	v43 =	vor.u32 $0xB, v10;
	v29 =	vor.u32 v24, v16;
	v58 =	vld.idx.msk [tilespmem:v36+s3+$0x0], $0xffff  }
0x3f: {  	v59 =	vor.u32 v43, v18;
	v12 =	vor.u32 $0x4, v10;
	v36 =	vld.idx.msk [tilespmem:v19+s3+$0x0], $0xffff  }
0x40: {  	v21 =	vor.u32 $0x3, v10;
	v28 =	vor.u32 v12, v16;
	v4 =	vld.idx.msk [tilespmem:v4+s3+$0x0], $0xffff  }
0x41: {  	v32 =	vor.u32 v21, v16;
	v3 =	vld.idx.msk [tilespmem:v7+s3+$0x0], $0xffff  }
0x42: {  	v6 =	vor.u32 $0x7, v10;
	v12 =	vor.u32 v12, v18;
	v31 =	vld.idx.msk [tilespmem:v9+s3+$0x0], $0xffff  }
0x43: {  	s25 =	simm.s32 $0xA200;
	v37 =	vor.u32 v6, v18;
	v9 =	vld.idx.msk [tilespmem:v29+s3+$0x0], $0xffff  }
0x44: {  	v33 =	vor.u32 $0x1A, v10;
	v39 =	vor.u32 $0xC, v10;
	v6 =	vor.u32 v6, v16;
	[tilespmem:s25+$0x160] =	vst v11;
	v11 =	vld.idx.msk [tilespmem:v59+s3+$0x0], $0xffff  }
0x45: {  	v60 =	vor.u32 $0x10, v10;
	v7 =	vor.u32 $0xF, v10;
	v29 =	vor.u32 v33, v18;
	[tilespmem:s25+$0xFFFFFF50] =	vst v25;
	v28 =	vld.idx.msk [tilespmem:v28+s3+$0x0], $0xffff  }
0x46: {  	v25 =	vor.u32 v39, v16;
	v30 =	vor.u32 v7, v16;
	v8 =	vor.u32 v7, v18;
	v7 =	vld.idx.msk [tilespmem:v32+s3+$0x0], $0xffff  }
0x47: {  	v48 =	vor.u32 $0x11, v10;
	[tilespmem:s25+$0x170] =	vst v27;
	v27 =	vor.u32 v60, v16;
	v57 =	vld.idx.msk [tilespmem:v12+s3+$0x0], $0xffff  }
0x48: {  	[tilespmem:s25+$0x1C0] =	vst v22;
	v22 =	vor.u32 v48, v16;
	v37 =	vld.idx.msk [tilespmem:v37+s3+$0x0], $0xffff  }
0x49: {  	v55 =	vor.u32 v10, v16;
	v45 =	vld.idx.msk [tilespmem:v6+s3+$0x0], $0xffff  }
0x4a: {  	v33 =	vor.u32 v33, v16;
	v6 =	vor.u32 $0xE, v10;
	v42 =	vld.idx.msk [tilespmem:v29+s3+$0x0], $0xffff  }
0x4b: {  	v47 =	vor.u32 v6, v16;
	v61 =	vor.u32 v6, v18;
	v6 =	vld.idx.msk [tilespmem:v25+s3+$0x0], $0xffff  }
0x4c: {  	[tilespmem:s25+$0xFFFFFED0] =	vst v26;
	v27 =	vld.idx.msk [tilespmem:v27+s3+$0x0], $0xffff  }
0x4d: {  	[tilespmem:s25+$0x1D0] =	vst v35;
	v12 =	vor.u32 v34, v18;
	v63 =	vld.idx.msk [tilespmem:v22+s3+$0x0], $0xffff  }
0x4e: {  	v40 =	vor.u32 v39, v18;
	[tilespmem:s25+$0xFFFFFEC0] =	vst v38;
	v25 =	vor.u32 v60, v18;
	v60 =	vld.idx.msk [tilespmem:v55+s3+$0x0], $0xffff  }
0x4f: {  	v41 =	vor.u32 $0x9, v10;
	[tilespmem:s25+$0xFFFFFF00] =	vst v23;
	v33 =	vld.idx.msk [tilespmem:v33+s3+$0x0], $0xffff  }
0x50: {  	v29 =	vor.u32 v41, v16;
	[tilespmem:s25+$0xFFFFFF40] =	vst v31;
	v30 =	vld.idx.msk [tilespmem:v30+s3+$0x0], $0xffff  }
0x51: {  	[tilespmem:s25+$0xFFFFFE00] =	vst v14;
	v44 =	vld.idx.msk [tilespmem:v8+s3+$0x0], $0xffff  }
0x52: {  	v46 =	vld.idx.msk [tilespmem:v12+s3+$0x0], $0xffff;
	[tilespmem:s25+$0xFFFFFE90] =	vst v28  }
0x53: {  	v62 =	vor.u32 $0x13, v10;
	v31 =	vor.u32 v48, v18;
	v8 =	vld.idx.msk [tilespmem:v40+s3+$0x0], $0xffff;
	[tilespmem:s25+$0xFFFFFEE0] =	vst v37  }
0x54: {  	v53 =	vor.u32 $0x14, v10;
	v22 =	vor.u32 v62, v18;
	[tilespmem:s25+$0xFFFFFE80] =	vst v57;
	v28 =	vld.idx.msk [tilespmem:v47+s3+$0x0], $0xffff  }
0x55: {  	v35 =	vor.u32 v62, v16;
	v62 =	vor.u32 v53, v16;
	[tilespmem:s25+$0xFFFFFEF0] =	vst v45;
	v12 =	vld.idx.msk [tilespmem:v29+s3+$0x0], $0xffff;
	v29 =	vor.u32 $0x12, v10  }
0x56: {  	[tilespmem:s25+$0xFFFFFFB0] =	vst v58;
	v52 =	vld.idx.msk [tilespmem:v61+s3+$0x0], $0xffff;
	v26 =	vor.u32 v29, v16;
	v29 =	vor.u32 v29, v18  }
0x57: {  	v56 =	vor.u32 $0x15, v10;
	v54 =	vor.u32 v53, v18;
	v25 =	vld.idx.msk [tilespmem:v25+s3+$0x0], $0xffff;
	[tilespmem:s25+$0x10] =	vst v27  }
0x58: {  	v58 =	vor.u32 v56, v18;
	v31 =	vld.idx.msk [tilespmem:v31+s3+$0x0], $0xffff;
	[tilespmem:s25+$0x30] =	vst v63  }
0x59: {  	v57 =	vld.idx.msk [tilespmem:v22+s3+$0x0], $0xffff;
	[tilespmem:s25+$0xFFFFFFA0] =	vst v46  }
0x5a: {  	v47 =	vor.u32 $0x5, v10;
	v14 =	vld.idx.msk [tilespmem:v62+s3+$0x0], $0xffff;
	[tilespmem:s25+$0xFFFFFFE0] =	vst v44  }
0x5b: {  	v51 =	vor.u32 v47, v18;
	v22 =	vor.u32 $0x16, v10;
	v44 =	vor.u32 v56, v16;
	[tilespmem:s25+$0xFFFFFFF0] =	vst v30;
	v29 =	vld.idx.msk [tilespmem:v29+s3+$0x0], $0xffff  }
0x5c: {  	v30 =	vor.u32 v22, v18;
	v59 =	vor.u32 v22, v16;
	v22 =	vld.idx.msk [tilespmem:v54+s3+$0x0], $0xffff;
	[tilespmem:s25+$0x0] =	vst v25;
	v25 =	vor.u32 $0x17, v10  }
0x5d: {  	v46 =	vld.idx.msk [tilespmem:v58+s3+$0x0], $0xffff;
	[tilespmem:s25+$0x20] =	vst v31;
	v31 =	vor.u32 v25, v18  }
0x5e: {  	[tilespmem:s25+$0xFFFFFFD0] =	vst v28;
	v28 =	vld.idx.msk [tilespmem:v35+s3+$0x0], $0xffff;
	v25 =	vor.u32 v25, v16  }
0x5f: {  	[tilespmem:s25+$0xFFFFFE10] =	vst v60;
	v26 =	vld.idx.msk [tilespmem:v26+s3+$0x0], $0xffff  }
0x60: {  	v34 =	vld.idx.msk [tilespmem:v51+s3+$0x0], $0xffff;
	[tilespmem:s25+$0x40] =	vst v29;
	v29 =	vor.u32 $0x18, v10  }
0x61: {  	[tilespmem:s25+$0x140] =	vst v42;
	v44 =	vld.idx.msk [tilespmem:v44+s3+$0x0], $0xffff;
	v27 =	vor.u32 v29, v18  }
0x62: {  	[tilespmem:s25+$0xFFFFFFC0] =	vst v52;
	v40 =	vld.idx.msk [tilespmem:v31+s3+$0x0], $0xffff;
	v31 =	vor.u32 $0x1, v10;
	v61 =	vor.u32 v29, v16  }
0x63: {  	[tilespmem:s25+$0x60] =	vst v57;
	v39 =	vld.idx.msk [tilespmem:v25+s3+$0x0], $0xffff;
	v25 =	vor.u32 v31, v18  }
0x64: {  	v30 =	vld.idx.msk [tilespmem:v30+s3+$0x0], $0xffff;
	[tilespmem:s25+$0x50] =	vst v26;
	v26 =	vor.u32 v31, v16  }
0x65: {  	v35 =	vld.idx.msk [tilespmem:v59+s3+$0x0], $0xffff;
	[tilespmem:s25+$0x70] =	vst v28;
	v28 =	vor.u32 v24, v18;
	v31 =	vor.u32 $0x1C, v10  }
0x66: {  	v24 =	vor.u32 v41, v18;
	v10 =	vor.u32 v15, v18;
	v63 =	vor.u32 v31, v18;
	v29 =	vld.idx.msk [tilespmem:v27+s3+$0x0], $0xffff  }
0x67: {  	v15 =	vor.u32 v21, v18;
	v38 =	vld.idx.msk [tilespmem:v61+s3+$0x0], $0xffff;
	v27 =	vor.u32 v17, v18;
	v18 =	vor.u32 v31, v16  }
0x68: {  	[tilespmem:s25+$0xA0] =	vst v46;
	v21 =	vld.idx.msk [tilespmem:v25+s3+$0x0], $0xffff  }
0x69: {  	[tilespmem:s25+$0xC0] =	vst v30;
	v17 =	vld.idx.msk [tilespmem:v26+s3+$0x0], $0xffff  }
0x6a: {  	v19 =	vor.u32 v47, v16;
	[tilespmem:s25+$0xB0] =	vst v44;
	v25 =	vld.idx.msk [tilespmem:v28+s3+$0x0], $0xffff  }
0x6b: {  	s28 =	simm.s32 $0xA200;
	v13 =	vadd.s32 $0x20, v13;
	s26 =	simm.s32 $0x0;
	v23 =	vor.u32 v20, v16;
	[tilespmem:s25+$0xD0] =	vst v35;
	v26 =	vor.u32 v43, v16;
	v35 =	vld.idx.msk [tilespmem:v63+s3+$0x0], $0xffff  }
.LBB2_2:
0x6c: {  	v16 =	vand.u32 $0x60, v13;
	v20 =	vshll.u32 v13, $0x3;
	s26 =	sadd.s32 $0x20, s26;
	[tilespmem:s25+$0x130] =	vst v9;
	v37 =	vld.idx.msk [tilespmem:v18+s3+$0x0], $0xffff;
	s28 =	sadd.s32 $0x400, s28  }
0x6d: {  	v9 =	vand.u32 $0xFFFFFC00, v20;
	v28 =	vor.u32 $0x6, v16;
	v42 =	vor.u32 $0x1F, v16;
	p2 =	slt.u32 s26, $0x1E0;
	[tilespmem:s25+$0xE0] =	vst v40;
	v43 =	vld.idx.msk [tilespmem:v27+s3+$0x0], $0xffff  }
0x6e: {  	v27 =	vor.u32 $0x4, v16;
	v30 =	vor.u32 $0x1B, v16;
	v18 =	vadd.s32 v1, v9;
	v40 =	vld.idx.msk [tilespmem:v15+s3+$0x0], $0xffff;
	[tilespmem:s25+$0xF0] =	vst v39  }
0x6f: {  	v31 =	vor.u32 $0x1E, v16;
	v20 =	vadd.s32 v0, v9;
	v9 =	vor.u32 $0x8, v16;
	v41 =	vld.idx.msk [tilespmem:v19+s3+$0x0], $0xffff;
	[tilespmem:s25+$0x1F0] =	vst v5  }
0x70: {  	v15 =	vor.u32 $0xA, v16;
	v5 =	vor.u32 $0x2, v16;
	v19 =	vor.u32 v31, v20;
	v44 =	vld.idx.msk [tilespmem:v10+s3+$0x0], $0xffff;
	[tilespmem:s25+$0x100] =	vst v29  }
0x71: {  	v39 =	vor.u32 v15, v18;
	v29 =	vor.u32 v16, v20;
	v32 =	vor.u32 v5, v18;
	[tilespmem:s25+$0xFFFFFEA0] =	vst v34  }
0x72: {  	v45 =	vor.u32 $0x1, v16;
	v10 =	vor.u32 v5, v20;
	v5 =	vor.u32 v42, v18;
	[tilespmem:s25+$0xFFFFFE70] =	vst v7;
	v7 =	vld.idx.msk [tilespmem:v24+s3+$0x0], $0xffff  }
0x73: {  	v47 =	vor.u32 $0x1D, v16;
	v46 =	vor.u32 v28, v18;
	v24 =	vor.u32 v27, v18;
	[tilespmem:s25+$0xFFFFFE50] =	vst v4;
	v23 =	vld.idx.msk [tilespmem:v23+s3+$0x0], $0xffff  }
0x74: {  	v48 =	vor.u32 v15, v20;
	v49 =	vor.u32 v30, v18;
	v4 =	vor.u32 $0x3, v16;
	[tilespmem:s25+$0xFFFFFF30] =	vst v12;
	v12 =	vld.idx.msk [tilespmem:v26+s3+$0x0], $0xffff  }
0x75: {  	v15 =	vor.u32 v4, v20;
	v26 =	vor.u32 v28, v20;
	v28 =	vor.u32 $0x19, v16;
	v50 =	vld.idx.msk [tilespmem:v19+s3+$0x0], $0xffff;
	[tilespmem:s25+$0xFFFFFF60] =	vst v11  }
0x76: {  	v51 =	vor.u32 v31, v18;
	v11 =	vor.u32 v4, v18;
	v29 =	vld.idx.msk [tilespmem:v29+s3+$0x0], $0xffff;
	[tilespmem:s25+$0xFFFFFF10] =	vst v36  }
0x77: {  	v52 =	vor.u32 v27, v20;
	v27 =	vor.u32 v30, v20;
	v36 =	vor.u32 v47, v20;
	v53 =	vld.idx.msk [tilespmem:v39+s3+$0x0], $0xffff  }
0x78: {  	v54 =	vor.u32 v9, v20;
	v4 =	vor.u32 $0x5, v16;
	v55 =	vor.u32 v28, v18;
	v5 =	vld.idx.msk [tilespmem:v5+s3+$0x0], $0xffff;
	[tilespmem:s25+$0x150] =	vst v33  }
0x79: {  	v34 =	vor.u32 v4, v20;
	v39 =	vor.u32 v16, v18;
	v46 =	vld.idx.msk [tilespmem:v46+s3+$0x0], $0xffff;
	[tilespmem:s25+$0x1A0] =	vst v3  }
0x7a: {  	v28 =	vor.u32 v28, v20;
	v19 =	vor.u32 v4, v18;
	v3 =	vor.u32 $0x1A, v16;
	v49 =	vld.idx.msk [tilespmem:v49+s3+$0x0], $0xffff;
	[tilespmem:s25+$0x110] =	vst v38  }
0x7b: {  	v38 =	vor.u32 v3, v20;
	v33 =	vor.u32 v3, v18;
	v4 =	vld.idx.msk [tilespmem:v32+s3+$0x0], $0xffff;
	[tilespmem:s25+$0x1B0] =	vst v23  }
0x7c: {  	v31 =	vor.u32 v45, v20;
	v30 =	vor.u32 v45, v18;
	v23 =	vor.u32 $0xF, v16;
	v3 =	vld.idx.msk [tilespmem:v36+s3+$0x0], $0xffff;
	[tilespmem:s25+$0xFFFFFF80] =	vst v8  }
0x7d: {  	v8 =	vor.u32 $0x7, v16;
	v45 =	vor.u32 v23, v20;
	v32 =	vld.idx.msk [tilespmem:v54+s3+$0x0], $0xffff;
	v54 =	vor.u32 v23, v18;
	[tilespmem:s25+$0xFFFFFE40] =	vst v44  }
0x7e: {  	v44 =	vor.u32 v8, v20;
	v8 =	vor.u32 v8, v18;
	v48 =	vld.idx.msk [tilespmem:v48+s3+$0x0], $0xffff;
	[tilespmem:s25+$0x80] =	vst v22  }
0x7f: {  	v36 =	vor.u32 v9, v18;
	v9 =	vor.u32 $0xD, v16;
	v22 =	vld.idx.msk [tilespmem:v27+s3+$0x0], $0xffff;
	v27 =	vor.u32 v42, v20;
	[tilespmem:s25+$0xFFFFFF20] =	vst v7  }
0x80: {  	v56 =	vor.u32 v9, v18;
	v7 =	vor.u32 $0x9, v16;
	v42 =	vld.idx.msk [tilespmem:v24+s3+$0x0], $0xffff;
	[tilespmem:s28+$0xFFFFFF50] =	vst v53;
	v53 =	vor.u32 v9, v20  }
0x81: {  	v24 =	vor.u32 v7, v20;
	v57 =	vor.u32 v7, v18;
	v9 =	vld.idx.msk [tilespmem:v55+s3+$0x0], $0xffff;
	[tilespmem:s28+$0x170] =	vst v49  }
0x82: {  	v23 =	vor.u32 v47, v18;
	v47 =	vld.idx.msk [tilespmem:v51+s3+$0x0], $0xffff;
	[tilespmem:s25+$0xFFFFFF70] =	vst v12  }
0x83: {  	v49 =	vld.idx.msk [tilespmem:v54+s3+$0x0], $0xffff;
	[tilespmem:s25+$0x1E0] =	vst v43  }
0x84: {  	v12 =	vor.u32 $0xB, v16;
	v43 =	vld.idx.msk [tilespmem:v26+s3+$0x0], $0xffff;
	[tilespmem:s25+$0x180] =	vst v35  }
0x85: {  	v7 =	vld.idx.msk [tilespmem:v11+s3+$0x0], $0xffff;
	v11 =	vor.u32 v12, v20;
	[tilespmem:s28+$0x160] =	vst v22  }
0x86: {  	v26 =	vor.u32 v12, v18;
	v12 =	vor.u32 $0xC, v16;
	v22 =	vld.idx.msk [tilespmem:v52+s3+$0x0], $0xffff;
	[tilespmem:s25+$0xFFFFFF90] =	vst v6  }
0x87: {  	v6 =	vor.u32 v12, v20;
	v35 =	vld.idx.msk [tilespmem:v38+s3+$0x0], $0xffff;
	[tilespmem:s28+$0x1C0] =	vst v50  }
0x88: {  	v38 =	vor.u32 v12, v18;
	v12 =	vor.u32 $0xE, v16;
	v50 =	vld.idx.msk [tilespmem:v56+s3+$0x0], $0xffff;
	[tilespmem:s25+$0xFFFFFEB0] =	vst v41  }
0x89: {  	[tilespmem:s28+$0xFFFFFED0] =	vst v46;
	v41 =	vld.idx.msk [tilespmem:v44+s3+$0x0], $0xffff;
	v44 =	vor.u32 v12, v20;
	v46 =	vor.u32 v12, v18  }
0x8a: {  	v12 =	vor.u32 $0x10, v16;
	[tilespmem:s28+$0xFFFFFF40] =	vst v48;
	v45 =	vld.idx.msk [tilespmem:v45+s3+$0x0], $0xffff  }
0x8b: {  	v51 =	vor.u32 v12, v20;
	v52 =	vor.u32 v12, v18;
	v48 =	vld.idx.msk [tilespmem:v8+s3+$0x0], $0xffff;
	[tilespmem:s28+$0x1D0] =	vst v47  }
0x8c: {  	v8 =	vor.u32 $0x11, v16;
	v47 =	vld.idx.msk [tilespmem:v53+s3+$0x0], $0xffff;
	[tilespmem:s25+$0x190] =	vst v37  }
0x8d: {  	v37 =	vor.u32 v8, v20;
	v53 =	vor.u32 v8, v18;
	v12 =	vld.idx.msk [tilespmem:v57+s3+$0x0], $0xffff;
	[tilespmem:s25+$0xFFFFFE60] =	vst v40  }
0x8e: {  	v40 =	vor.u32 $0x12, v16;
	v11 =	vld.idx.msk [tilespmem:v11+s3+$0x0], $0xffff;
	[tilespmem:s25+$0x120] =	vst v25  }
0x8f: {  	v25 =	vor.u32 v40, v20;
	v40 =	vor.u32 v40, v18;
	[tilespmem:s28+$0xFFFFFE90] =	vst v42;
	v8 =	vld.idx.msk [tilespmem:v6+s3+$0x0], $0xffff  }
0x90: {  	v6 =	vld.idx.msk [tilespmem:v38+s3+$0x0], $0xffff;
	v38 =	vor.u32 $0x13, v16;
	[tilespmem:s25+$0xFFFFFE20] =	vst v21  }
0x91: {  	[tilespmem:s28+$0xFFFFFEC0] =	vst v43;
	v21 =	vld.idx.msk [tilespmem:v52+s3+$0x0], $0xffff;
	v42 =	vor.u32 v38, v20;
	v38 =	vor.u32 v38, v18  }
0x92: {  	[tilespmem:s28+$0xFFFFFEE0] =	vst v41;
	v41 =	vld.idx.msk [tilespmem:v46+s3+$0x0], $0xffff  }
0x93: {  	[tilespmem:s28+$0xFFFFFE80] =	vst v22;
	v43 =	vld.idx.msk [tilespmem:v53+s3+$0x0], $0xffff  }
0x94: {  	[tilespmem:s28+$0xFFFFFEF0] =	vst v48;
	v46 =	vld.idx.msk [tilespmem:v40+s3+$0x0], $0xffff  }
0x95: {  	v40 =	vld.idx.msk [tilespmem:v44+s3+$0x0], $0xffff;
	[tilespmem:s25+$0xFFFFFE30] =	vst v17  }
0x96: {  	v22 =	vor.u32 $0x14, v16;
	v17 =	vld.idx.msk [tilespmem:v51+s3+$0x0], $0xffff;
	[tilespmem:s25+$0x90] =	vst v14;
	s25 =	smov.u32 s28  }
0x97: {  	v44 =	vor.u32 v22, v18;
	[tilespmem:s28+$0xFFFFFFA0] =	vst v47;
	v14 =	vld.idx.msk [tilespmem:v37+s3+$0x0], $0xffff;
	v37 =	vor.u32 v22, v20  }
0x98: {  	v22 =	vor.u32 $0x15, v16;
	[tilespmem:s28+$0xFFFFFFE0] =	vst v45;
	v25 =	vld.idx.msk [tilespmem:v25+s3+$0x0], $0xffff  }
0x99: {  	v45 =	vor.u32 v22, v20;
	v47 =	vor.u32 v22, v18;
	[tilespmem:s28+$0xFFFFFFB0] =	vst v50;
	v42 =	vld.idx.msk [tilespmem:v42+s3+$0x0], $0xffff  }
0x9a: {  	v22 =	vor.u32 $0x16, v16;
	v34 =	vld.idx.msk [tilespmem:v34+s3+$0x0], $0xffff;
	[tilespmem:s28+$0xFFFFFFD0] =	vst v41  }
0x9b: {  	v48 =	vor.u32 v22, v18;
	v41 =	vor.u32 v22, v20;
	[tilespmem:s28+$0xFFFFFFF0] =	vst v49;
	v38 =	vld.idx.msk [tilespmem:v38+s3+$0x0], $0xffff  }
0x9c: {  	[tilespmem:s28+$0x0] =	vst v17;
	v22 =	vld.idx.msk [tilespmem:v37+s3+$0x0], $0xffff;
	v17 =	vor.u32 $0x17, v16  }
0x9d: {  	v37 =	vld.idx.msk [tilespmem:v39+s3+$0x0], $0xffff;
	[tilespmem:s28+$0x20] =	vst v14;
	v14 =	vor.u32 v17, v20;
	v17 =	vor.u32 v17, v18  }
0x9e: {  	v39 =	vor.u32 $0x18, v16;
	[tilespmem:s28+$0x40] =	vst v25;
	v25 =	vld.idx.msk [tilespmem:v45+s3+$0x0], $0xffff  }
0x9f: {  	[tilespmem:s28+$0x10] =	vst v21;
	v45 =	vld.idx.msk [tilespmem:v47+s3+$0x0], $0xffff;
	v21 =	vor.u32 v39, v20;
	v47 =	vor.u32 v39, v18  }
0xa0: {  	[tilespmem:s28+$0xFFFFFFC0] =	vst v40;
	v41 =	vld.idx.msk [tilespmem:v41+s3+$0x0], $0xffff  }
0xa1: {  	[tilespmem:s28+$0x30] =	vst v43;
	v43 =	vld.idx.msk [tilespmem:v48+s3+$0x0], $0xffff  }
0xa2: {  	[tilespmem:s28+$0x60] =	vst v42;
	v40 =	vld.idx.msk [tilespmem:v14+s3+$0x0], $0xffff  }
0xa3: {  	[tilespmem:s28+$0xFFFFFE00] =	vst v29;
	v39 =	vld.idx.msk [tilespmem:v17+s3+$0x0], $0xffff  }
0xa4: {  	[tilespmem:s28+$0x50] =	vst v46;
	v29 =	vld.idx.msk [tilespmem:v21+s3+$0x0], $0xffff  }
0xa5: {  	[tilespmem:s28+$0x70] =	vst v38;
	v38 =	vld.idx.msk [tilespmem:v47+s3+$0x0], $0xffff  }
0xa6: {  	v16 =	vor.u32 $0x1C, v16;
	[tilespmem:s28+$0xFFFFFE10] =	vst v37;
	v14 =	vld.idx.msk [tilespmem:v44+s3+$0x0], $0xffff  }
0xa7: {  	v20 =	vor.u32 v16, v20;
	v18 =	vor.u32 v16, v18;
	[tilespmem:s28+$0xA0] =	vst v25;
	v33 =	vld.idx.msk [tilespmem:v33+s3+$0x0], $0xffff  }
.Ltmp2:
0xa8: {  	v36 =	vld.idx.msk [tilespmem:v36+s3+$0x0], $0xffff;
	[tilespmem:s28+$0xC0] =	vst v41;
	(pc) =	sbr.rel @p2 .LBB2_2-.Ltmp2, $4  }
0xa9: {  	v21 =	vld.idx.msk [tilespmem:v31+s3+$0x0], $0xffff;
	[tilespmem:s28+$0x140] =	vst v35  }
0xaa: {  	v17 =	vld.idx.msk [tilespmem:v30+s3+$0x0], $0xffff;
	[tilespmem:s28+$0xFFFFFF00] =	vst v32  }
0xab: {  	[tilespmem:s28+$0xB0] =	vst v45;
	v25 =	vld.idx.msk [tilespmem:v28+s3+$0x0], $0xffff  }
0xac: {  	v13 =	vadd.s32 $0x20, v13;
	[tilespmem:s28+$0xD0] =	vst v43;
	v35 =	vld.idx.msk [tilespmem:v20+s3+$0x0], $0xffff  }
0xad: {  	_ = 	snop  }
0xae: {  	[tilespmem:s25+$0x130] =	vst v9  }
0xaf: {  	[tilespmem:s25+$0xE0] =	vst v40  }
0xb0: {  	[tilespmem:s25+$0xF0] =	vst v39  }
0xb1: {  	v9 =	vld.idx.msk [tilespmem:v27+s3+$0x0], $0xffff;
	[tilespmem:s25+$0x1F0] =	vst v5  }
0xb2: {  	[tilespmem:s25+$0x100] =	vst v29  }
0xb3: {  	v5 =	vld.idx.msk [tilespmem:v19+s3+$0x0], $0xffff;
	[tilespmem:s25+$0xFFFFFEA0] =	vst v34  }
0xb4: {  	v13 =	vld.idx.msk [tilespmem:v15+s3+$0x0], $0xffff;
	[tilespmem:s25+$0xFFFFFE70] =	vst v7  }
0xb5: {  	v10 =	vld.idx.msk [tilespmem:v10+s3+$0x0], $0xffff;
	[tilespmem:s25+$0xFFFFFE50] =	vst v4  }
0xb6: {  	v7 =	vld.idx.msk [tilespmem:v24+s3+$0x0], $0xffff;
	[tilespmem:s25+$0xFFFFFF30] =	vst v12  }
0xb7: {  	v4 =	vld.idx.msk [tilespmem:v26+s3+$0x0], $0xffff;
	[tilespmem:s25+$0xFFFFFF60] =	vst v11  }
0xb8: {  	[tilespmem:s25+$0xFFFFFF10] =	vst v36  }
0xb9: {  	[tilespmem:s25+$0x150] =	vst v33  }
0xba: {  	v12 =	vld.idx.msk [tilespmem:v23+s3+$0x0], $0xffff;
	[tilespmem:s25+$0x1A0] =	vst v3  }
0xbb: {  	[tilespmem:s25+$0x110] =	vst v38  }
0xbc: {  	[tilespmem:s25+$0xFFFFFF80] =	vst v8  }
0xbd: {  	[tilespmem:s25+$0x80] =	vst v22  }
0xbe: {  	[tilespmem:s25+$0xFFFFFF90] =	vst v6  }
0xbf: {  	[tilespmem:s25+$0x90] =	vst v14  }
0xc0: {  	[tilespmem:s25+$0xFFFFFE20] =	vst v21  }
0xc1: {  	[tilespmem:s25+$0xFFFFFE30] =	vst v17  }
0xc2: {  	[tilespmem:s25+$0x120] =	vst v25  }
0xc3: {  	v3 =	vld.idx.msk [tilespmem:v18+s3+$0x0], $0xffff;
	[tilespmem:s25+$0x180] =	vst v35  }
0xc4: {  	[tilespmem:s25+$0x1B0] =	vst v12  }
0xc5: {  	[tilespmem:s25+$0xFFFFFE40] =	vst v10  }
0xc6: {  	[tilespmem:s25+$0xFFFFFF20] =	vst v7  }
0xc7: {  	[tilespmem:s25+$0xFFFFFF70] =	vst v4  }
0xc8: {  	[tilespmem:s25+$0x1E0] =	vst v9  }
0xc9: {  	[tilespmem:s25+$0xFFFFFEB0] =	vst v5  }
0xca: {  	[tilespmem:s25+$0x190] =	vst v3  }
0xcb: {  	[tilespmem:s25+$0xFFFFFE60] =	vst v13  }
0xcc: {  	[hbm4b:s10+s3] =	stream.linear.scatter [tilespmem:s11], [sflag:$0x3], $0x4000, $0x38;
	[tilespmem:$0x13000] =	vst v63  }
0xcd: {  	_ = 	snop  }
0xce: {  	[tilespmem:s3], [sflag:$0x1] =	stream.linear.gather [hbm4b:s20+s3], $0x1000, $0x38;
	[tilespmem:$0x13000] =	vst v63  }
0xcf: {  	s7 =	sadd.s32 $0xF4280, s20;
	v13 =	vimm.s32 $0x0  }
0xd0: {  	v3 =	vshll.u32 v13, $0x3;
	[tilespmem:s30], [sflag:$0x1] =	stream.linear.gather [hbm4b:s7+s3], $0x1000, $0x38;
	[tilespmem:$0x13000] =	vst v63  }
0xd1: {  	s26 =	sadd.s32 $0x1E8500, s20;
	v10 =	vand.u32 $0x60, v13;
	v3 =	vand.u32 $0xFFFFFC00, v3  }
0xd2: {  	v6 =	vor.u32 $0x1E, v10;
	v18 =	vadd.s32 v0, v3;
	[tilespmem:s31], [sflag:$0x1] =	stream.linear.gather [hbm4b:s26+s3], $0x1000, $0x38;
	[tilespmem:$0x13000] =	vst v63  }
0xd3: {  	s29 =	sadd.s32 $0x2DC780, s20;
	v4 =	vor.u32 v6, v18  }
0xd4: {  	v16 =	vadd.s32 v1, v3;
	v3 =	vor.u32 $0xA, v10;
	v5 =	vor.u32 v10, v18;
	[tilespmem:s0], [sflag:$0x1] =	stream.linear.gather [hbm4b:s29+s3], $0x1000, $0x38;
	[tilespmem:$0x13000] =	vst v63  }
0xd5: {  	v17 =	vor.u32 $0x1F, v10;
	v7 =	vor.u32 v3, v16;
	_ =	swait.ge [sflag:s15], $0x4000  }
0xd6: {  	v8 =	vor.u32 $0x6, v10;
	v9 =	vor.u32 v17, v16;
	[sflag:s15] =	ssyncset.done $0x0  }
0xd7: {  	v11 =	vor.u32 $0x1B, v10;
	v12 =	vor.u32 v8, v16;
	[sflag:s15] =	ssyncadd.s32 $0xFFFFC000  }
0xd8: {  	v19 =	vor.u32 $0x8, v10;
	v21 =	vor.u32 v11, v16;
	v22 =	vld.idx.msk [tilespmem:v4+s1+$0x0], $0xffff  }
0xd9: {  	v23 =	vor.u32 v19, v18;
	v14 =	vld.idx.msk [tilespmem:v5+s1+$0x0], $0xffff  }
0xda: {  	v11 =	vor.u32 v11, v18;
	v25 =	vld.idx.msk [tilespmem:v7+s1+$0x0], $0xffff  }
0xdb: {  	v6 =	vor.u32 v6, v16;
	v5 =	vld.idx.msk [tilespmem:v9+s1+$0x0], $0xffff  }
0xdc: {  	v52 =	vor.u32 $0xD, v10;
	v8 =	vor.u32 v8, v18;
	v26 =	vld.idx.msk [tilespmem:v12+s1+$0x0], $0xffff  }
0xdd: {  	v54 =	vor.u32 v52, v16;
	v27 =	vld.idx.msk [tilespmem:v21+s1+$0x0], $0xffff  }
0xde: {  	v15 =	vor.u32 $0x2, v10;
	v19 =	vor.u32 v19, v16;
	v23 =	vld.idx.msk [tilespmem:v23+s1+$0x0], $0xffff  }
0xdf: {  	v20 =	vor.u32 $0x1D, v10;
	v4 =	vor.u32 v15, v16;
	v11 =	vld.idx.msk [tilespmem:v11+s1+$0x0], $0xffff  }
0xe0: {  	v7 =	vor.u32 v20, v18;
	v53 =	vld.idx.msk [tilespmem:v6+s1+$0x0], $0xffff  }
0xe1: {  	v24 =	vor.u32 $0x19, v10;
	v9 =	vor.u32 v3, v18;
	v55 =	vld.idx.msk [tilespmem:v8+s1+$0x0], $0xffff  }
0xe2: {  	v43 =	vor.u32 $0xB, v10;
	v29 =	vor.u32 v24, v16;
	v34 =	vld.idx.msk [tilespmem:v54+s1+$0x0], $0xffff  }
0xe3: {  	v57 =	vor.u32 v43, v18;
	v12 =	vor.u32 $0x4, v10;
	v36 =	vld.idx.msk [tilespmem:v19+s1+$0x0], $0xffff  }
0xe4: {  	v21 =	vor.u32 $0x3, v10;
	v28 =	vor.u32 v12, v16;
	v4 =	vld.idx.msk [tilespmem:v4+s1+$0x0], $0xffff  }
0xe5: {  	v32 =	vor.u32 v21, v16;
	v3 =	vld.idx.msk [tilespmem:v7+s1+$0x0], $0xffff  }
0xe6: {  	v6 =	vor.u32 $0x7, v10;
	v12 =	vor.u32 v12, v18;
	v31 =	vld.idx.msk [tilespmem:v9+s1+$0x0], $0xffff  }
0xe7: {  	s25 =	simm.s32 $0xE200;
	v37 =	vor.u32 v6, v18;
	v9 =	vld.idx.msk [tilespmem:v29+s1+$0x0], $0xffff  }
0xe8: {  	v33 =	vor.u32 $0x1A, v10;
	v58 =	vor.u32 $0xC, v10;
	v6 =	vor.u32 v6, v16;
	[tilespmem:s25+$0x160] =	vst v11;
	v11 =	vld.idx.msk [tilespmem:v57+s1+$0x0], $0xffff  }
0xe9: {  	v60 =	vor.u32 $0x10, v10;
	v7 =	vor.u32 $0xF, v10;
	v29 =	vor.u32 v33, v18;
	[tilespmem:s25+$0xFFFFFF50] =	vst v25;
	v28 =	vld.idx.msk [tilespmem:v28+s1+$0x0], $0xffff  }
0xea: {  	v25 =	vor.u32 v58, v16;
	v30 =	vor.u32 v7, v16;
	v8 =	vor.u32 v7, v18;
	v7 =	vld.idx.msk [tilespmem:v32+s1+$0x0], $0xffff  }
0xeb: {  	v48 =	vor.u32 $0x11, v10;
	[tilespmem:s25+$0x170] =	vst v27;
	v27 =	vor.u32 v60, v16;
	v56 =	vld.idx.msk [tilespmem:v12+s1+$0x0], $0xffff  }
0xec: {  	[tilespmem:s25+$0x1C0] =	vst v22;
	v22 =	vor.u32 v48, v16;
	v37 =	vld.idx.msk [tilespmem:v37+s1+$0x0], $0xffff  }
0xed: {  	[tilespmem:s25+$0xFFFFFEC0] =	vst v55;
	v55 =	vor.u32 v10, v16;
	v45 =	vld.idx.msk [tilespmem:v6+s1+$0x0], $0xffff  }
0xee: {  	v33 =	vor.u32 v33, v16;
	v6 =	vor.u32 $0xE, v10;
	v42 =	vld.idx.msk [tilespmem:v29+s1+$0x0], $0xffff  }
0xef: {  	v47 =	vor.u32 v6, v16;
	v61 =	vor.u32 v6, v18;
	v6 =	vld.idx.msk [tilespmem:v25+s1+$0x0], $0xffff  }
0xf0: {  	v27 =	vld.idx.msk [tilespmem:v27+s1+$0x0], $0xffff  }
0xf1: {  	[tilespmem:s25+$0xFFFFFED0] =	vst v26;
	v12 =	vor.u32 v52, v18;
	v63 =	vld.idx.msk [tilespmem:v22+s1+$0x0], $0xffff  }
0xf2: {  	v59 =	vor.u32 v58, v18;
	[tilespmem:s25+$0x1D0] =	vst v53;
	v25 =	vor.u32 v60, v18;
	v60 =	vld.idx.msk [tilespmem:v55+s1+$0x0], $0xffff  }
0xf3: {  	v41 =	vor.u32 $0x9, v10;
	[tilespmem:s25+$0xFFFFFF00] =	vst v23;
	v33 =	vld.idx.msk [tilespmem:v33+s1+$0x0], $0xffff  }
0xf4: {  	v29 =	vor.u32 v41, v16;
	[tilespmem:s25+$0xFFFFFF40] =	vst v31;
	v30 =	vld.idx.msk [tilespmem:v30+s1+$0x0], $0xffff  }
0xf5: {  	[tilespmem:s25+$0xFFFFFE00] =	vst v14;
	v44 =	vld.idx.msk [tilespmem:v8+s1+$0x0], $0xffff  }
0xf6: {  	v46 =	vld.idx.msk [tilespmem:v12+s1+$0x0], $0xffff;
	[tilespmem:s25+$0xFFFFFE90] =	vst v28  }
0xf7: {  	v62 =	vor.u32 $0x13, v10;
	v31 =	vor.u32 v48, v18;
	v8 =	vld.idx.msk [tilespmem:v59+s1+$0x0], $0xffff;
	[tilespmem:s25+$0xFFFFFEE0] =	vst v37  }
0xf8: {  	v53 =	vor.u32 $0x14, v10;
	v22 =	vor.u32 v62, v18;
	[tilespmem:s25+$0xFFFFFE80] =	vst v56;
	v28 =	vld.idx.msk [tilespmem:v47+s1+$0x0], $0xffff  }
0xf9: {  	v35 =	vor.u32 v62, v16;
	v62 =	vor.u32 v53, v16;
	[tilespmem:s25+$0xFFFFFEF0] =	vst v45;
	v12 =	vld.idx.msk [tilespmem:v29+s1+$0x0], $0xffff;
	v29 =	vor.u32 $0x12, v10  }
0xfa: {  	[tilespmem:s25+$0xFFFFFFB0] =	vst v34;
	v52 =	vld.idx.msk [tilespmem:v61+s1+$0x0], $0xffff;
	v26 =	vor.u32 v29, v16;
	v29 =	vor.u32 v29, v18  }
0xfb: {  	v54 =	vor.u32 v53, v18;
	v25 =	vld.idx.msk [tilespmem:v25+s1+$0x0], $0xffff;
	[tilespmem:s25+$0x10] =	vst v27  }
0xfc: {  	v56 =	vor.u32 $0x15, v10;
	v31 =	vld.idx.msk [tilespmem:v31+s1+$0x0], $0xffff;
	[tilespmem:s25+$0x30] =	vst v63  }
0xfd: {  	v58 =	vor.u32 v56, v18;
	v57 =	vld.idx.msk [tilespmem:v22+s1+$0x0], $0xffff;
	[tilespmem:s25+$0xFFFFFFE0] =	vst v44  }
0xfe: {  	v47 =	vor.u32 $0x5, v10;
	v14 =	vld.idx.msk [tilespmem:v62+s1+$0x0], $0xffff;
	[tilespmem:s25+$0xFFFFFFF0] =	vst v30  }
0xff: {  	v51 =	vor.u32 v47, v18;
	v22 =	vor.u32 $0x16, v10;
	v44 =	vor.u32 v56, v16;
	[tilespmem:s25+$0xFFFFFFD0] =	vst v28;
	v29 =	vld.idx.msk [tilespmem:v29+s1+$0x0], $0xffff  }
0x100: {  	v30 =	vor.u32 v22, v18;
	v59 =	vor.u32 v22, v16;
	v22 =	vld.idx.msk [tilespmem:v54+s1+$0x0], $0xffff;
	[tilespmem:s25+$0x0] =	vst v25;
	v25 =	vor.u32 $0x17, v10  }
0x101: {  	v28 =	vld.idx.msk [tilespmem:v35+s1+$0x0], $0xffff;
	[tilespmem:s25+$0x20] =	vst v31;
	v31 =	vor.u32 v25, v18  }
0x102: {  	[tilespmem:s25+$0xFFFFFFA0] =	vst v46;
	v46 =	vld.idx.msk [tilespmem:v58+s1+$0x0], $0xffff;
	v25 =	vor.u32 v25, v16  }
0x103: {  	[tilespmem:s25+$0xFFFFFE10] =	vst v60;
	v26 =	vld.idx.msk [tilespmem:v26+s1+$0x0], $0xffff  }
0x104: {  	v34 =	vld.idx.msk [tilespmem:v51+s1+$0x0], $0xffff;
	[tilespmem:s25+$0x40] =	vst v29;
	v29 =	vor.u32 $0x18, v10  }
0x105: {  	[tilespmem:s25+$0x140] =	vst v42;
	v44 =	vld.idx.msk [tilespmem:v44+s1+$0x0], $0xffff;
	v27 =	vor.u32 v29, v18  }
0x106: {  	[tilespmem:s25+$0xFFFFFFC0] =	vst v52;
	v40 =	vld.idx.msk [tilespmem:v31+s1+$0x0], $0xffff;
	v31 =	vor.u32 $0x1, v10;
	v61 =	vor.u32 v29, v16  }
0x107: {  	[tilespmem:s25+$0x60] =	vst v57;
	v39 =	vld.idx.msk [tilespmem:v25+s1+$0x0], $0xffff;
	v25 =	vor.u32 v31, v18  }
0x108: {  	v30 =	vld.idx.msk [tilespmem:v30+s1+$0x0], $0xffff;
	[tilespmem:s25+$0x50] =	vst v26;
	v26 =	vor.u32 v31, v16  }
0x109: {  	v35 =	vld.idx.msk [tilespmem:v59+s1+$0x0], $0xffff;
	[tilespmem:s25+$0x70] =	vst v28;
	v28 =	vor.u32 v24, v18;
	v31 =	vor.u32 $0x1C, v10  }
0x10a: {  	v24 =	vor.u32 v41, v18;
	v10 =	vor.u32 v15, v18;
	v63 =	vor.u32 v31, v18;
	v29 =	vld.idx.msk [tilespmem:v27+s1+$0x0], $0xffff  }
0x10b: {  	v15 =	vor.u32 v21, v18;
	v38 =	vld.idx.msk [tilespmem:v61+s1+$0x0], $0xffff;
	v27 =	vor.u32 v17, v18;
	v18 =	vor.u32 v31, v16  }
0x10c: {  	[tilespmem:s25+$0xA0] =	vst v46;
	v21 =	vld.idx.msk [tilespmem:v25+s1+$0x0], $0xffff  }
0x10d: {  	[tilespmem:s25+$0xC0] =	vst v30;
	v17 =	vld.idx.msk [tilespmem:v26+s1+$0x0], $0xffff  }
0x10e: {  	v19 =	vor.u32 v47, v16;
	[tilespmem:s25+$0xB0] =	vst v44;
	v25 =	vld.idx.msk [tilespmem:v28+s1+$0x0], $0xffff  }
0x10f: {  	s28 =	simm.s32 $0xE200;
	v13 =	vadd.s32 $0x20, v13;
	s26 =	simm.s32 $0x0;
	v23 =	vor.u32 v20, v16;
	[tilespmem:s25+$0xD0] =	vst v35;
	v26 =	vor.u32 v43, v16;
	v35 =	vld.idx.msk [tilespmem:v63+s1+$0x0], $0xffff  }
.LBB2_4:
0x110: {  	v16 =	vand.u32 $0x60, v13;
	v20 =	vshll.u32 v13, $0x3;
	s26 =	sadd.s32 $0x20, s26;
	[tilespmem:s25+$0x130] =	vst v9;
	v37 =	vld.idx.msk [tilespmem:v18+s1+$0x0], $0xffff;
	s28 =	sadd.s32 $0x400, s28  }
0x111: {  	v9 =	vand.u32 $0xFFFFFC00, v20;
	v28 =	vor.u32 $0x6, v16;
	v42 =	vor.u32 $0x1F, v16;
	p2 =	slt.u32 s26, $0x1E0;
	[tilespmem:s25+$0xE0] =	vst v40;
	v43 =	vld.idx.msk [tilespmem:v27+s1+$0x0], $0xffff  }
0x112: {  	v27 =	vor.u32 $0x4, v16;
	v30 =	vor.u32 $0x1B, v16;
	v18 =	vadd.s32 v1, v9;
	v40 =	vld.idx.msk [tilespmem:v15+s1+$0x0], $0xffff;
	[tilespmem:s25+$0xF0] =	vst v39  }
0x113: {  	v31 =	vor.u32 $0x1E, v16;
	v20 =	vadd.s32 v0, v9;
	v9 =	vor.u32 $0x8, v16;
	v41 =	vld.idx.msk [tilespmem:v19+s1+$0x0], $0xffff;
	[tilespmem:s25+$0x1F0] =	vst v5  }
0x114: {  	v15 =	vor.u32 $0xA, v16;
	v5 =	vor.u32 $0x2, v16;
	v19 =	vor.u32 v31, v20;
	v44 =	vld.idx.msk [tilespmem:v10+s1+$0x0], $0xffff;
	[tilespmem:s25+$0x100] =	vst v29  }
0x115: {  	v39 =	vor.u32 v15, v18;
	v29 =	vor.u32 v16, v20;
	v32 =	vor.u32 v5, v18;
	[tilespmem:s25+$0xFFFFFEA0] =	vst v34  }
0x116: {  	v45 =	vor.u32 $0x1, v16;
	v10 =	vor.u32 v5, v20;
	v5 =	vor.u32 v42, v18;
	[tilespmem:s25+$0xFFFFFE70] =	vst v7;
	v7 =	vld.idx.msk [tilespmem:v24+s1+$0x0], $0xffff  }
0x117: {  	v47 =	vor.u32 $0x1D, v16;
	v46 =	vor.u32 v28, v18;
	v24 =	vor.u32 v27, v18;
	[tilespmem:s25+$0xFFFFFE50] =	vst v4;
	v23 =	vld.idx.msk [tilespmem:v23+s1+$0x0], $0xffff  }
0x118: {  	v48 =	vor.u32 v15, v20;
	v49 =	vor.u32 v30, v18;
	v4 =	vor.u32 $0x3, v16;
	[tilespmem:s25+$0xFFFFFF30] =	vst v12;
	v12 =	vld.idx.msk [tilespmem:v26+s1+$0x0], $0xffff  }
0x119: {  	v15 =	vor.u32 v4, v20;
	v26 =	vor.u32 v28, v20;
	v28 =	vor.u32 $0x19, v16;
	v50 =	vld.idx.msk [tilespmem:v19+s1+$0x0], $0xffff;
	[tilespmem:s25+$0xFFFFFF60] =	vst v11  }
0x11a: {  	v51 =	vor.u32 v31, v18;
	v11 =	vor.u32 v4, v18;
	v29 =	vld.idx.msk [tilespmem:v29+s1+$0x0], $0xffff;
	[tilespmem:s25+$0xFFFFFF10] =	vst v36  }
0x11b: {  	v52 =	vor.u32 v27, v20;
	v27 =	vor.u32 v30, v20;
	v36 =	vor.u32 v47, v20;
	v53 =	vld.idx.msk [tilespmem:v39+s1+$0x0], $0xffff  }
0x11c: {  	v54 =	vor.u32 v9, v20;
	v4 =	vor.u32 $0x5, v16;
	v55 =	vor.u32 v28, v18;
	v5 =	vld.idx.msk [tilespmem:v5+s1+$0x0], $0xffff;
	[tilespmem:s25+$0x150] =	vst v33  }
0x11d: {  	v34 =	vor.u32 v4, v20;
	v39 =	vor.u32 v16, v18;
	v46 =	vld.idx.msk [tilespmem:v46+s1+$0x0], $0xffff;
	[tilespmem:s25+$0x1A0] =	vst v3  }
0x11e: {  	v28 =	vor.u32 v28, v20;
	v19 =	vor.u32 v4, v18;
	v3 =	vor.u32 $0x1A, v16;
	v49 =	vld.idx.msk [tilespmem:v49+s1+$0x0], $0xffff;
	[tilespmem:s25+$0x110] =	vst v38  }
0x11f: {  	v38 =	vor.u32 v3, v20;
	v33 =	vor.u32 v3, v18;
	v4 =	vld.idx.msk [tilespmem:v32+s1+$0x0], $0xffff;
	[tilespmem:s25+$0x1B0] =	vst v23  }
0x120: {  	v31 =	vor.u32 v45, v20;
	v30 =	vor.u32 v45, v18;
	v23 =	vor.u32 $0xF, v16;
	v3 =	vld.idx.msk [tilespmem:v36+s1+$0x0], $0xffff;
	[tilespmem:s25+$0xFFFFFF80] =	vst v8  }
0x121: {  	v8 =	vor.u32 $0x7, v16;
	v45 =	vor.u32 v23, v20;
	v32 =	vld.idx.msk [tilespmem:v54+s1+$0x0], $0xffff;
	v54 =	vor.u32 v23, v18;
	[tilespmem:s25+$0xFFFFFE40] =	vst v44  }
0x122: {  	v44 =	vor.u32 v8, v20;
	v8 =	vor.u32 v8, v18;
	v48 =	vld.idx.msk [tilespmem:v48+s1+$0x0], $0xffff;
	[tilespmem:s25+$0x80] =	vst v22  }
0x123: {  	v36 =	vor.u32 v9, v18;
	v9 =	vor.u32 $0xD, v16;
	v22 =	vld.idx.msk [tilespmem:v27+s1+$0x0], $0xffff;
	v27 =	vor.u32 v42, v20;
	[tilespmem:s25+$0xFFFFFF20] =	vst v7  }
0x124: {  	v56 =	vor.u32 v9, v18;
	v7 =	vor.u32 $0x9, v16;
	v42 =	vld.idx.msk [tilespmem:v24+s1+$0x0], $0xffff;
	[tilespmem:s28+$0xFFFFFF50] =	vst v53;
	v53 =	vor.u32 v9, v20  }
0x125: {  	v24 =	vor.u32 v7, v20;
	v57 =	vor.u32 v7, v18;
	v9 =	vld.idx.msk [tilespmem:v55+s1+$0x0], $0xffff;
	[tilespmem:s28+$0x170] =	vst v49  }
0x126: {  	v23 =	vor.u32 v47, v18;
	v47 =	vld.idx.msk [tilespmem:v51+s1+$0x0], $0xffff;
	[tilespmem:s25+$0xFFFFFF70] =	vst v12  }
0x127: {  	v49 =	vld.idx.msk [tilespmem:v54+s1+$0x0], $0xffff;
	[tilespmem:s25+$0x1E0] =	vst v43  }
0x128: {  	v12 =	vor.u32 $0xB, v16;
	v43 =	vld.idx.msk [tilespmem:v26+s1+$0x0], $0xffff;
	[tilespmem:s25+$0x180] =	vst v35  }
0x129: {  	v7 =	vld.idx.msk [tilespmem:v11+s1+$0x0], $0xffff;
	v11 =	vor.u32 v12, v20;
	[tilespmem:s28+$0x160] =	vst v22  }
0x12a: {  	v26 =	vor.u32 v12, v18;
	v12 =	vor.u32 $0xC, v16;
	v22 =	vld.idx.msk [tilespmem:v52+s1+$0x0], $0xffff;
	[tilespmem:s25+$0xFFFFFF90] =	vst v6  }
0x12b: {  	v6 =	vor.u32 v12, v20;
	v35 =	vld.idx.msk [tilespmem:v38+s1+$0x0], $0xffff;
	[tilespmem:s28+$0x1C0] =	vst v50  }
0x12c: {  	v38 =	vor.u32 v12, v18;
	v12 =	vor.u32 $0xE, v16;
	v50 =	vld.idx.msk [tilespmem:v56+s1+$0x0], $0xffff;
	[tilespmem:s25+$0xFFFFFEB0] =	vst v41  }
0x12d: {  	[tilespmem:s28+$0xFFFFFED0] =	vst v46;
	v41 =	vld.idx.msk [tilespmem:v44+s1+$0x0], $0xffff;
	v44 =	vor.u32 v12, v20;
	v46 =	vor.u32 v12, v18  }
0x12e: {  	v12 =	vor.u32 $0x10, v16;
	[tilespmem:s28+$0xFFFFFF40] =	vst v48;
	v45 =	vld.idx.msk [tilespmem:v45+s1+$0x0], $0xffff  }
0x12f: {  	v51 =	vor.u32 v12, v20;
	v52 =	vor.u32 v12, v18;
	v48 =	vld.idx.msk [tilespmem:v8+s1+$0x0], $0xffff;
	[tilespmem:s28+$0x1D0] =	vst v47  }
0x130: {  	v8 =	vor.u32 $0x11, v16;
	v47 =	vld.idx.msk [tilespmem:v53+s1+$0x0], $0xffff;
	[tilespmem:s25+$0x190] =	vst v37  }
0x131: {  	v37 =	vor.u32 v8, v20;
	v53 =	vor.u32 v8, v18;
	v12 =	vld.idx.msk [tilespmem:v57+s1+$0x0], $0xffff;
	[tilespmem:s25+$0xFFFFFE60] =	vst v40  }
0x132: {  	v40 =	vor.u32 $0x12, v16;
	v11 =	vld.idx.msk [tilespmem:v11+s1+$0x0], $0xffff;
	[tilespmem:s25+$0x120] =	vst v25  }
0x133: {  	v25 =	vor.u32 v40, v20;
	v40 =	vor.u32 v40, v18;
	[tilespmem:s28+$0xFFFFFE90] =	vst v42;
	v8 =	vld.idx.msk [tilespmem:v6+s1+$0x0], $0xffff  }
0x134: {  	v6 =	vld.idx.msk [tilespmem:v38+s1+$0x0], $0xffff;
	v38 =	vor.u32 $0x13, v16;
	[tilespmem:s25+$0xFFFFFE20] =	vst v21  }
0x135: {  	[tilespmem:s28+$0xFFFFFEC0] =	vst v43;
	v21 =	vld.idx.msk [tilespmem:v52+s1+$0x0], $0xffff;
	v42 =	vor.u32 v38, v20;
	v38 =	vor.u32 v38, v18  }
0x136: {  	[tilespmem:s28+$0xFFFFFEE0] =	vst v41;
	v41 =	vld.idx.msk [tilespmem:v46+s1+$0x0], $0xffff  }
0x137: {  	[tilespmem:s28+$0xFFFFFE80] =	vst v22;
	v43 =	vld.idx.msk [tilespmem:v53+s1+$0x0], $0xffff  }
0x138: {  	[tilespmem:s28+$0xFFFFFEF0] =	vst v48;
	v46 =	vld.idx.msk [tilespmem:v40+s1+$0x0], $0xffff  }
0x139: {  	v40 =	vld.idx.msk [tilespmem:v44+s1+$0x0], $0xffff;
	[tilespmem:s25+$0xFFFFFE30] =	vst v17  }
0x13a: {  	v22 =	vor.u32 $0x14, v16;
	v17 =	vld.idx.msk [tilespmem:v51+s1+$0x0], $0xffff;
	[tilespmem:s25+$0x90] =	vst v14;
	s25 =	smov.u32 s28  }
0x13b: {  	v44 =	vor.u32 v22, v18;
	[tilespmem:s28+$0xFFFFFFA0] =	vst v47;
	v14 =	vld.idx.msk [tilespmem:v37+s1+$0x0], $0xffff;
	v37 =	vor.u32 v22, v20  }
0x13c: {  	v22 =	vor.u32 $0x15, v16;
	[tilespmem:s28+$0xFFFFFFE0] =	vst v45;
	v25 =	vld.idx.msk [tilespmem:v25+s1+$0x0], $0xffff  }
0x13d: {  	v45 =	vor.u32 v22, v20;
	v47 =	vor.u32 v22, v18;
	[tilespmem:s28+$0xFFFFFFB0] =	vst v50;
	v42 =	vld.idx.msk [tilespmem:v42+s1+$0x0], $0xffff  }
0x13e: {  	v22 =	vor.u32 $0x16, v16;
	v34 =	vld.idx.msk [tilespmem:v34+s1+$0x0], $0xffff;
	[tilespmem:s28+$0xFFFFFFD0] =	vst v41  }
0x13f: {  	v48 =	vor.u32 v22, v18;
	v41 =	vor.u32 v22, v20;
	[tilespmem:s28+$0xFFFFFFF0] =	vst v49;
	v38 =	vld.idx.msk [tilespmem:v38+s1+$0x0], $0xffff  }
0x140: {  	[tilespmem:s28+$0x0] =	vst v17;
	v22 =	vld.idx.msk [tilespmem:v37+s1+$0x0], $0xffff;
	v17 =	vor.u32 $0x17, v16  }
0x141: {  	v37 =	vld.idx.msk [tilespmem:v39+s1+$0x0], $0xffff;
	[tilespmem:s28+$0x20] =	vst v14;
	v14 =	vor.u32 v17, v20;
	v17 =	vor.u32 v17, v18  }
0x142: {  	v39 =	vor.u32 $0x18, v16;
	[tilespmem:s28+$0x40] =	vst v25;
	v25 =	vld.idx.msk [tilespmem:v45+s1+$0x0], $0xffff  }
0x143: {  	[tilespmem:s28+$0x10] =	vst v21;
	v45 =	vld.idx.msk [tilespmem:v47+s1+$0x0], $0xffff;
	v21 =	vor.u32 v39, v20;
	v47 =	vor.u32 v39, v18  }
0x144: {  	[tilespmem:s28+$0xFFFFFFC0] =	vst v40;
	v41 =	vld.idx.msk [tilespmem:v41+s1+$0x0], $0xffff  }
0x145: {  	[tilespmem:s28+$0x30] =	vst v43;
	v43 =	vld.idx.msk [tilespmem:v48+s1+$0x0], $0xffff  }
0x146: {  	[tilespmem:s28+$0x60] =	vst v42;
	v40 =	vld.idx.msk [tilespmem:v14+s1+$0x0], $0xffff  }
0x147: {  	[tilespmem:s28+$0xFFFFFE00] =	vst v29;
	v39 =	vld.idx.msk [tilespmem:v17+s1+$0x0], $0xffff  }
0x148: {  	[tilespmem:s28+$0x50] =	vst v46;
	v29 =	vld.idx.msk [tilespmem:v21+s1+$0x0], $0xffff  }
0x149: {  	[tilespmem:s28+$0x70] =	vst v38;
	v38 =	vld.idx.msk [tilespmem:v47+s1+$0x0], $0xffff  }
0x14a: {  	v16 =	vor.u32 $0x1C, v16;
	[tilespmem:s28+$0xFFFFFE10] =	vst v37;
	v14 =	vld.idx.msk [tilespmem:v44+s1+$0x0], $0xffff  }
0x14b: {  	v20 =	vor.u32 v16, v20;
	v18 =	vor.u32 v16, v18;
	[tilespmem:s28+$0xA0] =	vst v25;
	v33 =	vld.idx.msk [tilespmem:v33+s1+$0x0], $0xffff  }
.Ltmp3:
0x14c: {  	v36 =	vld.idx.msk [tilespmem:v36+s1+$0x0], $0xffff;
	[tilespmem:s28+$0xC0] =	vst v41;
	(pc) =	sbr.rel @p2 .LBB2_4-.Ltmp3, $4  }
0x14d: {  	v21 =	vld.idx.msk [tilespmem:v31+s1+$0x0], $0xffff;
	[tilespmem:s28+$0x140] =	vst v35  }
0x14e: {  	v17 =	vld.idx.msk [tilespmem:v30+s1+$0x0], $0xffff;
	[tilespmem:s28+$0xFFFFFF00] =	vst v32  }
0x14f: {  	[tilespmem:s28+$0xB0] =	vst v45;
	v25 =	vld.idx.msk [tilespmem:v28+s1+$0x0], $0xffff  }
0x150: {  	v13 =	vadd.s32 $0x20, v13;
	[tilespmem:s28+$0xD0] =	vst v43;
	v35 =	vld.idx.msk [tilespmem:v20+s1+$0x0], $0xffff  }
0x151: {  	_ = 	snop  }
0x152: {  	[tilespmem:s25+$0x130] =	vst v9  }
0x153: {  	[tilespmem:s25+$0xE0] =	vst v40  }
0x154: {  	[tilespmem:s25+$0xF0] =	vst v39  }
0x155: {  	v59 =	vld.idx.msk [tilespmem:v27+s1+$0x0], $0xffff;
	[tilespmem:s25+$0x1F0] =	vst v5  }
0x156: {  	[tilespmem:s25+$0x100] =	vst v29  }
0x157: {  	v60 =	vld.idx.msk [tilespmem:v19+s1+$0x0], $0xffff;
	[tilespmem:s25+$0xFFFFFEA0] =	vst v34  }
0x158: {  	v13 =	vld.idx.msk [tilespmem:v15+s1+$0x0], $0xffff;
	[tilespmem:s25+$0xFFFFFE70] =	vst v7  }
0x159: {  	v10 =	vld.idx.msk [tilespmem:v10+s1+$0x0], $0xffff;
	[tilespmem:s25+$0xFFFFFE50] =	vst v4  }
0x15a: {  	v61 =	vld.idx.msk [tilespmem:v24+s1+$0x0], $0xffff;
	[tilespmem:s25+$0xFFFFFF30] =	vst v12  }
0x15b: {  	v62 =	vld.idx.msk [tilespmem:v26+s1+$0x0], $0xffff;
	[tilespmem:s25+$0xFFFFFF60] =	vst v11  }
0x15c: {  	[tilespmem:s25+$0xFFFFFF10] =	vst v36  }
0x15d: {  	[tilespmem:s25+$0x150] =	vst v33  }
0x15e: {  	v63 =	vld.idx.msk [tilespmem:v23+s1+$0x0], $0xffff;
	[tilespmem:s25+$0x1A0] =	vst v3  }
0x15f: {  	[tilespmem:s25+$0x110] =	vst v38  }
0x160: {  	[tilespmem:s25+$0xFFFFFF80] =	vst v8  }
0x161: {  	[tilespmem:s25+$0x80] =	vst v22  }
0x162: {  	[tilespmem:s25+$0xFFFFFF90] =	vst v6  }
0x163: {  	[tilespmem:s25+$0x90] =	vst v14  }
0x164: {  	[tilespmem:s25+$0xFFFFFE20] =	vst v21  }
0x165: {  	[tilespmem:s25+$0xFFFFFE30] =	vst v17  }
0x166: {  	[tilespmem:s25+$0x120] =	vst v25  }
0x167: {  	v3 =	vld.idx.msk [tilespmem:v18+s1+$0x0], $0xffff;
	[tilespmem:s25+$0x180] =	vst v35  }
0x168: {  	[tilespmem:s25+$0x1B0] =	vst v63  }
0x169: {  	[tilespmem:s25+$0xFFFFFE40] =	vst v10  }
0x16a: {  	[tilespmem:s25+$0xFFFFFF20] =	vst v61  }
0x16b: {  	[tilespmem:s25+$0xFFFFFF70] =	vst v62  }
0x16c: {  	[tilespmem:s25+$0x1E0] =	vst v59  }
0x16d: {  	[tilespmem:s25+$0xFFFFFEB0] =	vst v60  }
0x16e: {  	[tilespmem:s25+$0x190] =	vst v3  }
0x16f: {  	[tilespmem:s25+$0xFFFFFE60] =	vst v13  }
0x170: {  	[hbm4b:s12+s3] =	stream.linear.scatter [tilespmem:s17], [sflag:$0x4], $0x4000, $0x38;
	[tilespmem:$0x13000] =	vst v63  }
0x171: {  	_ = 	snop  }
0x172: {  	[tilespmem:s1], [sflag:$0x2] =	stream.linear.gather [hbm4b:s24+s3], $0x1000, $0x38;
	[tilespmem:$0x13000] =	vst v63  }
0x173: {  	s7 =	sadd.s32 $0xF4280, s24  }
0x174: {  	[tilespmem:s2], [sflag:$0x2] =	stream.linear.gather [hbm4b:s7+s3], $0x1000, $0x38;
	[tilespmem:$0x13000] =	vst v63  }
0x175: {  	s28 =	sadd.s32 $0x1E8500, s24  }
0x176: {  	[tilespmem:s19], [sflag:$0x2] =	stream.linear.gather [hbm4b:s28+s3], $0x1000, $0x38;
	[tilespmem:$0x13000] =	vst v63  }
0x177: {  	s29 =	sadd.s32 $0x2DC780, s24;
	s25 =	simm.s32 $0x1  }
0x178: {  	[tilespmem:s21], [sflag:$0x2] =	stream.linear.gather [hbm4b:s29+s3], $0x1000, $0x38;
	[tilespmem:$0x13000] =	vst v63  }
.LBB2_6:
0x179: {  	v14 =	vimm.s32 $0x0  }
0x17a: {  	v3 =	vshll.u32 v14, $0x3  }
0x17b: {  	v10 =	vand.u32 $0x60, v14;
	v3 =	vand.u32 $0xFFFFFC00, v3  }
0x17c: {  	_ =	swait.ge [sflag:s9], $0x4000;
	v6 =	vor.u32 $0x1E, v10;
	v18 =	vadd.s32 v0, v3  }
0x17d: {  	[sflag:s9] =	ssyncset.done $0x0;
	v4 =	vor.u32 v6, v18  }
0x17e: {  	[sflag:s9] =	ssyncadd.s32 $0xFFFFC000;
	v16 =	vadd.s32 v1, v3;
	v3 =	vor.u32 $0xA, v10;
	v5 =	vor.u32 v10, v18  }
0x17f: {  	v17 =	vor.u32 $0x1F, v10;
	_ =	swait.ge [sflag:s18], $0x4000;
	v7 =	vor.u32 v3, v16  }
0x180: {  	v8 =	vor.u32 $0x6, v10;
	[sflag:s18] =	ssyncset.done $0x0;
	v9 =	vor.u32 v17, v16  }
0x181: {  	v11 =	vor.u32 $0x1B, v10;
	v13 =	vor.u32 v8, v16;
	[sflag:s18] =	ssyncadd.s32 $0xFFFFC000  }
0x182: {  	v19 =	vor.u32 $0x8, v10;
	v20 =	vor.u32 v11, v16;
	v22 =	vld.idx.msk [tilespmem:v4+s3+$0x0], $0xffff  }
0x183: {  	v23 =	vor.u32 v19, v18;
	v12 =	vld.idx.msk [tilespmem:v5+s3+$0x0], $0xffff  }
0x184: {  	v11 =	vor.u32 v11, v18;
	v25 =	vld.idx.msk [tilespmem:v7+s3+$0x0], $0xffff  }
0x185: {  	v6 =	vor.u32 v6, v16;
	v5 =	vld.idx.msk [tilespmem:v9+s3+$0x0], $0xffff  }
0x186: {  	v34 =	vor.u32 $0xD, v10;
	v8 =	vor.u32 v8, v18;
	v26 =	vld.idx.msk [tilespmem:v13+s3+$0x0], $0xffff  }
0x187: {  	v36 =	vor.u32 v34, v16;
	v27 =	vld.idx.msk [tilespmem:v20+s3+$0x0], $0xffff  }
0x188: {  	v15 =	vor.u32 $0x2, v10;
	v19 =	vor.u32 v19, v16;
	v23 =	vld.idx.msk [tilespmem:v23+s3+$0x0], $0xffff  }
0x189: {  	v21 =	vor.u32 $0x1D, v10;
	v4 =	vor.u32 v15, v16;
	v11 =	vld.idx.msk [tilespmem:v11+s3+$0x0], $0xffff  }
0x18a: {  	v7 =	vor.u32 v21, v18;
	v35 =	vld.idx.msk [tilespmem:v6+s3+$0x0], $0xffff  }
0x18b: {  	v24 =	vor.u32 $0x19, v10;
	v9 =	vor.u32 v3, v18;
	v38 =	vld.idx.msk [tilespmem:v8+s3+$0x0], $0xffff  }
0x18c: {  	v43 =	vor.u32 $0xB, v10;
	v29 =	vor.u32 v24, v16;
	v58 =	vld.idx.msk [tilespmem:v36+s3+$0x0], $0xffff  }
0x18d: {  	v59 =	vor.u32 v43, v18;
	v13 =	vor.u32 $0x4, v10;
	v36 =	vld.idx.msk [tilespmem:v19+s3+$0x0], $0xffff  }
0x18e: {  	v20 =	vor.u32 $0x3, v10;
	v28 =	vor.u32 v13, v16;
	v4 =	vld.idx.msk [tilespmem:v4+s3+$0x0], $0xffff  }
0x18f: {  	v32 =	vor.u32 v20, v16;
	v3 =	vld.idx.msk [tilespmem:v7+s3+$0x0], $0xffff  }
0x190: {  	v6 =	vor.u32 $0x7, v10;
	v13 =	vor.u32 v13, v18;
	v31 =	vld.idx.msk [tilespmem:v9+s3+$0x0], $0xffff  }
0x191: {  	s26 =	simm.s32 $0xA200;
	v37 =	vor.u32 v6, v18;
	v9 =	vld.idx.msk [tilespmem:v29+s3+$0x0], $0xffff  }
0x192: {  	v33 =	vor.u32 $0x1A, v10;
	v39 =	vor.u32 $0xC, v10;
	v6 =	vor.u32 v6, v16;
	[tilespmem:s26+$0x160] =	vst v11;
	v11 =	vld.idx.msk [tilespmem:v59+s3+$0x0], $0xffff  }
0x193: {  	v60 =	vor.u32 $0x10, v10;
	v7 =	vor.u32 $0xF, v10;
	v29 =	vor.u32 v33, v18;
	[tilespmem:s26+$0xFFFFFF50] =	vst v25;
	v28 =	vld.idx.msk [tilespmem:v28+s3+$0x0], $0xffff  }
0x194: {  	v25 =	vor.u32 v39, v16;
	v30 =	vor.u32 v7, v16;
	v8 =	vor.u32 v7, v18;
	v7 =	vld.idx.msk [tilespmem:v32+s3+$0x0], $0xffff  }
0x195: {  	v48 =	vor.u32 $0x11, v10;
	[tilespmem:s26+$0x170] =	vst v27;
	v27 =	vor.u32 v60, v16;
	v57 =	vld.idx.msk [tilespmem:v13+s3+$0x0], $0xffff  }
0x196: {  	[tilespmem:s26+$0x1C0] =	vst v22;
	v22 =	vor.u32 v48, v16;
	v37 =	vld.idx.msk [tilespmem:v37+s3+$0x0], $0xffff  }
0x197: {  	v55 =	vor.u32 v10, v16;
	v45 =	vld.idx.msk [tilespmem:v6+s3+$0x0], $0xffff  }
0x198: {  	v33 =	vor.u32 v33, v16;
	v6 =	vor.u32 $0xE, v10;
	v42 =	vld.idx.msk [tilespmem:v29+s3+$0x0], $0xffff  }
0x199: {  	v47 =	vor.u32 v6, v16;
	v61 =	vor.u32 v6, v18;
	v6 =	vld.idx.msk [tilespmem:v25+s3+$0x0], $0xffff  }
0x19a: {  	[tilespmem:s26+$0xFFFFFED0] =	vst v26;
	v27 =	vld.idx.msk [tilespmem:v27+s3+$0x0], $0xffff  }
0x19b: {  	[tilespmem:s26+$0x1D0] =	vst v35;
	v13 =	vor.u32 v34, v18;
	v63 =	vld.idx.msk [tilespmem:v22+s3+$0x0], $0xffff  }
0x19c: {  	v40 =	vor.u32 v39, v18;
	[tilespmem:s26+$0xFFFFFEC0] =	vst v38;
	v25 =	vor.u32 v60, v18;
	v60 =	vld.idx.msk [tilespmem:v55+s3+$0x0], $0xffff  }
0x19d: {  	v41 =	vor.u32 $0x9, v10;
	[tilespmem:s26+$0xFFFFFF00] =	vst v23;
	v33 =	vld.idx.msk [tilespmem:v33+s3+$0x0], $0xffff  }
0x19e: {  	v29 =	vor.u32 v41, v16;
	[tilespmem:s26+$0xFFFFFF40] =	vst v31;
	v30 =	vld.idx.msk [tilespmem:v30+s3+$0x0], $0xffff  }
0x19f: {  	[tilespmem:s26+$0xFFFFFE00] =	vst v12;
	v44 =	vld.idx.msk [tilespmem:v8+s3+$0x0], $0xffff  }
0x1a0: {  	v46 =	vld.idx.msk [tilespmem:v13+s3+$0x0], $0xffff;
	[tilespmem:s26+$0xFFFFFE90] =	vst v28  }
0x1a1: {  	v62 =	vor.u32 $0x13, v10;
	v31 =	vor.u32 v48, v18;
	v8 =	vld.idx.msk [tilespmem:v40+s3+$0x0], $0xffff;
	[tilespmem:s26+$0xFFFFFEE0] =	vst v37  }
0x1a2: {  	v53 =	vor.u32 $0x14, v10;
	v22 =	vor.u32 v62, v18;
	[tilespmem:s26+$0xFFFFFE80] =	vst v57;
	v28 =	vld.idx.msk [tilespmem:v47+s3+$0x0], $0xffff  }
0x1a3: {  	v35 =	vor.u32 v62, v16;
	v62 =	vor.u32 v53, v16;
	[tilespmem:s26+$0xFFFFFEF0] =	vst v45;
	v13 =	vld.idx.msk [tilespmem:v29+s3+$0x0], $0xffff;
	v29 =	vor.u32 $0x12, v10  }
0x1a4: {  	[tilespmem:s26+$0xFFFFFFB0] =	vst v58;
	v52 =	vld.idx.msk [tilespmem:v61+s3+$0x0], $0xffff;
	v26 =	vor.u32 v29, v16;
	v29 =	vor.u32 v29, v18  }
0x1a5: {  	v56 =	vor.u32 $0x15, v10;
	v54 =	vor.u32 v53, v18;
	v25 =	vld.idx.msk [tilespmem:v25+s3+$0x0], $0xffff;
	[tilespmem:s26+$0x10] =	vst v27  }
0x1a6: {  	v58 =	vor.u32 v56, v18;
	v31 =	vld.idx.msk [tilespmem:v31+s3+$0x0], $0xffff;
	[tilespmem:s26+$0x30] =	vst v63  }
0x1a7: {  	v57 =	vld.idx.msk [tilespmem:v22+s3+$0x0], $0xffff;
	[tilespmem:s26+$0xFFFFFFA0] =	vst v46  }
0x1a8: {  	v47 =	vor.u32 $0x5, v10;
	v12 =	vld.idx.msk [tilespmem:v62+s3+$0x0], $0xffff;
	[tilespmem:s26+$0xFFFFFFE0] =	vst v44  }
0x1a9: {  	v51 =	vor.u32 v47, v18;
	v22 =	vor.u32 $0x16, v10;
	v44 =	vor.u32 v56, v16;
	[tilespmem:s26+$0xFFFFFFF0] =	vst v30;
	v29 =	vld.idx.msk [tilespmem:v29+s3+$0x0], $0xffff  }
0x1aa: {  	v30 =	vor.u32 v22, v18;
	v59 =	vor.u32 v22, v16;
	v22 =	vld.idx.msk [tilespmem:v54+s3+$0x0], $0xffff;
	[tilespmem:s26+$0x0] =	vst v25;
	v25 =	vor.u32 $0x17, v10  }
0x1ab: {  	v46 =	vld.idx.msk [tilespmem:v58+s3+$0x0], $0xffff;
	[tilespmem:s26+$0x20] =	vst v31;
	v31 =	vor.u32 v25, v18  }
0x1ac: {  	[tilespmem:s26+$0xFFFFFFD0] =	vst v28;
	v28 =	vld.idx.msk [tilespmem:v35+s3+$0x0], $0xffff;
	v25 =	vor.u32 v25, v16  }
0x1ad: {  	[tilespmem:s26+$0xFFFFFE10] =	vst v60;
	v26 =	vld.idx.msk [tilespmem:v26+s3+$0x0], $0xffff  }
0x1ae: {  	v34 =	vld.idx.msk [tilespmem:v51+s3+$0x0], $0xffff;
	[tilespmem:s26+$0x40] =	vst v29;
	v29 =	vor.u32 $0x18, v10  }
0x1af: {  	[tilespmem:s26+$0x140] =	vst v42;
	v44 =	vld.idx.msk [tilespmem:v44+s3+$0x0], $0xffff;
	v27 =	vor.u32 v29, v18  }
0x1b0: {  	[tilespmem:s26+$0xFFFFFFC0] =	vst v52;
	v40 =	vld.idx.msk [tilespmem:v31+s3+$0x0], $0xffff;
	v31 =	vor.u32 $0x1, v10;
	v61 =	vor.u32 v29, v16  }
0x1b1: {  	[tilespmem:s26+$0x60] =	vst v57;
	v39 =	vld.idx.msk [tilespmem:v25+s3+$0x0], $0xffff;
	v25 =	vor.u32 v31, v18  }
0x1b2: {  	v30 =	vld.idx.msk [tilespmem:v30+s3+$0x0], $0xffff;
	[tilespmem:s26+$0x50] =	vst v26;
	v26 =	vor.u32 v31, v16  }
0x1b3: {  	v35 =	vld.idx.msk [tilespmem:v59+s3+$0x0], $0xffff;
	[tilespmem:s26+$0x70] =	vst v28;
	v28 =	vor.u32 v24, v18;
	v31 =	vor.u32 $0x1C, v10  }
0x1b4: {  	v24 =	vor.u32 v41, v18;
	v10 =	vor.u32 v15, v18;
	v63 =	vor.u32 v31, v18;
	v29 =	vld.idx.msk [tilespmem:v27+s3+$0x0], $0xffff  }
0x1b5: {  	v15 =	vor.u32 v20, v18;
	v38 =	vld.idx.msk [tilespmem:v61+s3+$0x0], $0xffff;
	v27 =	vor.u32 v17, v18;
	v18 =	vor.u32 v31, v16  }
0x1b6: {  	[tilespmem:s26+$0xA0] =	vst v46;
	v20 =	vld.idx.msk [tilespmem:v25+s3+$0x0], $0xffff  }
0x1b7: {  	[tilespmem:s26+$0xC0] =	vst v30;
	v17 =	vld.idx.msk [tilespmem:v26+s3+$0x0], $0xffff  }
0x1b8: {  	v19 =	vor.u32 v47, v16;
	[tilespmem:s26+$0xB0] =	vst v44;
	v25 =	vld.idx.msk [tilespmem:v28+s3+$0x0], $0xffff  }
0x1b9: {  	s28 =	simm.s32 $0x0;
	s29 =	simm.s32 $0xA200;
	v14 =	vadd.s32 $0x20, v14;
	v23 =	vor.u32 v21, v16;
	[tilespmem:s26+$0xD0] =	vst v35;
	v26 =	vor.u32 v43, v16;
	v35 =	vld.idx.msk [tilespmem:v63+s3+$0x0], $0xffff  }
.LBB2_7:
0x1ba: {  	v16 =	vand.u32 $0x60, v14;
	v21 =	vshll.u32 v14, $0x3;
	s28 =	sadd.s32 $0x20, s28;
	[tilespmem:s26+$0x130] =	vst v9;
	v37 =	vld.idx.msk [tilespmem:v18+s3+$0x0], $0xffff;
	s29 =	sadd.s32 $0x400, s29  }
0x1bb: {  	v9 =	vand.u32 $0xFFFFFC00, v21;
	v28 =	vor.u32 $0x6, v16;
	v42 =	vor.u32 $0x1F, v16;
	p2 =	slt.u32 s28, $0x1E0;
	[tilespmem:s26+$0xE0] =	vst v40;
	v43 =	vld.idx.msk [tilespmem:v27+s3+$0x0], $0xffff  }
0x1bc: {  	v27 =	vor.u32 $0x4, v16;
	v30 =	vor.u32 $0x1B, v16;
	v18 =	vadd.s32 v1, v9;
	v40 =	vld.idx.msk [tilespmem:v15+s3+$0x0], $0xffff;
	[tilespmem:s26+$0xF0] =	vst v39  }
0x1bd: {  	v31 =	vor.u32 $0x1E, v16;
	v21 =	vadd.s32 v0, v9;
	v9 =	vor.u32 $0x8, v16;
	v41 =	vld.idx.msk [tilespmem:v19+s3+$0x0], $0xffff;
	[tilespmem:s26+$0x1F0] =	vst v5  }
0x1be: {  	v15 =	vor.u32 $0xA, v16;
	v5 =	vor.u32 $0x2, v16;
	v19 =	vor.u32 v31, v21;
	v44 =	vld.idx.msk [tilespmem:v10+s3+$0x0], $0xffff;
	[tilespmem:s26+$0x100] =	vst v29  }
0x1bf: {  	v39 =	vor.u32 v15, v18;
	v29 =	vor.u32 v16, v21;
	v32 =	vor.u32 v5, v18;
	[tilespmem:s26+$0xFFFFFEA0] =	vst v34  }
0x1c0: {  	v45 =	vor.u32 $0x1, v16;
	v10 =	vor.u32 v5, v21;
	v5 =	vor.u32 v42, v18;
	[tilespmem:s26+$0xFFFFFE70] =	vst v7;
	v7 =	vld.idx.msk [tilespmem:v24+s3+$0x0], $0xffff  }
0x1c1: {  	v47 =	vor.u32 $0x1D, v16;
	v46 =	vor.u32 v28, v18;
	v24 =	vor.u32 v27, v18;
	[tilespmem:s26+$0xFFFFFE50] =	vst v4;
	v23 =	vld.idx.msk [tilespmem:v23+s3+$0x0], $0xffff  }
0x1c2: {  	v48 =	vor.u32 v15, v21;
	v49 =	vor.u32 v30, v18;
	v4 =	vor.u32 $0x3, v16;
	[tilespmem:s26+$0xFFFFFF30] =	vst v13;
	v13 =	vld.idx.msk [tilespmem:v26+s3+$0x0], $0xffff  }
0x1c3: {  	v15 =	vor.u32 v4, v21;
	v26 =	vor.u32 v28, v21;
	v28 =	vor.u32 $0x19, v16;
	v50 =	vld.idx.msk [tilespmem:v19+s3+$0x0], $0xffff;
	[tilespmem:s26+$0xFFFFFF60] =	vst v11  }
0x1c4: {  	v51 =	vor.u32 v31, v18;
	v11 =	vor.u32 v4, v18;
	v29 =	vld.idx.msk [tilespmem:v29+s3+$0x0], $0xffff;
	[tilespmem:s26+$0xFFFFFF10] =	vst v36  }
0x1c5: {  	v52 =	vor.u32 v27, v21;
	v27 =	vor.u32 v30, v21;
	v36 =	vor.u32 v47, v21;
	v53 =	vld.idx.msk [tilespmem:v39+s3+$0x0], $0xffff  }
0x1c6: {  	v54 =	vor.u32 v9, v21;
	v4 =	vor.u32 $0x5, v16;
	v55 =	vor.u32 v28, v18;
	v5 =	vld.idx.msk [tilespmem:v5+s3+$0x0], $0xffff;
	[tilespmem:s26+$0x150] =	vst v33  }
0x1c7: {  	v34 =	vor.u32 v4, v21;
	v39 =	vor.u32 v16, v18;
	v46 =	vld.idx.msk [tilespmem:v46+s3+$0x0], $0xffff;
	[tilespmem:s26+$0x1A0] =	vst v3  }
0x1c8: {  	v28 =	vor.u32 v28, v21;
	v19 =	vor.u32 v4, v18;
	v3 =	vor.u32 $0x1A, v16;
	v49 =	vld.idx.msk [tilespmem:v49+s3+$0x0], $0xffff;
	[tilespmem:s26+$0x110] =	vst v38  }
0x1c9: {  	v38 =	vor.u32 v3, v21;
	v33 =	vor.u32 v3, v18;
	v4 =	vld.idx.msk [tilespmem:v32+s3+$0x0], $0xffff;
	[tilespmem:s26+$0x1B0] =	vst v23  }
0x1ca: {  	v31 =	vor.u32 v45, v21;
	v30 =	vor.u32 v45, v18;
	v23 =	vor.u32 $0xF, v16;
	v3 =	vld.idx.msk [tilespmem:v36+s3+$0x0], $0xffff;
	[tilespmem:s26+$0xFFFFFF80] =	vst v8  }
0x1cb: {  	v8 =	vor.u32 $0x7, v16;
	v45 =	vor.u32 v23, v21;
	v32 =	vld.idx.msk [tilespmem:v54+s3+$0x0], $0xffff;
	v54 =	vor.u32 v23, v18;
	[tilespmem:s26+$0xFFFFFE40] =	vst v44  }
0x1cc: {  	v44 =	vor.u32 v8, v21;
	v8 =	vor.u32 v8, v18;
	v48 =	vld.idx.msk [tilespmem:v48+s3+$0x0], $0xffff;
	[tilespmem:s26+$0x80] =	vst v22  }
0x1cd: {  	v36 =	vor.u32 v9, v18;
	v9 =	vor.u32 $0xD, v16;
	v22 =	vld.idx.msk [tilespmem:v27+s3+$0x0], $0xffff;
	v27 =	vor.u32 v42, v21;
	[tilespmem:s26+$0xFFFFFF20] =	vst v7  }
0x1ce: {  	v56 =	vor.u32 v9, v18;
	v7 =	vor.u32 $0x9, v16;
	v42 =	vld.idx.msk [tilespmem:v24+s3+$0x0], $0xffff;
	[tilespmem:s29+$0xFFFFFF50] =	vst v53;
	v53 =	vor.u32 v9, v21  }
0x1cf: {  	v24 =	vor.u32 v7, v21;
	v57 =	vor.u32 v7, v18;
	v9 =	vld.idx.msk [tilespmem:v55+s3+$0x0], $0xffff;
	[tilespmem:s29+$0x170] =	vst v49  }
0x1d0: {  	v23 =	vor.u32 v47, v18;
	v47 =	vld.idx.msk [tilespmem:v51+s3+$0x0], $0xffff;
	[tilespmem:s26+$0xFFFFFF70] =	vst v13  }
0x1d1: {  	v49 =	vld.idx.msk [tilespmem:v54+s3+$0x0], $0xffff;
	[tilespmem:s26+$0x1E0] =	vst v43  }
0x1d2: {  	v13 =	vor.u32 $0xB, v16;
	v43 =	vld.idx.msk [tilespmem:v26+s3+$0x0], $0xffff;
	[tilespmem:s26+$0x180] =	vst v35  }
0x1d3: {  	v7 =	vld.idx.msk [tilespmem:v11+s3+$0x0], $0xffff;
	v11 =	vor.u32 v13, v21;
	[tilespmem:s29+$0x160] =	vst v22  }
0x1d4: {  	v26 =	vor.u32 v13, v18;
	v13 =	vor.u32 $0xC, v16;
	v22 =	vld.idx.msk [tilespmem:v52+s3+$0x0], $0xffff;
	[tilespmem:s26+$0xFFFFFF90] =	vst v6  }
0x1d5: {  	v6 =	vor.u32 v13, v21;
	v35 =	vld.idx.msk [tilespmem:v38+s3+$0x0], $0xffff;
	[tilespmem:s29+$0x1C0] =	vst v50  }
0x1d6: {  	v38 =	vor.u32 v13, v18;
	v13 =	vor.u32 $0xE, v16;
	v50 =	vld.idx.msk [tilespmem:v56+s3+$0x0], $0xffff;
	[tilespmem:s26+$0xFFFFFEB0] =	vst v41  }
0x1d7: {  	[tilespmem:s29+$0xFFFFFED0] =	vst v46;
	v41 =	vld.idx.msk [tilespmem:v44+s3+$0x0], $0xffff;
	v44 =	vor.u32 v13, v21;
	v46 =	vor.u32 v13, v18  }
0x1d8: {  	v13 =	vor.u32 $0x10, v16;
	[tilespmem:s29+$0xFFFFFF40] =	vst v48;
	v45 =	vld.idx.msk [tilespmem:v45+s3+$0x0], $0xffff  }
0x1d9: {  	v51 =	vor.u32 v13, v21;
	v52 =	vor.u32 v13, v18;
	v48 =	vld.idx.msk [tilespmem:v8+s3+$0x0], $0xffff;
	[tilespmem:s29+$0x1D0] =	vst v47  }
0x1da: {  	v8 =	vor.u32 $0x11, v16;
	v47 =	vld.idx.msk [tilespmem:v53+s3+$0x0], $0xffff;
	[tilespmem:s26+$0x190] =	vst v37  }
0x1db: {  	v37 =	vor.u32 v8, v21;
	v53 =	vor.u32 v8, v18;
	v13 =	vld.idx.msk [tilespmem:v57+s3+$0x0], $0xffff;
	[tilespmem:s26+$0xFFFFFE60] =	vst v40  }
0x1dc: {  	v40 =	vor.u32 $0x12, v16;
	v11 =	vld.idx.msk [tilespmem:v11+s3+$0x0], $0xffff;
	[tilespmem:s26+$0x120] =	vst v25  }
0x1dd: {  	v25 =	vor.u32 v40, v21;
	v40 =	vor.u32 v40, v18;
	[tilespmem:s29+$0xFFFFFE90] =	vst v42;
	v8 =	vld.idx.msk [tilespmem:v6+s3+$0x0], $0xffff  }
0x1de: {  	v6 =	vld.idx.msk [tilespmem:v38+s3+$0x0], $0xffff;
	v38 =	vor.u32 $0x13, v16;
	[tilespmem:s26+$0xFFFFFE20] =	vst v20  }
0x1df: {  	[tilespmem:s29+$0xFFFFFEC0] =	vst v43;
	v20 =	vld.idx.msk [tilespmem:v52+s3+$0x0], $0xffff;
	v42 =	vor.u32 v38, v21;
	v38 =	vor.u32 v38, v18  }
0x1e0: {  	[tilespmem:s29+$0xFFFFFEE0] =	vst v41;
	v41 =	vld.idx.msk [tilespmem:v46+s3+$0x0], $0xffff  }
0x1e1: {  	[tilespmem:s29+$0xFFFFFE80] =	vst v22;
	v43 =	vld.idx.msk [tilespmem:v53+s3+$0x0], $0xffff  }
0x1e2: {  	[tilespmem:s29+$0xFFFFFEF0] =	vst v48;
	v46 =	vld.idx.msk [tilespmem:v40+s3+$0x0], $0xffff  }
0x1e3: {  	v40 =	vld.idx.msk [tilespmem:v44+s3+$0x0], $0xffff;
	[tilespmem:s26+$0xFFFFFE30] =	vst v17  }
0x1e4: {  	v22 =	vor.u32 $0x14, v16;
	v17 =	vld.idx.msk [tilespmem:v51+s3+$0x0], $0xffff;
	[tilespmem:s26+$0x90] =	vst v12;
	s26 =	smov.u32 s29  }
0x1e5: {  	v44 =	vor.u32 v22, v18;
	[tilespmem:s29+$0xFFFFFFA0] =	vst v47;
	v12 =	vld.idx.msk [tilespmem:v37+s3+$0x0], $0xffff;
	v37 =	vor.u32 v22, v21  }
0x1e6: {  	v22 =	vor.u32 $0x15, v16;
	[tilespmem:s29+$0xFFFFFFE0] =	vst v45;
	v25 =	vld.idx.msk [tilespmem:v25+s3+$0x0], $0xffff  }
0x1e7: {  	v45 =	vor.u32 v22, v21;
	v47 =	vor.u32 v22, v18;
	[tilespmem:s29+$0xFFFFFFB0] =	vst v50;
	v42 =	vld.idx.msk [tilespmem:v42+s3+$0x0], $0xffff  }
0x1e8: {  	v22 =	vor.u32 $0x16, v16;
	v34 =	vld.idx.msk [tilespmem:v34+s3+$0x0], $0xffff;
	[tilespmem:s29+$0xFFFFFFD0] =	vst v41  }
0x1e9: {  	v48 =	vor.u32 v22, v18;
	v41 =	vor.u32 v22, v21;
	[tilespmem:s29+$0xFFFFFFF0] =	vst v49;
	v38 =	vld.idx.msk [tilespmem:v38+s3+$0x0], $0xffff  }
0x1ea: {  	[tilespmem:s29+$0x0] =	vst v17;
	v22 =	vld.idx.msk [tilespmem:v37+s3+$0x0], $0xffff;
	v17 =	vor.u32 $0x17, v16  }
0x1eb: {  	v37 =	vld.idx.msk [tilespmem:v39+s3+$0x0], $0xffff;
	[tilespmem:s29+$0x20] =	vst v12;
	v12 =	vor.u32 v17, v21;
	v17 =	vor.u32 v17, v18  }
0x1ec: {  	v39 =	vor.u32 $0x18, v16;
	[tilespmem:s29+$0x40] =	vst v25;
	v25 =	vld.idx.msk [tilespmem:v45+s3+$0x0], $0xffff  }
0x1ed: {  	[tilespmem:s29+$0x10] =	vst v20;
	v45 =	vld.idx.msk [tilespmem:v47+s3+$0x0], $0xffff;
	v20 =	vor.u32 v39, v21;
	v47 =	vor.u32 v39, v18  }
0x1ee: {  	[tilespmem:s29+$0xFFFFFFC0] =	vst v40;
	v41 =	vld.idx.msk [tilespmem:v41+s3+$0x0], $0xffff  }
0x1ef: {  	[tilespmem:s29+$0x30] =	vst v43;
	v43 =	vld.idx.msk [tilespmem:v48+s3+$0x0], $0xffff  }
0x1f0: {  	[tilespmem:s29+$0x60] =	vst v42;
	v40 =	vld.idx.msk [tilespmem:v12+s3+$0x0], $0xffff  }
0x1f1: {  	[tilespmem:s29+$0xFFFFFE00] =	vst v29;
	v39 =	vld.idx.msk [tilespmem:v17+s3+$0x0], $0xffff  }
0x1f2: {  	[tilespmem:s29+$0x50] =	vst v46;
	v29 =	vld.idx.msk [tilespmem:v20+s3+$0x0], $0xffff  }
0x1f3: {  	[tilespmem:s29+$0x70] =	vst v38;
	v38 =	vld.idx.msk [tilespmem:v47+s3+$0x0], $0xffff  }
0x1f4: {  	v16 =	vor.u32 $0x1C, v16;
	[tilespmem:s29+$0xFFFFFE10] =	vst v37;
	v12 =	vld.idx.msk [tilespmem:v44+s3+$0x0], $0xffff  }
0x1f5: {  	v21 =	vor.u32 v16, v21;
	v18 =	vor.u32 v16, v18;
	[tilespmem:s29+$0xA0] =	vst v25;
	v33 =	vld.idx.msk [tilespmem:v33+s3+$0x0], $0xffff  }
.Ltmp4:
0x1f6: {  	v36 =	vld.idx.msk [tilespmem:v36+s3+$0x0], $0xffff;
	[tilespmem:s29+$0xC0] =	vst v41;
	(pc) =	sbr.rel @p2 .LBB2_7-.Ltmp4, $4  }
0x1f7: {  	v20 =	vld.idx.msk [tilespmem:v31+s3+$0x0], $0xffff;
	[tilespmem:s29+$0x140] =	vst v35  }
0x1f8: {  	v17 =	vld.idx.msk [tilespmem:v30+s3+$0x0], $0xffff;
	[tilespmem:s29+$0xFFFFFF00] =	vst v32  }
0x1f9: {  	[tilespmem:s29+$0xB0] =	vst v45;
	v25 =	vld.idx.msk [tilespmem:v28+s3+$0x0], $0xffff  }
0x1fa: {  	v14 =	vadd.s32 $0x20, v14;
	[tilespmem:s29+$0xD0] =	vst v43;
	v35 =	vld.idx.msk [tilespmem:v21+s3+$0x0], $0xffff  }
0x1fb: {  	_ = 	snop  }
0x1fc: {  	[tilespmem:s26+$0x130] =	vst v9  }
0x1fd: {  	[tilespmem:s26+$0xE0] =	vst v40  }
0x1fe: {  	[tilespmem:s26+$0xF0] =	vst v39  }
0x1ff: {  	v9 =	vld.idx.msk [tilespmem:v27+s3+$0x0], $0xffff;
	[tilespmem:s26+$0x1F0] =	vst v5  }
0x200: {  	[tilespmem:s26+$0x100] =	vst v29  }
0x201: {  	v5 =	vld.idx.msk [tilespmem:v19+s3+$0x0], $0xffff;
	[tilespmem:s26+$0xFFFFFEA0] =	vst v34  }
0x202: {  	v14 =	vld.idx.msk [tilespmem:v15+s3+$0x0], $0xffff;
	[tilespmem:s26+$0xFFFFFE70] =	vst v7  }
0x203: {  	v10 =	vld.idx.msk [tilespmem:v10+s3+$0x0], $0xffff;
	[tilespmem:s26+$0xFFFFFE50] =	vst v4  }
0x204: {  	v7 =	vld.idx.msk [tilespmem:v24+s3+$0x0], $0xffff;
	[tilespmem:s26+$0xFFFFFF30] =	vst v13  }
0x205: {  	v4 =	vld.idx.msk [tilespmem:v26+s3+$0x0], $0xffff;
	[tilespmem:s26+$0xFFFFFF60] =	vst v11  }
0x206: {  	[tilespmem:s26+$0xFFFFFF10] =	vst v36  }
0x207: {  	[tilespmem:s26+$0x150] =	vst v33  }
0x208: {  	v13 =	vld.idx.msk [tilespmem:v23+s3+$0x0], $0xffff;
	[tilespmem:s26+$0x1A0] =	vst v3  }
0x209: {  	[tilespmem:s26+$0x110] =	vst v38  }
0x20a: {  	[tilespmem:s26+$0xFFFFFF80] =	vst v8  }
0x20b: {  	[tilespmem:s26+$0x80] =	vst v22  }
0x20c: {  	[tilespmem:s26+$0xFFFFFF90] =	vst v6  }
0x20d: {  	[tilespmem:s26+$0x90] =	vst v12  }
0x20e: {  	[tilespmem:s26+$0xFFFFFE20] =	vst v20  }
0x20f: {  	[tilespmem:s26+$0xFFFFFE30] =	vst v17  }
0x210: {  	[tilespmem:s26+$0x120] =	vst v25  }
0x211: {  	v3 =	vld.idx.msk [tilespmem:v18+s3+$0x0], $0xffff;
	[tilespmem:s26+$0x180] =	vst v35  }
0x212: {  	[tilespmem:s26+$0x1B0] =	vst v13  }
0x213: {  	[tilespmem:s26+$0xFFFFFE40] =	vst v10  }
0x214: {  	[tilespmem:s26+$0xFFFFFF20] =	vst v7  }
0x215: {  	[tilespmem:s26+$0xFFFFFF70] =	vst v4  }
0x216: {  	s7 =	sshll.u32 s25, $0xF;
	[tilespmem:s26+$0x1E0] =	vst v9  }
0x217: {  	s7 =	sadd.s32 s8, s7;
	[tilespmem:s26+$0xFFFFFEB0] =	vst v5  }
0x218: {  	s7 =	sshrl.u32 s7, $0x3;
	[tilespmem:s26+$0x190] =	vst v3  }
0x219: {  	s7 =	sadd.s32 s4, s7;
	[tilespmem:s26+$0xFFFFFE60] =	vst v14;
	s26 =	sshll.u32 s25, $0xA  }
0x21a: {  	[hbm4b:s7+s3] =	stream.linear.scatter [tilespmem:s11], [sflag:$0x3], $0x4000, $0x38;
	[tilespmem:$0x13000] =	vst v63  }
0x21b: {  	s7 =	sadd.s32 s26, s13  }
0x21c: {  	[tilespmem:s3], [sflag:$0x1] =	stream.linear.gather [hbm4b:s7+s3], $0x1000, $0x38;
	[tilespmem:$0x13000] =	vst v63  }
0x21d: {  	s28 =	sadd.s32 $0xF4280, s7  }
0x21e: {  	[tilespmem:s30], [sflag:$0x1] =	stream.linear.gather [hbm4b:s28+s3], $0x1000, $0x38;
	[tilespmem:$0x13000] =	vst v63  }
0x21f: {  	s28 =	sadd.s32 $0x1E8500, s7  }
0x220: {  	v14 =	vimm.s32 $0x0;
	[tilespmem:s31], [sflag:$0x1] =	stream.linear.gather [hbm4b:s28+s3], $0x1000, $0x38;
	[tilespmem:$0x13000] =	vst v63  }
0x221: {  	v3 =	vshll.u32 v14, $0x3;
	s7 =	sadd.s32 $0x2DC780, s7  }
0x222: {  	v10 =	vand.u32 $0x60, v14;
	v3 =	vand.u32 $0xFFFFFC00, v3;
	[tilespmem:s0], [sflag:$0x1] =	stream.linear.gather [hbm4b:s7+s3], $0x1000, $0x38;
	[tilespmem:$0x13000] =	vst v63  }
0x223: {  	v6 =	vor.u32 $0x1E, v10;
	v18 =	vadd.s32 v0, v3;
	_ =	swait.ge [sflag:s15], $0x4000  }
0x224: {  	v4 =	vor.u32 v6, v18;
	[sflag:s15] =	ssyncset.done $0x0  }
0x225: {  	v16 =	vadd.s32 v1, v3;
	v3 =	vor.u32 $0xA, v10;
	v5 =	vor.u32 v10, v18;
	[sflag:s15] =	ssyncadd.s32 $0xFFFFC000  }
0x226: {  	v17 =	vor.u32 $0x1F, v10;
	v7 =	vor.u32 v3, v16;
	_ =	swait.ge [sflag:s22], $0x4000  }
0x227: {  	v8 =	vor.u32 $0x6, v10;
	v9 =	vor.u32 v17, v16;
	[sflag:s22] =	ssyncset.done $0x0  }
0x228: {  	v11 =	vor.u32 $0x1B, v10;
	v13 =	vor.u32 v8, v16;
	[sflag:s22] =	ssyncadd.s32 $0xFFFFC000  }
0x229: {  	v19 =	vor.u32 $0x8, v10;
	v20 =	vor.u32 v11, v16;
	v22 =	vld.idx.msk [tilespmem:v4+s1+$0x0], $0xffff  }
0x22a: {  	v23 =	vor.u32 v19, v18;
	v12 =	vld.idx.msk [tilespmem:v5+s1+$0x0], $0xffff  }
0x22b: {  	v11 =	vor.u32 v11, v18;
	v25 =	vld.idx.msk [tilespmem:v7+s1+$0x0], $0xffff  }
0x22c: {  	v6 =	vor.u32 v6, v16;
	v5 =	vld.idx.msk [tilespmem:v9+s1+$0x0], $0xffff  }
0x22d: {  	v52 =	vor.u32 $0xD, v10;
	v8 =	vor.u32 v8, v18;
	v26 =	vld.idx.msk [tilespmem:v13+s1+$0x0], $0xffff  }
0x22e: {  	v54 =	vor.u32 v52, v16;
	v27 =	vld.idx.msk [tilespmem:v20+s1+$0x0], $0xffff  }
0x22f: {  	v15 =	vor.u32 $0x2, v10;
	v19 =	vor.u32 v19, v16;
	v23 =	vld.idx.msk [tilespmem:v23+s1+$0x0], $0xffff  }
0x230: {  	v21 =	vor.u32 $0x1D, v10;
	v4 =	vor.u32 v15, v16;
	v11 =	vld.idx.msk [tilespmem:v11+s1+$0x0], $0xffff  }
0x231: {  	v7 =	vor.u32 v21, v18;
	v53 =	vld.idx.msk [tilespmem:v6+s1+$0x0], $0xffff  }
0x232: {  	v24 =	vor.u32 $0x19, v10;
	v9 =	vor.u32 v3, v18;
	v55 =	vld.idx.msk [tilespmem:v8+s1+$0x0], $0xffff  }
0x233: {  	v43 =	vor.u32 $0xB, v10;
	v29 =	vor.u32 v24, v16;
	v34 =	vld.idx.msk [tilespmem:v54+s1+$0x0], $0xffff  }
0x234: {  	v57 =	vor.u32 v43, v18;
	v13 =	vor.u32 $0x4, v10;
	v36 =	vld.idx.msk [tilespmem:v19+s1+$0x0], $0xffff  }
0x235: {  	v20 =	vor.u32 $0x3, v10;
	v28 =	vor.u32 v13, v16;
	v4 =	vld.idx.msk [tilespmem:v4+s1+$0x0], $0xffff  }
0x236: {  	v32 =	vor.u32 v20, v16;
	v3 =	vld.idx.msk [tilespmem:v7+s1+$0x0], $0xffff  }
0x237: {  	v6 =	vor.u32 $0x7, v10;
	v13 =	vor.u32 v13, v18;
	v31 =	vld.idx.msk [tilespmem:v9+s1+$0x0], $0xffff  }
0x238: {  	s28 =	simm.s32 $0xE200;
	v37 =	vor.u32 v6, v18;
	v9 =	vld.idx.msk [tilespmem:v29+s1+$0x0], $0xffff  }
0x239: {  	v33 =	vor.u32 $0x1A, v10;
	v58 =	vor.u32 $0xC, v10;
	v6 =	vor.u32 v6, v16;
	[tilespmem:s28+$0x160] =	vst v11;
	v11 =	vld.idx.msk [tilespmem:v57+s1+$0x0], $0xffff  }
0x23a: {  	v60 =	vor.u32 $0x10, v10;
	v7 =	vor.u32 $0xF, v10;
	v29 =	vor.u32 v33, v18;
	[tilespmem:s28+$0xFFFFFF50] =	vst v25;
	v28 =	vld.idx.msk [tilespmem:v28+s1+$0x0], $0xffff  }
0x23b: {  	v25 =	vor.u32 v58, v16;
	v30 =	vor.u32 v7, v16;
	v8 =	vor.u32 v7, v18;
	v7 =	vld.idx.msk [tilespmem:v32+s1+$0x0], $0xffff  }
0x23c: {  	v48 =	vor.u32 $0x11, v10;
	[tilespmem:s28+$0x170] =	vst v27;
	v27 =	vor.u32 v60, v16;
	v56 =	vld.idx.msk [tilespmem:v13+s1+$0x0], $0xffff  }
0x23d: {  	[tilespmem:s28+$0x1C0] =	vst v22;
	v22 =	vor.u32 v48, v16;
	v37 =	vld.idx.msk [tilespmem:v37+s1+$0x0], $0xffff  }
0x23e: {  	[tilespmem:s28+$0xFFFFFEC0] =	vst v55;
	v55 =	vor.u32 v10, v16;
	v45 =	vld.idx.msk [tilespmem:v6+s1+$0x0], $0xffff  }
0x23f: {  	v33 =	vor.u32 v33, v16;
	v6 =	vor.u32 $0xE, v10;
	v42 =	vld.idx.msk [tilespmem:v29+s1+$0x0], $0xffff  }
0x240: {  	v47 =	vor.u32 v6, v16;
	v61 =	vor.u32 v6, v18;
	v6 =	vld.idx.msk [tilespmem:v25+s1+$0x0], $0xffff  }
0x241: {  	v27 =	vld.idx.msk [tilespmem:v27+s1+$0x0], $0xffff  }
0x242: {  	[tilespmem:s28+$0xFFFFFED0] =	vst v26;
	v13 =	vor.u32 v52, v18;
	v63 =	vld.idx.msk [tilespmem:v22+s1+$0x0], $0xffff  }
0x243: {  	v59 =	vor.u32 v58, v18;
	[tilespmem:s28+$0x1D0] =	vst v53;
	v25 =	vor.u32 v60, v18;
	v60 =	vld.idx.msk [tilespmem:v55+s1+$0x0], $0xffff  }
0x244: {  	v41 =	vor.u32 $0x9, v10;
	[tilespmem:s28+$0xFFFFFF00] =	vst v23;
	v33 =	vld.idx.msk [tilespmem:v33+s1+$0x0], $0xffff  }
0x245: {  	v29 =	vor.u32 v41, v16;
	[tilespmem:s28+$0xFFFFFF40] =	vst v31;
	v30 =	vld.idx.msk [tilespmem:v30+s1+$0x0], $0xffff  }
0x246: {  	[tilespmem:s28+$0xFFFFFE00] =	vst v12;
	v44 =	vld.idx.msk [tilespmem:v8+s1+$0x0], $0xffff  }
0x247: {  	v46 =	vld.idx.msk [tilespmem:v13+s1+$0x0], $0xffff;
	[tilespmem:s28+$0xFFFFFE90] =	vst v28  }
0x248: {  	v62 =	vor.u32 $0x13, v10;
	v31 =	vor.u32 v48, v18;
	v8 =	vld.idx.msk [tilespmem:v59+s1+$0x0], $0xffff;
	[tilespmem:s28+$0xFFFFFEE0] =	vst v37  }
0x249: {  	v53 =	vor.u32 $0x14, v10;
	v22 =	vor.u32 v62, v18;
	[tilespmem:s28+$0xFFFFFE80] =	vst v56;
	v28 =	vld.idx.msk [tilespmem:v47+s1+$0x0], $0xffff  }
0x24a: {  	v35 =	vor.u32 v62, v16;
	v62 =	vor.u32 v53, v16;
	[tilespmem:s28+$0xFFFFFEF0] =	vst v45;
	v13 =	vld.idx.msk [tilespmem:v29+s1+$0x0], $0xffff;
	v29 =	vor.u32 $0x12, v10  }
0x24b: {  	[tilespmem:s28+$0xFFFFFFB0] =	vst v34;
	v52 =	vld.idx.msk [tilespmem:v61+s1+$0x0], $0xffff;
	v26 =	vor.u32 v29, v16;
	v29 =	vor.u32 v29, v18  }
0x24c: {  	v54 =	vor.u32 v53, v18;
	v25 =	vld.idx.msk [tilespmem:v25+s1+$0x0], $0xffff;
	[tilespmem:s28+$0x10] =	vst v27  }
0x24d: {  	v56 =	vor.u32 $0x15, v10;
	v31 =	vld.idx.msk [tilespmem:v31+s1+$0x0], $0xffff;
	[tilespmem:s28+$0x30] =	vst v63  }
0x24e: {  	v58 =	vor.u32 v56, v18;
	v57 =	vld.idx.msk [tilespmem:v22+s1+$0x0], $0xffff;
	[tilespmem:s28+$0xFFFFFFE0] =	vst v44  }
0x24f: {  	v47 =	vor.u32 $0x5, v10;
	v12 =	vld.idx.msk [tilespmem:v62+s1+$0x0], $0xffff;
	[tilespmem:s28+$0xFFFFFFF0] =	vst v30  }
0x250: {  	v51 =	vor.u32 v47, v18;
	v22 =	vor.u32 $0x16, v10;
	v44 =	vor.u32 v56, v16;
	[tilespmem:s28+$0xFFFFFFD0] =	vst v28;
	v29 =	vld.idx.msk [tilespmem:v29+s1+$0x0], $0xffff  }
0x251: {  	v30 =	vor.u32 v22, v18;
	v59 =	vor.u32 v22, v16;
	v22 =	vld.idx.msk [tilespmem:v54+s1+$0x0], $0xffff;
	[tilespmem:s28+$0x0] =	vst v25;
	v25 =	vor.u32 $0x17, v10  }
0x252: {  	v28 =	vld.idx.msk [tilespmem:v35+s1+$0x0], $0xffff;
	[tilespmem:s28+$0x20] =	vst v31;
	v31 =	vor.u32 v25, v18  }
0x253: {  	[tilespmem:s28+$0xFFFFFFA0] =	vst v46;
	v46 =	vld.idx.msk [tilespmem:v58+s1+$0x0], $0xffff;
	v25 =	vor.u32 v25, v16  }
0x254: {  	[tilespmem:s28+$0xFFFFFE10] =	vst v60;
	v26 =	vld.idx.msk [tilespmem:v26+s1+$0x0], $0xffff  }
0x255: {  	v34 =	vld.idx.msk [tilespmem:v51+s1+$0x0], $0xffff;
	[tilespmem:s28+$0x40] =	vst v29;
	v29 =	vor.u32 $0x18, v10  }
0x256: {  	[tilespmem:s28+$0x140] =	vst v42;
	v44 =	vld.idx.msk [tilespmem:v44+s1+$0x0], $0xffff;
	v27 =	vor.u32 v29, v18  }
0x257: {  	[tilespmem:s28+$0xFFFFFFC0] =	vst v52;
	v40 =	vld.idx.msk [tilespmem:v31+s1+$0x0], $0xffff;
	v31 =	vor.u32 $0x1, v10;
	v61 =	vor.u32 v29, v16  }
0x258: {  	[tilespmem:s28+$0x60] =	vst v57;
	v39 =	vld.idx.msk [tilespmem:v25+s1+$0x0], $0xffff;
	v25 =	vor.u32 v31, v18  }
0x259: {  	v30 =	vld.idx.msk [tilespmem:v30+s1+$0x0], $0xffff;
	[tilespmem:s28+$0x50] =	vst v26;
	v26 =	vor.u32 v31, v16  }
0x25a: {  	v35 =	vld.idx.msk [tilespmem:v59+s1+$0x0], $0xffff;
	[tilespmem:s28+$0x70] =	vst v28;
	v28 =	vor.u32 v24, v18;
	v31 =	vor.u32 $0x1C, v10  }
0x25b: {  	v24 =	vor.u32 v41, v18;
	v10 =	vor.u32 v15, v18;
	v63 =	vor.u32 v31, v18;
	v29 =	vld.idx.msk [tilespmem:v27+s1+$0x0], $0xffff  }
0x25c: {  	v15 =	vor.u32 v20, v18;
	v38 =	vld.idx.msk [tilespmem:v61+s1+$0x0], $0xffff;
	v27 =	vor.u32 v17, v18;
	v18 =	vor.u32 v31, v16  }
0x25d: {  	[tilespmem:s28+$0xA0] =	vst v46;
	v20 =	vld.idx.msk [tilespmem:v25+s1+$0x0], $0xffff  }
0x25e: {  	[tilespmem:s28+$0xC0] =	vst v30;
	v17 =	vld.idx.msk [tilespmem:v26+s1+$0x0], $0xffff  }
0x25f: {  	v19 =	vor.u32 v47, v16;
	[tilespmem:s28+$0xB0] =	vst v44;
	v25 =	vld.idx.msk [tilespmem:v28+s1+$0x0], $0xffff  }
0x260: {  	s29 =	simm.s32 $0x0;
	v14 =	vadd.s32 $0x20, v14;
	s7 =	simm.s32 $0xE200;
	v23 =	vor.u32 v21, v16;
	[tilespmem:s28+$0xD0] =	vst v35;
	v26 =	vor.u32 v43, v16;
	v35 =	vld.idx.msk [tilespmem:v63+s1+$0x0], $0xffff  }
.LBB2_9:
0x261: {  	v16 =	vand.u32 $0x60, v14;
	v21 =	vshll.u32 v14, $0x3;
	s29 =	sadd.s32 $0x20, s29;
	[tilespmem:s28+$0x130] =	vst v9;
	v37 =	vld.idx.msk [tilespmem:v18+s1+$0x0], $0xffff;
	s7 =	sadd.s32 $0x400, s7  }
0x262: {  	v9 =	vand.u32 $0xFFFFFC00, v21;
	v28 =	vor.u32 $0x6, v16;
	v42 =	vor.u32 $0x1F, v16;
	p2 =	slt.u32 s29, $0x1E0;
	[tilespmem:s28+$0xE0] =	vst v40;
	v43 =	vld.idx.msk [tilespmem:v27+s1+$0x0], $0xffff  }
0x263: {  	v27 =	vor.u32 $0x4, v16;
	v30 =	vor.u32 $0x1B, v16;
	v18 =	vadd.s32 v1, v9;
	v40 =	vld.idx.msk [tilespmem:v15+s1+$0x0], $0xffff;
	[tilespmem:s28+$0xF0] =	vst v39  }
0x264: {  	v31 =	vor.u32 $0x1E, v16;
	v21 =	vadd.s32 v0, v9;
	v9 =	vor.u32 $0x8, v16;
	v41 =	vld.idx.msk [tilespmem:v19+s1+$0x0], $0xffff;
	[tilespmem:s28+$0x1F0] =	vst v5  }
0x265: {  	v15 =	vor.u32 $0xA, v16;
	v5 =	vor.u32 $0x2, v16;
	v19 =	vor.u32 v31, v21;
	v44 =	vld.idx.msk [tilespmem:v10+s1+$0x0], $0xffff;
	[tilespmem:s28+$0x100] =	vst v29  }
0x266: {  	v39 =	vor.u32 v15, v18;
	v29 =	vor.u32 v16, v21;
	v32 =	vor.u32 v5, v18;
	[tilespmem:s28+$0xFFFFFEA0] =	vst v34  }
0x267: {  	v45 =	vor.u32 $0x1, v16;
	v10 =	vor.u32 v5, v21;
	v5 =	vor.u32 v42, v18;
	[tilespmem:s28+$0xFFFFFE70] =	vst v7;
	v7 =	vld.idx.msk [tilespmem:v24+s1+$0x0], $0xffff  }
0x268: {  	v47 =	vor.u32 $0x1D, v16;
	v46 =	vor.u32 v28, v18;
	v24 =	vor.u32 v27, v18;
	[tilespmem:s28+$0xFFFFFE50] =	vst v4;
	v23 =	vld.idx.msk [tilespmem:v23+s1+$0x0], $0xffff  }
0x269: {  	v48 =	vor.u32 v15, v21;
	v49 =	vor.u32 v30, v18;
	v4 =	vor.u32 $0x3, v16;
	[tilespmem:s28+$0xFFFFFF30] =	vst v13;
	v13 =	vld.idx.msk [tilespmem:v26+s1+$0x0], $0xffff  }
0x26a: {  	v15 =	vor.u32 v4, v21;
	v26 =	vor.u32 v28, v21;
	v28 =	vor.u32 $0x19, v16;
	v50 =	vld.idx.msk [tilespmem:v19+s1+$0x0], $0xffff;
	[tilespmem:s28+$0xFFFFFF60] =	vst v11  }
0x26b: {  	v51 =	vor.u32 v31, v18;
	v11 =	vor.u32 v4, v18;
	v29 =	vld.idx.msk [tilespmem:v29+s1+$0x0], $0xffff;
	[tilespmem:s28+$0xFFFFFF10] =	vst v36  }
0x26c: {  	v52 =	vor.u32 v27, v21;
	v27 =	vor.u32 v30, v21;
	v36 =	vor.u32 v47, v21;
	v53 =	vld.idx.msk [tilespmem:v39+s1+$0x0], $0xffff  }
0x26d: {  	v54 =	vor.u32 v9, v21;
	v4 =	vor.u32 $0x5, v16;
	v55 =	vor.u32 v28, v18;
	v5 =	vld.idx.msk [tilespmem:v5+s1+$0x0], $0xffff;
	[tilespmem:s28+$0x150] =	vst v33  }
0x26e: {  	v34 =	vor.u32 v4, v21;
	v39 =	vor.u32 v16, v18;
	v46 =	vld.idx.msk [tilespmem:v46+s1+$0x0], $0xffff;
	[tilespmem:s28+$0x1A0] =	vst v3  }
0x26f: {  	v28 =	vor.u32 v28, v21;
	v19 =	vor.u32 v4, v18;
	v3 =	vor.u32 $0x1A, v16;
	v49 =	vld.idx.msk [tilespmem:v49+s1+$0x0], $0xffff;
	[tilespmem:s28+$0x110] =	vst v38  }
0x270: {  	v38 =	vor.u32 v3, v21;
	v33 =	vor.u32 v3, v18;
	v4 =	vld.idx.msk [tilespmem:v32+s1+$0x0], $0xffff;
	[tilespmem:s28+$0x1B0] =	vst v23  }
0x271: {  	v31 =	vor.u32 v45, v21;
	v30 =	vor.u32 v45, v18;
	v23 =	vor.u32 $0xF, v16;
	v3 =	vld.idx.msk [tilespmem:v36+s1+$0x0], $0xffff;
	[tilespmem:s28+$0xFFFFFF80] =	vst v8  }
0x272: {  	v8 =	vor.u32 $0x7, v16;
	v45 =	vor.u32 v23, v21;
	v32 =	vld.idx.msk [tilespmem:v54+s1+$0x0], $0xffff;
	v54 =	vor.u32 v23, v18;
	[tilespmem:s28+$0xFFFFFE40] =	vst v44  }
0x273: {  	v44 =	vor.u32 v8, v21;
	v8 =	vor.u32 v8, v18;
	v48 =	vld.idx.msk [tilespmem:v48+s1+$0x0], $0xffff;
	[tilespmem:s28+$0x80] =	vst v22  }
0x274: {  	v36 =	vor.u32 v9, v18;
	v9 =	vor.u32 $0xD, v16;
	v22 =	vld.idx.msk [tilespmem:v27+s1+$0x0], $0xffff;
	v27 =	vor.u32 v42, v21;
	[tilespmem:s28+$0xFFFFFF20] =	vst v7  }
0x275: {  	v56 =	vor.u32 v9, v18;
	v7 =	vor.u32 $0x9, v16;
	v42 =	vld.idx.msk [tilespmem:v24+s1+$0x0], $0xffff;
	[tilespmem:s7+$0xFFFFFF50] =	vst v53;
	v53 =	vor.u32 v9, v21  }
0x276: {  	v24 =	vor.u32 v7, v21;
	v57 =	vor.u32 v7, v18;
	v9 =	vld.idx.msk [tilespmem:v55+s1+$0x0], $0xffff;
	[tilespmem:s7+$0x170] =	vst v49  }
0x277: {  	v23 =	vor.u32 v47, v18;
	v47 =	vld.idx.msk [tilespmem:v51+s1+$0x0], $0xffff;
	[tilespmem:s28+$0xFFFFFF70] =	vst v13  }
0x278: {  	v49 =	vld.idx.msk [tilespmem:v54+s1+$0x0], $0xffff;
	[tilespmem:s28+$0x1E0] =	vst v43  }
0x279: {  	v13 =	vor.u32 $0xB, v16;
	v43 =	vld.idx.msk [tilespmem:v26+s1+$0x0], $0xffff;
	[tilespmem:s28+$0x180] =	vst v35  }
0x27a: {  	v7 =	vld.idx.msk [tilespmem:v11+s1+$0x0], $0xffff;
	v11 =	vor.u32 v13, v21;
	[tilespmem:s7+$0x160] =	vst v22  }
0x27b: {  	v26 =	vor.u32 v13, v18;
	v13 =	vor.u32 $0xC, v16;
	v22 =	vld.idx.msk [tilespmem:v52+s1+$0x0], $0xffff;
	[tilespmem:s28+$0xFFFFFF90] =	vst v6  }
0x27c: {  	v6 =	vor.u32 v13, v21;
	v35 =	vld.idx.msk [tilespmem:v38+s1+$0x0], $0xffff;
	[tilespmem:s7+$0x1C0] =	vst v50  }
0x27d: {  	v38 =	vor.u32 v13, v18;
	v13 =	vor.u32 $0xE, v16;
	v50 =	vld.idx.msk [tilespmem:v56+s1+$0x0], $0xffff;
	[tilespmem:s28+$0xFFFFFEB0] =	vst v41  }
0x27e: {  	[tilespmem:s7+$0xFFFFFED0] =	vst v46;
	v41 =	vld.idx.msk [tilespmem:v44+s1+$0x0], $0xffff;
	v44 =	vor.u32 v13, v21;
	v46 =	vor.u32 v13, v18  }
0x27f: {  	v13 =	vor.u32 $0x10, v16;
	[tilespmem:s7+$0xFFFFFF40] =	vst v48;
	v45 =	vld.idx.msk [tilespmem:v45+s1+$0x0], $0xffff  }
0x280: {  	v51 =	vor.u32 v13, v21;
	v52 =	vor.u32 v13, v18;
	v48 =	vld.idx.msk [tilespmem:v8+s1+$0x0], $0xffff;
	[tilespmem:s7+$0x1D0] =	vst v47  }
0x281: {  	v8 =	vor.u32 $0x11, v16;
	v47 =	vld.idx.msk [tilespmem:v53+s1+$0x0], $0xffff;
	[tilespmem:s28+$0x190] =	vst v37  }
0x282: {  	v37 =	vor.u32 v8, v21;
	v53 =	vor.u32 v8, v18;
	v13 =	vld.idx.msk [tilespmem:v57+s1+$0x0], $0xffff;
	[tilespmem:s28+$0xFFFFFE60] =	vst v40  }
0x283: {  	v40 =	vor.u32 $0x12, v16;
	v11 =	vld.idx.msk [tilespmem:v11+s1+$0x0], $0xffff;
	[tilespmem:s28+$0x120] =	vst v25  }
0x284: {  	v25 =	vor.u32 v40, v21;
	v40 =	vor.u32 v40, v18;
	[tilespmem:s7+$0xFFFFFE90] =	vst v42;
	v8 =	vld.idx.msk [tilespmem:v6+s1+$0x0], $0xffff  }
0x285: {  	v6 =	vld.idx.msk [tilespmem:v38+s1+$0x0], $0xffff;
	v38 =	vor.u32 $0x13, v16;
	[tilespmem:s28+$0xFFFFFE20] =	vst v20  }
0x286: {  	[tilespmem:s7+$0xFFFFFEC0] =	vst v43;
	v20 =	vld.idx.msk [tilespmem:v52+s1+$0x0], $0xffff;
	v42 =	vor.u32 v38, v21;
	v38 =	vor.u32 v38, v18  }
0x287: {  	[tilespmem:s7+$0xFFFFFEE0] =	vst v41;
	v41 =	vld.idx.msk [tilespmem:v46+s1+$0x0], $0xffff  }
0x288: {  	[tilespmem:s7+$0xFFFFFE80] =	vst v22;
	v43 =	vld.idx.msk [tilespmem:v53+s1+$0x0], $0xffff  }
0x289: {  	[tilespmem:s7+$0xFFFFFEF0] =	vst v48;
	v46 =	vld.idx.msk [tilespmem:v40+s1+$0x0], $0xffff  }
0x28a: {  	v40 =	vld.idx.msk [tilespmem:v44+s1+$0x0], $0xffff;
	[tilespmem:s28+$0xFFFFFE30] =	vst v17  }
0x28b: {  	v22 =	vor.u32 $0x14, v16;
	v17 =	vld.idx.msk [tilespmem:v51+s1+$0x0], $0xffff;
	[tilespmem:s28+$0x90] =	vst v12;
	s28 =	smov.u32 s7  }
0x28c: {  	v44 =	vor.u32 v22, v18;
	[tilespmem:s7+$0xFFFFFFA0] =	vst v47;
	v12 =	vld.idx.msk [tilespmem:v37+s1+$0x0], $0xffff;
	v37 =	vor.u32 v22, v21  }
0x28d: {  	v22 =	vor.u32 $0x15, v16;
	[tilespmem:s7+$0xFFFFFFE0] =	vst v45;
	v25 =	vld.idx.msk [tilespmem:v25+s1+$0x0], $0xffff  }
0x28e: {  	v45 =	vor.u32 v22, v21;
	v47 =	vor.u32 v22, v18;
	[tilespmem:s7+$0xFFFFFFB0] =	vst v50;
	v42 =	vld.idx.msk [tilespmem:v42+s1+$0x0], $0xffff  }
0x28f: {  	v22 =	vor.u32 $0x16, v16;
	v34 =	vld.idx.msk [tilespmem:v34+s1+$0x0], $0xffff;
	[tilespmem:s7+$0xFFFFFFD0] =	vst v41  }
0x290: {  	v48 =	vor.u32 v22, v18;
	v41 =	vor.u32 v22, v21;
	[tilespmem:s7+$0xFFFFFFF0] =	vst v49;
	v38 =	vld.idx.msk [tilespmem:v38+s1+$0x0], $0xffff  }
0x291: {  	[tilespmem:s7+$0x0] =	vst v17;
	v22 =	vld.idx.msk [tilespmem:v37+s1+$0x0], $0xffff;
	v17 =	vor.u32 $0x17, v16  }
0x292: {  	v37 =	vld.idx.msk [tilespmem:v39+s1+$0x0], $0xffff;
	[tilespmem:s7+$0x20] =	vst v12;
	v12 =	vor.u32 v17, v21;
	v17 =	vor.u32 v17, v18  }
0x293: {  	v39 =	vor.u32 $0x18, v16;
	[tilespmem:s7+$0x40] =	vst v25;
	v25 =	vld.idx.msk [tilespmem:v45+s1+$0x0], $0xffff  }
0x294: {  	[tilespmem:s7+$0x10] =	vst v20;
	v45 =	vld.idx.msk [tilespmem:v47+s1+$0x0], $0xffff;
	v20 =	vor.u32 v39, v21;
	v47 =	vor.u32 v39, v18  }
0x295: {  	[tilespmem:s7+$0xFFFFFFC0] =	vst v40;
	v41 =	vld.idx.msk [tilespmem:v41+s1+$0x0], $0xffff  }
0x296: {  	[tilespmem:s7+$0x30] =	vst v43;
	v43 =	vld.idx.msk [tilespmem:v48+s1+$0x0], $0xffff  }
0x297: {  	[tilespmem:s7+$0x60] =	vst v42;
	v40 =	vld.idx.msk [tilespmem:v12+s1+$0x0], $0xffff  }
0x298: {  	[tilespmem:s7+$0xFFFFFE00] =	vst v29;
	v39 =	vld.idx.msk [tilespmem:v17+s1+$0x0], $0xffff  }
0x299: {  	[tilespmem:s7+$0x50] =	vst v46;
	v29 =	vld.idx.msk [tilespmem:v20+s1+$0x0], $0xffff  }
0x29a: {  	[tilespmem:s7+$0x70] =	vst v38;
	v38 =	vld.idx.msk [tilespmem:v47+s1+$0x0], $0xffff  }
0x29b: {  	v16 =	vor.u32 $0x1C, v16;
	[tilespmem:s7+$0xFFFFFE10] =	vst v37;
	v12 =	vld.idx.msk [tilespmem:v44+s1+$0x0], $0xffff  }
0x29c: {  	v21 =	vor.u32 v16, v21;
	v18 =	vor.u32 v16, v18;
	[tilespmem:s7+$0xA0] =	vst v25;
	v33 =	vld.idx.msk [tilespmem:v33+s1+$0x0], $0xffff  }
.Ltmp5:
0x29d: {  	v36 =	vld.idx.msk [tilespmem:v36+s1+$0x0], $0xffff;
	[tilespmem:s7+$0xC0] =	vst v41;
	(pc) =	sbr.rel @p2 .LBB2_9-.Ltmp5, $4  }
0x29e: {  	v20 =	vld.idx.msk [tilespmem:v31+s1+$0x0], $0xffff;
	[tilespmem:s7+$0x140] =	vst v35  }
0x29f: {  	v17 =	vld.idx.msk [tilespmem:v30+s1+$0x0], $0xffff;
	[tilespmem:s7+$0xFFFFFF00] =	vst v32  }
0x2a0: {  	[tilespmem:s7+$0xB0] =	vst v45;
	v25 =	vld.idx.msk [tilespmem:v28+s1+$0x0], $0xffff  }
0x2a1: {  	v14 =	vadd.s32 $0x20, v14;
	[tilespmem:s7+$0xD0] =	vst v43;
	v35 =	vld.idx.msk [tilespmem:v21+s1+$0x0], $0xffff  }
0x2a2: {  	_ = 	snop  }
0x2a3: {  	[tilespmem:s28+$0x130] =	vst v9  }
0x2a4: {  	[tilespmem:s28+$0xE0] =	vst v40  }
0x2a5: {  	[tilespmem:s28+$0xF0] =	vst v39  }
0x2a6: {  	v59 =	vld.idx.msk [tilespmem:v27+s1+$0x0], $0xffff;
	[tilespmem:s28+$0x1F0] =	vst v5  }
0x2a7: {  	[tilespmem:s28+$0x100] =	vst v29  }
0x2a8: {  	v60 =	vld.idx.msk [tilespmem:v19+s1+$0x0], $0xffff;
	[tilespmem:s28+$0xFFFFFEA0] =	vst v34  }
0x2a9: {  	v14 =	vld.idx.msk [tilespmem:v15+s1+$0x0], $0xffff;
	[tilespmem:s28+$0xFFFFFE70] =	vst v7  }
0x2aa: {  	v10 =	vld.idx.msk [tilespmem:v10+s1+$0x0], $0xffff;
	[tilespmem:s28+$0xFFFFFE50] =	vst v4  }
0x2ab: {  	v61 =	vld.idx.msk [tilespmem:v24+s1+$0x0], $0xffff;
	[tilespmem:s28+$0xFFFFFF30] =	vst v13  }
0x2ac: {  	v62 =	vld.idx.msk [tilespmem:v26+s1+$0x0], $0xffff;
	[tilespmem:s28+$0xFFFFFF60] =	vst v11  }
0x2ad: {  	[tilespmem:s28+$0xFFFFFF10] =	vst v36  }
0x2ae: {  	[tilespmem:s28+$0x150] =	vst v33  }
0x2af: {  	v63 =	vld.idx.msk [tilespmem:v23+s1+$0x0], $0xffff;
	[tilespmem:s28+$0x1A0] =	vst v3  }
0x2b0: {  	[tilespmem:s28+$0x110] =	vst v38  }
0x2b1: {  	[tilespmem:s28+$0xFFFFFF80] =	vst v8  }
0x2b2: {  	[tilespmem:s28+$0x80] =	vst v22  }
0x2b3: {  	[tilespmem:s28+$0xFFFFFF90] =	vst v6  }
0x2b4: {  	[tilespmem:s28+$0x90] =	vst v12  }
0x2b5: {  	[tilespmem:s28+$0xFFFFFE20] =	vst v20  }
0x2b6: {  	[tilespmem:s28+$0xFFFFFE30] =	vst v17  }
0x2b7: {  	[tilespmem:s28+$0x120] =	vst v25  }
0x2b8: {  	v3 =	vld.idx.msk [tilespmem:v18+s1+$0x0], $0xffff;
	[tilespmem:s28+$0x180] =	vst v35  }
0x2b9: {  	[tilespmem:s28+$0x1B0] =	vst v63  }
0x2ba: {  	[tilespmem:s28+$0xFFFFFE40] =	vst v10  }
0x2bb: {  	[tilespmem:s28+$0xFFFFFF20] =	vst v61  }
0x2bc: {  	[tilespmem:s28+$0xFFFFFF70] =	vst v62  }
0x2bd: {  	s7 =	sadd.s32 s26, s6;
	[tilespmem:s28+$0x1E0] =	vst v59  }
0x2be: {  	s7 =	sshll.u32 s7, $0x2;
	[tilespmem:s28+$0xFFFFFEB0] =	vst v60  }
0x2bf: {  	s7 =	sand.u32 $0x1FFFF800, s7;
	[tilespmem:s28+$0x190] =	vst v3  }
0x2c0: {  	s7 =	sadd.s32 s4, s7;
	[tilespmem:s28+$0xFFFFFE60] =	vst v14  }
0x2c1: {  	[hbm4b:s7+s3] =	stream.linear.scatter [tilespmem:s17], [sflag:$0x4], $0x4000, $0x38;
	[tilespmem:$0x13000] =	vst v63  }
0x2c2: {  	s25 =	sadd.s32 $0x1, s25;
	s28 =	sadd.s32 s26, s14  }
0x2c3: {  	[tilespmem:s1], [sflag:$0x2] =	stream.linear.gather [hbm4b:s28+s3], $0x1000, $0x38;
	[tilespmem:$0x13000] =	vst v63  }
0x2c4: {  	p2 =	sne.s32 s25, $0x1D;
	s26 =	sadd.s32 $0xF4280, s28  }
0x2c5: {  	[tilespmem:s2], [sflag:$0x2] =	stream.linear.gather [hbm4b:s26+s3], $0x1000, $0x38;
	[tilespmem:$0x13000] =	vst v63  }
.Ltmp6:
0x2c6: {  	_ = 	snop;
	(pc) =	sbr.rel @p2 .LBB2_6-.Ltmp6, $4  }
0x2c7: {  	s29 =	sadd.s32 $0x1E8500, s28  }
0x2c8: {  	[tilespmem:s19], [sflag:$0x2] =	stream.linear.gather [hbm4b:s29+s3], $0x1000, $0x38;
	[tilespmem:$0x13000] =	vst v63  }
0x2c9: {  	s7 =	sadd.s32 $0x2DC780, s28  }
0x2ca: {  	[tilespmem:s21], [sflag:$0x2] =	stream.linear.gather [hbm4b:s7+s3], $0x1000, $0x38;
	[tilespmem:$0x13000] =	vst v63  }
0x2cb: {  	v13 =	vimm.s32 $0x0  }
0x2cc: {  	v3 =	vshll.u32 v13, $0x3  }
0x2cd: {  	v10 =	vand.u32 $0x60, v13;
	v3 =	vand.u32 $0xFFFFFC00, v3  }
0x2ce: {  	_ =	swait.ge [sflag:s9], $0x4000;
	v6 =	vor.u32 $0x1E, v10;
	v18 =	vadd.s32 v0, v3  }
0x2cf: {  	[sflag:s9] =	ssyncset.done $0x0;
	v4 =	vor.u32 v6, v18  }
0x2d0: {  	[sflag:s9] =	ssyncadd.s32 $0xFFFFC000;
	v16 =	vadd.s32 v1, v3;
	v3 =	vor.u32 $0xA, v10;
	v5 =	vor.u32 v10, v18  }
0x2d1: {  	v17 =	vor.u32 $0x1F, v10;
	_ =	swait.ge [sflag:s18], $0x4000;
	v7 =	vor.u32 v3, v16  }
0x2d2: {  	v8 =	vor.u32 $0x6, v10;
	[sflag:s18] =	ssyncset.done $0x0;
	v9 =	vor.u32 v17, v16  }
0x2d3: {  	v11 =	vor.u32 $0x1B, v10;
	v12 =	vor.u32 v8, v16;
	[sflag:s18] =	ssyncadd.s32 $0xFFFFC000  }
0x2d4: {  	v19 =	vor.u32 $0x8, v10;
	v21 =	vor.u32 v11, v16;
	v22 =	vld.idx.msk [tilespmem:v4+s3+$0x0], $0xffff  }
0x2d5: {  	v23 =	vor.u32 v19, v18;
	v14 =	vld.idx.msk [tilespmem:v5+s3+$0x0], $0xffff  }
0x2d6: {  	v11 =	vor.u32 v11, v18;
	v25 =	vld.idx.msk [tilespmem:v7+s3+$0x0], $0xffff  }
0x2d7: {  	v6 =	vor.u32 v6, v16;
	v5 =	vld.idx.msk [tilespmem:v9+s3+$0x0], $0xffff  }
0x2d8: {  	v34 =	vor.u32 $0xD, v10;
	v8 =	vor.u32 v8, v18;
	v26 =	vld.idx.msk [tilespmem:v12+s3+$0x0], $0xffff  }
0x2d9: {  	v36 =	vor.u32 v34, v16;
	v27 =	vld.idx.msk [tilespmem:v21+s3+$0x0], $0xffff  }
0x2da: {  	v15 =	vor.u32 $0x2, v10;
	v19 =	vor.u32 v19, v16;
	v23 =	vld.idx.msk [tilespmem:v23+s3+$0x0], $0xffff  }
0x2db: {  	v20 =	vor.u32 $0x1D, v10;
	v4 =	vor.u32 v15, v16;
	v11 =	vld.idx.msk [tilespmem:v11+s3+$0x0], $0xffff  }
0x2dc: {  	v7 =	vor.u32 v20, v18;
	v35 =	vld.idx.msk [tilespmem:v6+s3+$0x0], $0xffff  }
0x2dd: {  	v24 =	vor.u32 $0x19, v10;
	v9 =	vor.u32 v3, v18;
	v38 =	vld.idx.msk [tilespmem:v8+s3+$0x0], $0xffff  }
0x2de: {  	v43 =	vor.u32 $0xB, v10;
	v29 =	vor.u32 v24, v16;
	v58 =	vld.idx.msk [tilespmem:v36+s3+$0x0], $0xffff  }
0x2df: {  	v59 =	vor.u32 v43, v18;
	v12 =	vor.u32 $0x4, v10;
	v36 =	vld.idx.msk [tilespmem:v19+s3+$0x0], $0xffff  }
0x2e0: {  	v21 =	vor.u32 $0x3, v10;
	v28 =	vor.u32 v12, v16;
	v4 =	vld.idx.msk [tilespmem:v4+s3+$0x0], $0xffff  }
0x2e1: {  	v32 =	vor.u32 v21, v16;
	v3 =	vld.idx.msk [tilespmem:v7+s3+$0x0], $0xffff  }
0x2e2: {  	v6 =	vor.u32 $0x7, v10;
	v12 =	vor.u32 v12, v18;
	v31 =	vld.idx.msk [tilespmem:v9+s3+$0x0], $0xffff  }
0x2e3: {  	s25 =	simm.s32 $0xA200;
	v37 =	vor.u32 v6, v18;
	v9 =	vld.idx.msk [tilespmem:v29+s3+$0x0], $0xffff  }
0x2e4: {  	v33 =	vor.u32 $0x1A, v10;
	v39 =	vor.u32 $0xC, v10;
	v6 =	vor.u32 v6, v16;
	[tilespmem:s25+$0x160] =	vst v11;
	v11 =	vld.idx.msk [tilespmem:v59+s3+$0x0], $0xffff  }
0x2e5: {  	v60 =	vor.u32 $0x10, v10;
	v7 =	vor.u32 $0xF, v10;
	v29 =	vor.u32 v33, v18;
	[tilespmem:s25+$0xFFFFFF50] =	vst v25;
	v28 =	vld.idx.msk [tilespmem:v28+s3+$0x0], $0xffff  }
0x2e6: {  	v25 =	vor.u32 v39, v16;
	v30 =	vor.u32 v7, v16;
	v8 =	vor.u32 v7, v18;
	v7 =	vld.idx.msk [tilespmem:v32+s3+$0x0], $0xffff  }
0x2e7: {  	v48 =	vor.u32 $0x11, v10;
	[tilespmem:s25+$0x170] =	vst v27;
	v27 =	vor.u32 v60, v16;
	v57 =	vld.idx.msk [tilespmem:v12+s3+$0x0], $0xffff  }
0x2e8: {  	[tilespmem:s25+$0x1C0] =	vst v22;
	v22 =	vor.u32 v48, v16;
	v37 =	vld.idx.msk [tilespmem:v37+s3+$0x0], $0xffff  }
0x2e9: {  	v55 =	vor.u32 v10, v16;
	v45 =	vld.idx.msk [tilespmem:v6+s3+$0x0], $0xffff  }
0x2ea: {  	v33 =	vor.u32 v33, v16;
	v6 =	vor.u32 $0xE, v10;
	v42 =	vld.idx.msk [tilespmem:v29+s3+$0x0], $0xffff  }
0x2eb: {  	v47 =	vor.u32 v6, v16;
	v61 =	vor.u32 v6, v18;
	v6 =	vld.idx.msk [tilespmem:v25+s3+$0x0], $0xffff  }
0x2ec: {  	[tilespmem:s25+$0xFFFFFED0] =	vst v26;
	v27 =	vld.idx.msk [tilespmem:v27+s3+$0x0], $0xffff  }
0x2ed: {  	[tilespmem:s25+$0x1D0] =	vst v35;
	v12 =	vor.u32 v34, v18;
	v63 =	vld.idx.msk [tilespmem:v22+s3+$0x0], $0xffff  }
0x2ee: {  	v40 =	vor.u32 v39, v18;
	[tilespmem:s25+$0xFFFFFEC0] =	vst v38;
	v25 =	vor.u32 v60, v18;
	v60 =	vld.idx.msk [tilespmem:v55+s3+$0x0], $0xffff  }
0x2ef: {  	v41 =	vor.u32 $0x9, v10;
	[tilespmem:s25+$0xFFFFFF00] =	vst v23;
	v33 =	vld.idx.msk [tilespmem:v33+s3+$0x0], $0xffff  }
0x2f0: {  	v29 =	vor.u32 v41, v16;
	[tilespmem:s25+$0xFFFFFF40] =	vst v31;
	v30 =	vld.idx.msk [tilespmem:v30+s3+$0x0], $0xffff  }
0x2f1: {  	[tilespmem:s25+$0xFFFFFE00] =	vst v14;
	v44 =	vld.idx.msk [tilespmem:v8+s3+$0x0], $0xffff  }
0x2f2: {  	v46 =	vld.idx.msk [tilespmem:v12+s3+$0x0], $0xffff;
	[tilespmem:s25+$0xFFFFFE90] =	vst v28  }
0x2f3: {  	v62 =	vor.u32 $0x13, v10;
	v31 =	vor.u32 v48, v18;
	v8 =	vld.idx.msk [tilespmem:v40+s3+$0x0], $0xffff;
	[tilespmem:s25+$0xFFFFFEE0] =	vst v37  }
0x2f4: {  	v53 =	vor.u32 $0x14, v10;
	v22 =	vor.u32 v62, v18;
	[tilespmem:s25+$0xFFFFFE80] =	vst v57;
	v28 =	vld.idx.msk [tilespmem:v47+s3+$0x0], $0xffff  }
0x2f5: {  	v35 =	vor.u32 v62, v16;
	v62 =	vor.u32 v53, v16;
	[tilespmem:s25+$0xFFFFFEF0] =	vst v45;
	v12 =	vld.idx.msk [tilespmem:v29+s3+$0x0], $0xffff;
	v29 =	vor.u32 $0x12, v10  }
0x2f6: {  	[tilespmem:s25+$0xFFFFFFB0] =	vst v58;
	v52 =	vld.idx.msk [tilespmem:v61+s3+$0x0], $0xffff;
	v26 =	vor.u32 v29, v16;
	v29 =	vor.u32 v29, v18  }
0x2f7: {  	v56 =	vor.u32 $0x15, v10;
	v54 =	vor.u32 v53, v18;
	v25 =	vld.idx.msk [tilespmem:v25+s3+$0x0], $0xffff;
	[tilespmem:s25+$0x10] =	vst v27  }
0x2f8: {  	v58 =	vor.u32 v56, v18;
	v31 =	vld.idx.msk [tilespmem:v31+s3+$0x0], $0xffff;
	[tilespmem:s25+$0x30] =	vst v63  }
0x2f9: {  	v57 =	vld.idx.msk [tilespmem:v22+s3+$0x0], $0xffff;
	[tilespmem:s25+$0xFFFFFFA0] =	vst v46  }
0x2fa: {  	v47 =	vor.u32 $0x5, v10;
	v14 =	vld.idx.msk [tilespmem:v62+s3+$0x0], $0xffff;
	[tilespmem:s25+$0xFFFFFFE0] =	vst v44  }
0x2fb: {  	v51 =	vor.u32 v47, v18;
	v22 =	vor.u32 $0x16, v10;
	v44 =	vor.u32 v56, v16;
	[tilespmem:s25+$0xFFFFFFF0] =	vst v30;
	v29 =	vld.idx.msk [tilespmem:v29+s3+$0x0], $0xffff  }
0x2fc: {  	v30 =	vor.u32 v22, v18;
	v59 =	vor.u32 v22, v16;
	v22 =	vld.idx.msk [tilespmem:v54+s3+$0x0], $0xffff;
	[tilespmem:s25+$0x0] =	vst v25;
	v25 =	vor.u32 $0x17, v10  }
0x2fd: {  	v46 =	vld.idx.msk [tilespmem:v58+s3+$0x0], $0xffff;
	[tilespmem:s25+$0x20] =	vst v31;
	v31 =	vor.u32 v25, v18  }
0x2fe: {  	[tilespmem:s25+$0xFFFFFFD0] =	vst v28;
	v28 =	vld.idx.msk [tilespmem:v35+s3+$0x0], $0xffff;
	v25 =	vor.u32 v25, v16  }
0x2ff: {  	[tilespmem:s25+$0xFFFFFE10] =	vst v60;
	v26 =	vld.idx.msk [tilespmem:v26+s3+$0x0], $0xffff  }
0x300: {  	v34 =	vld.idx.msk [tilespmem:v51+s3+$0x0], $0xffff;
	[tilespmem:s25+$0x40] =	vst v29;
	v29 =	vor.u32 $0x18, v10  }
0x301: {  	[tilespmem:s25+$0x140] =	vst v42;
	v44 =	vld.idx.msk [tilespmem:v44+s3+$0x0], $0xffff;
	v27 =	vor.u32 v29, v18  }
0x302: {  	[tilespmem:s25+$0xFFFFFFC0] =	vst v52;
	v40 =	vld.idx.msk [tilespmem:v31+s3+$0x0], $0xffff;
	v31 =	vor.u32 $0x1, v10;
	v61 =	vor.u32 v29, v16  }
0x303: {  	[tilespmem:s25+$0x60] =	vst v57;
	v39 =	vld.idx.msk [tilespmem:v25+s3+$0x0], $0xffff;
	v25 =	vor.u32 v31, v18  }
0x304: {  	v30 =	vld.idx.msk [tilespmem:v30+s3+$0x0], $0xffff;
	[tilespmem:s25+$0x50] =	vst v26;
	v26 =	vor.u32 v31, v16  }
0x305: {  	v35 =	vld.idx.msk [tilespmem:v59+s3+$0x0], $0xffff;
	[tilespmem:s25+$0x70] =	vst v28;
	v28 =	vor.u32 v24, v18;
	v31 =	vor.u32 $0x1C, v10  }
0x306: {  	v24 =	vor.u32 v41, v18;
	v10 =	vor.u32 v15, v18;
	v63 =	vor.u32 v31, v18;
	v29 =	vld.idx.msk [tilespmem:v27+s3+$0x0], $0xffff  }
0x307: {  	v15 =	vor.u32 v21, v18;
	v38 =	vld.idx.msk [tilespmem:v61+s3+$0x0], $0xffff;
	v27 =	vor.u32 v17, v18;
	v18 =	vor.u32 v31, v16  }
0x308: {  	[tilespmem:s25+$0xA0] =	vst v46;
	v21 =	vld.idx.msk [tilespmem:v25+s3+$0x0], $0xffff  }
0x309: {  	[tilespmem:s25+$0xC0] =	vst v30;
	v17 =	vld.idx.msk [tilespmem:v26+s3+$0x0], $0xffff  }
0x30a: {  	v19 =	vor.u32 v47, v16;
	[tilespmem:s25+$0xB0] =	vst v44;
	v25 =	vld.idx.msk [tilespmem:v28+s3+$0x0], $0xffff  }
0x30b: {  	s26 =	simm.s32 $0x0;
	s7 =	simm.s32 $0xA200;
	v13 =	vadd.s32 $0x20, v13;
	v23 =	vor.u32 v20, v16;
	[tilespmem:s25+$0xD0] =	vst v35;
	v26 =	vor.u32 v43, v16;
	v35 =	vld.idx.msk [tilespmem:v63+s3+$0x0], $0xffff  }
.LBB2_12:
0x30c: {  	v16 =	vand.u32 $0x60, v13;
	v20 =	vshll.u32 v13, $0x3;
	s26 =	sadd.s32 $0x20, s26;
	[tilespmem:s25+$0x130] =	vst v9;
	v37 =	vld.idx.msk [tilespmem:v18+s3+$0x0], $0xffff;
	s7 =	sadd.s32 $0x400, s7  }
0x30d: {  	v9 =	vand.u32 $0xFFFFFC00, v20;
	v28 =	vor.u32 $0x6, v16;
	v42 =	vor.u32 $0x1F, v16;
	p2 =	slt.u32 s26, $0x1E0;
	[tilespmem:s25+$0xE0] =	vst v40;
	v43 =	vld.idx.msk [tilespmem:v27+s3+$0x0], $0xffff  }
0x30e: {  	v27 =	vor.u32 $0x4, v16;
	v30 =	vor.u32 $0x1B, v16;
	v18 =	vadd.s32 v1, v9;
	v40 =	vld.idx.msk [tilespmem:v15+s3+$0x0], $0xffff;
	[tilespmem:s25+$0xF0] =	vst v39  }
0x30f: {  	v31 =	vor.u32 $0x1E, v16;
	v20 =	vadd.s32 v0, v9;
	v9 =	vor.u32 $0x8, v16;
	v41 =	vld.idx.msk [tilespmem:v19+s3+$0x0], $0xffff;
	[tilespmem:s25+$0x1F0] =	vst v5  }
0x310: {  	v15 =	vor.u32 $0xA, v16;
	v5 =	vor.u32 $0x2, v16;
	v19 =	vor.u32 v31, v20;
	v44 =	vld.idx.msk [tilespmem:v10+s3+$0x0], $0xffff;
	[tilespmem:s25+$0x100] =	vst v29  }
0x311: {  	v39 =	vor.u32 v15, v18;
	v29 =	vor.u32 v16, v20;
	v32 =	vor.u32 v5, v18;
	[tilespmem:s25+$0xFFFFFEA0] =	vst v34  }
0x312: {  	v45 =	vor.u32 $0x1, v16;
	v10 =	vor.u32 v5, v20;
	v5 =	vor.u32 v42, v18;
	[tilespmem:s25+$0xFFFFFE70] =	vst v7;
	v7 =	vld.idx.msk [tilespmem:v24+s3+$0x0], $0xffff  }
0x313: {  	v47 =	vor.u32 $0x1D, v16;
	v46 =	vor.u32 v28, v18;
	v24 =	vor.u32 v27, v18;
	[tilespmem:s25+$0xFFFFFE50] =	vst v4;
	v23 =	vld.idx.msk [tilespmem:v23+s3+$0x0], $0xffff  }
0x314: {  	v48 =	vor.u32 v15, v20;
	v49 =	vor.u32 v30, v18;
	v4 =	vor.u32 $0x3, v16;
	[tilespmem:s25+$0xFFFFFF30] =	vst v12;
	v12 =	vld.idx.msk [tilespmem:v26+s3+$0x0], $0xffff  }
0x315: {  	v15 =	vor.u32 v4, v20;
	v26 =	vor.u32 v28, v20;
	v28 =	vor.u32 $0x19, v16;
	v50 =	vld.idx.msk [tilespmem:v19+s3+$0x0], $0xffff;
	[tilespmem:s25+$0xFFFFFF60] =	vst v11  }
0x316: {  	v51 =	vor.u32 v31, v18;
	v11 =	vor.u32 v4, v18;
	v29 =	vld.idx.msk [tilespmem:v29+s3+$0x0], $0xffff;
	[tilespmem:s25+$0xFFFFFF10] =	vst v36  }
0x317: {  	v52 =	vor.u32 v27, v20;
	v27 =	vor.u32 v30, v20;
	v36 =	vor.u32 v47, v20;
	v53 =	vld.idx.msk [tilespmem:v39+s3+$0x0], $0xffff  }
0x318: {  	v54 =	vor.u32 v9, v20;
	v4 =	vor.u32 $0x5, v16;
	v55 =	vor.u32 v28, v18;
	v5 =	vld.idx.msk [tilespmem:v5+s3+$0x0], $0xffff;
	[tilespmem:s25+$0x150] =	vst v33  }
0x319: {  	v34 =	vor.u32 v4, v20;
	v39 =	vor.u32 v16, v18;
	v46 =	vld.idx.msk [tilespmem:v46+s3+$0x0], $0xffff;
	[tilespmem:s25+$0x1A0] =	vst v3  }
0x31a: {  	v28 =	vor.u32 v28, v20;
	v19 =	vor.u32 v4, v18;
	v3 =	vor.u32 $0x1A, v16;
	v49 =	vld.idx.msk [tilespmem:v49+s3+$0x0], $0xffff;
	[tilespmem:s25+$0x110] =	vst v38  }
0x31b: {  	v38 =	vor.u32 v3, v20;
	v33 =	vor.u32 v3, v18;
	v4 =	vld.idx.msk [tilespmem:v32+s3+$0x0], $0xffff;
	[tilespmem:s25+$0x1B0] =	vst v23  }
0x31c: {  	v31 =	vor.u32 v45, v20;
	v30 =	vor.u32 v45, v18;
	v23 =	vor.u32 $0xF, v16;
	v3 =	vld.idx.msk [tilespmem:v36+s3+$0x0], $0xffff;
	[tilespmem:s25+$0xFFFFFF80] =	vst v8  }
0x31d: {  	v8 =	vor.u32 $0x7, v16;
	v45 =	vor.u32 v23, v20;
	v32 =	vld.idx.msk [tilespmem:v54+s3+$0x0], $0xffff;
	v54 =	vor.u32 v23, v18;
	[tilespmem:s25+$0xFFFFFE40] =	vst v44  }
0x31e: {  	v44 =	vor.u32 v8, v20;
	v8 =	vor.u32 v8, v18;
	v48 =	vld.idx.msk [tilespmem:v48+s3+$0x0], $0xffff;
	[tilespmem:s25+$0x80] =	vst v22  }
0x31f: {  	v36 =	vor.u32 v9, v18;
	v9 =	vor.u32 $0xD, v16;
	v22 =	vld.idx.msk [tilespmem:v27+s3+$0x0], $0xffff;
	v27 =	vor.u32 v42, v20;
	[tilespmem:s25+$0xFFFFFF20] =	vst v7  }
0x320: {  	v56 =	vor.u32 v9, v18;
	v7 =	vor.u32 $0x9, v16;
	v42 =	vld.idx.msk [tilespmem:v24+s3+$0x0], $0xffff;
	[tilespmem:s7+$0xFFFFFF50] =	vst v53;
	v53 =	vor.u32 v9, v20  }
0x321: {  	v24 =	vor.u32 v7, v20;
	v57 =	vor.u32 v7, v18;
	v9 =	vld.idx.msk [tilespmem:v55+s3+$0x0], $0xffff;
	[tilespmem:s7+$0x170] =	vst v49  }
0x322: {  	v23 =	vor.u32 v47, v18;
	v47 =	vld.idx.msk [tilespmem:v51+s3+$0x0], $0xffff;
	[tilespmem:s25+$0xFFFFFF70] =	vst v12  }
0x323: {  	v49 =	vld.idx.msk [tilespmem:v54+s3+$0x0], $0xffff;
	[tilespmem:s25+$0x1E0] =	vst v43  }
0x324: {  	v12 =	vor.u32 $0xB, v16;
	v43 =	vld.idx.msk [tilespmem:v26+s3+$0x0], $0xffff;
	[tilespmem:s25+$0x180] =	vst v35  }
0x325: {  	v7 =	vld.idx.msk [tilespmem:v11+s3+$0x0], $0xffff;
	v11 =	vor.u32 v12, v20;
	[tilespmem:s7+$0x160] =	vst v22  }
0x326: {  	v26 =	vor.u32 v12, v18;
	v12 =	vor.u32 $0xC, v16;
	v22 =	vld.idx.msk [tilespmem:v52+s3+$0x0], $0xffff;
	[tilespmem:s25+$0xFFFFFF90] =	vst v6  }
0x327: {  	v6 =	vor.u32 v12, v20;
	v35 =	vld.idx.msk [tilespmem:v38+s3+$0x0], $0xffff;
	[tilespmem:s7+$0x1C0] =	vst v50  }
0x328: {  	v38 =	vor.u32 v12, v18;
	v12 =	vor.u32 $0xE, v16;
	v50 =	vld.idx.msk [tilespmem:v56+s3+$0x0], $0xffff;
	[tilespmem:s25+$0xFFFFFEB0] =	vst v41  }
0x329: {  	[tilespmem:s7+$0xFFFFFED0] =	vst v46;
	v41 =	vld.idx.msk [tilespmem:v44+s3+$0x0], $0xffff;
	v44 =	vor.u32 v12, v20;
	v46 =	vor.u32 v12, v18  }
0x32a: {  	v12 =	vor.u32 $0x10, v16;
	[tilespmem:s7+$0xFFFFFF40] =	vst v48;
	v45 =	vld.idx.msk [tilespmem:v45+s3+$0x0], $0xffff  }
0x32b: {  	v51 =	vor.u32 v12, v20;
	v52 =	vor.u32 v12, v18;
	v48 =	vld.idx.msk [tilespmem:v8+s3+$0x0], $0xffff;
	[tilespmem:s7+$0x1D0] =	vst v47  }
0x32c: {  	v8 =	vor.u32 $0x11, v16;
	v47 =	vld.idx.msk [tilespmem:v53+s3+$0x0], $0xffff;
	[tilespmem:s25+$0x190] =	vst v37  }
0x32d: {  	v37 =	vor.u32 v8, v20;
	v53 =	vor.u32 v8, v18;
	v12 =	vld.idx.msk [tilespmem:v57+s3+$0x0], $0xffff;
	[tilespmem:s25+$0xFFFFFE60] =	vst v40  }
0x32e: {  	v40 =	vor.u32 $0x12, v16;
	v11 =	vld.idx.msk [tilespmem:v11+s3+$0x0], $0xffff;
	[tilespmem:s25+$0x120] =	vst v25  }
0x32f: {  	v25 =	vor.u32 v40, v20;
	v40 =	vor.u32 v40, v18;
	[tilespmem:s7+$0xFFFFFE90] =	vst v42;
	v8 =	vld.idx.msk [tilespmem:v6+s3+$0x0], $0xffff  }
0x330: {  	v6 =	vld.idx.msk [tilespmem:v38+s3+$0x0], $0xffff;
	v38 =	vor.u32 $0x13, v16;
	[tilespmem:s25+$0xFFFFFE20] =	vst v21  }
0x331: {  	[tilespmem:s7+$0xFFFFFEC0] =	vst v43;
	v21 =	vld.idx.msk [tilespmem:v52+s3+$0x0], $0xffff;
	v42 =	vor.u32 v38, v20;
	v38 =	vor.u32 v38, v18  }
0x332: {  	[tilespmem:s7+$0xFFFFFEE0] =	vst v41;
	v41 =	vld.idx.msk [tilespmem:v46+s3+$0x0], $0xffff  }
0x333: {  	[tilespmem:s7+$0xFFFFFE80] =	vst v22;
	v43 =	vld.idx.msk [tilespmem:v53+s3+$0x0], $0xffff  }
0x334: {  	[tilespmem:s7+$0xFFFFFEF0] =	vst v48;
	v46 =	vld.idx.msk [tilespmem:v40+s3+$0x0], $0xffff  }
0x335: {  	v40 =	vld.idx.msk [tilespmem:v44+s3+$0x0], $0xffff;
	[tilespmem:s25+$0xFFFFFE30] =	vst v17  }
0x336: {  	v22 =	vor.u32 $0x14, v16;
	v17 =	vld.idx.msk [tilespmem:v51+s3+$0x0], $0xffff;
	[tilespmem:s25+$0x90] =	vst v14;
	s25 =	smov.u32 s7  }
0x337: {  	v44 =	vor.u32 v22, v18;
	[tilespmem:s7+$0xFFFFFFA0] =	vst v47;
	v14 =	vld.idx.msk [tilespmem:v37+s3+$0x0], $0xffff;
	v37 =	vor.u32 v22, v20  }
0x338: {  	v22 =	vor.u32 $0x15, v16;
	[tilespmem:s7+$0xFFFFFFE0] =	vst v45;
	v25 =	vld.idx.msk [tilespmem:v25+s3+$0x0], $0xffff  }
0x339: {  	v45 =	vor.u32 v22, v20;
	v47 =	vor.u32 v22, v18;
	[tilespmem:s7+$0xFFFFFFB0] =	vst v50;
	v42 =	vld.idx.msk [tilespmem:v42+s3+$0x0], $0xffff  }
0x33a: {  	v22 =	vor.u32 $0x16, v16;
	v34 =	vld.idx.msk [tilespmem:v34+s3+$0x0], $0xffff;
	[tilespmem:s7+$0xFFFFFFD0] =	vst v41  }
0x33b: {  	v48 =	vor.u32 v22, v18;
	v41 =	vor.u32 v22, v20;
	[tilespmem:s7+$0xFFFFFFF0] =	vst v49;
	v38 =	vld.idx.msk [tilespmem:v38+s3+$0x0], $0xffff  }
0x33c: {  	[tilespmem:s7+$0x0] =	vst v17;
	v22 =	vld.idx.msk [tilespmem:v37+s3+$0x0], $0xffff;
	v17 =	vor.u32 $0x17, v16  }
0x33d: {  	v37 =	vld.idx.msk [tilespmem:v39+s3+$0x0], $0xffff;
	[tilespmem:s7+$0x20] =	vst v14;
	v14 =	vor.u32 v17, v20;
	v17 =	vor.u32 v17, v18  }
0x33e: {  	v39 =	vor.u32 $0x18, v16;
	[tilespmem:s7+$0x40] =	vst v25;
	v25 =	vld.idx.msk [tilespmem:v45+s3+$0x0], $0xffff  }
0x33f: {  	[tilespmem:s7+$0x10] =	vst v21;
	v45 =	vld.idx.msk [tilespmem:v47+s3+$0x0], $0xffff;
	v21 =	vor.u32 v39, v20;
	v47 =	vor.u32 v39, v18  }
0x340: {  	[tilespmem:s7+$0xFFFFFFC0] =	vst v40;
	v41 =	vld.idx.msk [tilespmem:v41+s3+$0x0], $0xffff  }
0x341: {  	[tilespmem:s7+$0x30] =	vst v43;
	v43 =	vld.idx.msk [tilespmem:v48+s3+$0x0], $0xffff  }
0x342: {  	[tilespmem:s7+$0x60] =	vst v42;
	v40 =	vld.idx.msk [tilespmem:v14+s3+$0x0], $0xffff  }
0x343: {  	[tilespmem:s7+$0xFFFFFE00] =	vst v29;
	v39 =	vld.idx.msk [tilespmem:v17+s3+$0x0], $0xffff  }
0x344: {  	[tilespmem:s7+$0x50] =	vst v46;
	v29 =	vld.idx.msk [tilespmem:v21+s3+$0x0], $0xffff  }
0x345: {  	[tilespmem:s7+$0x70] =	vst v38;
	v38 =	vld.idx.msk [tilespmem:v47+s3+$0x0], $0xffff  }
0x346: {  	v16 =	vor.u32 $0x1C, v16;
	[tilespmem:s7+$0xFFFFFE10] =	vst v37;
	v14 =	vld.idx.msk [tilespmem:v44+s3+$0x0], $0xffff  }
0x347: {  	v20 =	vor.u32 v16, v20;
	v18 =	vor.u32 v16, v18;
	[tilespmem:s7+$0xA0] =	vst v25;
	v33 =	vld.idx.msk [tilespmem:v33+s3+$0x0], $0xffff  }
.Ltmp7:
0x348: {  	v36 =	vld.idx.msk [tilespmem:v36+s3+$0x0], $0xffff;
	[tilespmem:s7+$0xC0] =	vst v41;
	(pc) =	sbr.rel @p2 .LBB2_12-.Ltmp7, $4  }
0x349: {  	v21 =	vld.idx.msk [tilespmem:v31+s3+$0x0], $0xffff;
	[tilespmem:s7+$0x140] =	vst v35  }
0x34a: {  	v17 =	vld.idx.msk [tilespmem:v30+s3+$0x0], $0xffff;
	[tilespmem:s7+$0xFFFFFF00] =	vst v32  }
0x34b: {  	[tilespmem:s7+$0xB0] =	vst v45;
	v25 =	vld.idx.msk [tilespmem:v28+s3+$0x0], $0xffff  }
0x34c: {  	v13 =	vadd.s32 $0x20, v13;
	[tilespmem:s7+$0xD0] =	vst v43;
	v35 =	vld.idx.msk [tilespmem:v20+s3+$0x0], $0xffff  }
0x34d: {  	_ = 	snop  }
0x34e: {  	[tilespmem:s25+$0x130] =	vst v9  }
0x34f: {  	[tilespmem:s25+$0xE0] =	vst v40  }
0x350: {  	[tilespmem:s25+$0xF0] =	vst v39  }
0x351: {  	v9 =	vld.idx.msk [tilespmem:v27+s3+$0x0], $0xffff;
	[tilespmem:s25+$0x1F0] =	vst v5  }
0x352: {  	[tilespmem:s25+$0x100] =	vst v29  }
0x353: {  	v5 =	vld.idx.msk [tilespmem:v19+s3+$0x0], $0xffff;
	[tilespmem:s25+$0xFFFFFEA0] =	vst v34  }
0x354: {  	v13 =	vld.idx.msk [tilespmem:v15+s3+$0x0], $0xffff;
	[tilespmem:s25+$0xFFFFFE70] =	vst v7  }
0x355: {  	v10 =	vld.idx.msk [tilespmem:v10+s3+$0x0], $0xffff;
	[tilespmem:s25+$0xFFFFFE50] =	vst v4  }
0x356: {  	v7 =	vld.idx.msk [tilespmem:v24+s3+$0x0], $0xffff;
	[tilespmem:s25+$0xFFFFFF30] =	vst v12  }
0x357: {  	v4 =	vld.idx.msk [tilespmem:v26+s3+$0x0], $0xffff;
	[tilespmem:s25+$0xFFFFFF60] =	vst v11  }
0x358: {  	[tilespmem:s25+$0xFFFFFF10] =	vst v36  }
0x359: {  	[tilespmem:s25+$0x150] =	vst v33  }
0x35a: {  	v12 =	vld.idx.msk [tilespmem:v23+s3+$0x0], $0xffff;
	[tilespmem:s25+$0x1A0] =	vst v3  }
0x35b: {  	[tilespmem:s25+$0x110] =	vst v38  }
0x35c: {  	[tilespmem:s25+$0xFFFFFF80] =	vst v8  }
0x35d: {  	[tilespmem:s25+$0x80] =	vst v22  }
0x35e: {  	[tilespmem:s25+$0xFFFFFF90] =	vst v6  }
0x35f: {  	[tilespmem:s25+$0x90] =	vst v14  }
0x360: {  	[tilespmem:s25+$0xFFFFFE20] =	vst v21  }
0x361: {  	[tilespmem:s25+$0xFFFFFE30] =	vst v17  }
0x362: {  	[tilespmem:s25+$0x120] =	vst v25  }
0x363: {  	v3 =	vld.idx.msk [tilespmem:v18+s3+$0x0], $0xffff;
	[tilespmem:s25+$0x180] =	vst v35  }
0x364: {  	[tilespmem:s25+$0x1B0] =	vst v12  }
0x365: {  	[tilespmem:s25+$0xFFFFFE40] =	vst v10  }
0x366: {  	[tilespmem:s25+$0xFFFFFF20] =	vst v7  }
0x367: {  	[tilespmem:s25+$0xFFFFFF70] =	vst v4  }
0x368: {  	[tilespmem:s25+$0x1E0] =	vst v9  }
0x369: {  	[tilespmem:s25+$0xFFFFFEB0] =	vst v5  }
0x36a: {  	[tilespmem:s25+$0x190] =	vst v3  }
0x36b: {  	[tilespmem:s25+$0xFFFFFE60] =	vst v13  }
0x36c: {  	s7 =	rddreg [dreg:$0x8]  }
0x36d: {  	[hbm4b:s7+s3] =	stream.linear.scatter [tilespmem:s11], [sflag:$0x3], $0x4000, $0x38;
	[tilespmem:$0x13000] =	vst v63  }
0x36e: {  	s25 =	rddreg [dreg:$0x9]  }
0x36f: {  	[tilespmem:s3], [sflag:$0x1] =	stream.linear.gather [hbm4b:s25+s3], $0x1000, $0x38;
	[tilespmem:$0x13000] =	vst v63  }
0x370: {  	s26 =	sadd.s32 $0xF4280, s25  }
0x371: {  	[tilespmem:s30], [sflag:$0x1] =	stream.linear.gather [hbm4b:s26+s3], $0x1000, $0x38;
	[tilespmem:$0x13000] =	vst v63  }
0x372: {  	s28 =	sadd.s32 $0x1E8500, s25  }
0x373: {  	v14 =	vimm.s32 $0x0;
	[tilespmem:s31], [sflag:$0x1] =	stream.linear.gather [hbm4b:s28+s3], $0x1000, $0x38;
	[tilespmem:$0x13000] =	vst v63  }
0x374: {  	v3 =	vshll.u32 v14, $0x3;
	s29 =	sadd.s32 $0x2DC780, s25  }
0x375: {  	v10 =	vand.u32 $0x60, v14;
	v3 =	vand.u32 $0xFFFFFC00, v3;
	[tilespmem:s0], [sflag:$0x1] =	stream.linear.gather [hbm4b:s29+s3], $0x1000, $0x38;
	[tilespmem:$0x13000] =	vst v63  }
0x376: {  	v6 =	vor.u32 $0x1E, v10;
	v18 =	vadd.s32 v0, v3;
	_ =	swait.ge [sflag:s15], $0x4000  }
0x377: {  	v4 =	vor.u32 v6, v18;
	[sflag:s15] =	ssyncset.done $0x0  }
0x378: {  	v16 =	vadd.s32 v1, v3;
	v3 =	vor.u32 $0xA, v10;
	v5 =	vor.u32 v10, v18;
	[sflag:s15] =	ssyncadd.s32 $0xFFFFC000  }
0x379: {  	v17 =	vor.u32 $0x1F, v10;
	v7 =	vor.u32 v3, v16;
	_ =	swait.ge [sflag:s22], $0x4000  }
0x37a: {  	v8 =	vor.u32 $0x6, v10;
	v9 =	vor.u32 v17, v16;
	[sflag:s22] =	ssyncset.done $0x0  }
0x37b: {  	v11 =	vor.u32 $0x1B, v10;
	v12 =	vor.u32 v8, v16;
	[sflag:s22] =	ssyncadd.s32 $0xFFFFC000  }
0x37c: {  	v19 =	vor.u32 $0x8, v10;
	v21 =	vor.u32 v11, v16;
	v22 =	vld.idx.msk [tilespmem:v4+s1+$0x0], $0xffff  }
0x37d: {  	v23 =	vor.u32 v19, v18;
	v13 =	vld.idx.msk [tilespmem:v5+s1+$0x0], $0xffff  }
0x37e: {  	v11 =	vor.u32 v11, v18;
	v25 =	vld.idx.msk [tilespmem:v7+s1+$0x0], $0xffff  }
0x37f: {  	v6 =	vor.u32 v6, v16;
	v5 =	vld.idx.msk [tilespmem:v9+s1+$0x0], $0xffff  }
0x380: {  	v52 =	vor.u32 $0xD, v10;
	v8 =	vor.u32 v8, v18;
	v26 =	vld.idx.msk [tilespmem:v12+s1+$0x0], $0xffff  }
0x381: {  	v54 =	vor.u32 v52, v16;
	v27 =	vld.idx.msk [tilespmem:v21+s1+$0x0], $0xffff  }
0x382: {  	v15 =	vor.u32 $0x2, v10;
	v19 =	vor.u32 v19, v16;
	v23 =	vld.idx.msk [tilespmem:v23+s1+$0x0], $0xffff  }
0x383: {  	v20 =	vor.u32 $0x1D, v10;
	v4 =	vor.u32 v15, v16;
	v11 =	vld.idx.msk [tilespmem:v11+s1+$0x0], $0xffff  }
0x384: {  	v7 =	vor.u32 v20, v18;
	v53 =	vld.idx.msk [tilespmem:v6+s1+$0x0], $0xffff  }
0x385: {  	v24 =	vor.u32 $0x19, v10;
	v9 =	vor.u32 v3, v18;
	v55 =	vld.idx.msk [tilespmem:v8+s1+$0x0], $0xffff  }
0x386: {  	v43 =	vor.u32 $0xB, v10;
	v29 =	vor.u32 v24, v16;
	v34 =	vld.idx.msk [tilespmem:v54+s1+$0x0], $0xffff  }
0x387: {  	v57 =	vor.u32 v43, v18;
	v12 =	vor.u32 $0x4, v10;
	v36 =	vld.idx.msk [tilespmem:v19+s1+$0x0], $0xffff  }
0x388: {  	v21 =	vor.u32 $0x3, v10;
	v28 =	vor.u32 v12, v16;
	v4 =	vld.idx.msk [tilespmem:v4+s1+$0x0], $0xffff  }
0x389: {  	v32 =	vor.u32 v21, v16;
	v3 =	vld.idx.msk [tilespmem:v7+s1+$0x0], $0xffff  }
0x38a: {  	v6 =	vor.u32 $0x7, v10;
	v12 =	vor.u32 v12, v18;
	v31 =	vld.idx.msk [tilespmem:v9+s1+$0x0], $0xffff  }
0x38b: {  	s25 =	simm.s32 $0xE200;
	v37 =	vor.u32 v6, v18;
	v9 =	vld.idx.msk [tilespmem:v29+s1+$0x0], $0xffff  }
0x38c: {  	v33 =	vor.u32 $0x1A, v10;
	v58 =	vor.u32 $0xC, v10;
	v6 =	vor.u32 v6, v16;
	[tilespmem:s25+$0x160] =	vst v11;
	v11 =	vld.idx.msk [tilespmem:v57+s1+$0x0], $0xffff  }
0x38d: {  	v60 =	vor.u32 $0x10, v10;
	v7 =	vor.u32 $0xF, v10;
	v29 =	vor.u32 v33, v18;
	[tilespmem:s25+$0xFFFFFF50] =	vst v25;
	v28 =	vld.idx.msk [tilespmem:v28+s1+$0x0], $0xffff  }
0x38e: {  	v25 =	vor.u32 v58, v16;
	v30 =	vor.u32 v7, v16;
	v8 =	vor.u32 v7, v18;
	v7 =	vld.idx.msk [tilespmem:v32+s1+$0x0], $0xffff  }
0x38f: {  	v48 =	vor.u32 $0x11, v10;
	[tilespmem:s25+$0x170] =	vst v27;
	v27 =	vor.u32 v60, v16;
	v56 =	vld.idx.msk [tilespmem:v12+s1+$0x0], $0xffff  }
0x390: {  	[tilespmem:s25+$0x1C0] =	vst v22;
	v22 =	vor.u32 v48, v16;
	v37 =	vld.idx.msk [tilespmem:v37+s1+$0x0], $0xffff  }
0x391: {  	[tilespmem:s25+$0xFFFFFEC0] =	vst v55;
	v55 =	vor.u32 v10, v16;
	v45 =	vld.idx.msk [tilespmem:v6+s1+$0x0], $0xffff  }
0x392: {  	v33 =	vor.u32 v33, v16;
	v6 =	vor.u32 $0xE, v10;
	v42 =	vld.idx.msk [tilespmem:v29+s1+$0x0], $0xffff  }
0x393: {  	v47 =	vor.u32 v6, v16;
	v61 =	vor.u32 v6, v18;
	v6 =	vld.idx.msk [tilespmem:v25+s1+$0x0], $0xffff  }
0x394: {  	v27 =	vld.idx.msk [tilespmem:v27+s1+$0x0], $0xffff  }
0x395: {  	[tilespmem:s25+$0xFFFFFED0] =	vst v26;
	v12 =	vor.u32 v52, v18;
	v63 =	vld.idx.msk [tilespmem:v22+s1+$0x0], $0xffff  }
0x396: {  	v59 =	vor.u32 v58, v18;
	[tilespmem:s25+$0x1D0] =	vst v53;
	v25 =	vor.u32 v60, v18;
	v60 =	vld.idx.msk [tilespmem:v55+s1+$0x0], $0xffff  }
0x397: {  	v41 =	vor.u32 $0x9, v10;
	[tilespmem:s25+$0xFFFFFF00] =	vst v23;
	v33 =	vld.idx.msk [tilespmem:v33+s1+$0x0], $0xffff  }
0x398: {  	v29 =	vor.u32 v41, v16;
	[tilespmem:s25+$0xFFFFFF40] =	vst v31;
	v30 =	vld.idx.msk [tilespmem:v30+s1+$0x0], $0xffff  }
0x399: {  	[tilespmem:s25+$0xFFFFFE00] =	vst v13;
	v44 =	vld.idx.msk [tilespmem:v8+s1+$0x0], $0xffff  }
0x39a: {  	v46 =	vld.idx.msk [tilespmem:v12+s1+$0x0], $0xffff;
	[tilespmem:s25+$0xFFFFFE90] =	vst v28  }
0x39b: {  	v62 =	vor.u32 $0x13, v10;
	v31 =	vor.u32 v48, v18;
	v8 =	vld.idx.msk [tilespmem:v59+s1+$0x0], $0xffff;
	[tilespmem:s25+$0xFFFFFEE0] =	vst v37  }
0x39c: {  	v53 =	vor.u32 $0x14, v10;
	v22 =	vor.u32 v62, v18;
	[tilespmem:s25+$0xFFFFFE80] =	vst v56;
	v28 =	vld.idx.msk [tilespmem:v47+s1+$0x0], $0xffff  }
0x39d: {  	v35 =	vor.u32 v62, v16;
	v62 =	vor.u32 v53, v16;
	[tilespmem:s25+$0xFFFFFEF0] =	vst v45;
	v12 =	vld.idx.msk [tilespmem:v29+s1+$0x0], $0xffff;
	v29 =	vor.u32 $0x12, v10  }
0x39e: {  	[tilespmem:s25+$0xFFFFFFB0] =	vst v34;
	v52 =	vld.idx.msk [tilespmem:v61+s1+$0x0], $0xffff;
	v26 =	vor.u32 v29, v16;
	v29 =	vor.u32 v29, v18  }
0x39f: {  	v54 =	vor.u32 v53, v18;
	v25 =	vld.idx.msk [tilespmem:v25+s1+$0x0], $0xffff;
	[tilespmem:s25+$0x10] =	vst v27  }
0x3a0: {  	v56 =	vor.u32 $0x15, v10;
	v31 =	vld.idx.msk [tilespmem:v31+s1+$0x0], $0xffff;
	[tilespmem:s25+$0x30] =	vst v63  }
0x3a1: {  	v58 =	vor.u32 v56, v18;
	v57 =	vld.idx.msk [tilespmem:v22+s1+$0x0], $0xffff;
	[tilespmem:s25+$0xFFFFFFE0] =	vst v44  }
0x3a2: {  	v47 =	vor.u32 $0x5, v10;
	v13 =	vld.idx.msk [tilespmem:v62+s1+$0x0], $0xffff;
	[tilespmem:s25+$0xFFFFFFF0] =	vst v30  }
0x3a3: {  	v51 =	vor.u32 v47, v18;
	v22 =	vor.u32 $0x16, v10;
	v44 =	vor.u32 v56, v16;
	[tilespmem:s25+$0xFFFFFFD0] =	vst v28;
	v29 =	vld.idx.msk [tilespmem:v29+s1+$0x0], $0xffff  }
0x3a4: {  	v30 =	vor.u32 v22, v18;
	v59 =	vor.u32 v22, v16;
	v22 =	vld.idx.msk [tilespmem:v54+s1+$0x0], $0xffff;
	[tilespmem:s25+$0x0] =	vst v25;
	v25 =	vor.u32 $0x17, v10  }
0x3a5: {  	v28 =	vld.idx.msk [tilespmem:v35+s1+$0x0], $0xffff;
	[tilespmem:s25+$0x20] =	vst v31;
	v31 =	vor.u32 v25, v18  }
0x3a6: {  	[tilespmem:s25+$0xFFFFFFA0] =	vst v46;
	v46 =	vld.idx.msk [tilespmem:v58+s1+$0x0], $0xffff;
	v25 =	vor.u32 v25, v16  }
0x3a7: {  	[tilespmem:s25+$0xFFFFFE10] =	vst v60;
	v26 =	vld.idx.msk [tilespmem:v26+s1+$0x0], $0xffff  }
0x3a8: {  	v34 =	vld.idx.msk [tilespmem:v51+s1+$0x0], $0xffff;
	[tilespmem:s25+$0x40] =	vst v29;
	v29 =	vor.u32 $0x18, v10  }
0x3a9: {  	[tilespmem:s25+$0x140] =	vst v42;
	v44 =	vld.idx.msk [tilespmem:v44+s1+$0x0], $0xffff;
	v27 =	vor.u32 v29, v18  }
0x3aa: {  	[tilespmem:s25+$0xFFFFFFC0] =	vst v52;
	v40 =	vld.idx.msk [tilespmem:v31+s1+$0x0], $0xffff;
	v31 =	vor.u32 $0x1, v10;
	v61 =	vor.u32 v29, v16  }
0x3ab: {  	[tilespmem:s25+$0x60] =	vst v57;
	v39 =	vld.idx.msk [tilespmem:v25+s1+$0x0], $0xffff;
	v25 =	vor.u32 v31, v18  }
0x3ac: {  	v30 =	vld.idx.msk [tilespmem:v30+s1+$0x0], $0xffff;
	[tilespmem:s25+$0x50] =	vst v26;
	v26 =	vor.u32 v31, v16  }
0x3ad: {  	v35 =	vld.idx.msk [tilespmem:v59+s1+$0x0], $0xffff;
	[tilespmem:s25+$0x70] =	vst v28;
	v28 =	vor.u32 v24, v18;
	v31 =	vor.u32 $0x1C, v10  }
0x3ae: {  	v24 =	vor.u32 v41, v18;
	v10 =	vor.u32 v15, v18;
	v63 =	vor.u32 v31, v18;
	v29 =	vld.idx.msk [tilespmem:v27+s1+$0x0], $0xffff  }
0x3af: {  	v15 =	vor.u32 v21, v18;
	v38 =	vld.idx.msk [tilespmem:v61+s1+$0x0], $0xffff;
	v27 =	vor.u32 v17, v18;
	v18 =	vor.u32 v31, v16  }
0x3b0: {  	[tilespmem:s25+$0xA0] =	vst v46;
	v21 =	vld.idx.msk [tilespmem:v25+s1+$0x0], $0xffff  }
0x3b1: {  	[tilespmem:s25+$0xC0] =	vst v30;
	v17 =	vld.idx.msk [tilespmem:v26+s1+$0x0], $0xffff  }
0x3b2: {  	v19 =	vor.u32 v47, v16;
	[tilespmem:s25+$0xB0] =	vst v44;
	v25 =	vld.idx.msk [tilespmem:v28+s1+$0x0], $0xffff  }
0x3b3: {  	v14 =	vadd.s32 $0x20, v14;
	s7 =	simm.s32 $0xE200;
	s26 =	simm.s32 $0x0;
	v23 =	vor.u32 v20, v16;
	[tilespmem:s25+$0xD0] =	vst v35;
	v26 =	vor.u32 v43, v16;
	v35 =	vld.idx.msk [tilespmem:v63+s1+$0x0], $0xffff  }
.LBB2_14:
0x3b4: {  	v16 =	vand.u32 $0x60, v14;
	v20 =	vshll.u32 v14, $0x3;
	s26 =	sadd.s32 $0x20, s26;
	[tilespmem:s25+$0x130] =	vst v9;
	v37 =	vld.idx.msk [tilespmem:v18+s1+$0x0], $0xffff;
	s7 =	sadd.s32 $0x400, s7  }
0x3b5: {  	v9 =	vand.u32 $0xFFFFFC00, v20;
	v28 =	vor.u32 $0x6, v16;
	v42 =	vor.u32 $0x1F, v16;
	p2 =	slt.u32 s26, $0x1E0;
	[tilespmem:s25+$0xE0] =	vst v40;
	v43 =	vld.idx.msk [tilespmem:v27+s1+$0x0], $0xffff  }
0x3b6: {  	v27 =	vor.u32 $0x4, v16;
	v30 =	vor.u32 $0x1B, v16;
	v18 =	vadd.s32 v1, v9;
	v40 =	vld.idx.msk [tilespmem:v15+s1+$0x0], $0xffff;
	[tilespmem:s25+$0xF0] =	vst v39  }
0x3b7: {  	v31 =	vor.u32 $0x1E, v16;
	v20 =	vadd.s32 v0, v9;
	v9 =	vor.u32 $0x8, v16;
	v41 =	vld.idx.msk [tilespmem:v19+s1+$0x0], $0xffff;
	[tilespmem:s25+$0x1F0] =	vst v5  }
0x3b8: {  	v15 =	vor.u32 $0xA, v16;
	v5 =	vor.u32 $0x2, v16;
	v19 =	vor.u32 v31, v20;
	v44 =	vld.idx.msk [tilespmem:v10+s1+$0x0], $0xffff;
	[tilespmem:s25+$0x100] =	vst v29  }
0x3b9: {  	v39 =	vor.u32 v15, v18;
	v29 =	vor.u32 v16, v20;
	v32 =	vor.u32 v5, v18;
	[tilespmem:s25+$0xFFFFFEA0] =	vst v34  }
0x3ba: {  	v45 =	vor.u32 $0x1, v16;
	v10 =	vor.u32 v5, v20;
	v5 =	vor.u32 v42, v18;
	[tilespmem:s25+$0xFFFFFE70] =	vst v7;
	v7 =	vld.idx.msk [tilespmem:v24+s1+$0x0], $0xffff  }
0x3bb: {  	v47 =	vor.u32 $0x1D, v16;
	v46 =	vor.u32 v28, v18;
	v24 =	vor.u32 v27, v18;
	[tilespmem:s25+$0xFFFFFE50] =	vst v4;
	v23 =	vld.idx.msk [tilespmem:v23+s1+$0x0], $0xffff  }
0x3bc: {  	v48 =	vor.u32 v15, v20;
	v49 =	vor.u32 v30, v18;
	v4 =	vor.u32 $0x3, v16;
	[tilespmem:s25+$0xFFFFFF30] =	vst v12;
	v12 =	vld.idx.msk [tilespmem:v26+s1+$0x0], $0xffff  }
0x3bd: {  	v15 =	vor.u32 v4, v20;
	v26 =	vor.u32 v28, v20;
	v28 =	vor.u32 $0x19, v16;
	v50 =	vld.idx.msk [tilespmem:v19+s1+$0x0], $0xffff;
	[tilespmem:s25+$0xFFFFFF60] =	vst v11  }
0x3be: {  	v51 =	vor.u32 v31, v18;
	v11 =	vor.u32 v4, v18;
	v29 =	vld.idx.msk [tilespmem:v29+s1+$0x0], $0xffff;
	[tilespmem:s25+$0xFFFFFF10] =	vst v36  }
0x3bf: {  	v52 =	vor.u32 v27, v20;
	v27 =	vor.u32 v30, v20;
	v36 =	vor.u32 v47, v20;
	v53 =	vld.idx.msk [tilespmem:v39+s1+$0x0], $0xffff  }
0x3c0: {  	v54 =	vor.u32 v9, v20;
	v4 =	vor.u32 $0x5, v16;
	v55 =	vor.u32 v28, v18;
	v5 =	vld.idx.msk [tilespmem:v5+s1+$0x0], $0xffff;
	[tilespmem:s25+$0x150] =	vst v33  }
0x3c1: {  	v34 =	vor.u32 v4, v20;
	v39 =	vor.u32 v16, v18;
	v46 =	vld.idx.msk [tilespmem:v46+s1+$0x0], $0xffff;
	[tilespmem:s25+$0x1A0] =	vst v3  }
0x3c2: {  	v28 =	vor.u32 v28, v20;
	v19 =	vor.u32 v4, v18;
	v3 =	vor.u32 $0x1A, v16;
	v49 =	vld.idx.msk [tilespmem:v49+s1+$0x0], $0xffff;
	[tilespmem:s25+$0x110] =	vst v38  }
0x3c3: {  	v38 =	vor.u32 v3, v20;
	v33 =	vor.u32 v3, v18;
	v4 =	vld.idx.msk [tilespmem:v32+s1+$0x0], $0xffff;
	[tilespmem:s25+$0x1B0] =	vst v23  }
0x3c4: {  	v31 =	vor.u32 v45, v20;
	v30 =	vor.u32 v45, v18;
	v23 =	vor.u32 $0xF, v16;
	v3 =	vld.idx.msk [tilespmem:v36+s1+$0x0], $0xffff;
	[tilespmem:s25+$0xFFFFFF80] =	vst v8  }
0x3c5: {  	v8 =	vor.u32 $0x7, v16;
	v45 =	vor.u32 v23, v20;
	v32 =	vld.idx.msk [tilespmem:v54+s1+$0x0], $0xffff;
	v54 =	vor.u32 v23, v18;
	[tilespmem:s25+$0xFFFFFE40] =	vst v44  }
0x3c6: {  	v44 =	vor.u32 v8, v20;
	v8 =	vor.u32 v8, v18;
	v48 =	vld.idx.msk [tilespmem:v48+s1+$0x0], $0xffff;
	[tilespmem:s25+$0x80] =	vst v22  }
0x3c7: {  	v36 =	vor.u32 v9, v18;
	v9 =	vor.u32 $0xD, v16;
	v22 =	vld.idx.msk [tilespmem:v27+s1+$0x0], $0xffff;
	v27 =	vor.u32 v42, v20;
	[tilespmem:s25+$0xFFFFFF20] =	vst v7  }
0x3c8: {  	v56 =	vor.u32 v9, v18;
	v7 =	vor.u32 $0x9, v16;
	v42 =	vld.idx.msk [tilespmem:v24+s1+$0x0], $0xffff;
	[tilespmem:s7+$0xFFFFFF50] =	vst v53;
	v53 =	vor.u32 v9, v20  }
0x3c9: {  	v24 =	vor.u32 v7, v20;
	v57 =	vor.u32 v7, v18;
	v9 =	vld.idx.msk [tilespmem:v55+s1+$0x0], $0xffff;
	[tilespmem:s7+$0x170] =	vst v49  }
0x3ca: {  	v23 =	vor.u32 v47, v18;
	v47 =	vld.idx.msk [tilespmem:v51+s1+$0x0], $0xffff;
	[tilespmem:s25+$0xFFFFFF70] =	vst v12  }
0x3cb: {  	v49 =	vld.idx.msk [tilespmem:v54+s1+$0x0], $0xffff;
	[tilespmem:s25+$0x1E0] =	vst v43  }
0x3cc: {  	v12 =	vor.u32 $0xB, v16;
	v43 =	vld.idx.msk [tilespmem:v26+s1+$0x0], $0xffff;
	[tilespmem:s25+$0x180] =	vst v35  }
0x3cd: {  	v7 =	vld.idx.msk [tilespmem:v11+s1+$0x0], $0xffff;
	v11 =	vor.u32 v12, v20;
	[tilespmem:s7+$0x160] =	vst v22  }
0x3ce: {  	v26 =	vor.u32 v12, v18;
	v12 =	vor.u32 $0xC, v16;
	v22 =	vld.idx.msk [tilespmem:v52+s1+$0x0], $0xffff;
	[tilespmem:s25+$0xFFFFFF90] =	vst v6  }
0x3cf: {  	v6 =	vor.u32 v12, v20;
	v35 =	vld.idx.msk [tilespmem:v38+s1+$0x0], $0xffff;
	[tilespmem:s7+$0x1C0] =	vst v50  }
0x3d0: {  	v38 =	vor.u32 v12, v18;
	v12 =	vor.u32 $0xE, v16;
	v50 =	vld.idx.msk [tilespmem:v56+s1+$0x0], $0xffff;
	[tilespmem:s25+$0xFFFFFEB0] =	vst v41  }
0x3d1: {  	[tilespmem:s7+$0xFFFFFED0] =	vst v46;
	v41 =	vld.idx.msk [tilespmem:v44+s1+$0x0], $0xffff;
	v44 =	vor.u32 v12, v20;
	v46 =	vor.u32 v12, v18  }
0x3d2: {  	v12 =	vor.u32 $0x10, v16;
	[tilespmem:s7+$0xFFFFFF40] =	vst v48;
	v45 =	vld.idx.msk [tilespmem:v45+s1+$0x0], $0xffff  }
0x3d3: {  	v51 =	vor.u32 v12, v20;
	v52 =	vor.u32 v12, v18;
	v48 =	vld.idx.msk [tilespmem:v8+s1+$0x0], $0xffff;
	[tilespmem:s7+$0x1D0] =	vst v47  }
0x3d4: {  	v8 =	vor.u32 $0x11, v16;
	v47 =	vld.idx.msk [tilespmem:v53+s1+$0x0], $0xffff;
	[tilespmem:s25+$0x190] =	vst v37  }
0x3d5: {  	v37 =	vor.u32 v8, v20;
	v53 =	vor.u32 v8, v18;
	v12 =	vld.idx.msk [tilespmem:v57+s1+$0x0], $0xffff;
	[tilespmem:s25+$0xFFFFFE60] =	vst v40  }
0x3d6: {  	v40 =	vor.u32 $0x12, v16;
	v11 =	vld.idx.msk [tilespmem:v11+s1+$0x0], $0xffff;
	[tilespmem:s25+$0x120] =	vst v25  }
0x3d7: {  	v25 =	vor.u32 v40, v20;
	v40 =	vor.u32 v40, v18;
	[tilespmem:s7+$0xFFFFFE90] =	vst v42;
	v8 =	vld.idx.msk [tilespmem:v6+s1+$0x0], $0xffff  }
0x3d8: {  	v6 =	vld.idx.msk [tilespmem:v38+s1+$0x0], $0xffff;
	v38 =	vor.u32 $0x13, v16;
	[tilespmem:s25+$0xFFFFFE20] =	vst v21  }
0x3d9: {  	[tilespmem:s7+$0xFFFFFEC0] =	vst v43;
	v21 =	vld.idx.msk [tilespmem:v52+s1+$0x0], $0xffff;
	v42 =	vor.u32 v38, v20;
	v38 =	vor.u32 v38, v18  }
0x3da: {  	[tilespmem:s7+$0xFFFFFEE0] =	vst v41;
	v41 =	vld.idx.msk [tilespmem:v46+s1+$0x0], $0xffff  }
0x3db: {  	[tilespmem:s7+$0xFFFFFE80] =	vst v22;
	v43 =	vld.idx.msk [tilespmem:v53+s1+$0x0], $0xffff  }
0x3dc: {  	[tilespmem:s7+$0xFFFFFEF0] =	vst v48;
	v46 =	vld.idx.msk [tilespmem:v40+s1+$0x0], $0xffff  }
0x3dd: {  	v40 =	vld.idx.msk [tilespmem:v44+s1+$0x0], $0xffff;
	[tilespmem:s25+$0xFFFFFE30] =	vst v17  }
0x3de: {  	v22 =	vor.u32 $0x14, v16;
	v17 =	vld.idx.msk [tilespmem:v51+s1+$0x0], $0xffff;
	[tilespmem:s25+$0x90] =	vst v13;
	s25 =	smov.u32 s7  }
0x3df: {  	v44 =	vor.u32 v22, v18;
	[tilespmem:s7+$0xFFFFFFA0] =	vst v47;
	v13 =	vld.idx.msk [tilespmem:v37+s1+$0x0], $0xffff;
	v37 =	vor.u32 v22, v20  }
0x3e0: {  	v22 =	vor.u32 $0x15, v16;
	[tilespmem:s7+$0xFFFFFFE0] =	vst v45;
	v25 =	vld.idx.msk [tilespmem:v25+s1+$0x0], $0xffff  }
0x3e1: {  	v45 =	vor.u32 v22, v20;
	v47 =	vor.u32 v22, v18;
	[tilespmem:s7+$0xFFFFFFB0] =	vst v50;
	v42 =	vld.idx.msk [tilespmem:v42+s1+$0x0], $0xffff  }
0x3e2: {  	v22 =	vor.u32 $0x16, v16;
	v34 =	vld.idx.msk [tilespmem:v34+s1+$0x0], $0xffff;
	[tilespmem:s7+$0xFFFFFFD0] =	vst v41  }
0x3e3: {  	v48 =	vor.u32 v22, v18;
	v41 =	vor.u32 v22, v20;
	[tilespmem:s7+$0xFFFFFFF0] =	vst v49;
	v38 =	vld.idx.msk [tilespmem:v38+s1+$0x0], $0xffff  }
0x3e4: {  	[tilespmem:s7+$0x0] =	vst v17;
	v22 =	vld.idx.msk [tilespmem:v37+s1+$0x0], $0xffff;
	v17 =	vor.u32 $0x17, v16  }
0x3e5: {  	v37 =	vld.idx.msk [tilespmem:v39+s1+$0x0], $0xffff;
	[tilespmem:s7+$0x20] =	vst v13;
	v13 =	vor.u32 v17, v20;
	v17 =	vor.u32 v17, v18  }
0x3e6: {  	v39 =	vor.u32 $0x18, v16;
	[tilespmem:s7+$0x40] =	vst v25;
	v25 =	vld.idx.msk [tilespmem:v45+s1+$0x0], $0xffff  }
0x3e7: {  	[tilespmem:s7+$0x10] =	vst v21;
	v45 =	vld.idx.msk [tilespmem:v47+s1+$0x0], $0xffff;
	v21 =	vor.u32 v39, v20;
	v47 =	vor.u32 v39, v18  }
0x3e8: {  	[tilespmem:s7+$0xFFFFFFC0] =	vst v40;
	v41 =	vld.idx.msk [tilespmem:v41+s1+$0x0], $0xffff  }
0x3e9: {  	[tilespmem:s7+$0x30] =	vst v43;
	v43 =	vld.idx.msk [tilespmem:v48+s1+$0x0], $0xffff  }
0x3ea: {  	[tilespmem:s7+$0x60] =	vst v42;
	v40 =	vld.idx.msk [tilespmem:v13+s1+$0x0], $0xffff  }
0x3eb: {  	[tilespmem:s7+$0xFFFFFE00] =	vst v29;
	v39 =	vld.idx.msk [tilespmem:v17+s1+$0x0], $0xffff  }
0x3ec: {  	[tilespmem:s7+$0x50] =	vst v46;
	v29 =	vld.idx.msk [tilespmem:v21+s1+$0x0], $0xffff  }
0x3ed: {  	[tilespmem:s7+$0x70] =	vst v38;
	v38 =	vld.idx.msk [tilespmem:v47+s1+$0x0], $0xffff  }
0x3ee: {  	v16 =	vor.u32 $0x1C, v16;
	[tilespmem:s7+$0xFFFFFE10] =	vst v37;
	v13 =	vld.idx.msk [tilespmem:v44+s1+$0x0], $0xffff  }
0x3ef: {  	v20 =	vor.u32 v16, v20;
	v18 =	vor.u32 v16, v18;
	[tilespmem:s7+$0xA0] =	vst v25;
	v33 =	vld.idx.msk [tilespmem:v33+s1+$0x0], $0xffff  }
.Ltmp8:
0x3f0: {  	v36 =	vld.idx.msk [tilespmem:v36+s1+$0x0], $0xffff;
	[tilespmem:s7+$0xC0] =	vst v41;
	(pc) =	sbr.rel @p2 .LBB2_14-.Ltmp8, $4  }
0x3f1: {  	v21 =	vld.idx.msk [tilespmem:v31+s1+$0x0], $0xffff;
	[tilespmem:s7+$0x140] =	vst v35  }
0x3f2: {  	v17 =	vld.idx.msk [tilespmem:v30+s1+$0x0], $0xffff;
	[tilespmem:s7+$0xFFFFFF00] =	vst v32  }
0x3f3: {  	[tilespmem:s7+$0xB0] =	vst v45;
	v25 =	vld.idx.msk [tilespmem:v28+s1+$0x0], $0xffff  }
0x3f4: {  	v14 =	vadd.s32 $0x20, v14;
	[tilespmem:s7+$0xD0] =	vst v43;
	v35 =	vld.idx.msk [tilespmem:v20+s1+$0x0], $0xffff  }
0x3f5: {  	_ = 	snop  }
0x3f6: {  	[tilespmem:s25+$0x130] =	vst v9  }
0x3f7: {  	[tilespmem:s25+$0xE0] =	vst v40  }
0x3f8: {  	[tilespmem:s25+$0xF0] =	vst v39  }
0x3f9: {  	v9 =	vld.idx.msk [tilespmem:v27+s1+$0x0], $0xffff;
	[tilespmem:s25+$0x1F0] =	vst v5  }
0x3fa: {  	[tilespmem:s25+$0x100] =	vst v29  }
0x3fb: {  	v5 =	vld.idx.msk [tilespmem:v19+s1+$0x0], $0xffff;
	[tilespmem:s25+$0xFFFFFEA0] =	vst v34  }
0x3fc: {  	v14 =	vld.idx.msk [tilespmem:v15+s1+$0x0], $0xffff;
	[tilespmem:s25+$0xFFFFFE70] =	vst v7  }
0x3fd: {  	v10 =	vld.idx.msk [tilespmem:v10+s1+$0x0], $0xffff;
	[tilespmem:s25+$0xFFFFFE50] =	vst v4  }
0x3fe: {  	v7 =	vld.idx.msk [tilespmem:v24+s1+$0x0], $0xffff;
	[tilespmem:s25+$0xFFFFFF30] =	vst v12  }
0x3ff: {  	v4 =	vld.idx.msk [tilespmem:v26+s1+$0x0], $0xffff;
	[tilespmem:s25+$0xFFFFFF60] =	vst v11  }
0x400: {  	[tilespmem:s25+$0xFFFFFF10] =	vst v36  }
0x401: {  	[tilespmem:s25+$0x150] =	vst v33  }
0x402: {  	v12 =	vld.idx.msk [tilespmem:v23+s1+$0x0], $0xffff;
	[tilespmem:s25+$0x1A0] =	vst v3  }
0x403: {  	[tilespmem:s25+$0x110] =	vst v38  }
0x404: {  	[tilespmem:s25+$0xFFFFFF80] =	vst v8  }
0x405: {  	[tilespmem:s25+$0x80] =	vst v22  }
0x406: {  	[tilespmem:s25+$0xFFFFFF90] =	vst v6  }
0x407: {  	[tilespmem:s25+$0x90] =	vst v13  }
0x408: {  	[tilespmem:s25+$0xFFFFFE20] =	vst v21  }
0x409: {  	[tilespmem:s25+$0xFFFFFE30] =	vst v17  }
0x40a: {  	[tilespmem:s25+$0x120] =	vst v25  }
0x40b: {  	v3 =	vld.idx.msk [tilespmem:v18+s1+$0x0], $0xffff;
	[tilespmem:s25+$0x180] =	vst v35  }
0x40c: {  	[tilespmem:s25+$0x1B0] =	vst v12  }
0x40d: {  	[tilespmem:s25+$0xFFFFFE40] =	vst v10  }
0x40e: {  	[tilespmem:s25+$0xFFFFFF20] =	vst v7  }
0x40f: {  	[tilespmem:s25+$0xFFFFFF70] =	vst v4  }
0x410: {  	[tilespmem:s25+$0x1E0] =	vst v9  }
0x411: {  	[tilespmem:s25+$0xFFFFFEB0] =	vst v5  }
0x412: {  	[tilespmem:s25+$0x190] =	vst v3  }
0x413: {  	v16 =	vimm.s32 $0x0;
	[tilespmem:s25+$0xFFFFFE60] =	vst v14  }
0x414: {  	v3 =	vshll.u32 v16, $0x3;
	s7 =	rddreg [dreg:$0xa]  }
0x415: {  	v10 =	vand.u32 $0x60, v16;
	v3 =	vand.u32 $0xFFFFFC00, v3;
	[hbm4b:s7+s3] =	stream.linear.scatter [tilespmem:s17], [sflag:$0x4], $0x4000, $0x38;
	[tilespmem:$0x13000] =	vst v63  }
0x416: {  	v6 =	vor.u32 $0x1E, v10;
	v18 =	vadd.s32 v0, v3;
	_ =	swait.ge [sflag:s9], $0x4000  }
0x417: {  	v4 =	vor.u32 v6, v18;
	[sflag:s9] =	ssyncset.done $0x0  }
0x418: {  	v13 =	vadd.s32 v1, v3;
	v3 =	vor.u32 $0xA, v10;
	v5 =	vor.u32 v10, v18;
	[sflag:s9] =	ssyncadd.s32 $0xFFFFC000  }
0x419: {  	v17 =	vor.u32 $0x1F, v10;
	v7 =	vor.u32 v3, v13;
	_ =	swait.ge [sflag:s18], $0x4000  }
0x41a: {  	v8 =	vor.u32 $0x6, v10;
	v9 =	vor.u32 v17, v13;
	[sflag:s18] =	ssyncset.done $0x0  }
0x41b: {  	v11 =	vor.u32 $0x1B, v10;
	v12 =	vor.u32 v8, v13;
	[sflag:s18] =	ssyncadd.s32 $0xFFFFC000  }
0x41c: {  	v19 =	vor.u32 $0x8, v10;
	v21 =	vor.u32 v11, v13;
	v22 =	vld.idx.msk [tilespmem:v4+s3+$0x0], $0xffff  }
0x41d: {  	v23 =	vor.u32 v19, v18;
	v14 =	vld.idx.msk [tilespmem:v5+s3+$0x0], $0xffff  }
0x41e: {  	v11 =	vor.u32 v11, v18;
	v25 =	vld.idx.msk [tilespmem:v7+s3+$0x0], $0xffff  }
0x41f: {  	v6 =	vor.u32 v6, v13;
	v5 =	vld.idx.msk [tilespmem:v9+s3+$0x0], $0xffff  }
0x420: {  	v52 =	vor.u32 $0xD, v10;
	v8 =	vor.u32 v8, v18;
	v26 =	vld.idx.msk [tilespmem:v12+s3+$0x0], $0xffff  }
0x421: {  	v54 =	vor.u32 v52, v13;
	v27 =	vld.idx.msk [tilespmem:v21+s3+$0x0], $0xffff  }
0x422: {  	v15 =	vor.u32 $0x2, v10;
	v19 =	vor.u32 v19, v13;
	v23 =	vld.idx.msk [tilespmem:v23+s3+$0x0], $0xffff  }
0x423: {  	v20 =	vor.u32 $0x1D, v10;
	v4 =	vor.u32 v15, v13;
	v11 =	vld.idx.msk [tilespmem:v11+s3+$0x0], $0xffff  }
0x424: {  	v7 =	vor.u32 v20, v18;
	v53 =	vld.idx.msk [tilespmem:v6+s3+$0x0], $0xffff  }
0x425: {  	v24 =	vor.u32 $0x19, v10;
	v9 =	vor.u32 v3, v18;
	v55 =	vld.idx.msk [tilespmem:v8+s3+$0x0], $0xffff  }
0x426: {  	v43 =	vor.u32 $0xB, v10;
	v29 =	vor.u32 v24, v13;
	v34 =	vld.idx.msk [tilespmem:v54+s3+$0x0], $0xffff  }
0x427: {  	v57 =	vor.u32 v43, v18;
	v12 =	vor.u32 $0x4, v10;
	v36 =	vld.idx.msk [tilespmem:v19+s3+$0x0], $0xffff  }
0x428: {  	v21 =	vor.u32 $0x3, v10;
	v28 =	vor.u32 v12, v13;
	v4 =	vld.idx.msk [tilespmem:v4+s3+$0x0], $0xffff  }
0x429: {  	v32 =	vor.u32 v21, v13;
	v3 =	vld.idx.msk [tilespmem:v7+s3+$0x0], $0xffff  }
0x42a: {  	v6 =	vor.u32 $0x7, v10;
	v12 =	vor.u32 v12, v18;
	v31 =	vld.idx.msk [tilespmem:v9+s3+$0x0], $0xffff  }
0x42b: {  	s25 =	simm.s32 $0xA200;
	v37 =	vor.u32 v6, v18;
	v9 =	vld.idx.msk [tilespmem:v29+s3+$0x0], $0xffff  }
0x42c: {  	v33 =	vor.u32 $0x1A, v10;
	v58 =	vor.u32 $0xC, v10;
	v6 =	vor.u32 v6, v13;
	[tilespmem:s25+$0x160] =	vst v11;
	v11 =	vld.idx.msk [tilespmem:v57+s3+$0x0], $0xffff  }
0x42d: {  	v60 =	vor.u32 $0x10, v10;
	v7 =	vor.u32 $0xF, v10;
	v29 =	vor.u32 v33, v18;
	[tilespmem:s25+$0xFFFFFF50] =	vst v25;
	v28 =	vld.idx.msk [tilespmem:v28+s3+$0x0], $0xffff  }
0x42e: {  	v25 =	vor.u32 v58, v13;
	v30 =	vor.u32 v7, v13;
	v8 =	vor.u32 v7, v18;
	v7 =	vld.idx.msk [tilespmem:v32+s3+$0x0], $0xffff  }
0x42f: {  	v48 =	vor.u32 $0x11, v10;
	[tilespmem:s25+$0x170] =	vst v27;
	v27 =	vor.u32 v60, v13;
	v56 =	vld.idx.msk [tilespmem:v12+s3+$0x0], $0xffff  }
0x430: {  	[tilespmem:s25+$0x1C0] =	vst v22;
	v22 =	vor.u32 v48, v13;
	v37 =	vld.idx.msk [tilespmem:v37+s3+$0x0], $0xffff  }
0x431: {  	[tilespmem:s25+$0xFFFFFEC0] =	vst v55;
	v55 =	vor.u32 v10, v13;
	v45 =	vld.idx.msk [tilespmem:v6+s3+$0x0], $0xffff  }
0x432: {  	v33 =	vor.u32 v33, v13;
	v6 =	vor.u32 $0xE, v10;
	v42 =	vld.idx.msk [tilespmem:v29+s3+$0x0], $0xffff  }
0x433: {  	v47 =	vor.u32 v6, v13;
	v61 =	vor.u32 v6, v18;
	v6 =	vld.idx.msk [tilespmem:v25+s3+$0x0], $0xffff  }
0x434: {  	v27 =	vld.idx.msk [tilespmem:v27+s3+$0x0], $0xffff  }
0x435: {  	[tilespmem:s25+$0xFFFFFED0] =	vst v26;
	v12 =	vor.u32 v52, v18;
	v63 =	vld.idx.msk [tilespmem:v22+s3+$0x0], $0xffff  }
0x436: {  	v59 =	vor.u32 v58, v18;
	[tilespmem:s25+$0x1D0] =	vst v53;
	v25 =	vor.u32 v60, v18;
	v60 =	vld.idx.msk [tilespmem:v55+s3+$0x0], $0xffff  }
0x437: {  	v41 =	vor.u32 $0x9, v10;
	[tilespmem:s25+$0xFFFFFF00] =	vst v23;
	v33 =	vld.idx.msk [tilespmem:v33+s3+$0x0], $0xffff  }
0x438: {  	v29 =	vor.u32 v41, v13;
	[tilespmem:s25+$0xFFFFFF40] =	vst v31;
	v30 =	vld.idx.msk [tilespmem:v30+s3+$0x0], $0xffff  }
0x439: {  	[tilespmem:s25+$0xFFFFFE00] =	vst v14;
	v44 =	vld.idx.msk [tilespmem:v8+s3+$0x0], $0xffff  }
0x43a: {  	v46 =	vld.idx.msk [tilespmem:v12+s3+$0x0], $0xffff;
	[tilespmem:s25+$0xFFFFFE90] =	vst v28  }
0x43b: {  	v62 =	vor.u32 $0x13, v10;
	v31 =	vor.u32 v48, v18;
	v8 =	vld.idx.msk [tilespmem:v59+s3+$0x0], $0xffff;
	[tilespmem:s25+$0xFFFFFEE0] =	vst v37  }
0x43c: {  	v53 =	vor.u32 $0x14, v10;
	v22 =	vor.u32 v62, v18;
	[tilespmem:s25+$0xFFFFFE80] =	vst v56;
	v28 =	vld.idx.msk [tilespmem:v47+s3+$0x0], $0xffff  }
0x43d: {  	v35 =	vor.u32 v62, v13;
	v62 =	vor.u32 v53, v13;
	[tilespmem:s25+$0xFFFFFEF0] =	vst v45;
	v12 =	vld.idx.msk [tilespmem:v29+s3+$0x0], $0xffff;
	v29 =	vor.u32 $0x12, v10  }
0x43e: {  	[tilespmem:s25+$0xFFFFFFB0] =	vst v34;
	v52 =	vld.idx.msk [tilespmem:v61+s3+$0x0], $0xffff;
	v26 =	vor.u32 v29, v13;
	v29 =	vor.u32 v29, v18  }
0x43f: {  	v54 =	vor.u32 v53, v18;
	v25 =	vld.idx.msk [tilespmem:v25+s3+$0x0], $0xffff;
	[tilespmem:s25+$0x10] =	vst v27  }
0x440: {  	v56 =	vor.u32 $0x15, v10;
	v31 =	vld.idx.msk [tilespmem:v31+s3+$0x0], $0xffff;
	[tilespmem:s25+$0x30] =	vst v63  }
0x441: {  	v58 =	vor.u32 v56, v18;
	v57 =	vld.idx.msk [tilespmem:v22+s3+$0x0], $0xffff;
	[tilespmem:s25+$0xFFFFFFE0] =	vst v44  }
0x442: {  	v47 =	vor.u32 $0x5, v10;
	v14 =	vld.idx.msk [tilespmem:v62+s3+$0x0], $0xffff;
	[tilespmem:s25+$0xFFFFFFF0] =	vst v30  }
0x443: {  	v51 =	vor.u32 v47, v18;
	v22 =	vor.u32 $0x16, v10;
	v44 =	vor.u32 v56, v13;
	[tilespmem:s25+$0xFFFFFFD0] =	vst v28;
	v29 =	vld.idx.msk [tilespmem:v29+s3+$0x0], $0xffff  }
0x444: {  	v30 =	vor.u32 v22, v18;
	v59 =	vor.u32 v22, v13;
	v22 =	vld.idx.msk [tilespmem:v54+s3+$0x0], $0xffff;
	[tilespmem:s25+$0x0] =	vst v25;
	v25 =	vor.u32 $0x17, v10  }
0x445: {  	v28 =	vld.idx.msk [tilespmem:v35+s3+$0x0], $0xffff;
	[tilespmem:s25+$0x20] =	vst v31;
	v31 =	vor.u32 v25, v18  }
0x446: {  	[tilespmem:s25+$0xFFFFFFA0] =	vst v46;
	v46 =	vld.idx.msk [tilespmem:v58+s3+$0x0], $0xffff;
	v25 =	vor.u32 v25, v13  }
0x447: {  	[tilespmem:s25+$0xFFFFFE10] =	vst v60;
	v26 =	vld.idx.msk [tilespmem:v26+s3+$0x0], $0xffff  }
0x448: {  	v34 =	vld.idx.msk [tilespmem:v51+s3+$0x0], $0xffff;
	[tilespmem:s25+$0x40] =	vst v29;
	v29 =	vor.u32 $0x18, v10  }
0x449: {  	[tilespmem:s25+$0x140] =	vst v42;
	v44 =	vld.idx.msk [tilespmem:v44+s3+$0x0], $0xffff;
	v27 =	vor.u32 v29, v18  }
0x44a: {  	[tilespmem:s25+$0xFFFFFFC0] =	vst v52;
	v40 =	vld.idx.msk [tilespmem:v31+s3+$0x0], $0xffff;
	v31 =	vor.u32 $0x1, v10;
	v61 =	vor.u32 v29, v13  }
0x44b: {  	[tilespmem:s25+$0x60] =	vst v57;
	v39 =	vld.idx.msk [tilespmem:v25+s3+$0x0], $0xffff;
	v25 =	vor.u32 v31, v18  }
0x44c: {  	v30 =	vld.idx.msk [tilespmem:v30+s3+$0x0], $0xffff;
	[tilespmem:s25+$0x50] =	vst v26;
	v26 =	vor.u32 v31, v13  }
0x44d: {  	v35 =	vld.idx.msk [tilespmem:v59+s3+$0x0], $0xffff;
	[tilespmem:s25+$0x70] =	vst v28;
	v28 =	vor.u32 v24, v18;
	v31 =	vor.u32 $0x1C, v10  }
0x44e: {  	v24 =	vor.u32 v41, v18;
	v10 =	vor.u32 v15, v18;
	v63 =	vor.u32 v31, v18;
	v29 =	vld.idx.msk [tilespmem:v27+s3+$0x0], $0xffff  }
0x44f: {  	v15 =	vor.u32 v21, v18;
	v38 =	vld.idx.msk [tilespmem:v61+s3+$0x0], $0xffff;
	v27 =	vor.u32 v17, v18;
	v18 =	vor.u32 v31, v13  }
0x450: {  	[tilespmem:s25+$0xA0] =	vst v46;
	v21 =	vld.idx.msk [tilespmem:v25+s3+$0x0], $0xffff  }
0x451: {  	[tilespmem:s25+$0xC0] =	vst v30;
	v17 =	vld.idx.msk [tilespmem:v26+s3+$0x0], $0xffff  }
0x452: {  	v19 =	vor.u32 v47, v13;
	[tilespmem:s25+$0xB0] =	vst v44;
	v25 =	vld.idx.msk [tilespmem:v28+s3+$0x0], $0xffff  }
0x453: {  	s26 =	simm.s32 $0x0;
	s7 =	simm.s32 $0xA200;
	v23 =	vor.u32 v20, v13;
	[tilespmem:s25+$0xD0] =	vst v35;
	v26 =	vor.u32 v43, v13;
	v13 =	vadd.s32 $0x20, v16;
	v35 =	vld.idx.msk [tilespmem:v63+s3+$0x0], $0xffff  }
.LBB2_16:
0x454: {  	v16 =	vand.u32 $0x60, v13;
	v20 =	vshll.u32 v13, $0x3;
	s26 =	sadd.s32 $0x20, s26;
	[tilespmem:s25+$0x130] =	vst v9;
	v37 =	vld.idx.msk [tilespmem:v18+s3+$0x0], $0xffff;
	s7 =	sadd.s32 $0x400, s7  }
0x455: {  	v9 =	vand.u32 $0xFFFFFC00, v20;
	v28 =	vor.u32 $0x6, v16;
	v42 =	vor.u32 $0x1F, v16;
	p2 =	slt.u32 s26, $0x1E0;
	[tilespmem:s25+$0xE0] =	vst v40;
	v43 =	vld.idx.msk [tilespmem:v27+s3+$0x0], $0xffff  }
0x456: {  	v27 =	vor.u32 $0x4, v16;
	v30 =	vor.u32 $0x1B, v16;
	v18 =	vadd.s32 v1, v9;
	v40 =	vld.idx.msk [tilespmem:v15+s3+$0x0], $0xffff;
	[tilespmem:s25+$0xF0] =	vst v39  }
0x457: {  	v31 =	vor.u32 $0x1E, v16;
	v20 =	vadd.s32 v0, v9;
	v9 =	vor.u32 $0x8, v16;
	v41 =	vld.idx.msk [tilespmem:v19+s3+$0x0], $0xffff;
	[tilespmem:s25+$0x1F0] =	vst v5  }
0x458: {  	v15 =	vor.u32 $0xA, v16;
	v5 =	vor.u32 $0x2, v16;
	v19 =	vor.u32 v31, v20;
	v44 =	vld.idx.msk [tilespmem:v10+s3+$0x0], $0xffff;
	[tilespmem:s25+$0x100] =	vst v29  }
0x459: {  	v39 =	vor.u32 v15, v18;
	v29 =	vor.u32 v16, v20;
	v32 =	vor.u32 v5, v18;
	[tilespmem:s25+$0xFFFFFEA0] =	vst v34  }
0x45a: {  	v45 =	vor.u32 $0x1, v16;
	v10 =	vor.u32 v5, v20;
	v5 =	vor.u32 v42, v18;
	[tilespmem:s25+$0xFFFFFE70] =	vst v7;
	v7 =	vld.idx.msk [tilespmem:v24+s3+$0x0], $0xffff  }
0x45b: {  	v47 =	vor.u32 $0x1D, v16;
	v46 =	vor.u32 v28, v18;
	v24 =	vor.u32 v27, v18;
	[tilespmem:s25+$0xFFFFFE50] =	vst v4;
	v23 =	vld.idx.msk [tilespmem:v23+s3+$0x0], $0xffff  }
0x45c: {  	v48 =	vor.u32 v15, v20;
	v49 =	vor.u32 v30, v18;
	v4 =	vor.u32 $0x3, v16;
	[tilespmem:s25+$0xFFFFFF30] =	vst v12;
	v12 =	vld.idx.msk [tilespmem:v26+s3+$0x0], $0xffff  }
0x45d: {  	v15 =	vor.u32 v4, v20;
	v26 =	vor.u32 v28, v20;
	v28 =	vor.u32 $0x19, v16;
	v50 =	vld.idx.msk [tilespmem:v19+s3+$0x0], $0xffff;
	[tilespmem:s25+$0xFFFFFF60] =	vst v11  }
0x45e: {  	v51 =	vor.u32 v31, v18;
	v11 =	vor.u32 v4, v18;
	v29 =	vld.idx.msk [tilespmem:v29+s3+$0x0], $0xffff;
	[tilespmem:s25+$0xFFFFFF10] =	vst v36  }
0x45f: {  	v52 =	vor.u32 v27, v20;
	v27 =	vor.u32 v30, v20;
	v36 =	vor.u32 v47, v20;
	v53 =	vld.idx.msk [tilespmem:v39+s3+$0x0], $0xffff  }
0x460: {  	v54 =	vor.u32 v9, v20;
	v4 =	vor.u32 $0x5, v16;
	v55 =	vor.u32 v28, v18;
	v5 =	vld.idx.msk [tilespmem:v5+s3+$0x0], $0xffff;
	[tilespmem:s25+$0x150] =	vst v33  }
0x461: {  	v34 =	vor.u32 v4, v20;
	v39 =	vor.u32 v16, v18;
	v46 =	vld.idx.msk [tilespmem:v46+s3+$0x0], $0xffff;
	[tilespmem:s25+$0x1A0] =	vst v3  }
0x462: {  	v28 =	vor.u32 v28, v20;
	v19 =	vor.u32 v4, v18;
	v3 =	vor.u32 $0x1A, v16;
	v49 =	vld.idx.msk [tilespmem:v49+s3+$0x0], $0xffff;
	[tilespmem:s25+$0x110] =	vst v38  }
0x463: {  	v38 =	vor.u32 v3, v20;
	v33 =	vor.u32 v3, v18;
	v4 =	vld.idx.msk [tilespmem:v32+s3+$0x0], $0xffff;
	[tilespmem:s25+$0x1B0] =	vst v23  }
0x464: {  	v31 =	vor.u32 v45, v20;
	v30 =	vor.u32 v45, v18;
	v23 =	vor.u32 $0xF, v16;
	v3 =	vld.idx.msk [tilespmem:v36+s3+$0x0], $0xffff;
	[tilespmem:s25+$0xFFFFFF80] =	vst v8  }
0x465: {  	v8 =	vor.u32 $0x7, v16;
	v45 =	vor.u32 v23, v20;
	v32 =	vld.idx.msk [tilespmem:v54+s3+$0x0], $0xffff;
	v54 =	vor.u32 v23, v18;
	[tilespmem:s25+$0xFFFFFE40] =	vst v44  }
0x466: {  	v44 =	vor.u32 v8, v20;
	v8 =	vor.u32 v8, v18;
	v48 =	vld.idx.msk [tilespmem:v48+s3+$0x0], $0xffff;
	[tilespmem:s25+$0x80] =	vst v22  }
0x467: {  	v36 =	vor.u32 v9, v18;
	v9 =	vor.u32 $0xD, v16;
	v22 =	vld.idx.msk [tilespmem:v27+s3+$0x0], $0xffff;
	v27 =	vor.u32 v42, v20;
	[tilespmem:s25+$0xFFFFFF20] =	vst v7  }
0x468: {  	v56 =	vor.u32 v9, v18;
	v7 =	vor.u32 $0x9, v16;
	v42 =	vld.idx.msk [tilespmem:v24+s3+$0x0], $0xffff;
	[tilespmem:s7+$0xFFFFFF50] =	vst v53;
	v53 =	vor.u32 v9, v20  }
0x469: {  	v24 =	vor.u32 v7, v20;
	v57 =	vor.u32 v7, v18;
	v9 =	vld.idx.msk [tilespmem:v55+s3+$0x0], $0xffff;
	[tilespmem:s7+$0x170] =	vst v49  }
0x46a: {  	v23 =	vor.u32 v47, v18;
	v47 =	vld.idx.msk [tilespmem:v51+s3+$0x0], $0xffff;
	[tilespmem:s25+$0xFFFFFF70] =	vst v12  }
0x46b: {  	v49 =	vld.idx.msk [tilespmem:v54+s3+$0x0], $0xffff;
	[tilespmem:s25+$0x1E0] =	vst v43  }
0x46c: {  	v12 =	vor.u32 $0xB, v16;
	v43 =	vld.idx.msk [tilespmem:v26+s3+$0x0], $0xffff;
	[tilespmem:s25+$0x180] =	vst v35  }
0x46d: {  	v7 =	vld.idx.msk [tilespmem:v11+s3+$0x0], $0xffff;
	v11 =	vor.u32 v12, v20;
	[tilespmem:s7+$0x160] =	vst v22  }
0x46e: {  	v26 =	vor.u32 v12, v18;
	v12 =	vor.u32 $0xC, v16;
	v22 =	vld.idx.msk [tilespmem:v52+s3+$0x0], $0xffff;
	[tilespmem:s25+$0xFFFFFF90] =	vst v6  }
0x46f: {  	v6 =	vor.u32 v12, v20;
	v35 =	vld.idx.msk [tilespmem:v38+s3+$0x0], $0xffff;
	[tilespmem:s7+$0x1C0] =	vst v50  }
0x470: {  	v38 =	vor.u32 v12, v18;
	v12 =	vor.u32 $0xE, v16;
	v50 =	vld.idx.msk [tilespmem:v56+s3+$0x0], $0xffff;
	[tilespmem:s25+$0xFFFFFEB0] =	vst v41  }
0x471: {  	[tilespmem:s7+$0xFFFFFED0] =	vst v46;
	v41 =	vld.idx.msk [tilespmem:v44+s3+$0x0], $0xffff;
	v44 =	vor.u32 v12, v20;
	v46 =	vor.u32 v12, v18  }
0x472: {  	v12 =	vor.u32 $0x10, v16;
	[tilespmem:s7+$0xFFFFFF40] =	vst v48;
	v45 =	vld.idx.msk [tilespmem:v45+s3+$0x0], $0xffff  }
0x473: {  	v51 =	vor.u32 v12, v20;
	v52 =	vor.u32 v12, v18;
	v48 =	vld.idx.msk [tilespmem:v8+s3+$0x0], $0xffff;
	[tilespmem:s7+$0x1D0] =	vst v47  }
0x474: {  	v8 =	vor.u32 $0x11, v16;
	v47 =	vld.idx.msk [tilespmem:v53+s3+$0x0], $0xffff;
	[tilespmem:s25+$0x190] =	vst v37  }
0x475: {  	v37 =	vor.u32 v8, v20;
	v53 =	vor.u32 v8, v18;
	v12 =	vld.idx.msk [tilespmem:v57+s3+$0x0], $0xffff;
	[tilespmem:s25+$0xFFFFFE60] =	vst v40  }
0x476: {  	v40 =	vor.u32 $0x12, v16;
	v11 =	vld.idx.msk [tilespmem:v11+s3+$0x0], $0xffff;
	[tilespmem:s25+$0x120] =	vst v25  }
0x477: {  	v25 =	vor.u32 v40, v20;
	v40 =	vor.u32 v40, v18;
	[tilespmem:s7+$0xFFFFFE90] =	vst v42;
	v8 =	vld.idx.msk [tilespmem:v6+s3+$0x0], $0xffff  }
0x478: {  	v6 =	vld.idx.msk [tilespmem:v38+s3+$0x0], $0xffff;
	v38 =	vor.u32 $0x13, v16;
	[tilespmem:s25+$0xFFFFFE20] =	vst v21  }
0x479: {  	[tilespmem:s7+$0xFFFFFEC0] =	vst v43;
	v21 =	vld.idx.msk [tilespmem:v52+s3+$0x0], $0xffff;
	v42 =	vor.u32 v38, v20;
	v38 =	vor.u32 v38, v18  }
0x47a: {  	[tilespmem:s7+$0xFFFFFEE0] =	vst v41;
	v41 =	vld.idx.msk [tilespmem:v46+s3+$0x0], $0xffff  }
0x47b: {  	[tilespmem:s7+$0xFFFFFE80] =	vst v22;
	v43 =	vld.idx.msk [tilespmem:v53+s3+$0x0], $0xffff  }
0x47c: {  	[tilespmem:s7+$0xFFFFFEF0] =	vst v48;
	v46 =	vld.idx.msk [tilespmem:v40+s3+$0x0], $0xffff  }
0x47d: {  	v40 =	vld.idx.msk [tilespmem:v44+s3+$0x0], $0xffff;
	[tilespmem:s25+$0xFFFFFE30] =	vst v17  }
0x47e: {  	v22 =	vor.u32 $0x14, v16;
	v17 =	vld.idx.msk [tilespmem:v51+s3+$0x0], $0xffff;
	[tilespmem:s25+$0x90] =	vst v14;
	s25 =	smov.u32 s7  }
0x47f: {  	v44 =	vor.u32 v22, v18;
	[tilespmem:s7+$0xFFFFFFA0] =	vst v47;
	v14 =	vld.idx.msk [tilespmem:v37+s3+$0x0], $0xffff;
	v37 =	vor.u32 v22, v20  }
0x480: {  	v22 =	vor.u32 $0x15, v16;
	[tilespmem:s7+$0xFFFFFFE0] =	vst v45;
	v25 =	vld.idx.msk [tilespmem:v25+s3+$0x0], $0xffff  }
0x481: {  	v45 =	vor.u32 v22, v20;
	v47 =	vor.u32 v22, v18;
	[tilespmem:s7+$0xFFFFFFB0] =	vst v50;
	v42 =	vld.idx.msk [tilespmem:v42+s3+$0x0], $0xffff  }
0x482: {  	v22 =	vor.u32 $0x16, v16;
	v34 =	vld.idx.msk [tilespmem:v34+s3+$0x0], $0xffff;
	[tilespmem:s7+$0xFFFFFFD0] =	vst v41  }
0x483: {  	v48 =	vor.u32 v22, v18;
	v41 =	vor.u32 v22, v20;
	[tilespmem:s7+$0xFFFFFFF0] =	vst v49;
	v38 =	vld.idx.msk [tilespmem:v38+s3+$0x0], $0xffff  }
0x484: {  	[tilespmem:s7+$0x0] =	vst v17;
	v22 =	vld.idx.msk [tilespmem:v37+s3+$0x0], $0xffff;
	v17 =	vor.u32 $0x17, v16  }
0x485: {  	v37 =	vld.idx.msk [tilespmem:v39+s3+$0x0], $0xffff;
	[tilespmem:s7+$0x20] =	vst v14;
	v14 =	vor.u32 v17, v20;
	v17 =	vor.u32 v17, v18  }
0x486: {  	v39 =	vor.u32 $0x18, v16;
	[tilespmem:s7+$0x40] =	vst v25;
	v25 =	vld.idx.msk [tilespmem:v45+s3+$0x0], $0xffff  }
0x487: {  	[tilespmem:s7+$0x10] =	vst v21;
	v45 =	vld.idx.msk [tilespmem:v47+s3+$0x0], $0xffff;
	v21 =	vor.u32 v39, v20;
	v47 =	vor.u32 v39, v18  }
0x488: {  	[tilespmem:s7+$0xFFFFFFC0] =	vst v40;
	v41 =	vld.idx.msk [tilespmem:v41+s3+$0x0], $0xffff  }
0x489: {  	[tilespmem:s7+$0x30] =	vst v43;
	v43 =	vld.idx.msk [tilespmem:v48+s3+$0x0], $0xffff  }
0x48a: {  	[tilespmem:s7+$0x60] =	vst v42;
	v40 =	vld.idx.msk [tilespmem:v14+s3+$0x0], $0xffff  }
0x48b: {  	[tilespmem:s7+$0xFFFFFE00] =	vst v29;
	v39 =	vld.idx.msk [tilespmem:v17+s3+$0x0], $0xffff  }
0x48c: {  	[tilespmem:s7+$0x50] =	vst v46;
	v29 =	vld.idx.msk [tilespmem:v21+s3+$0x0], $0xffff  }
0x48d: {  	[tilespmem:s7+$0x70] =	vst v38;
	v38 =	vld.idx.msk [tilespmem:v47+s3+$0x0], $0xffff  }
0x48e: {  	v16 =	vor.u32 $0x1C, v16;
	[tilespmem:s7+$0xFFFFFE10] =	vst v37;
	v14 =	vld.idx.msk [tilespmem:v44+s3+$0x0], $0xffff  }
0x48f: {  	v20 =	vor.u32 v16, v20;
	v18 =	vor.u32 v16, v18;
	[tilespmem:s7+$0xA0] =	vst v25;
	v33 =	vld.idx.msk [tilespmem:v33+s3+$0x0], $0xffff  }
.Ltmp9:
0x490: {  	v36 =	vld.idx.msk [tilespmem:v36+s3+$0x0], $0xffff;
	[tilespmem:s7+$0xC0] =	vst v41;
	(pc) =	sbr.rel @p2 .LBB2_16-.Ltmp9, $4  }
0x491: {  	v21 =	vld.idx.msk [tilespmem:v31+s3+$0x0], $0xffff;
	[tilespmem:s7+$0x140] =	vst v35  }
0x492: {  	v17 =	vld.idx.msk [tilespmem:v30+s3+$0x0], $0xffff;
	[tilespmem:s7+$0xFFFFFF00] =	vst v32  }
0x493: {  	[tilespmem:s7+$0xB0] =	vst v45;
	v25 =	vld.idx.msk [tilespmem:v28+s3+$0x0], $0xffff  }
0x494: {  	v13 =	vadd.s32 $0x20, v13;
	[tilespmem:s7+$0xD0] =	vst v43;
	v35 =	vld.idx.msk [tilespmem:v20+s3+$0x0], $0xffff  }
0x495: {  	_ = 	snop  }
0x496: {  	[tilespmem:s25+$0x130] =	vst v9  }
0x497: {  	[tilespmem:s25+$0xE0] =	vst v40  }
0x498: {  	[tilespmem:s25+$0xF0] =	vst v39  }
0x499: {  	v59 =	vld.idx.msk [tilespmem:v27+s3+$0x0], $0xffff;
	[tilespmem:s25+$0x1F0] =	vst v5  }
0x49a: {  	[tilespmem:s25+$0x100] =	vst v29  }
0x49b: {  	v60 =	vld.idx.msk [tilespmem:v19+s3+$0x0], $0xffff;
	[tilespmem:s25+$0xFFFFFEA0] =	vst v34  }
0x49c: {  	v13 =	vld.idx.msk [tilespmem:v15+s3+$0x0], $0xffff;
	[tilespmem:s25+$0xFFFFFE70] =	vst v7  }
0x49d: {  	v10 =	vld.idx.msk [tilespmem:v10+s3+$0x0], $0xffff;
	[tilespmem:s25+$0xFFFFFE50] =	vst v4  }
0x49e: {  	v61 =	vld.idx.msk [tilespmem:v24+s3+$0x0], $0xffff;
	[tilespmem:s25+$0xFFFFFF30] =	vst v12  }
0x49f: {  	v62 =	vld.idx.msk [tilespmem:v26+s3+$0x0], $0xffff;
	[tilespmem:s25+$0xFFFFFF60] =	vst v11  }
0x4a0: {  	[tilespmem:s25+$0xFFFFFF10] =	vst v36  }
0x4a1: {  	[tilespmem:s25+$0x150] =	vst v33  }
0x4a2: {  	v63 =	vld.idx.msk [tilespmem:v23+s3+$0x0], $0xffff;
	[tilespmem:s25+$0x1A0] =	vst v3  }
0x4a3: {  	[tilespmem:s25+$0x110] =	vst v38  }
0x4a4: {  	[tilespmem:s25+$0xFFFFFF80] =	vst v8  }
0x4a5: {  	[tilespmem:s25+$0x80] =	vst v22  }
0x4a6: {  	[tilespmem:s25+$0xFFFFFF90] =	vst v6  }
0x4a7: {  	[tilespmem:s25+$0x90] =	vst v14  }
0x4a8: {  	[tilespmem:s25+$0xFFFFFE20] =	vst v21  }
0x4a9: {  	[tilespmem:s25+$0xFFFFFE30] =	vst v17  }
0x4aa: {  	[tilespmem:s25+$0x120] =	vst v25  }
0x4ab: {  	v3 =	vld.idx.msk [tilespmem:v18+s3+$0x0], $0xffff;
	[tilespmem:s25+$0x180] =	vst v35  }
0x4ac: {  	[tilespmem:s25+$0x1B0] =	vst v63  }
0x4ad: {  	[tilespmem:s25+$0xFFFFFE40] =	vst v10  }
0x4ae: {  	[tilespmem:s25+$0xFFFFFF20] =	vst v61  }
0x4af: {  	[tilespmem:s25+$0xFFFFFF70] =	vst v62  }
0x4b0: {  	[tilespmem:s25+$0x1E0] =	vst v59  }
0x4b1: {  	[tilespmem:s25+$0xFFFFFEB0] =	vst v60  }
0x4b2: {  	[tilespmem:s25+$0x190] =	vst v3  }
0x4b3: {  	[tilespmem:s25+$0xFFFFFE60] =	vst v13  }
0x4b4: {  	s7 =	rddreg [dreg:$0xb]  }
0x4b5: {  	[hbm4b:s7+s3] =	stream.linear.scatter [tilespmem:s11], [sflag:$0x3], $0x4000, $0x38;
	[tilespmem:$0x13000] =	vst v63  }
0x4b6: {  	_ =	swait.ge [sflag:s18], $0x4000  }
.Ltmp10:
0x4b7: {  	[sflag:s18] =	ssyncset.done $0x0;
	(pc) =	sbr.rel @p0 .LBB2_22-.Ltmp10, $4  }
0x4b8: {  	[sflag:s18] =	ssyncadd.s32 $0xFFFFC000  }
0x4b9: {  	_ =	swait.ge [sflag:s22], $0x4000  }
0x4ba: {  	[sflag:s22] =	ssyncset.done $0x0  }
0x4bb: {  	[sflag:s22] =	ssyncadd.s32 $0xFFFFC000  }
.Ltmp11:
0x4bc: {  	(pc) =	sbr.rel @p1 .LBB2_25-.Ltmp11, $2  }
0x4bd: {  	_ =	sdelay $0x2  }
0x4be: {  	s25 =	rddreg [dreg:$0x16]  }
0x4bf: {  	s25 =	rddreg [dreg:$0xd]  }
0x4c0: {  	[tilespmem:s3], [sflag:$0x1] =	stream.linear.gather [hbm4b:s25+s3], $0x1000, $0x38;
	[tilespmem:$0x13000] =	vst v63  }
0x4c1: {  	v13 =	vimm.s32 $0x0;
	s7 =	sadd.s32 $0xF4280, s25  }
0x4c2: {  	v3 =	vshll.u32 v13, $0x3;
	[tilespmem:s30], [sflag:$0x1] =	stream.linear.gather [hbm4b:s7+s3], $0x1000, $0x38;
	[tilespmem:$0x13000] =	vst v63  }
0x4c3: {  	s28 =	sadd.s32 $0x1E8500, s25;
	v10 =	vand.u32 $0x60, v13;
	v3 =	vand.u32 $0xFFFFFC00, v3  }
0x4c4: {  	v6 =	vor.u32 $0x1E, v10;
	v18 =	vadd.s32 v0, v3;
	[tilespmem:s31], [sflag:$0x1] =	stream.linear.gather [hbm4b:s28+s3], $0x1000, $0x38;
	[tilespmem:$0x13000] =	vst v63  }
0x4c5: {  	s29 =	sadd.s32 $0x2DC780, s25;
	v4 =	vor.u32 v6, v18  }
0x4c6: {  	v16 =	vadd.s32 v1, v3;
	v3 =	vor.u32 $0xA, v10;
	v5 =	vor.u32 v10, v18;
	[tilespmem:s0], [sflag:$0x1] =	stream.linear.gather [hbm4b:s29+s3], $0x1000, $0x38;
	[tilespmem:$0x13000] =	vst v63  }
0x4c7: {  	v17 =	vor.u32 $0x1F, v10;
	v7 =	vor.u32 v3, v16;
	_ =	swait.ge [sflag:s9], $0x4000  }
0x4c8: {  	v8 =	vor.u32 $0x6, v10;
	v9 =	vor.u32 v17, v16;
	[sflag:s9] =	ssyncset.done $0x0  }
0x4c9: {  	v11 =	vor.u32 $0x1B, v10;
	v12 =	vor.u32 v8, v16;
	[sflag:s9] =	ssyncadd.s32 $0xFFFFC000  }
0x4ca: {  	v19 =	vor.u32 $0x8, v10;
	v21 =	vor.u32 v11, v16;
	v22 =	vld.idx.msk [tilespmem:v4+s3+$0x0], $0xffff  }
0x4cb: {  	v23 =	vor.u32 v19, v18;
	v14 =	vld.idx.msk [tilespmem:v5+s3+$0x0], $0xffff  }
0x4cc: {  	v11 =	vor.u32 v11, v18;
	v25 =	vld.idx.msk [tilespmem:v7+s3+$0x0], $0xffff  }
0x4cd: {  	v6 =	vor.u32 v6, v16;
	v5 =	vld.idx.msk [tilespmem:v9+s3+$0x0], $0xffff  }
0x4ce: {  	v34 =	vor.u32 $0xD, v10;
	v8 =	vor.u32 v8, v18;
	v26 =	vld.idx.msk [tilespmem:v12+s3+$0x0], $0xffff  }
0x4cf: {  	v36 =	vor.u32 v34, v16;
	v27 =	vld.idx.msk [tilespmem:v21+s3+$0x0], $0xffff  }
0x4d0: {  	v15 =	vor.u32 $0x2, v10;
	v19 =	vor.u32 v19, v16;
	v23 =	vld.idx.msk [tilespmem:v23+s3+$0x0], $0xffff  }
0x4d1: {  	v20 =	vor.u32 $0x1D, v10;
	v4 =	vor.u32 v15, v16;
	v11 =	vld.idx.msk [tilespmem:v11+s3+$0x0], $0xffff  }
0x4d2: {  	v7 =	vor.u32 v20, v18;
	v35 =	vld.idx.msk [tilespmem:v6+s3+$0x0], $0xffff  }
0x4d3: {  	v24 =	vor.u32 $0x19, v10;
	v9 =	vor.u32 v3, v18;
	v38 =	vld.idx.msk [tilespmem:v8+s3+$0x0], $0xffff  }
0x4d4: {  	v43 =	vor.u32 $0xB, v10;
	v29 =	vor.u32 v24, v16;
	v58 =	vld.idx.msk [tilespmem:v36+s3+$0x0], $0xffff  }
0x4d5: {  	v59 =	vor.u32 v43, v18;
	v12 =	vor.u32 $0x4, v10;
	v36 =	vld.idx.msk [tilespmem:v19+s3+$0x0], $0xffff  }
0x4d6: {  	v21 =	vor.u32 $0x3, v10;
	v28 =	vor.u32 v12, v16;
	v4 =	vld.idx.msk [tilespmem:v4+s3+$0x0], $0xffff  }
0x4d7: {  	v32 =	vor.u32 v21, v16;
	v3 =	vld.idx.msk [tilespmem:v7+s3+$0x0], $0xffff  }
0x4d8: {  	v6 =	vor.u32 $0x7, v10;
	v12 =	vor.u32 v12, v18;
	v31 =	vld.idx.msk [tilespmem:v9+s3+$0x0], $0xffff  }
0x4d9: {  	s25 =	simm.s32 $0xA200;
	v37 =	vor.u32 v6, v18;
	v9 =	vld.idx.msk [tilespmem:v29+s3+$0x0], $0xffff  }
0x4da: {  	v33 =	vor.u32 $0x1A, v10;
	v39 =	vor.u32 $0xC, v10;
	v6 =	vor.u32 v6, v16;
	[tilespmem:s25+$0x160] =	vst v11;
	v11 =	vld.idx.msk [tilespmem:v59+s3+$0x0], $0xffff  }
0x4db: {  	v60 =	vor.u32 $0x10, v10;
	v7 =	vor.u32 $0xF, v10;
	v29 =	vor.u32 v33, v18;
	[tilespmem:s25+$0xFFFFFF50] =	vst v25;
	v28 =	vld.idx.msk [tilespmem:v28+s3+$0x0], $0xffff  }
0x4dc: {  	v25 =	vor.u32 v39, v16;
	v30 =	vor.u32 v7, v16;
	v8 =	vor.u32 v7, v18;
	v7 =	vld.idx.msk [tilespmem:v32+s3+$0x0], $0xffff  }
0x4dd: {  	v48 =	vor.u32 $0x11, v10;
	[tilespmem:s25+$0x170] =	vst v27;
	v27 =	vor.u32 v60, v16;
	v57 =	vld.idx.msk [tilespmem:v12+s3+$0x0], $0xffff  }
0x4de: {  	[tilespmem:s25+$0x1C0] =	vst v22;
	v22 =	vor.u32 v48, v16;
	v37 =	vld.idx.msk [tilespmem:v37+s3+$0x0], $0xffff  }
0x4df: {  	v55 =	vor.u32 v10, v16;
	v45 =	vld.idx.msk [tilespmem:v6+s3+$0x0], $0xffff  }
0x4e0: {  	v33 =	vor.u32 v33, v16;
	v6 =	vor.u32 $0xE, v10;
	v42 =	vld.idx.msk [tilespmem:v29+s3+$0x0], $0xffff  }
0x4e1: {  	v47 =	vor.u32 v6, v16;
	v61 =	vor.u32 v6, v18;
	v6 =	vld.idx.msk [tilespmem:v25+s3+$0x0], $0xffff  }
0x4e2: {  	[tilespmem:s25+$0xFFFFFED0] =	vst v26;
	v27 =	vld.idx.msk [tilespmem:v27+s3+$0x0], $0xffff  }
0x4e3: {  	[tilespmem:s25+$0x1D0] =	vst v35;
	v12 =	vor.u32 v34, v18;
	v63 =	vld.idx.msk [tilespmem:v22+s3+$0x0], $0xffff  }
0x4e4: {  	v40 =	vor.u32 v39, v18;
	[tilespmem:s25+$0xFFFFFEC0] =	vst v38;
	v25 =	vor.u32 v60, v18;
	v60 =	vld.idx.msk [tilespmem:v55+s3+$0x0], $0xffff  }
0x4e5: {  	v41 =	vor.u32 $0x9, v10;
	[tilespmem:s25+$0xFFFFFF00] =	vst v23;
	v33 =	vld.idx.msk [tilespmem:v33+s3+$0x0], $0xffff  }
0x4e6: {  	v29 =	vor.u32 v41, v16;
	[tilespmem:s25+$0xFFFFFF40] =	vst v31;
	v30 =	vld.idx.msk [tilespmem:v30+s3+$0x0], $0xffff  }
0x4e7: {  	[tilespmem:s25+$0xFFFFFE00] =	vst v14;
	v44 =	vld.idx.msk [tilespmem:v8+s3+$0x0], $0xffff  }
0x4e8: {  	v46 =	vld.idx.msk [tilespmem:v12+s3+$0x0], $0xffff;
	[tilespmem:s25+$0xFFFFFE90] =	vst v28  }
0x4e9: {  	v62 =	vor.u32 $0x13, v10;
	v31 =	vor.u32 v48, v18;
	v8 =	vld.idx.msk [tilespmem:v40+s3+$0x0], $0xffff;
	[tilespmem:s25+$0xFFFFFEE0] =	vst v37  }
0x4ea: {  	v53 =	vor.u32 $0x14, v10;
	v22 =	vor.u32 v62, v18;
	[tilespmem:s25+$0xFFFFFE80] =	vst v57;
	v28 =	vld.idx.msk [tilespmem:v47+s3+$0x0], $0xffff  }
0x4eb: {  	v35 =	vor.u32 v62, v16;
	v62 =	vor.u32 v53, v16;
	[tilespmem:s25+$0xFFFFFEF0] =	vst v45;
	v12 =	vld.idx.msk [tilespmem:v29+s3+$0x0], $0xffff;
	v29 =	vor.u32 $0x12, v10  }
0x4ec: {  	[tilespmem:s25+$0xFFFFFFB0] =	vst v58;
	v52 =	vld.idx.msk [tilespmem:v61+s3+$0x0], $0xffff;
	v26 =	vor.u32 v29, v16;
	v29 =	vor.u32 v29, v18  }
0x4ed: {  	v56 =	vor.u32 $0x15, v10;
	v54 =	vor.u32 v53, v18;
	v25 =	vld.idx.msk [tilespmem:v25+s3+$0x0], $0xffff;
	[tilespmem:s25+$0x10] =	vst v27  }
0x4ee: {  	v58 =	vor.u32 v56, v18;
	v31 =	vld.idx.msk [tilespmem:v31+s3+$0x0], $0xffff;
	[tilespmem:s25+$0x30] =	vst v63  }
0x4ef: {  	v57 =	vld.idx.msk [tilespmem:v22+s3+$0x0], $0xffff;
	[tilespmem:s25+$0xFFFFFFA0] =	vst v46  }
0x4f0: {  	v47 =	vor.u32 $0x5, v10;
	v14 =	vld.idx.msk [tilespmem:v62+s3+$0x0], $0xffff;
	[tilespmem:s25+$0xFFFFFFE0] =	vst v44  }
0x4f1: {  	v51 =	vor.u32 v47, v18;
	v22 =	vor.u32 $0x16, v10;
	v44 =	vor.u32 v56, v16;
	[tilespmem:s25+$0xFFFFFFF0] =	vst v30;
	v29 =	vld.idx.msk [tilespmem:v29+s3+$0x0], $0xffff  }
0x4f2: {  	v30 =	vor.u32 v22, v18;
	v59 =	vor.u32 v22, v16;
	v22 =	vld.idx.msk [tilespmem:v54+s3+$0x0], $0xffff;
	[tilespmem:s25+$0x0] =	vst v25;
	v25 =	vor.u32 $0x17, v10  }
0x4f3: {  	v46 =	vld.idx.msk [tilespmem:v58+s3+$0x0], $0xffff;
	[tilespmem:s25+$0x20] =	vst v31;
	v31 =	vor.u32 v25, v18  }
0x4f4: {  	[tilespmem:s25+$0xFFFFFFD0] =	vst v28;
	v28 =	vld.idx.msk [tilespmem:v35+s3+$0x0], $0xffff;
	v25 =	vor.u32 v25, v16  }
0x4f5: {  	[tilespmem:s25+$0xFFFFFE10] =	vst v60;
	v26 =	vld.idx.msk [tilespmem:v26+s3+$0x0], $0xffff  }
0x4f6: {  	v34 =	vld.idx.msk [tilespmem:v51+s3+$0x0], $0xffff;
	[tilespmem:s25+$0x40] =	vst v29;
	v29 =	vor.u32 $0x18, v10  }
0x4f7: {  	[tilespmem:s25+$0x140] =	vst v42;
	v44 =	vld.idx.msk [tilespmem:v44+s3+$0x0], $0xffff;
	v27 =	vor.u32 v29, v18  }
0x4f8: {  	[tilespmem:s25+$0xFFFFFFC0] =	vst v52;
	v40 =	vld.idx.msk [tilespmem:v31+s3+$0x0], $0xffff;
	v31 =	vor.u32 $0x1, v10;
	v61 =	vor.u32 v29, v16  }
0x4f9: {  	[tilespmem:s25+$0x60] =	vst v57;
	v39 =	vld.idx.msk [tilespmem:v25+s3+$0x0], $0xffff;
	v25 =	vor.u32 v31, v18  }
0x4fa: {  	v30 =	vld.idx.msk [tilespmem:v30+s3+$0x0], $0xffff;
	[tilespmem:s25+$0x50] =	vst v26;
	v26 =	vor.u32 v31, v16  }
0x4fb: {  	v35 =	vld.idx.msk [tilespmem:v59+s3+$0x0], $0xffff;
	[tilespmem:s25+$0x70] =	vst v28;
	v28 =	vor.u32 v24, v18;
	v31 =	vor.u32 $0x1C, v10  }
0x4fc: {  	v24 =	vor.u32 v41, v18;
	v10 =	vor.u32 v15, v18;
	v63 =	vor.u32 v31, v18;
	v29 =	vld.idx.msk [tilespmem:v27+s3+$0x0], $0xffff  }
0x4fd: {  	v15 =	vor.u32 v21, v18;
	v38 =	vld.idx.msk [tilespmem:v61+s3+$0x0], $0xffff;
	v27 =	vor.u32 v17, v18;
	v18 =	vor.u32 v31, v16  }
0x4fe: {  	[tilespmem:s25+$0xA0] =	vst v46;
	v21 =	vld.idx.msk [tilespmem:v25+s3+$0x0], $0xffff  }
0x4ff: {  	[tilespmem:s25+$0xC0] =	vst v30;
	v17 =	vld.idx.msk [tilespmem:v26+s3+$0x0], $0xffff  }
0x500: {  	v19 =	vor.u32 v47, v16;
	[tilespmem:s25+$0xB0] =	vst v44;
	v25 =	vld.idx.msk [tilespmem:v28+s3+$0x0], $0xffff  }
0x501: {  	s26 =	simm.s32 $0x0;
	v13 =	vadd.s32 $0x20, v13;
	s7 =	simm.s32 $0xA200;
	v23 =	vor.u32 v20, v16;
	[tilespmem:s25+$0xD0] =	vst v35;
	v26 =	vor.u32 v43, v16;
	v35 =	vld.idx.msk [tilespmem:v63+s3+$0x0], $0xffff  }
.LBB2_20:
0x502: {  	v16 =	vand.u32 $0x60, v13;
	v20 =	vshll.u32 v13, $0x3;
	s26 =	sadd.s32 $0x20, s26;
	[tilespmem:s25+$0x130] =	vst v9;
	v37 =	vld.idx.msk [tilespmem:v18+s3+$0x0], $0xffff;
	s7 =	sadd.s32 $0x400, s7  }
0x503: {  	v9 =	vand.u32 $0xFFFFFC00, v20;
	v28 =	vor.u32 $0x6, v16;
	v42 =	vor.u32 $0x1F, v16;
	p2 =	slt.u32 s26, $0x1E0;
	[tilespmem:s25+$0xE0] =	vst v40;
	v43 =	vld.idx.msk [tilespmem:v27+s3+$0x0], $0xffff  }
0x504: {  	v27 =	vor.u32 $0x4, v16;
	v30 =	vor.u32 $0x1B, v16;
	v18 =	vadd.s32 v1, v9;
	v40 =	vld.idx.msk [tilespmem:v15+s3+$0x0], $0xffff;
	[tilespmem:s25+$0xF0] =	vst v39  }
0x505: {  	v31 =	vor.u32 $0x1E, v16;
	v20 =	vadd.s32 v0, v9;
	v9 =	vor.u32 $0x8, v16;
	v41 =	vld.idx.msk [tilespmem:v19+s3+$0x0], $0xffff;
	[tilespmem:s25+$0x1F0] =	vst v5  }
0x506: {  	v15 =	vor.u32 $0xA, v16;
	v5 =	vor.u32 $0x2, v16;
	v19 =	vor.u32 v31, v20;
	v44 =	vld.idx.msk [tilespmem:v10+s3+$0x0], $0xffff;
	[tilespmem:s25+$0x100] =	vst v29  }
0x507: {  	v39 =	vor.u32 v15, v18;
	v29 =	vor.u32 v16, v20;
	v32 =	vor.u32 v5, v18;
	[tilespmem:s25+$0xFFFFFEA0] =	vst v34  }
0x508: {  	v45 =	vor.u32 $0x1, v16;
	v10 =	vor.u32 v5, v20;
	v5 =	vor.u32 v42, v18;
	[tilespmem:s25+$0xFFFFFE70] =	vst v7;
	v7 =	vld.idx.msk [tilespmem:v24+s3+$0x0], $0xffff  }
0x509: {  	v47 =	vor.u32 $0x1D, v16;
	v46 =	vor.u32 v28, v18;
	v24 =	vor.u32 v27, v18;
	[tilespmem:s25+$0xFFFFFE50] =	vst v4;
	v23 =	vld.idx.msk [tilespmem:v23+s3+$0x0], $0xffff  }
0x50a: {  	v48 =	vor.u32 v15, v20;
	v49 =	vor.u32 v30, v18;
	v4 =	vor.u32 $0x3, v16;
	[tilespmem:s25+$0xFFFFFF30] =	vst v12;
	v12 =	vld.idx.msk [tilespmem:v26+s3+$0x0], $0xffff  }
0x50b: {  	v15 =	vor.u32 v4, v20;
	v26 =	vor.u32 v28, v20;
	v28 =	vor.u32 $0x19, v16;
	v50 =	vld.idx.msk [tilespmem:v19+s3+$0x0], $0xffff;
	[tilespmem:s25+$0xFFFFFF60] =	vst v11  }
0x50c: {  	v51 =	vor.u32 v31, v18;
	v11 =	vor.u32 v4, v18;
	v29 =	vld.idx.msk [tilespmem:v29+s3+$0x0], $0xffff;
	[tilespmem:s25+$0xFFFFFF10] =	vst v36  }
0x50d: {  	v52 =	vor.u32 v27, v20;
	v27 =	vor.u32 v30, v20;
	v36 =	vor.u32 v47, v20;
	v53 =	vld.idx.msk [tilespmem:v39+s3+$0x0], $0xffff  }
0x50e: {  	v54 =	vor.u32 v9, v20;
	v4 =	vor.u32 $0x5, v16;
	v55 =	vor.u32 v28, v18;
	v5 =	vld.idx.msk [tilespmem:v5+s3+$0x0], $0xffff;
	[tilespmem:s25+$0x150] =	vst v33  }
0x50f: {  	v34 =	vor.u32 v4, v20;
	v39 =	vor.u32 v16, v18;
	v46 =	vld.idx.msk [tilespmem:v46+s3+$0x0], $0xffff;
	[tilespmem:s25+$0x1A0] =	vst v3  }
0x510: {  	v28 =	vor.u32 v28, v20;
	v19 =	vor.u32 v4, v18;
	v3 =	vor.u32 $0x1A, v16;
	v49 =	vld.idx.msk [tilespmem:v49+s3+$0x0], $0xffff;
	[tilespmem:s25+$0x110] =	vst v38  }
0x511: {  	v38 =	vor.u32 v3, v20;
	v33 =	vor.u32 v3, v18;
	v4 =	vld.idx.msk [tilespmem:v32+s3+$0x0], $0xffff;
	[tilespmem:s25+$0x1B0] =	vst v23  }
0x512: {  	v31 =	vor.u32 v45, v20;
	v30 =	vor.u32 v45, v18;
	v23 =	vor.u32 $0xF, v16;
	v3 =	vld.idx.msk [tilespmem:v36+s3+$0x0], $0xffff;
	[tilespmem:s25+$0xFFFFFF80] =	vst v8  }
0x513: {  	v8 =	vor.u32 $0x7, v16;
	v45 =	vor.u32 v23, v20;
	v32 =	vld.idx.msk [tilespmem:v54+s3+$0x0], $0xffff;
	v54 =	vor.u32 v23, v18;
	[tilespmem:s25+$0xFFFFFE40] =	vst v44  }
0x514: {  	v44 =	vor.u32 v8, v20;
	v8 =	vor.u32 v8, v18;
	v48 =	vld.idx.msk [tilespmem:v48+s3+$0x0], $0xffff;
	[tilespmem:s25+$0x80] =	vst v22  }
0x515: {  	v36 =	vor.u32 v9, v18;
	v9 =	vor.u32 $0xD, v16;
	v22 =	vld.idx.msk [tilespmem:v27+s3+$0x0], $0xffff;
	v27 =	vor.u32 v42, v20;
	[tilespmem:s25+$0xFFFFFF20] =	vst v7  }
0x516: {  	v56 =	vor.u32 v9, v18;
	v7 =	vor.u32 $0x9, v16;
	v42 =	vld.idx.msk [tilespmem:v24+s3+$0x0], $0xffff;
	[tilespmem:s7+$0xFFFFFF50] =	vst v53;
	v53 =	vor.u32 v9, v20  }
0x517: {  	v24 =	vor.u32 v7, v20;
	v57 =	vor.u32 v7, v18;
	v9 =	vld.idx.msk [tilespmem:v55+s3+$0x0], $0xffff;
	[tilespmem:s7+$0x170] =	vst v49  }
0x518: {  	v23 =	vor.u32 v47, v18;
	v47 =	vld.idx.msk [tilespmem:v51+s3+$0x0], $0xffff;
	[tilespmem:s25+$0xFFFFFF70] =	vst v12  }
0x519: {  	v49 =	vld.idx.msk [tilespmem:v54+s3+$0x0], $0xffff;
	[tilespmem:s25+$0x1E0] =	vst v43  }
0x51a: {  	v12 =	vor.u32 $0xB, v16;
	v43 =	vld.idx.msk [tilespmem:v26+s3+$0x0], $0xffff;
	[tilespmem:s25+$0x180] =	vst v35  }
0x51b: {  	v7 =	vld.idx.msk [tilespmem:v11+s3+$0x0], $0xffff;
	v11 =	vor.u32 v12, v20;
	[tilespmem:s7+$0x160] =	vst v22  }
0x51c: {  	v26 =	vor.u32 v12, v18;
	v12 =	vor.u32 $0xC, v16;
	v22 =	vld.idx.msk [tilespmem:v52+s3+$0x0], $0xffff;
	[tilespmem:s25+$0xFFFFFF90] =	vst v6  }
0x51d: {  	v6 =	vor.u32 v12, v20;
	v35 =	vld.idx.msk [tilespmem:v38+s3+$0x0], $0xffff;
	[tilespmem:s7+$0x1C0] =	vst v50  }
0x51e: {  	v38 =	vor.u32 v12, v18;
	v12 =	vor.u32 $0xE, v16;
	v50 =	vld.idx.msk [tilespmem:v56+s3+$0x0], $0xffff;
	[tilespmem:s25+$0xFFFFFEB0] =	vst v41  }
0x51f: {  	[tilespmem:s7+$0xFFFFFED0] =	vst v46;
	v41 =	vld.idx.msk [tilespmem:v44+s3+$0x0], $0xffff;
	v44 =	vor.u32 v12, v20;
	v46 =	vor.u32 v12, v18  }
0x520: {  	v12 =	vor.u32 $0x10, v16;
	[tilespmem:s7+$0xFFFFFF40] =	vst v48;
	v45 =	vld.idx.msk [tilespmem:v45+s3+$0x0], $0xffff  }
0x521: {  	v51 =	vor.u32 v12, v20;
	v52 =	vor.u32 v12, v18;
	v48 =	vld.idx.msk [tilespmem:v8+s3+$0x0], $0xffff;
	[tilespmem:s7+$0x1D0] =	vst v47  }
0x522: {  	v8 =	vor.u32 $0x11, v16;
	v47 =	vld.idx.msk [tilespmem:v53+s3+$0x0], $0xffff;
	[tilespmem:s25+$0x190] =	vst v37  }
0x523: {  	v37 =	vor.u32 v8, v20;
	v53 =	vor.u32 v8, v18;
	v12 =	vld.idx.msk [tilespmem:v57+s3+$0x0], $0xffff;
	[tilespmem:s25+$0xFFFFFE60] =	vst v40  }
0x524: {  	v40 =	vor.u32 $0x12, v16;
	v11 =	vld.idx.msk [tilespmem:v11+s3+$0x0], $0xffff;
	[tilespmem:s25+$0x120] =	vst v25  }
0x525: {  	v25 =	vor.u32 v40, v20;
	v40 =	vor.u32 v40, v18;
	[tilespmem:s7+$0xFFFFFE90] =	vst v42;
	v8 =	vld.idx.msk [tilespmem:v6+s3+$0x0], $0xffff  }
0x526: {  	v6 =	vld.idx.msk [tilespmem:v38+s3+$0x0], $0xffff;
	v38 =	vor.u32 $0x13, v16;
	[tilespmem:s25+$0xFFFFFE20] =	vst v21  }
0x527: {  	[tilespmem:s7+$0xFFFFFEC0] =	vst v43;
	v21 =	vld.idx.msk [tilespmem:v52+s3+$0x0], $0xffff;
	v42 =	vor.u32 v38, v20;
	v38 =	vor.u32 v38, v18  }
0x528: {  	[tilespmem:s7+$0xFFFFFEE0] =	vst v41;
	v41 =	vld.idx.msk [tilespmem:v46+s3+$0x0], $0xffff  }
0x529: {  	[tilespmem:s7+$0xFFFFFE80] =	vst v22;
	v43 =	vld.idx.msk [tilespmem:v53+s3+$0x0], $0xffff  }
0x52a: {  	[tilespmem:s7+$0xFFFFFEF0] =	vst v48;
	v46 =	vld.idx.msk [tilespmem:v40+s3+$0x0], $0xffff  }
0x52b: {  	v40 =	vld.idx.msk [tilespmem:v44+s3+$0x0], $0xffff;
	[tilespmem:s25+$0xFFFFFE30] =	vst v17  }
0x52c: {  	v22 =	vor.u32 $0x14, v16;
	v17 =	vld.idx.msk [tilespmem:v51+s3+$0x0], $0xffff;
	[tilespmem:s25+$0x90] =	vst v14;
	s25 =	smov.u32 s7  }
0x52d: {  	v44 =	vor.u32 v22, v18;
	[tilespmem:s7+$0xFFFFFFA0] =	vst v47;
	v14 =	vld.idx.msk [tilespmem:v37+s3+$0x0], $0xffff;
	v37 =	vor.u32 v22, v20  }
0x52e: {  	v22 =	vor.u32 $0x15, v16;
	[tilespmem:s7+$0xFFFFFFE0] =	vst v45;
	v25 =	vld.idx.msk [tilespmem:v25+s3+$0x0], $0xffff  }
0x52f: {  	v45 =	vor.u32 v22, v20;
	v47 =	vor.u32 v22, v18;
	[tilespmem:s7+$0xFFFFFFB0] =	vst v50;
	v42 =	vld.idx.msk [tilespmem:v42+s3+$0x0], $0xffff  }
0x530: {  	v22 =	vor.u32 $0x16, v16;
	v34 =	vld.idx.msk [tilespmem:v34+s3+$0x0], $0xffff;
	[tilespmem:s7+$0xFFFFFFD0] =	vst v41  }
0x531: {  	v48 =	vor.u32 v22, v18;
	v41 =	vor.u32 v22, v20;
	[tilespmem:s7+$0xFFFFFFF0] =	vst v49;
	v38 =	vld.idx.msk [tilespmem:v38+s3+$0x0], $0xffff  }
0x532: {  	[tilespmem:s7+$0x0] =	vst v17;
	v22 =	vld.idx.msk [tilespmem:v37+s3+$0x0], $0xffff;
	v17 =	vor.u32 $0x17, v16  }
0x533: {  	v37 =	vld.idx.msk [tilespmem:v39+s3+$0x0], $0xffff;
	[tilespmem:s7+$0x20] =	vst v14;
	v14 =	vor.u32 v17, v20;
	v17 =	vor.u32 v17, v18  }
0x534: {  	v39 =	vor.u32 $0x18, v16;
	[tilespmem:s7+$0x40] =	vst v25;
	v25 =	vld.idx.msk [tilespmem:v45+s3+$0x0], $0xffff  }
0x535: {  	[tilespmem:s7+$0x10] =	vst v21;
	v45 =	vld.idx.msk [tilespmem:v47+s3+$0x0], $0xffff;
	v21 =	vor.u32 v39, v20;
	v47 =	vor.u32 v39, v18  }
0x536: {  	[tilespmem:s7+$0xFFFFFFC0] =	vst v40;
	v41 =	vld.idx.msk [tilespmem:v41+s3+$0x0], $0xffff  }
0x537: {  	[tilespmem:s7+$0x30] =	vst v43;
	v43 =	vld.idx.msk [tilespmem:v48+s3+$0x0], $0xffff  }
0x538: {  	[tilespmem:s7+$0x60] =	vst v42;
	v40 =	vld.idx.msk [tilespmem:v14+s3+$0x0], $0xffff  }
0x539: {  	[tilespmem:s7+$0xFFFFFE00] =	vst v29;
	v39 =	vld.idx.msk [tilespmem:v17+s3+$0x0], $0xffff  }
0x53a: {  	[tilespmem:s7+$0x50] =	vst v46;
	v29 =	vld.idx.msk [tilespmem:v21+s3+$0x0], $0xffff  }
0x53b: {  	[tilespmem:s7+$0x70] =	vst v38;
	v38 =	vld.idx.msk [tilespmem:v47+s3+$0x0], $0xffff  }
0x53c: {  	v16 =	vor.u32 $0x1C, v16;
	[tilespmem:s7+$0xFFFFFE10] =	vst v37;
	v14 =	vld.idx.msk [tilespmem:v44+s3+$0x0], $0xffff  }
0x53d: {  	v20 =	vor.u32 v16, v20;
	v18 =	vor.u32 v16, v18;
	[tilespmem:s7+$0xA0] =	vst v25;
	v33 =	vld.idx.msk [tilespmem:v33+s3+$0x0], $0xffff  }
.Ltmp12:
0x53e: {  	v36 =	vld.idx.msk [tilespmem:v36+s3+$0x0], $0xffff;
	[tilespmem:s7+$0xC0] =	vst v41;
	(pc) =	sbr.rel @p2 .LBB2_20-.Ltmp12, $4  }
0x53f: {  	v21 =	vld.idx.msk [tilespmem:v31+s3+$0x0], $0xffff;
	[tilespmem:s7+$0x140] =	vst v35  }
0x540: {  	v17 =	vld.idx.msk [tilespmem:v30+s3+$0x0], $0xffff;
	[tilespmem:s7+$0xFFFFFF00] =	vst v32  }
0x541: {  	[tilespmem:s7+$0xB0] =	vst v45;
	v25 =	vld.idx.msk [tilespmem:v28+s3+$0x0], $0xffff  }
0x542: {  	v13 =	vadd.s32 $0x20, v13;
	[tilespmem:s7+$0xD0] =	vst v43;
	v35 =	vld.idx.msk [tilespmem:v20+s3+$0x0], $0xffff  }
0x543: {  	_ = 	snop  }
0x544: {  	[tilespmem:s25+$0x130] =	vst v9  }
0x545: {  	[tilespmem:s25+$0xE0] =	vst v40  }
0x546: {  	[tilespmem:s25+$0xF0] =	vst v39  }
0x547: {  	v59 =	vld.idx.msk [tilespmem:v27+s3+$0x0], $0xffff;
	[tilespmem:s25+$0x1F0] =	vst v5  }
0x548: {  	[tilespmem:s25+$0x100] =	vst v29  }
0x549: {  	v60 =	vld.idx.msk [tilespmem:v19+s3+$0x0], $0xffff;
	[tilespmem:s25+$0xFFFFFEA0] =	vst v34  }
0x54a: {  	v13 =	vld.idx.msk [tilespmem:v15+s3+$0x0], $0xffff;
	[tilespmem:s25+$0xFFFFFE70] =	vst v7  }
0x54b: {  	v10 =	vld.idx.msk [tilespmem:v10+s3+$0x0], $0xffff;
	[tilespmem:s25+$0xFFFFFE50] =	vst v4  }
0x54c: {  	v61 =	vld.idx.msk [tilespmem:v24+s3+$0x0], $0xffff;
	[tilespmem:s25+$0xFFFFFF30] =	vst v12  }
0x54d: {  	v62 =	vld.idx.msk [tilespmem:v26+s3+$0x0], $0xffff;
	[tilespmem:s25+$0xFFFFFF60] =	vst v11  }
0x54e: {  	[tilespmem:s25+$0xFFFFFF10] =	vst v36  }
0x54f: {  	[tilespmem:s25+$0x150] =	vst v33  }
0x550: {  	v63 =	vld.idx.msk [tilespmem:v23+s3+$0x0], $0xffff;
	[tilespmem:s25+$0x1A0] =	vst v3  }
0x551: {  	[tilespmem:s25+$0x110] =	vst v38  }
0x552: {  	[tilespmem:s25+$0xFFFFFF80] =	vst v8  }
0x553: {  	[tilespmem:s25+$0x80] =	vst v22  }
0x554: {  	[tilespmem:s25+$0xFFFFFF90] =	vst v6  }
0x555: {  	[tilespmem:s25+$0x90] =	vst v14  }
0x556: {  	[tilespmem:s25+$0xFFFFFE20] =	vst v21  }
0x557: {  	[tilespmem:s25+$0xFFFFFE30] =	vst v17  }
0x558: {  	[tilespmem:s25+$0x120] =	vst v25  }
0x559: {  	v3 =	vld.idx.msk [tilespmem:v18+s3+$0x0], $0xffff;
	[tilespmem:s25+$0x180] =	vst v35  }
0x55a: {  	[tilespmem:s25+$0x1B0] =	vst v63  }
0x55b: {  	[tilespmem:s25+$0xFFFFFE40] =	vst v10  }
0x55c: {  	[tilespmem:s25+$0xFFFFFF20] =	vst v61  }
0x55d: {  	[tilespmem:s25+$0xFFFFFF70] =	vst v62  }
0x55e: {  	[tilespmem:s25+$0x1E0] =	vst v59  }
0x55f: {  	[tilespmem:s25+$0xFFFFFEB0] =	vst v60  }
0x560: {  	[tilespmem:s25+$0x190] =	vst v3  }
0x561: {  	[tilespmem:s25+$0xFFFFFE60] =	vst v13  }
.Ltmp13:
0x562: {  	s7 =	rddreg [dreg:$0xe];
	(pc) =	sbr.rel .LBB2_25-.Ltmp13, $4  }
0x563: {  	[hbm4b:s7+s3] =	stream.linear.scatter [tilespmem:s11], [sflag:$0x3], $0x4000, $0x38;
	[tilespmem:$0x13000] =	vst v63  }
0x564: {  	_ =	swait.ge [sflag:s18], $0x4000  }
0x565: {  	[sflag:s18] =	ssyncset.done $0x0  }
0x566: {  	s25 =	rddreg [dreg:$0x16];
	[sflag:s18] =	ssyncadd.s32 $0xFFFFC000  }
.LBB2_22:
0x567: {  	s7 =	simm.s32 $0x1  }
0x568: {  	v3 =	vmov s7  }
0x569: {  	s20 =	simm.s32 $0x3;
	s25 =	simm.s32 $0x2;
	v3 =	vand.u32 $0x79, v3  }
0x56a: {  	s26 =	simm.s32 $0x6;
	v4 =	vmov s20;
	v6 =	vmov s25;
	v5 =	vbroadcast v3, $0x0  }
0x56b: {  	v7 =	vmov s26;
	v4 =	vand.u32 $0x7B, v4;
	v6 =	vand.u32 $0x7A, v6  }
0x56c: {  	s29 =	simm.s32 $0x0;
	s10 =	simm.s32 $0x5;
	s7 =	rddreg [dreg:$0x1];
	v3 =	vor.u32 $0x800, v2;
	v4 =	vbroadcast v4, $0x0;
	v8 =	vor.u32 v2, v5  }
0x56d: {  	[tilespmem:s23], [sflag:$0x5] =	stream.linear.gather [hbm4b:s7+s29], $0x1000, $0x38;
	v7 =	vand.u32 $0x7E, v7;
	v6 =	vbroadcast v6, $0x0;
	v5 =	vor.u32 v3, v5;
	[tilespmem:$0x13000] =	vst v63  }
0x56e: {  	s20 =	simm.s32 $0x7;
	_ =	swait.ge [sflag:s10], $0x1000;
	v7 =	vbroadcast v7, $0x0;
	v9 =	vor.u32 v2, v4  }
0x56f: {  	s12 =	simm.s32 $0x5;
	v13 =	vmov s20;
	[sflag:s10] =	ssyncset.done $0x0;
	v11 =	vor.u32 v2, v6  }
0x570: {  	v10 =	vmov s12;
	v13 =	vand.u32 $0x7F, v13;
	[sflag:s10] =	ssyncadd.s32 $0xFFFFF000;
	v12 =	vor.u32 v2, v7  }
0x571: {  	v10 =	vand.u32 $0x7D, v10;
	v13 =	vbroadcast v13, $0x0;
	v4 =	vor.u32 v3, v4;
	v8 =	vld.idx.msk [tilespmem:v8+s23+$0x0], $0xffff  }
0x572: {  	v10 =	vbroadcast v10, $0x0;
	v7 =	vor.u32 v3, v7;
	v5 =	vld.idx.msk [tilespmem:v5+s23+$0x0], $0xffff  }
0x573: {  	v17 =	vor.u32 v2, v13;
	v9 =	vld.idx.msk [tilespmem:v9+s23+$0x0], $0xffff  }
0x574: {  	v15 =	vmov s29;
	s25 =	simm.s32 $0x4;
	v14 =	vor.u32 v2, v10;
	v11 =	vld.idx.msk [tilespmem:v11+s23+$0x0], $0xffff  }
0x575: {  	v15 =	vand.u32 $0x78, v15;
	v16 =	vmov s25;
	v10 =	vor.u32 v3, v10;
	v12 =	vld.idx.msk [tilespmem:v12+s23+$0x0], $0xffff  }
0x576: {  	v15 =	vbroadcast v15, $0x0;
	v16 =	vand.u32 $0x7C, v16;
	v6 =	vor.u32 v3, v6;
	v4 =	vld.idx.msk [tilespmem:v4+s23+$0x0], $0xffff  }
0x577: {  	s7 =	simm.s32 $0xA080;
	v16 =	vbroadcast v16, $0x0;
	v13 =	vor.u32 v3, v13;
	v7 =	vld.idx.msk [tilespmem:v7+s23+$0x0], $0xffff  }
0x578: {  	s26 =	simm.s32 $0x9;
	v18 =	vor.u32 v2, v15;
	v15 =	vor.u32 v3, v15;
	v17 =	vld.idx.msk [tilespmem:v17+s23+$0x0], $0xffff;
	[tilespmem:s7+$0xFFFFFFA0] =	vst v8  }
0x579: {  	s24 =	smov.u32 s16;
	s29 =	simm.s32 $0xB;
	v19 =	vor.u32 v2, v16;
	v8 =	vld.idx.msk [tilespmem:v14+s23+$0x0], $0xffff;
	v14 =	vmov s26;
	[tilespmem:s7+$0xFFFFFFE0] =	vst v9  }
0x57a: {  	s16 =	smov.u32 s5;
	s28 =	simm.s32 $0x20;
	v10 =	vld.idx.msk [tilespmem:v10+s23+$0x0], $0xffff;
	s26 =	simm.s32 $0xA;
	v9 =	vmov s29;
	[tilespmem:s7+$0x40] =	vst v12;
	v14 =	vand.u32 $0x79, v14  }
0x57b: {  	s5 =	sor.u32 $0x30, s28;
	s28 =	simm.s32 $0xE;
	s10 =	simm.s32 $0xC0;
	v6 =	vld.idx.msk [tilespmem:v6+s23+$0x0], $0xffff;
	v12 =	vor.u32 v3, v16;
	[tilespmem:s7+$0xFFFFFFC0] =	vst v11;
	v20 =	vmov s26;
	v14 =	vbroadcast v14, $0x0  }
0x57c: {  	s12 =	sor.u32 $0x50, s10;
	v13 =	vld.idx.msk [tilespmem:v13+s23+$0x0], $0xffff;
	v9 =	vand.u32 $0x7B, v9;
	[tilespmem:s5+$0xA000] =	vst v5;
	v5 =	vmov s28;
	v16 =	vand.u32 $0x7A, v20  }
0x57d: {  	v15 =	vld.idx.msk [tilespmem:v15+s23+$0x0], $0xffff;
	[tilespmem:s12+$0xA000] =	vst v7;
	v9 =	vbroadcast v9, $0x0;
	v5 =	vand.u32 $0x7E, v5;
	v20 =	vor.u32 v2, v14  }
0x57e: {  	s20 =	simm.s32 $0xA0;
	v21 =	vld.idx.msk [tilespmem:v19+s23+$0x0], $0xffff;
	[tilespmem:s7+$0x60] =	vst v17;
	v16 =	vbroadcast v16, $0x0;
	v5 =	vbroadcast v5, $0x0;
	v7 =	vor.u32 v3, v14  }
0x57f: {  	s29 =	simm.s32 $0xE0;
	s26 =	sor.u32 $0x30, s20;
	s5 =	simm.s32 $0xF;
	[tilespmem:s7+$0x20] =	vst v8;
	v8 =	vor.u32 v2, v9  }
0x580: {  	s10 =	simm.s32 $0xD;
	s28 =	simm.s32 $0x8;
	v17 =	vmov s5;
	v14 =	vld.idx.msk [tilespmem:v18+s23+$0x0], $0xffff;
	v18 =	vor.u32 v2, v16;
	v22 =	vor.u32 v2, v5;
	[tilespmem:s26+$0xA000] =	vst v10;
	s26 =	sor.u32 $0x70, s29  }
0x581: {  	v12 =	vld.idx.msk [tilespmem:v12+s23+$0x0], $0xffff;
	v24 =	vor.u32 v3, v5;
	v10 =	vmov s28;
	[tilespmem:s26+$0xA000] =	vst v13;
	v13 =	vmov s10  }
0x582: {  	s20 =	simm.s32 $0x60;
	[tilespmem:s7+$0xFFFFFF90] =	vst v15;
	s28 =	simm.s32 $0x40;
	v19 =	vand.u32 $0x78, v10;
	v10 =	vand.u32 $0x7F, v17;
	v11 =	vand.u32 $0x7D, v13;
	v20 =	vld.idx.msk [tilespmem:v20+s23+$0x0], $0xffff  }
0x583: {  	v9 =	vor.u32 v3, v9;
	[tilespmem:s7+$0x0] =	vst v21;
	s29 =	sor.u32 $0x70, s20;
	s12 =	sor.u32 $0x50, s28;
	s28 =	simm.s32 $0xC;
	v23 =	vbroadcast v10, $0x0;
	v10 =	vld.idx.msk [tilespmem:v7+s23+$0x0], $0xffff;
	v25 =	vbroadcast v11, $0x0  }
0x584: {  	[tilespmem:s29+$0xA000] =	vst v4;
	v17 =	vmov s28;
	v13 =	vld.idx.msk [tilespmem:v8+s23+$0x0], $0xffff  }
0x585: {  	[tilespmem:s12+$0xA000] =	vst v6;
	v5 =	vbroadcast v19, $0x0;
	v8 =	vand.u32 $0x7C, v17;
	v4 =	vld.idx.msk [tilespmem:v18+s23+$0x0], $0xffff;
	v19 =	vor.u32 v2, v25  }
0x586: {  	v6 =	vor.u32 v3, v16;
	[tilespmem:s7+$0xFFFFFF80] =	vst v14;
	v14 =	vld.idx.msk [tilespmem:v22+s23+$0x0], $0xffff;
	v18 =	vbroadcast v8, $0x0;
	v17 =	vor.u32 v3, v25  }
0x587: {  	s25 =	simm.s32 $0xA180;
	v7 =	vor.u32 v3, v23;
	v11 =	vor.u32 v2, v5;
	v16 =	vor.u32 v2, v23;
	v15 =	vld.idx.msk [tilespmem:v24+s23+$0x0], $0xffff  }
0x588: {  	s26 =	simm.s32 $0x1E0;
	s28 =	simm.s32 $0x10;
	v8 =	vor.u32 v3, v5;
	v5 =	vld.idx.msk [tilespmem:v9+s23+$0x0], $0xffff;
	v9 =	vor.u32 v3, v18;
	[tilespmem:s25+$0xFFFFFFA0] =	vst v20  }
.LBB2_23:
0x589: {  	s29 =	sadd.s32 $0x1, s28;
	s5 =	sadd.s32 $0x3, s28  }
0x58a: {  	v20 =	vmov s28;
	s20 =	sadd.s32 $0x7, s28;
	v18 =	vor.u32 v2, v18;
	v19 =	vld.idx.msk [tilespmem:v19+s23+$0x0], $0xffff;
	[tilespmem:s7+$0x10] =	vst v12;
	s10 =	smov.u32 s28;
	s7 =	smov.u32 s25  }
0x58b: {  	p2 =	slt.u32 s28, $0x38;
	s28 =	sadd.s32 $0x8, s28;
	v12 =	vmov s29;
	s29 =	sadd.s32 $0x2, s10;
	v21 =	vmov s5;
	v22 =	vmov s20;
	v17 =	vld.idx.msk [tilespmem:v17+s23+$0x0], $0xffff  }
0x58c: {  	v20 =	vand.u32 $0x78, v20;
	s5 =	sadd.s32 $0x6, s10;
	s20 =	sadd.s32 $0xFFFFFF40, s26;
	v12 =	vand.u32 $0x79, v12;
	v22 =	vand.u32 $0x7F, v22;
	[tilespmem:s25+$0xFFFFFFE0] =	vst v13;
	v13 =	vld.idx.msk [tilespmem:v16+s23+$0x0], $0xffff  }
0x58d: {  	s12 =	sadd.s32 $0xFFFFFFE0, s26;
	v16 =	vmov s29;
	v21 =	vand.u32 $0x7B, v21;
	s29 =	sadd.s32 $0x5, s10;
	s20 =	sor.u32 $0x30, s20;
	v12 =	vbroadcast v12, $0x0;
	[tilespmem:s25+$0x40] =	vst v14;
	v14 =	vld.idx.msk [tilespmem:v7+s23+$0x0], $0xffff  }
0x58e: {  	v7 =	vand.u32 $0x7A, v16;
	v16 =	vmov s5;
	v22 =	vbroadcast v22, $0x0;
	s5 =	sor.u32 $0x50, s12;
	[tilespmem:s20+$0xA000] =	vst v10;
	v23 =	vld.idx.msk [tilespmem:v6+s23+$0x0], $0xffff  }
0x58f: {  	s12 =	sadd.s32 $0xFFFFFFC0, s26;
	v10 =	vor.u32 v2, v12;
	v24 =	vor.u32 v3, v12;
	v12 =	vbroadcast v21, $0x0;
	v21 =	vld.idx.msk [tilespmem:v11+s23+$0x0], $0xffff;
	[tilespmem:s5+$0xA000] =	vst v15  }
0x590: {  	v6 =	vbroadcast v7, $0x0;
	v7 =	vand.u32 $0x7E, v16;
	v11 =	vmov s29;
	s5 =	sor.u32 $0x30, s12;
	v15 =	vld.idx.msk [tilespmem:v18+s23+$0x0], $0xffff;
	[tilespmem:s25+$0x20] =	vst v19  }
0x591: {  	v18 =	vbroadcast v7, $0x0;
	v7 =	vor.u32 v3, v22;
	v16 =	vor.u32 v2, v12;
	v25 =	vld.idx.msk [tilespmem:v8+s23+$0x0], $0xffff;
	[tilespmem:s5+$0xA000] =	vst v17  }
0x592: {  	v17 =	vor.u32 v2, v6;
	v6 =	vor.u32 v3, v6;
	v26 =	vor.u32 v3, v12;
	s5 =	sor.u32 $0x70, s26;
	[tilespmem:s25+$0x60] =	vst v13  }
0x593: {  	s10 =	sadd.s32 $0x4, s10;
	s12 =	sadd.s32 $0xFFFFFF60, s26;
	v8 =	vand.u32 $0x7D, v11;
	v27 =	vor.u32 v2, v18;
	v28 =	vor.u32 v3, v18;
	v12 =	vld.idx.msk [tilespmem:v9+s23+$0x0], $0xffff;
	[tilespmem:s5+$0xA000] =	vst v14  }
0x594: {  	v11 =	vmov s10;
	s10 =	sadd.s32 $0xFFFFFF80, s26;
	v9 =	vbroadcast v20, $0x0;
	v14 =	vbroadcast v8, $0x0;
	s5 =	sor.u32 $0x50, s12;
	v20 =	vld.idx.msk [tilespmem:v10+s23+$0x0], $0xffff;
	[tilespmem:s25+$0xFFFFFFC0] =	vst v4  }
0x595: {  	v18 =	vand.u32 $0x7C, v11;
	v10 =	vld.idx.msk [tilespmem:v24+s23+$0x0], $0xffff;
	[tilespmem:s5+$0xA000] =	vst v23;
	s5 =	sor.u32 $0x70, s10  }
.Ltmp14:
0x596: {  	v11 =	vor.u32 v2, v9;
	v19 =	vor.u32 v2, v14;
	v13 =	vld.idx.msk [tilespmem:v16+s23+$0x0], $0xffff;
	[tilespmem:s5+$0xA000] =	vst v5;
	(pc) =	sbr.rel @p2 .LBB2_23-.Ltmp14, $4  }
0x597: {  	v8 =	vor.u32 v3, v9;
	v4 =	vld.idx.msk [tilespmem:v17+s23+$0x0], $0xffff;
	v17 =	vor.u32 v3, v14;
	[tilespmem:s25+$0xFFFFFF80] =	vst v21  }
0x598: {  	v18 =	vbroadcast v18, $0x0;
	v16 =	vor.u32 v2, v22;
	v14 =	vld.idx.msk [tilespmem:v27+s23+$0x0], $0xffff;
	[tilespmem:s25+$0xFFFFFF90] =	vst v25  }
0x599: {  	s25 =	sadd.s32 $0x100, s25;
	v5 =	vld.idx.msk [tilespmem:v26+s23+$0x0], $0xffff;
	[tilespmem:s7+$0x0] =	vst v15  }
0x59a: {  	s26 =	sadd.s32 $0x100, s26;
	v9 =	vor.u32 v3, v18;
	[tilespmem:s25+$0xFFFFFFA0] =	vst v20;
	v15 =	vld.idx.msk [tilespmem:v28+s23+$0x0], $0xffff  }
0x59b: {  	_ =	sdelay $0x3  }
0x59c: {  	v3 =	vld.idx.msk [tilespmem:v19+s23+$0x0], $0xffff;
	[tilespmem:s7+$0x10] =	vst v12  }
0x59d: {  	[tilespmem:s25+$0xFFFFFFE0] =	vst v13;
	v60 =	vld.idx.msk [tilespmem:v16+s23+$0x0], $0xffff  }
0x59e: {  	s5 =	sadd.s32 $0xFFFFFF40, s26;
	v6 =	vld.idx.msk [tilespmem:v6+s23+$0x0], $0xffff;
	[tilespmem:s25+$0xFFFFFFC0] =	vst v4  }
0x59f: {  	s20 =	sadd.s32 $0xFFFFFFE0, s26;
	s5 =	sor.u32 $0x30, s5;
	[tilespmem:s25+$0x40] =	vst v14  }
0x5a0: {  	v8 =	vld.idx.msk [tilespmem:v8+s23+$0x0], $0xffff;
	s28 =	sor.u32 $0x50, s20;
	[tilespmem:s5+$0xA000] =	vst v10  }
0x5a1: {  	v61 =	vor.u32 v2, v18;
	v63 =	vld.idx.msk [tilespmem:v9+s23+$0x0], $0xffff;
	[tilespmem:s28+$0xA000] =	vst v15  }
0x5a2: {  	v59 =	vld.idx.msk [tilespmem:v17+s23+$0x0], $0xffff;
	s12 =	sadd.s32 $0xFFFFFF60, s26;
	[tilespmem:s25+$0x20] =	vst v3  }
0x5a3: {  	v7 =	vld.idx.msk [tilespmem:v7+s23+$0x0], $0xffff;
	s20 =	sor.u32 $0x50, s12;
	[tilespmem:s25+$0x60] =	vst v60  }
0x5a4: {  	[tilespmem:s20+$0xA000] =	vst v6  }
0x5a5: {  	s29 =	sadd.s32 $0xFFFFFFC0, s26;
	v3 =	vld.idx.msk [tilespmem:v11+s23+$0x0], $0xffff;
	[tilespmem:s25+$0xFFFFFF90] =	vst v8  }
0x5a6: {  	s7 =	sor.u32 $0x30, s29;
	v62 =	vld.idx.msk [tilespmem:v61+s23+$0x0], $0xffff;
	[tilespmem:s25+$0x10] =	vst v63  }
0x5a7: {  	s10 =	sor.u32 $0x70, s26;
	s28 =	sadd.s32 $0xFFFFFF80, s26;
	[tilespmem:s7+$0xA000] =	vst v59  }
0x5a8: {  	s29 =	sor.u32 $0x70, s28;
	[tilespmem:s10+$0xA000] =	vst v7  }
0x5a9: {  	[tilespmem:s29+$0xA000] =	vst v5  }
0x5aa: {  	[tilespmem:s25+$0xFFFFFF80] =	vst v3  }
0x5ab: {  	[tilespmem:s25+$0x0] =	vst v62  }
0x5ac: {  	s5 =	rddreg [dreg:$0xc]  }
0x5ad: {  	[hbm4b:s5+s3] =	stream.linear.scatter [tilespmem:s11], [sflag:$0x3], $0x800, $0x38;
	[tilespmem:$0x13000] =	vst v63  }
0x5ae: {  	_ =	swait.ge [sflag:s18], $0x800  }
.Ltmp15:
0x5af: {  	s10 =	rddreg [dreg:$0x4];
	(pc) =	sbr.rel .LBB2_25-.Ltmp15, $4  }
0x5b0: {  	s20 =	rddreg [dreg:$0x5]  }
0x5b1: {  	s5 =	smov.u32 s16;
	s12 =	rddreg [dreg:$0x6]  }
0x5b2: {  	s16 =	smov.u32 s24;
	[sflag:s18] =	ssyncset.done $0x0;
	s24 =	rddreg [dreg:$0x7]  }
0x5b3: {  	s25 =	rddreg [dreg:$0x16];
	[sflag:s18] =	ssyncadd.s32 $0xFFFFF800  }
.LBB2_26:
0x5b4: {  	_ =	sfence.sel $0x180000  }
0x5b5: {  	[bflag:$0x0] =	sbarrier.arrive $0xFFFF  }
0x5b6: {  	_ =	strace $0x90000047  }
0x5b7: {  	s0 =	stileid.u32;
	[bflag:$0x2] =	sbarrier.arrive $0xFFFF  }
0x5b8: {  	p0 =	sne.s32 s0, $0x0;
	s0 =	rddreg [dreg:$0x3]  }
0x5b9: {  	s0 =	sadd.s32 @!p0 $0x100000, s0  }
0x5ba: {  	[sflag:s0] =	ssyncadd.tile.s32 @!p0 $0x1;
	_ =	shalt  }
.Lfunc_end2:
_tile_overlayer_lowered:
.L_overlay_start_2:
0x5bb: {  	(tag) =	ssettag $0x2  }
0x5bc: {  	s0 =	rddreg [dreg:$0x0];
	s2 =	stileid.u32  }
0x5bd: {  	s1 =	rddreg [dreg:$0x1];
	p0 =	sne.s32 s2, $0x0  }
0x5be: {  	s3 =	rddreg [dreg:$0x2];
	[bflag:$0x3] =	sbarrier.arrive $0xFFFF;
	s2 =	simm.s32 @!p0 $0x1C05  }
0x5bf: {  	[timem:s3], [sflag:s2] =	dma.local @!p0 [hbm:s0], s1  }
0x5c0: {  	s0 =	simm.s32 @!p0 $0x5  }
0x5c1: {  	_ =	swait.ge @!p0 [sflag:s0], s1  }
0x5c2: {  	s1 =	ssub.s32 @!p0 $0x0, s1;
	[sflag:s0] =	ssyncset.done @!p0 $0x0  }
0x5c3: {  	[sflag:s0] =	ssyncadd.s32 @!p0 s1  }
0x5c4: {  	[bflag:$0x3] =	sbarrier.arrive $0xFFFF  }
0x5c5: {  	_ =	shalt  }

// kernel: _embed.7.cloned.1.call-start
scs
__scs_entry_jumppad:
0x0: {  	(pc) =	sbr.rel $0x88, $3  }
0x1: {  	(tag) =	ssettag $0x0;
	lr =	simm.s32 $0x1  }
0x2: {  	[smem:$0x3F9F] =	sst lr;
	_ =	strace $0xD0000000  }
0x3: {  	_ = 	snop  }
0x4: {  	_ = 	snop  }
0x5: {  	_ = 	snop  }
0x6: {  	_ = 	snop  }
0x7: {  	_ = 	snop  }
__scs_overlays_trampoline_lowered:
0x8: {  	[smem:$0x3FAE] =	sst s0  }
0x9: {  	[smem:$0x3FAF] =	sst s1  }
0xa: {  	[smem:$0x3FB0] =	sst s2  }
0xb: {  	[smem:$0x3FB1] =	sst s3  }
0xc: {  	[smem:$0x3FB2] =	sst s4  }
0xd: {  	[smem:$0x3FB3] =	sst s5  }
0xe: {  	[smem:$0x3FB4] =	sst s6  }
0xf: {  	[smem:$0x3FB5] =	sst s7  }
0x10: {  	[smem:$0x3FB6] =	sst s8  }
0x11: {  	[smem:$0x3FB7] =	sst s9;
	s0 =	simm.s32 @!p0 $0x0  }
0x12: {  	s1 =	sld [smem:$0x3F9D];
	s0 =	simm.s32 @p0 $0x1  }
0x13: {  	[smem:$0x3FB8] =	sst s0;
	s0 =	simm.s32 @!p1 $0x0  }
0x14: {  	s2 =	sld [smem:$0x3F9C];
	s0 =	simm.s32 @p1 $0x1  }
0x15: {  	[smem:$0x3FB9] =	sst s0;
	s0 =	simm.s32 @!p2 $0x0  }
0x16: {  	s3 =	sld [smem:$0x3FDB];
	s0 =	simm.s32 @p2 $0x1  }
0x17: {  	s4 =	simm.s32 $0x1BF5;
	[smem:$0x3FBB] =	sst s0  }
0x18: {  	s0 =	sld [smem:$0x3F9E];
	_ =	swait.ge [sflag:s4], $0x0  }
0x19: {  	s7 =	sld [smem:$0x3F9F]  }
0x1a: {  	s8 =	sadd.s32 $0xFFFFE003, lr  }
0x1b: {  	s9 =	sadd.s32 $0xFFFFFEF7, lr;
	s5 =	simm.s32 $0xFFFFFFFF;
	p2 =	slt.u32 s8, $0xFFFFF086  }
0x1c: {  	p1 =	slt.u32 s9, $0xF7A;
	s5 =	simm.s32 @!p2 $0x0  }
0x1d: {  	s5 =	simm.s32 @p1 $0x1;
	p0 =	seq.s32 s7, s2  }
0x1e: {  	s7 =	smul.u32 @!p0 $0xF7A, s2;
	p2 =	seq.s32 @!p0 s5, $0x0  }
0x1f: {  	s9 =	smul.u32 $0xF7A, s1;
	s8 =	simm.s32 @!p0 $0x1BF5;
	p2 =	por !p2, p0  }
0x20: {  	[sflag:s8] =	ssyncset.s32 @!p0 $0xFFFFF086;
	s6 =	sadd.s32 @!p0 s3, s7;
	s7 =	simm.s32 @!p0 $0x108  }
0x21: {  	s3 =	sadd.s32 s3, s9;
	s6 =	sadd.s32 @!p0 $0x88, s6;
	s7 =	simm.s32 @p2 $0x1082  }
0x22: {  	[simem:s7], [sflag:s8] =	dma.local @!p0 [hbm:s6], $0xF7A  }
0x23: {  	s9 =	sor.u32 $0xD0000000, s2;
	s6 =	simm.s32 $0x108;
	_ =	swait.ge @!p0 [sflag:s8], $0x0  }
0x24: {  	s3 =	sadd.s32 $0x88, s3;
	s6 =	simm.s32 @!p1 $0x1082;
	[sflag:s4] =	ssyncset.s32 $0xFFFFF086  }
0x25: {  	[simem:s6], [sflag:s4] =	dma.local [hbm:s3], $0xF7A  }
0x26: {  	[smem:$0x3F9F] =	sst s1;
	(tag) =	ssettag s2;
	_ =	strace s9  }
0x27: {  	s1 =	sld [smem:$0x3FAF]  }
0x28: {  	s2 =	sld [smem:$0x3FB0]  }
0x29: {  	s4 =	sld [smem:$0x3FB2]  }
0x2a: {  	p0 =	seq.s32 s5, $0x0;
	s5 =	sld [smem:$0x3FB3]  }
0x2b: {  	s6 =	sld [smem:$0x3FB4]  }
0x2c: {  	s7 =	sld [smem:$0x3FB5]  }
0x2d: {  	s3 =	simm.s32 $0x108;
	s8 =	sld [smem:$0x3FB6]  }
0x2e: {  	s3 =	simm.s32 @!p0 $0x1082;
	s9 =	sld [smem:$0x3FB7]  }
0x2f: {  	lr =	sadd.s32 s0, s3;
	s0 =	sld [smem:$0x3FAE]  }
0x30: {  	s3 =	sld [smem:$0x3FB1]  }
0x31: {  	[smem:$0x3FBA] =	sst s10  }
0x32: {  	s10 =	sld [smem:$0x3FB8];
	_ =	sdelay $0x3  }
0x33: {  	p0 =	seq.s32 s10, $0x1;
	s10 =	sld [smem:$0x3FBA];
	_ =	sdelay $0x3  }
0x34: {  	[smem:$0x3FBA] =	sst s10  }
0x35: {  	s10 =	sld [smem:$0x3FB9];
	_ =	sdelay $0x3  }
0x36: {  	p1 =	seq.s32 s10, $0x1;
	s10 =	sld [smem:$0x3FBA];
	_ =	sdelay $0x3  }
0x37: {  	[smem:$0x3FBA] =	sst s10  }
0x38: {  	s10 =	sld [smem:$0x3FBB]  }
0x39: {  	_ = 	snop;
	(pc) =	sbr.ind lr, $3  }
0x3a: {  	_ = 	snop  }
0x3b: {  	_ = 	snop  }
0x3c: {  	p2 =	seq.s32 s10, $0x1;
	s10 =	sld [smem:$0x3FBA]  }
0x3d: {  	_ =	shalt  }
0x3e: {  	_ =	shalt  }
0x3f: {  	_ =	shalt  }
0x40: {  	_ =	shalt  }
0x41: {  	_ =	shalt  }
0x42: {  	_ =	shalt  }
0x43: {  	_ =	shalt  }
0x44: {  	_ =	shalt  }
0x45: {  	_ =	shalt  }
0x46: {  	_ =	shalt  }
0x47: {  	_ =	shalt  }
0x48: {  	_ =	shalt  }
0x49: {  	_ =	shalt  }
0x4a: {  	_ =	shalt  }
0x4b: {  	_ =	shalt  }
0x4c: {  	_ =	shalt  }
0x4d: {  	_ =	shalt  }
0x4e: {  	_ =	shalt  }
0x4f: {  	_ =	shalt  }
0x50: {  	_ =	shalt  }
0x51: {  	_ =	shalt  }
0x52: {  	_ =	shalt  }
0x53: {  	_ =	shalt  }
0x54: {  	_ =	shalt  }
0x55: {  	_ =	shalt  }
0x56: {  	_ =	shalt  }
0x57: {  	_ =	shalt  }
0x58: {  	_ =	shalt  }
0x59: {  	_ =	shalt  }
0x5a: {  	_ =	shalt  }
0x5b: {  	_ =	shalt  }
0x5c: {  	_ =	shalt  }
0x5d: {  	_ =	shalt  }
0x5e: {  	_ =	shalt  }
0x5f: {  	_ =	shalt  }
0x60: {  	_ =	shalt  }
0x61: {  	_ =	shalt  }
0x62: {  	_ =	shalt  }
0x63: {  	_ =	shalt  }
0x64: {  	_ =	shalt  }
0x65: {  	_ =	shalt  }
0x66: {  	_ =	shalt  }
0x67: {  	_ =	shalt  }
0x68: {  	_ =	shalt  }
0x69: {  	_ =	shalt  }
0x6a: {  	_ =	shalt  }
0x6b: {  	_ =	shalt  }
0x6c: {  	_ =	shalt  }
0x6d: {  	_ =	shalt  }
0x6e: {  	_ =	shalt  }
0x6f: {  	_ =	shalt  }
0x70: {  	_ =	shalt  }
0x71: {  	_ =	shalt  }
0x72: {  	_ =	shalt  }
0x73: {  	_ =	shalt  }
0x74: {  	_ =	shalt  }
0x75: {  	_ =	shalt  }
0x76: {  	_ =	shalt  }
0x77: {  	_ =	shalt  }
0x78: {  	_ =	shalt  }
0x79: {  	_ =	shalt  }
0x7a: {  	_ =	shalt  }
0x7b: {  	_ =	shalt  }
0x7c: {  	_ =	shalt  }
0x7d: {  	_ =	shalt  }
0x7e: {  	_ =	shalt  }
0x7f: {  	_ =	shalt  }
0x80: {  	_ =	shalt  }
0x81: {  	_ =	shalt  }
0x82: {  	_ =	shalt  }
0x83: {  	_ =	shalt  }
0x84: {  	_ =	shalt  }
0x85: {  	_ =	shalt  }
0x86: {  	_ =	shalt  }
0x87: {  	_ =	shalt  }
.Lfunc_end0:
.L_simem_size_0:
called_computation.2_lowered:
.L_overlay_start_0:
0x88: {  	s2 =	sld [smem:$0x3FD9]  }
0x89: {  	s3 =	sld [smem:$0x3FFE];
	_ =	sdelay $0x1  }
0x8a: {  	s1 =	srdreg.scid  }
0x8b: {  	s0 =	sand.u32 $0x1, s1  }
0x8c: {  	s17 =	sshll.u32 s0, $0xA;
	s2 =	sadd.s32 s3, s2  }
0x8d: {  	s2 =	sadd.s32 s2, s17  }
0x8e: {  	[smem:$0x3FC6] =	sst s2  }
0x8f: {  	_ = 	snop  }
0x90: {  	s2 =	sld [smem:$0x3FD0];
	(tm) =	ssettm $0x1  }
0x91: {  	s18 =	sld [smem:$0x3FFB];
	_ =	sdelay $0x3  }
0x92: {  	_ =	strace s18  }
0x93: {  	s3 =	sld [smem:$0x3FFC];
	_ =	sdelay $0x3  }
0x94: {  	_ =	strace s3  }
0x95: {  	s3 =	sld [smem:$0x3FFD];
	_ =	sdelay $0x3  }
0x96: {  	_ =	strace s3  }
0x97: {  	_ =	strace $0x8FFFFFFF  }
0x98: {  	s19 =	sld [smem:$0x3FDB];
	_ =	sdelay $0x1  }
0x99: {  	s4 =	simm.s32 $_scs_section_size  }
0x9a: {  	s5 =	simm.s32 $_size__tile_overlayer_lowered;
	s6 =	simm.s32 $_tile_overlayer_lowered  }
0x9b: {  	s22 =	simm.s32 $0x1BFF;
	s21 =	sshll.u32 s6, $0x1;
	s3 =	sadd.s32 s4, s19  }
0x9c: {  	s7 =	simm.s32 $0x0;
	s20 =	sshll.u32 s5, $0x1;
	s5 =	sadd.s32 s21, s3  }
0x9d: {  	[timem:s7], [sflag:s22] =	dma.local [hbm:s5], s20  }
0x9e: {  	_ =	swait.ge [sflag:s22], s20  }
0x9f: {  	s4 =	ssub.s32 $0x0, s20;
	[sflag:s22] =	ssyncset.done $0x0  }
0xa0: {  	[sflag:s22] =	ssyncadd.s32 s4;
	_ =	sdelay $0x1  }
0xa1: {  	s23 =	simm.s32 $0x1B8B  }
0xa2: {  	_ =	swait.ge [sflag:s23], $0x1  }
0xa3: {  	[sflag:s23] =	ssyncset.done $0x0  }
0xa4: {  	s25 =	simm.s32 $0x1B8E;
	s24 =	sld [smem:$0x3FFE];
	[sflag:s23] =	ssyncadd.s32 $0xFFFFFFFF  }
0xa5: {  	s26 =	simm.s32 $execute0_lowered;
	[smem:$0x3FD2] =	sst s25  }
0xa6: {  	s5 =	sshll.u32 s26, $0x1;
	_ =	strace $0x80000049;
	[dreg:$0x1] =	wrdreg $0xFFFFFFFF  }
0xa7: {  	s28 =	simm.s32 $_size_execute0_lowered;
	s3 =	sadd.s32 s3, s5;
	[dreg:$0x0] =	wrdreg $0x0  }
0xa8: {  	s5 =	sshll.u32 s28, $0x1;
	[dreg:$0x2] =	wrdreg s3  }
0xa9: {  	[dreg:$0x3] =	wrdreg s5  }
0xaa: {  	[dreg:$0x4] =	wrdreg $0xC0  }
0xab: {  	_ =	task [dreg:s7], $0x5FFFF  }
0xac: {  	[dreg:$0x1] =	wrdreg $0xFFFFFFFF  }
0xad: {  	[dreg:$0x0] =	wrdreg $0x60  }
0xae: {  	[dreg:$0x2] =	wrdreg s24  }
0xaf: {  	[dreg:$0x3] =	wrdreg s2  }
0xb0: {  	[dreg:$0x4] =	wrdreg $0x9  }
0xb1: {  	_ =	task.clear_ibuf [dreg:s7], $0x5FFFF;
	_ =	strace $0x90000049  }
0xb2: {  	s29 =	simm.s32 $0x9;
	_ =	strace $0x8000004B  }
0xb3: {  	_ =	swait.ge [sflag:s29], $0x1  }
0xb4: {  	[sflag:s29] =	ssyncadd.s32 $0xFFFFFFFF  }
0xb5: {  	_ =	strace $0x9000004B  }
0xb6: {  	_ =	sfence  }
0xb7: {  	s30 =	sld [smem:$0x0];
	_ =	sdelay $0x2  }
0xb8: {  	s31 =	sshll.u32 s1, $0xD;
	s1 =	sshrl.u32 s1, $0x2  }
0xb9: {  	s3 =	sand.u32 $0x4000, s31;
	s1 =	sadd.s32 s1, s30  }
0xba: {  	s0 =	sor.u32 s3, s0;
	s1 =	sshll.u32 s1, $0x11  }
0xbb: {  	s0 =	sor.u32 s1, s0  }
0xbc: {  	s0 =	sadd.s32 $0x8F2B, s0  }
0xbd: {  	[sflag:s0] =	ssyncadd.remote.s32 $0x1  }
0xbe: {  	_ =	sfence.sel $0xFFFF  }
0xbf: {  	[dreg:$0x0] =	wrdreg $0xFFFFFFFF;
	(pc) =	sbr.abs _section_cstart, $3  }
0xc0: {  	[dreg:$0x1] =	wrdreg $0xFFFFFFFF  }
0xc1: {  	_ =	task.clear_ibuf [dreg:s7], $0x2FFFF;
	_ =	strace $0x9FFFFFFF  }
0xc2: {  	(tm) =	ssettm $0x7FFFFFFF  }
0xc3: {  	_ =	shalt  }
tec
execute0_lowered:
.L_overlay_start_1:
0x0: {  	(tag) =	ssettag $0x1  }
0x1: {  	s0 =	srdreg.scid  }
0x2: {  	s1 =	rddreg [dreg:$0x0];
	s9 =	stileid.u32  }
0x3: {  	s4 =	rddreg [dreg:$0x1];
	s2 =	simm.s32 $0x0;
	s10 =	simm.s32 $0x32  }
0x4: {  	s12 =	simm.s32 $0x7640;
	s16 =	simm.s32 $0x7C80;
	s18 =	simm.s32 $0x82C0  }
0x5: {  	s20 =	simm.s32 $0x8900;
	s14 =	simm.s32 $0x8F40;
	s13 =	simm.s32 $0xC780  }
0x6: {  	s15 =	simm.s32 $0xCDC0;
	s17 =	simm.s32 $0xDA40;
	s19 =	simm.s32 $0xE080  }
0x7: {  	s29 =	simm.s32 $0xED00;
	s30 =	simm.s32 $0xF340;
	s31 =	simm.s32 $0xF980  }
0x8: {  	s21 =	simm.s32 $0x1;
	s28 =	simm.s32 $0x4;
	s0 =	sand.u32 $0x1, s0  }
0x9: {  	s3 =	sshll.u32 s9, $0xA;
	s9 =	smul.u32 $0x32000, s9;
	s5 =	sshll.u32 s0, $0x9  }
0xa: {  	s7 =	ssub.s32 $0x2, s0;
	s0 =	smul.u32 $0x19000, s0;
	s3 =	sor.u32 s5, s3  }
0xb: {  	s11 =	simm.s32 $0x0;
	[smem:$0x7FF] =	sst s2;
	s5 =	smul.u32 $0x7, s3  }
0xc: {  	_ =	strace $0x8000004A;
	s22 =	sshrl.u32 s7, $0x1;
	s6 =	smul.u32 $0xC8, s3  }
0xd: {  	s25 =	sadd.s32 s9, s4;
	s9 =	simm.s32 $0xBB00;
	s8 =	smul.u32 $0x640, s3  }
0xe: {  	s3 =	sadd.s32 $0xE00, s1;
	s0 =	sadd.s32 s0, s25;
	s25 =	simm.s32 $0x2  }
0xf: {  	s0 =	sadd.s32 $0x1900, s0;
	s5 =	sadd.s32 s5, s1;
	s1 =	ssub.s32 s7, s22  }
0x10: {  	s23 =	sshrl.u32 s8, $0x3;
	[dreg:$0x7] =	wrdreg s0;
	s22 =	simm.s32 $0x9BC0  }
0x11: {  	s7 =	simm.s32 $0xB4C0;
	s8 =	simm.s32 $0xC140;
	s0 =	simm.s32 $0xD400  }
0x12: {  	s5 =	sadd.s32 $0x3D1800, s5;
	s24 =	sadd.s32 s4, s23;
	s4 =	sadd.s32 s4, s6  }
0x13: {  	s1 =	smax.u32 s1, $0x1;
	s6 =	simm.s32 $0xAE80;
	[dreg:$0x3] =	wrdreg s5  }
0x14: {  	s23 =	simm.s32 $0x3;
	[dreg:$0x4] =	wrdreg s4;
	s26 =	sadd.s32 $0x18380, s24  }
0x15: {  	[dreg:$0x6] =	wrdreg s1;
	s24 =	simm.s32 $0x9580;
	s4 =	simm.s32 $0xA200  }
0x16: {  	s5 =	simm.s32 $0xA840;
	[dreg:$0x5] =	wrdreg s26;
	s26 =	simm.s32 $0xE6C0  }
.LBB2_1:
0x17: {  	[dreg:$0x8] =	wrdreg s11  }
0x18: {  	s1 =	rddreg [dreg:$0x3];
	s2 =	simm.s32 $0x0;
	s11 =	simm.s32 $0x5  }
0x19: {  	[tilespmem:s2], [sflag:$0x5] =	stream.linear.gather [hbm4b:s1+s2], $0x7000, $0x38;
	[tilespmem:$0x13800] =	vst v63  }
0x1a: {  	_ =	swait.ge [sflag:s11], $0x7000  }
0x1b: {  	[sflag:s11] =	ssyncset.done $0x0  }
0x1c: {  	[sflag:s11] =	ssyncadd.s32 $0xFFFF9000;
	s11 =	simm.s32 $0x7000  }
0x1d: {  	[tilespmem:s11], [sflag:$0x1] =	stream.indirect.gather [hbm4b:s3+s10], $0x20, s2, s10, $0xb8;
	[tilespmem:$0x13800] =	vst v63  }
0x1e: {  	s2 =	simm.s32 $0x38  }
0x1f: {  	[tilespmem:s12], [sflag:$0x1] =	stream.indirect.gather [hbm4b:s3+s10], $0x20, s2, s10, $0xb8;
	[tilespmem:$0x13800] =	vst v63  }
0x20: {  	s2 =	simm.s32 $0x70  }
0x21: {  	[tilespmem:s16], [sflag:$0x1] =	stream.indirect.gather [hbm4b:s3+s10], $0x20, s2, s10, $0xb8;
	[tilespmem:$0x13800] =	vst v63  }
0x22: {  	s2 =	simm.s32 $0xA8  }
0x23: {  	[tilespmem:s18], [sflag:$0x1] =	stream.indirect.gather [hbm4b:s3+s10], $0x20, s2, s10, $0xb8;
	[tilespmem:$0x13800] =	vst v63  }
0x24: {  	s2 =	simm.s32 $0xE0  }
0x25: {  	[tilespmem:s20], [sflag:$0x1] =	stream.indirect.gather [hbm4b:s3+s10], $0x20, s2, s10, $0xb8;
	[tilespmem:$0x13800] =	vst v63  }
0x26: {  	s2 =	simm.s32 $0x118  }
0x27: {  	[tilespmem:s14], [sflag:$0x1] =	stream.indirect.gather [hbm4b:s3+s10], $0x20, s2, s10, $0xb8;
	[tilespmem:$0x13800] =	vst v63  }
0x28: {  	s2 =	simm.s32 $0x150  }
0x29: {  	[tilespmem:s24], [sflag:$0x1] =	stream.indirect.gather [hbm4b:s3+s10], $0x20, s2, s10, $0xb8;
	[tilespmem:$0x13800] =	vst v63  }
0x2a: {  	s2 =	simm.s32 $0x188  }
0x2b: {  	[tilespmem:s22], [sflag:$0x1] =	stream.indirect.gather [hbm4b:s3+s10], $0x20, s2, s10, $0xb8;
	[tilespmem:$0x13800] =	vst v63  }
0x2c: {  	s2 =	simm.s32 $0x1C0  }
0x2d: {  	[tilespmem:s4], [sflag:$0x1] =	stream.indirect.gather [hbm4b:s3+s10], $0x20, s2, s10, $0xb8;
	[tilespmem:$0x13800] =	vst v63  }
0x2e: {  	s2 =	simm.s32 $0x1F8  }
0x2f: {  	[tilespmem:s5], [sflag:$0x1] =	stream.indirect.gather [hbm4b:s3+s10], $0x20, s2, s10, $0xb8;
	[tilespmem:$0x13800] =	vst v63  }
0x30: {  	s2 =	simm.s32 $0x230  }
0x31: {  	[tilespmem:s6], [sflag:$0x1] =	stream.indirect.gather [hbm4b:s3+s10], $0x20, s2, s10, $0xb8;
	[tilespmem:$0x13800] =	vst v63  }
0x32: {  	s2 =	simm.s32 $0x268  }
0x33: {  	[tilespmem:s7], [sflag:$0x1] =	stream.indirect.gather [hbm4b:s3+s10], $0x20, s2, s10, $0xb8;
	[tilespmem:$0x13800] =	vst v63  }
0x34: {  	s2 =	simm.s32 $0x2A0  }
0x35: {  	[tilespmem:s9], [sflag:$0x1] =	stream.indirect.gather [hbm4b:s3+s10], $0x20, s2, s10, $0xb8;
	[tilespmem:$0x13800] =	vst v63  }
0x36: {  	s2 =	simm.s32 $0x2D8  }
0x37: {  	[tilespmem:s8], [sflag:$0x1] =	stream.indirect.gather [hbm4b:s3+s10], $0x20, s2, s10, $0xb8;
	[tilespmem:$0x13800] =	vst v63  }
0x38: {  	s2 =	simm.s32 $0x310  }
0x39: {  	[tilespmem:s13], [sflag:$0x1] =	stream.indirect.gather [hbm4b:s3+s10], $0x20, s2, s10, $0xb8;
	[tilespmem:$0x13800] =	vst v63  }
0x3a: {  	s2 =	simm.s32 $0x348  }
0x3b: {  	[tilespmem:s15], [sflag:$0x1] =	stream.indirect.gather [hbm4b:s3+s10], $0x20, s2, s10, $0xb8;
	[tilespmem:$0x13800] =	vst v63  }
0x3c: {  	s2 =	simm.s32 $0x380  }
0x3d: {  	[tilespmem:s0], [sflag:$0x2] =	stream.indirect.gather [hbm4b:s3+s10], $0x20, s2, s10, $0xb8;
	[tilespmem:$0x13800] =	vst v63  }
0x3e: {  	s2 =	simm.s32 $0x3B8  }
0x3f: {  	[tilespmem:s17], [sflag:$0x2] =	stream.indirect.gather [hbm4b:s3+s10], $0x20, s2, s10, $0xb8;
	[tilespmem:$0x13800] =	vst v63  }
0x40: {  	s2 =	simm.s32 $0x3F0  }
0x41: {  	[tilespmem:s19], [sflag:$0x2] =	stream.indirect.gather [hbm4b:s3+s10], $0x20, s2, s10, $0xb8;
	[tilespmem:$0x13800] =	vst v63  }
0x42: {  	s2 =	simm.s32 $0x428  }
0x43: {  	[tilespmem:s26], [sflag:$0x2] =	stream.indirect.gather [hbm4b:s3+s10], $0x20, s2, s10, $0xb8;
	[tilespmem:$0x13800] =	vst v63  }
0x44: {  	s2 =	simm.s32 $0x460  }
0x45: {  	[tilespmem:s29], [sflag:$0x2] =	stream.indirect.gather [hbm4b:s3+s10], $0x20, s2, s10, $0xb8;
	[tilespmem:$0x13800] =	vst v63  }
0x46: {  	s2 =	simm.s32 $0x498  }
0x47: {  	[tilespmem:s30], [sflag:$0x2] =	stream.indirect.gather [hbm4b:s3+s10], $0x20, s2, s10, $0xb8;
	[tilespmem:$0x13800] =	vst v63  }
0x48: {  	s2 =	simm.s32 $0x4D0  }
0x49: {  	[tilespmem:s31], [sflag:$0x2] =	stream.indirect.gather [hbm4b:s3+s10], $0x20, s2, s10, $0xb8;
	[tilespmem:$0x13800] =	vst v63  }
0x4a: {  	s1 =	simm.s32 $0x508;
	s2 =	simm.s32 $0xFFC0  }
0x4b: {  	[tilespmem:s2], [sflag:$0x2] =	stream.indirect.gather [hbm4b:s3+s10], $0x20, s1, s10, $0xb8;
	[tilespmem:$0x13800] =	vst v63  }
0x4c: {  	s2 =	simm.s32 $0x10600;
	s1 =	simm.s32 $0x540  }
0x4d: {  	[tilespmem:s2], [sflag:$0x2] =	stream.indirect.gather [hbm4b:s3+s10], $0x20, s1, s10, $0xb8;
	[tilespmem:$0x13800] =	vst v63  }
0x4e: {  	s2 =	simm.s32 $0x10C40;
	s1 =	simm.s32 $0x578  }
0x4f: {  	[tilespmem:s2], [sflag:$0x2] =	stream.indirect.gather [hbm4b:s3+s10], $0x20, s1, s10, $0xb8;
	[tilespmem:$0x13800] =	vst v63  }
0x50: {  	s2 =	simm.s32 $0x11280;
	s1 =	simm.s32 $0x5B0  }
0x51: {  	[tilespmem:s2], [sflag:$0x2] =	stream.indirect.gather [hbm4b:s3+s10], $0x20, s1, s10, $0xb8;
	[tilespmem:$0x13800] =	vst v63  }
0x52: {  	s2 =	simm.s32 $0x118C0;
	s1 =	simm.s32 $0x5E8  }
0x53: {  	[tilespmem:s2], [sflag:$0x2] =	stream.indirect.gather [hbm4b:s3+s10], $0x20, s1, s10, $0xb8;
	[tilespmem:$0x13800] =	vst v63  }
0x54: {  	s2 =	simm.s32 $0x11F00;
	s1 =	simm.s32 $0x620  }
0x55: {  	[tilespmem:s2], [sflag:$0x2] =	stream.indirect.gather [hbm4b:s3+s10], $0x20, s1, s10, $0xb8;
	[tilespmem:$0x13800] =	vst v63  }
0x56: {  	s2 =	simm.s32 $0x12540;
	s1 =	simm.s32 $0x658  }
0x57: {  	[tilespmem:s2], [sflag:$0x2] =	stream.indirect.gather [hbm4b:s3+s10], $0x20, s1, s10, $0xb8;
	[tilespmem:$0x13800] =	vst v63  }
0x58: {  	s2 =	simm.s32 $0x12B80;
	s1 =	simm.s32 $0x690  }
0x59: {  	[tilespmem:s2], [sflag:$0x2] =	stream.indirect.gather [hbm4b:s3+s10], $0x20, s1, s10, $0xb8;
	[tilespmem:$0x13800] =	vst v63  }
0x5a: {  	s2 =	simm.s32 $0x131C0;
	s1 =	simm.s32 $0x6C8  }
0x5b: {  	[tilespmem:s2], [sflag:$0x2] =	stream.indirect.gather [hbm4b:s3+s10], $0x20, s1, s10, $0xb8;
	[tilespmem:$0x13800] =	vst v63  }
0x5c: {  	_ =	swait.ge [sflag:s21], $0x6400  }
0x5d: {  	[sflag:s21] =	ssyncset.done $0x0  }
0x5e: {  	s2 =	simm.s32 $0x0;
	s1 =	rddreg [dreg:$0x4];
	[sflag:s21] =	ssyncadd.s32 $0xFFFF9C00  }
0x5f: {  	[hbm4b:s1+s2] =	stream.linear.scatter [tilespmem:s11], [sflag:$0x3], $0x6400, $0x38;
	[tilespmem:$0x13800] =	vst v63  }
0x60: {  	_ =	swait.ge [sflag:s23], $0x6400  }
0x61: {  	[sflag:s23] =	ssyncset.done $0x0  }
0x62: {  	s1 =	simm.s32 $0x700;
	[sflag:s23] =	ssyncadd.s32 $0xFFFF9C00  }
0x63: {  	[tilespmem:s11], [sflag:$0x1] =	stream.indirect.gather [hbm4b:s3+s10], $0x20, s1, s10, $0xb8;
	[tilespmem:$0x13800] =	vst v63  }
0x64: {  	s11 =	simm.s32 $0x738  }
0x65: {  	[tilespmem:s12], [sflag:$0x1] =	stream.indirect.gather [hbm4b:s3+s10], $0x20, s11, s10, $0xb8;
	[tilespmem:$0x13800] =	vst v63  }
0x66: {  	s12 =	simm.s32 $0x770  }
0x67: {  	[tilespmem:s16], [sflag:$0x1] =	stream.indirect.gather [hbm4b:s3+s10], $0x20, s12, s10, $0xb8;
	[tilespmem:$0x13800] =	vst v63  }
0x68: {  	s11 =	simm.s32 $0x7A8  }
0x69: {  	[tilespmem:s18], [sflag:$0x1] =	stream.indirect.gather [hbm4b:s3+s10], $0x20, s11, s10, $0xb8;
	[tilespmem:$0x13800] =	vst v63  }
0x6a: {  	s12 =	simm.s32 $0x7E0  }
0x6b: {  	[tilespmem:s20], [sflag:$0x1] =	stream.indirect.gather [hbm4b:s3+s10], $0x20, s12, s10, $0xb8;
	[tilespmem:$0x13800] =	vst v63  }
0x6c: {  	s16 =	simm.s32 $0x818  }
0x6d: {  	[tilespmem:s14], [sflag:$0x1] =	stream.indirect.gather [hbm4b:s3+s10], $0x20, s16, s10, $0xb8;
	[tilespmem:$0x13800] =	vst v63  }
0x6e: {  	s18 =	simm.s32 $0x850  }
0x6f: {  	[tilespmem:s24], [sflag:$0x1] =	stream.indirect.gather [hbm4b:s3+s10], $0x20, s18, s10, $0xb8;
	[tilespmem:$0x13800] =	vst v63  }
0x70: {  	s20 =	simm.s32 $0x888  }
0x71: {  	[tilespmem:s22], [sflag:$0x1] =	stream.indirect.gather [hbm4b:s3+s10], $0x20, s20, s10, $0xb8;
	[tilespmem:$0x13800] =	vst v63  }
0x72: {  	s24 =	simm.s32 $0x8C0  }
0x73: {  	[tilespmem:s4], [sflag:$0x1] =	stream.indirect.gather [hbm4b:s3+s10], $0x20, s24, s10, $0xb8;
	[tilespmem:$0x13800] =	vst v63  }
0x74: {  	s4 =	simm.s32 $0x8F8  }
0x75: {  	[tilespmem:s5], [sflag:$0x1] =	stream.indirect.gather [hbm4b:s3+s10], $0x20, s4, s10, $0xb8;
	[tilespmem:$0x13800] =	vst v63  }
0x76: {  	s5 =	simm.s32 $0x930  }
0x77: {  	[tilespmem:s6], [sflag:$0x1] =	stream.indirect.gather [hbm4b:s3+s10], $0x20, s5, s10, $0xb8;
	[tilespmem:$0x13800] =	vst v63  }
0x78: {  	s6 =	simm.s32 $0x968  }
0x79: {  	[tilespmem:s7], [sflag:$0x1] =	stream.indirect.gather [hbm4b:s3+s10], $0x20, s6, s10, $0xb8;
	[tilespmem:$0x13800] =	vst v63  }
0x7a: {  	s7 =	simm.s32 $0x9A0  }
0x7b: {  	[tilespmem:s9], [sflag:$0x1] =	stream.indirect.gather [hbm4b:s3+s10], $0x20, s7, s10, $0xb8;
	[tilespmem:$0x13800] =	vst v63  }
0x7c: {  	s11 =	simm.s32 $0x9D8  }
0x7d: {  	[tilespmem:s8], [sflag:$0x1] =	stream.indirect.gather [hbm4b:s3+s10], $0x20, s11, s10, $0xb8;
	[tilespmem:$0x13800] =	vst v63  }
0x7e: {  	s12 =	simm.s32 $0xA10  }
0x7f: {  	[tilespmem:s13], [sflag:$0x1] =	stream.indirect.gather [hbm4b:s3+s10], $0x20, s12, s10, $0xb8;
	[tilespmem:$0x13800] =	vst v63  }
0x80: {  	s14 =	simm.s32 $0xA48  }
0x81: {  	[tilespmem:s15], [sflag:$0x1] =	stream.indirect.gather [hbm4b:s3+s10], $0x20, s14, s10, $0xb8;
	[tilespmem:$0x13800] =	vst v63  }
0x82: {  	_ =	swait.ge [sflag:s25], $0x6400  }
0x83: {  	[sflag:s25] =	ssyncset.done $0x0;
	s12 =	rddreg [dreg:$0x7]  }
0x84: {  	s2 =	simm.s32 $0x0;
	[sflag:s25] =	ssyncadd.s32 $0xFFFF9C00;
	s16 =	sadd.s32 $0xFFFFF380, s12  }
0x85: {  	[hbm4b:s16+s2] =	stream.linear.scatter [tilespmem:s0], [sflag:$0x4], $0x6400, $0x38;
	[tilespmem:$0x13800] =	vst v63  }
0x86: {  	_ =	swait.ge [sflag:s28], $0x6400  }
0x87: {  	[sflag:s28] =	ssyncset.done $0x0  }
0x88: {  	s18 =	simm.s32 $0xA80;
	[sflag:s28] =	ssyncadd.s32 $0xFFFF9C00  }
0x89: {  	[tilespmem:s0], [sflag:$0x2] =	stream.indirect.gather [hbm4b:s3+s10], $0x20, s18, s10, $0xb8;
	[tilespmem:$0x13800] =	vst v63  }
0x8a: {  	s20 =	simm.s32 $0xAB8  }
0x8b: {  	[tilespmem:s17], [sflag:$0x2] =	stream.indirect.gather [hbm4b:s3+s10], $0x20, s20, s10, $0xb8;
	[tilespmem:$0x13800] =	vst v63  }
0x8c: {  	s22 =	simm.s32 $0xAF0  }
0x8d: {  	[tilespmem:s19], [sflag:$0x2] =	stream.indirect.gather [hbm4b:s3+s10], $0x20, s22, s10, $0xb8;
	[tilespmem:$0x13800] =	vst v63  }
0x8e: {  	s24 =	simm.s32 $0xB28  }
0x8f: {  	[tilespmem:s26], [sflag:$0x2] =	stream.indirect.gather [hbm4b:s3+s10], $0x20, s24, s10, $0xb8;
	[tilespmem:$0x13800] =	vst v63  }
0x90: {  	s26 =	simm.s32 $0xB60  }
0x91: {  	[tilespmem:s29], [sflag:$0x2] =	stream.indirect.gather [hbm4b:s3+s10], $0x20, s26, s10, $0xb8;
	[tilespmem:$0x13800] =	vst v63  }
0x92: {  	s4 =	simm.s32 $0xBD0;
	s2 =	simm.s32 $0xB98  }
0x93: {  	[tilespmem:s30], [sflag:$0x2] =	stream.indirect.gather [hbm4b:s3+s10], $0x20, s2, s10, $0xb8;
	[tilespmem:$0x13800] =	vst v63  }
0x94: {  	s5 =	simm.s32 $0xC08;
	s6 =	simm.s32 $0xFFC0;
	s7 =	simm.s32 $0xC40  }
0x95: {  	[tilespmem:s31], [sflag:$0x2] =	stream.indirect.gather [hbm4b:s3+s10], $0x20, s4, s10, $0xb8;
	[tilespmem:$0x13800] =	vst v63  }
0x96: {  	s9 =	simm.s32 $0xC78;
	s8 =	simm.s32 $0x10600;
	s11 =	simm.s32 $0x10C40  }
0x97: {  	[tilespmem:s6], [sflag:$0x2] =	stream.indirect.gather [hbm4b:s3+s10], $0x20, s5, s10, $0xb8;
	[tilespmem:$0x13800] =	vst v63  }
0x98: {  	s13 =	simm.s32 $0xCB0;
	s14 =	simm.s32 $0x11280;
	s15 =	simm.s32 $0xCE8  }
0x99: {  	[tilespmem:s8], [sflag:$0x2] =	stream.indirect.gather [hbm4b:s3+s10], $0x20, s7, s10, $0xb8;
	[tilespmem:$0x13800] =	vst v63  }
0x9a: {  	s1 =	sadd.s32 $0x1900, s12;
	s16 =	simm.s32 $0x118C0;
	s18 =	simm.s32 $0x11F00  }
0x9b: {  	[tilespmem:s11], [sflag:$0x2] =	stream.indirect.gather [hbm4b:s3+s10], $0x20, s9, s10, $0xb8;
	[tilespmem:$0x13800] =	vst v63  }
0x9c: {  	s17 =	simm.s32 $0xD20;
	s20 =	simm.s32 $0x12540;
	s19 =	simm.s32 $0xD58  }
0x9d: {  	[tilespmem:s14], [sflag:$0x2] =	stream.indirect.gather [hbm4b:s3+s10], $0x20, s13, s10, $0xb8;
	[tilespmem:$0x13800] =	vst v63  }
0x9e: {  	s22 =	simm.s32 $0xD90;
	s24 =	simm.s32 $0x12B80;
	s26 =	simm.s32 $0xDC8  }
0x9f: {  	[tilespmem:s16], [sflag:$0x2] =	stream.indirect.gather [hbm4b:s3+s10], $0x20, s15, s10, $0xb8;
	[tilespmem:$0x13800] =	vst v63  }
0xa0: {  	s29 =	simm.s32 $0x7C80;
	s30 =	simm.s32 $0x1C00;
	s31 =	simm.s32 $0x131C0  }
0xa1: {  	[tilespmem:s18], [sflag:$0x2] =	stream.indirect.gather [hbm4b:s3+s10], $0x20, s17, s10, $0xb8;
	[tilespmem:$0x13800] =	vst v63  }
0xa2: {  	s4 =	simm.s32 $0xA200;
	s5 =	simm.s32 $0xA840;
	s6 =	simm.s32 $0xAE80  }
0xa3: {  	[tilespmem:s20], [sflag:$0x2] =	stream.indirect.gather [hbm4b:s3+s10], $0x20, s19, s10, $0xb8;
	[tilespmem:$0x13800] =	vst v63  }
0xa4: {  	s7 =	simm.s32 $0xB4C0;
	s8 =	simm.s32 $0xC140;
	s9 =	simm.s32 $0xBB00  }
0xa5: {  	[tilespmem:s24], [sflag:$0x2] =	stream.indirect.gather [hbm4b:s3+s10], $0x20, s22, s10, $0xb8;
	[tilespmem:$0x13800] =	vst v63  }
0xa6: {  	s14 =	simm.s32 $0xED00;
	s13 =	simm.s32 $0xC780;
	s15 =	simm.s32 $0xCDC0  }
0xa7: {  	[tilespmem:s31], [sflag:$0x2] =	stream.indirect.gather [hbm4b:s3+s10], $0x20, s26, s10, $0xb8;
	[tilespmem:$0x13800] =	vst v63  }
0xa8: {  	s18 =	simm.s32 $0x82C0;
	s17 =	simm.s32 $0xDA40;
	_ =	swait.ge [sflag:s21], $0x6400  }
0xa9: {  	s19 =	simm.s32 $0xE080;
	s22 =	simm.s32 $0x9BC0;
	[sflag:s21] =	ssyncset.done $0x0  }
0xaa: {  	s24 =	simm.s32 $0xE6C0;
	s26 =	simm.s32 $0x8900;
	[sflag:s21] =	ssyncadd.s32 $0xFFFF9C00  }
.LBB2_2:
0xab: {  	s11 =	simm.s32 $0x0;
	s31 =	simm.s32 $0x7000  }
0xac: {  	[hbm4b:s12+s11] =	stream.linear.scatter [tilespmem:s31], [sflag:$0x3], $0x6400, $0x38;
	[tilespmem:$0x13800] =	vst v63  }
0xad: {  	s16 =	smov.u32 s30;
	s12 =	smov.u32 s1  }
0xae: {  	p0 =	sne.s32 s30, $0x18800;
	s30 =	sadd.s32 $0x1C00, s30;
	_ =	swait.ge [sflag:s23], $0x6400  }
0xaf: {  	s16 =	sshra.s32 s16, $0x2;
	[sflag:s23] =	ssyncset.done $0x0  }
0xb0: {  	s2 =	simm.s32 $0x7000;
	s20 =	sadd.s32 $0x700, s16;
	[sflag:s23] =	ssyncadd.s32 $0xFFFF9C00  }
0xb1: {  	[tilespmem:s31], [sflag:$0x1] =	stream.indirect.gather [hbm4b:s3+s10], $0x20, s20, s10, $0xb8;
	[tilespmem:$0x13800] =	vst v63  }
0xb2: {  	s20 =	sadd.s32 $0x738, s16;
	s31 =	simm.s32 $0x7640  }
0xb3: {  	[tilespmem:s31], [sflag:$0x1] =	stream.indirect.gather [hbm4b:s3+s10], $0x20, s20, s10, $0xb8;
	[tilespmem:$0x13800] =	vst v63  }
0xb4: {  	s20 =	sadd.s32 $0x770, s16  }
0xb5: {  	[tilespmem:s29], [sflag:$0x1] =	stream.indirect.gather [hbm4b:s3+s10], $0x20, s20, s10, $0xb8;
	[tilespmem:$0x13800] =	vst v63  }
0xb6: {  	s20 =	sadd.s32 $0x7A8, s16  }
0xb7: {  	[tilespmem:s18], [sflag:$0x1] =	stream.indirect.gather [hbm4b:s3+s10], $0x20, s20, s10, $0xb8;
	[tilespmem:$0x13800] =	vst v63  }
0xb8: {  	s20 =	sadd.s32 $0x7E0, s16  }
0xb9: {  	[tilespmem:s26], [sflag:$0x1] =	stream.indirect.gather [hbm4b:s3+s10], $0x20, s20, s10, $0xb8;
	[tilespmem:$0x13800] =	vst v63  }
0xba: {  	s31 =	simm.s32 $0x8F40;
	s20 =	sadd.s32 $0x818, s16  }
0xbb: {  	[tilespmem:s31], [sflag:$0x1] =	stream.indirect.gather [hbm4b:s3+s10], $0x20, s20, s10, $0xb8;
	[tilespmem:$0x13800] =	vst v63  }
0xbc: {  	s20 =	sadd.s32 $0x850, s16;
	s31 =	simm.s32 $0x9580  }
0xbd: {  	[tilespmem:s31], [sflag:$0x1] =	stream.indirect.gather [hbm4b:s3+s10], $0x20, s20, s10, $0xb8;
	[tilespmem:$0x13800] =	vst v63  }
0xbe: {  	s20 =	sadd.s32 $0x888, s16  }
0xbf: {  	[tilespmem:s22], [sflag:$0x1] =	stream.indirect.gather [hbm4b:s3+s10], $0x20, s20, s10, $0xb8;
	[tilespmem:$0x13800] =	vst v63  }
0xc0: {  	s20 =	sadd.s32 $0x8C0, s16  }
0xc1: {  	[tilespmem:s4], [sflag:$0x1] =	stream.indirect.gather [hbm4b:s3+s10], $0x20, s20, s10, $0xb8;
	[tilespmem:$0x13800] =	vst v63  }
0xc2: {  	s20 =	sadd.s32 $0x8F8, s16  }
0xc3: {  	[tilespmem:s5], [sflag:$0x1] =	stream.indirect.gather [hbm4b:s3+s10], $0x20, s20, s10, $0xb8;
	[tilespmem:$0x13800] =	vst v63  }
0xc4: {  	s20 =	sadd.s32 $0x930, s16  }
0xc5: {  	[tilespmem:s6], [sflag:$0x1] =	stream.indirect.gather [hbm4b:s3+s10], $0x20, s20, s10, $0xb8;
	[tilespmem:$0x13800] =	vst v63  }
0xc6: {  	s20 =	sadd.s32 $0x968, s16  }
0xc7: {  	[tilespmem:s7], [sflag:$0x1] =	stream.indirect.gather [hbm4b:s3+s10], $0x20, s20, s10, $0xb8;
	[tilespmem:$0x13800] =	vst v63  }
0xc8: {  	s20 =	sadd.s32 $0x9A0, s16  }
0xc9: {  	[tilespmem:s9], [sflag:$0x1] =	stream.indirect.gather [hbm4b:s3+s10], $0x20, s20, s10, $0xb8;
	[tilespmem:$0x13800] =	vst v63  }
0xca: {  	s20 =	sadd.s32 $0x9D8, s16  }
0xcb: {  	[tilespmem:s8], [sflag:$0x1] =	stream.indirect.gather [hbm4b:s3+s10], $0x20, s20, s10, $0xb8;
	[tilespmem:$0x13800] =	vst v63  }
0xcc: {  	s20 =	sadd.s32 $0xA10, s16  }
0xcd: {  	[tilespmem:s13], [sflag:$0x1] =	stream.indirect.gather [hbm4b:s3+s10], $0x20, s20, s10, $0xb8;
	[tilespmem:$0x13800] =	vst v63  }
0xce: {  	s20 =	sadd.s32 $0xA48, s16  }
0xcf: {  	[tilespmem:s15], [sflag:$0x1] =	stream.indirect.gather [hbm4b:s3+s10], $0x20, s20, s10, $0xb8;
	[tilespmem:$0x13800] =	vst v63  }
0xd0: {  	_ =	swait.ge [sflag:s25], $0x6400  }
0xd1: {  	[sflag:s25] =	ssyncset.done $0x0  }
0xd2: {  	s20 =	sadd.s32 $0xFFFFF380, s1;
	[sflag:s25] =	ssyncadd.s32 $0xFFFF9C00  }
0xd3: {  	[hbm4b:s20+s11] =	stream.linear.scatter [tilespmem:s0], [sflag:$0x4], $0x6400, $0x38;
	[tilespmem:$0x13800] =	vst v63  }
0xd4: {  	_ =	swait.ge [sflag:s28], $0x6400  }
0xd5: {  	[sflag:s28] =	ssyncset.done $0x0  }
0xd6: {  	s20 =	sadd.s32 $0xA80, s16;
	[sflag:s28] =	ssyncadd.s32 $0xFFFF9C00  }
0xd7: {  	[tilespmem:s0], [sflag:$0x2] =	stream.indirect.gather [hbm4b:s3+s10], $0x20, s20, s10, $0xb8;
	[tilespmem:$0x13800] =	vst v63  }
0xd8: {  	s20 =	sadd.s32 $0xAB8, s16  }
0xd9: {  	[tilespmem:s17], [sflag:$0x2] =	stream.indirect.gather [hbm4b:s3+s10], $0x20, s20, s10, $0xb8;
	[tilespmem:$0x13800] =	vst v63  }
0xda: {  	s20 =	sadd.s32 $0xAF0, s16  }
0xdb: {  	[tilespmem:s19], [sflag:$0x2] =	stream.indirect.gather [hbm4b:s3+s10], $0x20, s20, s10, $0xb8;
	[tilespmem:$0x13800] =	vst v63  }
0xdc: {  	s20 =	sadd.s32 $0xB28, s16  }
0xdd: {  	[tilespmem:s24], [sflag:$0x2] =	stream.indirect.gather [hbm4b:s3+s10], $0x20, s20, s10, $0xb8;
	[tilespmem:$0x13800] =	vst v63  }
0xde: {  	s20 =	sadd.s32 $0xB60, s16  }
0xdf: {  	[tilespmem:s14], [sflag:$0x2] =	stream.indirect.gather [hbm4b:s3+s10], $0x20, s20, s10, $0xb8;
	[tilespmem:$0x13800] =	vst v63  }
0xe0: {  	s11 =	simm.s32 $0xF340;
	s20 =	sadd.s32 $0xB98, s16  }
0xe1: {  	[tilespmem:s11], [sflag:$0x2] =	stream.indirect.gather [hbm4b:s3+s10], $0x20, s20, s10, $0xb8;
	[tilespmem:$0x13800] =	vst v63  }
0xe2: {  	s20 =	sadd.s32 $0xBD0, s16;
	s11 =	simm.s32 $0xF980  }
0xe3: {  	[tilespmem:s11], [sflag:$0x2] =	stream.indirect.gather [hbm4b:s3+s10], $0x20, s20, s10, $0xb8;
	[tilespmem:$0x13800] =	vst v63  }
0xe4: {  	s20 =	sadd.s32 $0xC08, s16;
	s11 =	simm.s32 $0xFFC0  }
0xe5: {  	[tilespmem:s11], [sflag:$0x2] =	stream.indirect.gather [hbm4b:s3+s10], $0x20, s20, s10, $0xb8;
	[tilespmem:$0x13800] =	vst v63  }
0xe6: {  	s20 =	sadd.s32 $0xC40, s16;
	s11 =	simm.s32 $0x10600  }
0xe7: {  	[tilespmem:s11], [sflag:$0x2] =	stream.indirect.gather [hbm4b:s3+s10], $0x20, s20, s10, $0xb8;
	[tilespmem:$0x13800] =	vst v63  }
0xe8: {  	s20 =	sadd.s32 $0xC78, s16;
	s11 =	simm.s32 $0x10C40  }
0xe9: {  	[tilespmem:s11], [sflag:$0x2] =	stream.indirect.gather [hbm4b:s3+s10], $0x20, s20, s10, $0xb8;
	[tilespmem:$0x13800] =	vst v63  }
0xea: {  	s20 =	sadd.s32 $0xCB0, s16;
	s11 =	simm.s32 $0x11280  }
0xeb: {  	[tilespmem:s11], [sflag:$0x2] =	stream.indirect.gather [hbm4b:s3+s10], $0x20, s20, s10, $0xb8;
	[tilespmem:$0x13800] =	vst v63  }
0xec: {  	s20 =	sadd.s32 $0xCE8, s16;
	s11 =	simm.s32 $0x118C0  }
0xed: {  	[tilespmem:s11], [sflag:$0x2] =	stream.indirect.gather [hbm4b:s3+s10], $0x20, s20, s10, $0xb8;
	[tilespmem:$0x13800] =	vst v63  }
0xee: {  	s20 =	sadd.s32 $0xD20, s16;
	s11 =	simm.s32 $0x11F00  }
0xef: {  	[tilespmem:s11], [sflag:$0x2] =	stream.indirect.gather [hbm4b:s3+s10], $0x20, s20, s10, $0xb8;
	[tilespmem:$0x13800] =	vst v63  }
0xf0: {  	s20 =	sadd.s32 $0xD58, s16;
	s11 =	simm.s32 $0x12540  }
0xf1: {  	[tilespmem:s11], [sflag:$0x2] =	stream.indirect.gather [hbm4b:s3+s10], $0x20, s20, s10, $0xb8;
	[tilespmem:$0x13800] =	vst v63  }
0xf2: {  	s20 =	sadd.s32 $0xD90, s16;
	s11 =	simm.s32 $0x12B80  }
0xf3: {  	[tilespmem:s11], [sflag:$0x2] =	stream.indirect.gather [hbm4b:s3+s10], $0x20, s20, s10, $0xb8;
	[tilespmem:$0x13800] =	vst v63  }
.Ltmp0:
0xf4: {  	s16 =	sadd.s32 $0xDC8, s16;
	s11 =	simm.s32 $0x131C0;
	(pc) =	sbr.rel @p0 .LBB2_2-.Ltmp0, $4  }
0xf5: {  	[tilespmem:s11], [sflag:$0x2] =	stream.indirect.gather [hbm4b:s3+s10], $0x20, s16, s10, $0xb8;
	[tilespmem:$0x13800] =	vst v63  }
0xf6: {  	_ =	swait.ge [sflag:s21], $0x6400  }
0xf7: {  	[sflag:s21] =	ssyncset.done $0x0  }
0xf8: {  	s1 =	sadd.s32 $0x1900, s1;
	[sflag:s21] =	ssyncadd.s32 $0xFFFF9C00  }
0xf9: {  	s4 =	simm.s32 $0x0  }
0xfa: {  	[hbm4b:s12+s4] =	stream.linear.scatter [tilespmem:s2], [sflag:$0x3], $0x6400, $0x38;
	[tilespmem:$0x13800] =	vst v63  }
0xfb: {  	_ =	swait.ge [sflag:s25], $0x6400  }
0xfc: {  	[sflag:s25] =	ssyncset.done $0x0  }
0xfd: {  	s1 =	rddreg [dreg:$0x5];
	[sflag:s25] =	ssyncadd.s32 $0xFFFF9C00  }
0xfe: {  	[hbm4b:s1+s4] =	stream.linear.scatter [tilespmem:s0], [sflag:$0x4], $0x6400, $0x38;
	[tilespmem:$0x13800] =	vst v63  }
0xff: {  	_ =	swait.ge [sflag:s23], $0x6400  }
0x100: {  	[sflag:s23] =	ssyncset.done $0x0  }
0x101: {  	s16 =	simm.s32 $0x7C80;
	s18 =	simm.s32 $0x82C0;
	[sflag:s23] =	ssyncadd.s32 $0xFFFF9C00  }
0x102: {  	s20 =	simm.s32 $0x8900;
	s14 =	simm.s32 $0x8F40;
	_ =	swait.ge [sflag:s28], $0x6400  }
0x103: {  	s24 =	simm.s32 $0x9580;
	s22 =	simm.s32 $0x9BC0;
	s11 =	rddreg [dreg:$0x8]  }
0x104: {  	s5 =	simm.s32 $0xA840;
	s26 =	rddreg [dreg:$0x6];
	s11 =	sadd.s32 $0x1, s11  }
0x105: {  	s6 =	simm.s32 $0xAE80;
	s7 =	simm.s32 $0xB4C0;
	p0 =	sne.s32 s11, s26  }
.Ltmp1:
0x106: {  	s9 =	simm.s32 $0xBB00;
	s8 =	simm.s32 $0xC140;
	(pc) =	sbr.rel @p0 .LBB2_1-.Ltmp1, $4  }
0x107: {  	s13 =	simm.s32 $0xC780;
	s15 =	simm.s32 $0xCDC0;
	s17 =	simm.s32 $0xDA40  }
0x108: {  	s19 =	simm.s32 $0xE080;
	s29 =	simm.s32 $0xED00;
	s30 =	simm.s32 $0xF340  }
0x109: {  	s31 =	simm.s32 $0xF980;
	s12 =	simm.s32 $0x7640;
	[sflag:s28] =	ssyncset.done $0x0  }
0x10a: {  	s4 =	simm.s32 $0xA200;
	[sflag:s28] =	ssyncadd.s32 $0xFFFF9C00;
	s26 =	simm.s32 $0xE6C0  }
0x10b: {  	_ =	sfence.sel $0x180000  }
0x10c: {  	[bflag:$0x0] =	sbarrier.arrive $0xFFFF  }
0x10d: {  	_ =	strace $0x9000004A  }
0x10e: {  	s0 =	stileid.u32;
	[bflag:$0x2] =	sbarrier.arrive $0xFFFF  }
0x10f: {  	p0 =	sne.s32 s0, $0x0;
	s0 =	rddreg [dreg:$0x2]  }
0x110: {  	s0 =	sadd.s32 @!p0 $0x100000, s0  }
0x111: {  	[sflag:s0] =	ssyncadd.tile.s32 @!p0 $0x1;
	_ =	shalt  }
.Lfunc_end2:
_tile_overlayer_lowered:
.L_overlay_start_2:
0x112: {  	(tag) =	ssettag $0x2  }
0x113: {  	s0 =	rddreg [dreg:$0x0];
	s2 =	stileid.u32  }
0x114: {  	s1 =	rddreg [dreg:$0x1];
	p0 =	sne.s32 s2, $0x0  }
0x115: {  	s3 =	rddreg [dreg:$0x2];
	[bflag:$0x3] =	sbarrier.arrive $0xFFFF;
	s2 =	simm.s32 @!p0 $0x1C05  }
0x116: {  	[timem:s3], [sflag:s2] =	dma.local @!p0 [hbm:s0], s1  }
0x117: {  	s0 =	simm.s32 @!p0 $0x5  }
0x118: {  	_ =	swait.ge @!p0 [sflag:s0], s1  }
0x119: {  	s1 =	ssub.s32 @!p0 $0x0, s1;
	[sflag:s0] =	ssyncset.done @!p0 $0x0  }
0x11a: {  	[sflag:s0] =	ssyncadd.s32 @!p0 s1  }
0x11b: {  	[bflag:$0x3] =	sbarrier.arrive $0xFFFF  }
0x11c: {  	_ =	shalt  }

// kernel: sparse-core-data-format-call.cloned.1.call-start
scs
called_computation_lowered:
.L_overlay_start_0:
0x0: {  	s2 =	sld [smem:$0x3FD9]  }
0x1: {  	s3 =	sld [smem:$0x3FFE];
	_ =	sdelay $0x1  }
0x2: {  	s1 =	srdreg.scid  }
0x3: {  	s0 =	sand.u32 $0x1, s1  }
0x4: {  	s18 =	sshll.u32 s0, $0xA;
	s2 =	sadd.s32 s3, s2  }
0x5: {  	s2 =	sadd.s32 s2, s18  }
0x6: {  	[smem:$0x3FC6] =	sst s2  }
0x7: {  	_ = 	snop  }
0x8: {  	s2 =	sld [smem:$0x3FD0];
	(tm) =	ssettm $0x1  }
0x9: {  	s19 =	sld [smem:$0x3FFB];
	_ =	sdelay $0x3  }
0xa: {  	_ =	strace s19  }
0xb: {  	s3 =	sld [smem:$0x3FFC];
	_ =	sdelay $0x3  }
0xc: {  	_ =	strace s3  }
0xd: {  	s3 =	sld [smem:$0x3FFD];
	_ =	sdelay $0x3  }
0xe: {  	_ =	strace s3  }
0xf: {  	_ =	strace $0x8FFFFFFF  }
0x10: {  	s20 =	sld [smem:$0x3FDB];
	_ =	sdelay $0x1  }
0x11: {  	s4 =	simm.s32 $_scs_section_size  }
0x12: {  	s5 =	simm.s32 $_size__tile_overlayer_lowered;
	s6 =	simm.s32 $_tile_overlayer_lowered  }
0x13: {  	s23 =	simm.s32 $0x1BFF;
	s22 =	sshll.u32 s6, $0x1;
	s3 =	sadd.s32 s4, s20  }
0x14: {  	s7 =	simm.s32 $0x0;
	s21 =	sshll.u32 s5, $0x1;
	s5 =	sadd.s32 s22, s3  }
0x15: {  	[timem:s7], [sflag:s23] =	dma.local [hbm:s5], s21  }
0x16: {  	_ =	swait.ge [sflag:s23], s21  }
0x17: {  	s4 =	ssub.s32 $0x0, s21;
	[sflag:s23] =	ssyncset.done $0x0  }
0x18: {  	[sflag:s23] =	ssyncadd.s32 s4;
	_ =	sdelay $0x1  }
0x19: {  	s24 =	simm.s32 $0x1B8B  }
0x1a: {  	_ =	swait.ge [sflag:s24], $0x1  }
0x1b: {  	[sflag:s24] =	ssyncset.done $0x0  }
0x1c: {  	s26 =	simm.s32 $0x1B8E;
	s25 =	sld [smem:$0x3FFE];
	[sflag:s24] =	ssyncadd.s32 $0xFFFFFFFF  }
0x1d: {  	s27 =	simm.s32 $execute0_lowered;
	[smem:$0x3FD2] =	sst s26  }
0x1e: {  	s5 =	sshll.u32 s27, $0x1;
	_ =	strace $0x8000004C;
	[dreg:$0x1] =	wrdreg $0xFFFFFFFF  }
0x1f: {  	s28 =	simm.s32 $_size_execute0_lowered;
	s3 =	sadd.s32 s3, s5;
	[dreg:$0x0] =	wrdreg $0x0  }
0x20: {  	s5 =	sshll.u32 s28, $0x1;
	[dreg:$0x2] =	wrdreg s3  }
0x21: {  	[dreg:$0x3] =	wrdreg s5  }
0x22: {  	[dreg:$0x4] =	wrdreg $0xC0  }
0x23: {  	_ =	task [dreg:s7], $0x5FFFF  }
0x24: {  	[dreg:$0x1] =	wrdreg $0xFFFFFFFF  }
0x25: {  	[dreg:$0x0] =	wrdreg $0x60  }
0x26: {  	[dreg:$0x2] =	wrdreg s25  }
0x27: {  	[dreg:$0x3] =	wrdreg s2  }
0x28: {  	[dreg:$0x4] =	wrdreg $0x9  }
0x29: {  	_ =	task.clear_ibuf [dreg:s7], $0x5FFFF;
	_ =	strace $0x9000004C  }
0x2a: {  	s29 =	simm.s32 $0x9;
	_ =	strace $0x8000004E  }
0x2b: {  	_ =	swait.ge [sflag:s29], $0x1  }
0x2c: {  	[sflag:s29] =	ssyncadd.s32 $0xFFFFFFFF  }
0x2d: {  	_ =	strace $0x9000004E  }
0x2e: {  	_ =	sfence  }
0x2f: {  	s30 =	sld [smem:$0x0];
	_ =	sdelay $0x2  }
0x30: {  	s31 =	sshll.u32 s1, $0xD;
	s1 =	sshrl.u32 s1, $0x2  }
0x31: {  	s3 =	sand.u32 $0x4000, s31;
	s1 =	sadd.s32 s1, s30  }
0x32: {  	s0 =	sor.u32 s3, s0;
	s1 =	sshll.u32 s1, $0x11  }
0x33: {  	s0 =	sor.u32 s1, s0  }
0x34: {  	s0 =	sadd.s32 $0x8F2B, s0  }
0x35: {  	[sflag:s0] =	ssyncadd.remote.s32 $0x1  }
0x36: {  	_ =	sfence.sel $0xFFFF  }
0x37: {  	[dreg:$0x0] =	wrdreg $0xFFFFFFFF;
	(pc) =	sbr.abs _section_cstart, $3  }
0x38: {  	[dreg:$0x1] =	wrdreg $0xFFFFFFFF  }
0x39: {  	_ =	task.clear_ibuf [dreg:s7], $0x2FFFF;
	_ =	strace $0x9FFFFFFF  }
0x3a: {  	(tm) =	ssettm $0x7FFFFFFF  }
0x3b: {  	_ =	shalt  }
tec
execute0_lowered:
.L_overlay_start_1:
0x0: {  	(tag) =	ssettag $0x1  }
0x1: {  	s0 =	srdreg.scid  }
0x2: {  	s1 =	sshll.u32 s0, $0x4  }
0x3: {  	s0 =	stileid.u32;
	s1 =	sand.u32 $0x10, s1  }
0x4: {  	s1 =	sor.u32 s0, s1  }
0x5: {  	s6 =	rddreg [dreg:$0x0];
	s4 =	simm.s32 $0x1;
	s2 =	sshll.u32 s1, $0x7  }
0x6: {  	s7 =	simm.s32 $0x2;
	s12 =	simm.s32 $0x0;
	s1 =	ssub.s32 $0x4000, s2  }
0x7: {  	s8 =	simm.s32 $0x20000;
	s13 =	simm.s32 $0x0;
	s3 =	sand.u32 $0xF80, s1  }
0x8: {  	s9 =	simm.s32 $0x0;
	s5 =	sshrl.u32 s1, $0xC;
	p0 =	sne.s32 s3, $0x0  }
.Ltmp0:
0x9: {  	s1 =	rddreg [dreg:$0x2];
	s4 =	simm.s32 @!p0 $0x0;
	(pc) =	sbr.rel .LBB1_1-.Ltmp0, $4  }
0xa: {  	s11 =	simm.s32 $0x0;
	s3 =	rddreg [dreg:$0x1];
	s5 =	sadd.s32 s4, s5  }
0xb: {  	_ =	strace $0x8000004D;
	s4 =	simm.s32 $0x1;
	s5 =	smul.u32 $0x32, s5  }
0xc: {  	s6 =	sadd.s32 $0xE00, s6;
	s10 =	smov.u32 s2;
	[sflag:s4] =	ssyncpa.u1 $0x0  }
0xd: {  	p0 =	por $0x0, $0x0;
	[sflag:s7] =	ssyncpa.u1 $0x0;
	s7 =	sor.u32 $0x1, s5  }
.LBB1_4:
0xe: {  	s16 =	sshll.u32 s13, $0x3;
	s17 =	sand.u32 $0x78, s13  }
0xf: {  	s30 =	sand.u32 $0xF800, s13;
	s12 =	sshll.u32 s12, $0x10;
	s16 =	sand.u32 $0x3C00, s16  }
0x10: {  	s31 =	sand.u32 $0x7, s13;
	s16 =	sor.u32 s17, s16;
	s17 =	sadd.s32 s3, s30  }
0x11: {  	s13 =	sshll.u32 s31, $0x12;
	s16 =	sshrl.u32 s16, $0x3;
	s12 =	sadd.s32 s12, s17  }
0x12: {  	[tilespmem:s15+$0x0 ss:$0x81] =	vst.msk $0xffff, v0;
	s13 =	sor.u32 $0x400, s13;
	s12 =	sadd.s32 s16, s12  }
0x13: {  	[hbm4b:s12+s13] =	stream.strided.scatter [tilespmem:s14], [sflag:$0x2], $0x1000, s8, s13, $0x20;
	[tilespmem:$0x4040] =	vst v63  }
.LBB1_5:
0x14: {  	s14 =	sadd.s32 $0x1, s9  }
0x15: {  	s12 =	sadd.s32 $0x1000, s10;
	s16 =	smov.u32 s10;
	p2 =	sgt.s32 s14, $0x31  }
0x16: {  	s16 =	smov.u32 @p2 s12  }
0x17: {  	s14 =	simm.s32 @p2 $0x0;
	p2 =	sgt.s32 s16, $0x3FFF  }
0x18: {  	s16 =	smov.u32 @p2 s2;
	p2 =	sne.s32 s11, s7  }
.Ltmp1:
0x19: {  	p1 =	slt.u32 s11, $0x2;
	(pc) =	sbr.rel @!p2 .LBB1_6-.Ltmp1, $4  }
0x1a: {  	s15 =	simm.s32 @!p1 $0x2  }
0x1b: {  	s13 =	smov.u32 s10;
	p0 =	por !p0, !p0;
	_ =	swait.ge @!p1 [sflag:s15], $0x1000  }
0x1c: {  	s12 =	smov.u32 s9;
	[sflag:s15] =	ssyncset.done @!p1 $0x0;
	s9 =	smov.u32 s14  }
0x1d: {  	s11 =	sadd.s32 $0x1, s11;
	[sflag:s15] =	ssyncadd.s32 @!p1 $0xFFFFF000;
	s10 =	smov.u32 s16  }
.LBB1_1:
0x1e: {  	p1 =	sge.u32 s11, s5  }
0x1f: {  	s14 =	sand.u32 @!p1 $0x1FFFFFF, s9  }
0x20: {  	s15 =	smulhi.u32 @!p1 $0x4924925, s14;
	_ =	sdelay $0x1  }
0x21: {  	s15 =	smul.u32 @!p1 $0x38, s15  }
0x22: {  	s16 =	sxor.u32 @!p1 $0xFFFFFFFF, s11;
	s17 =	smul.u32 @!p1 $0x380, s10  }
0x23: {  	s31 =	sadd.s32 $0xFFFFFFFF, s11;
	s16 =	sshll.u32 @!p1 s16, $0xC;
	s14 =	ssub.s32 @!p1 s14, s15  }
0x24: {  	s15 =	sand.u32 @!p1 $0x1000, s16;
	s16 =	sadd.s32 @!p1 s6, s17;
	s14 =	sshll.u32 @!p1 s14, $0x4  }
0x25: {  	s17 =	simm.s32 @!p1 $0x1C00;
	s14 =	sadd.s32 @!p1 s14, s16;
	s16 =	simm.s32 @!p1 $0x20  }
0x26: {  	[tilespmem:s15], [sflag:$0x1] =	stream.strided.gather @!p1 [hbm4b:s14+s16], $0x1000, s17, s16, $0x38;
	[tilespmem:$0x4040] =	vst v63  }
0x27: {  	p1 =	sge.u32 s31, s5  }
.Ltmp2:
0x28: {  	_ = 	snop;
	(pc) =	sbr.rel @p1 .LBB1_5-.Ltmp2, $1  }
0x29: {  	_ =	sdelay $0x3  }
0x2a: {  	s14 =	simm.s32 $0x1  }
0x2b: {  	_ =	swait.ge [sflag:s4], $0x1000;
	s14 =	simm.s32 @!p0 $0x0  }
0x2c: {  	[sflag:s4] =	ssyncset.done $0x0;
	s15 =	sshll.u32 s14, $0xC  }
0x2d: {  	[sflag:s4] =	ssyncadd.s32 $0xFFFFF000;
	s18 =	sor.u32 $0x10, s15  }
0x2e: {  	s14 =	smul.u32 $0x4080, s14;
	v1 =	vld [tilespmem:s18+$0x0]  }
0x2f: {  	s30 =	sand.u32 $0x1, s11;
	v0 =	vld [tilespmem:s18+$0xFFFFFFF0]  }
0x30: {  	s15 =	smul.u32 $0x4080, s30;
	s14 =	sshrl.u32 s14, $0x2  }
0x31: {  	s16 =	sor.u32 $0x2000, s14  }
0x32: {  	s31 =	sshrl.u32 s15, $0x2;
	s15 =	sadd.s32 $0x0, s16  }
0x33: {  	s17 =	simm.s32 $0x4;
	s18 =	sadd.s32 $0x20, s18;
	s14 =	sor.u32 $0x2000, s31;
	[tilespmem:s15+$0x810 ss:$0x81] =	vst.msk $0xffff, v1  }
.LBB1_3:
0x34: {  	v1 =	vld [tilespmem:s18+$0x0];
	p1 =	sne.s32 s17, $0x1FC;
	[tilespmem:s15+$0x0 ss:$0x81] =	vst.msk $0xffff, v0;
	s15 =	smov.u32 s17;
	s17 =	sadd.s32 $0x4, s17  }
.Ltmp3:
0x35: {  	v0 =	vld [tilespmem:s18+$0xFFFFFFF0];
	(pc) =	sbr.rel @p1 .LBB1_3-.Ltmp3, $4  }
0x36: {  	_ = 	snop  }
0x37: {  	s15 =	sshra.s32 s15, $0x2  }
0x38: {  	s15 =	sadd.s32 s15, s16  }
0x39: {  	s18 =	sadd.s32 $0x20, s18;
	[tilespmem:s15+$0x810 ss:$0x81] =	vst.msk $0xffff, v1  }
.Ltmp4:
0x3a: {  	_ = 	snop;
	(pc) =	sbr.rel .LBB1_4-.Ltmp4, $1  }
0x3b: {  	_ =	sdelay $0x3  }
.LBB1_6:
0x3c: {  	_ =	sfence.sel $0x180000  }
0x3d: {  	s2 =	simm.s32 $0x1;
	[bflag:$0x0] =	sbarrier.arrive $0xFFFF  }
0x3e: {  	s31 =	simm.s32 $0x2;
	[sflag:s2] =	ssyncpa.u1 $0x1  }
0x3f: {  	[sflag:s31] =	ssyncpa.u1 $0x1  }
0x40: {  	p0 =	sne.s32 s0, $0x0;
	_ =	strace $0x9000004D  }
0x41: {  	s0 =	sadd.s32 @!p0 $0x100000, s1;
	[bflag:$0x2] =	sbarrier.arrive $0xFFFF  }
0x42: {  	[sflag:s0] =	ssyncadd.tile.s32 @!p0 $0x1;
	_ =	shalt  }
.Lfunc_end1:
_tile_overlayer_lowered:
.L_overlay_start_2:
0x43: {  	(tag) =	ssettag $0x2  }
0x44: {  	s0 =	rddreg [dreg:$0x0];
	s2 =	stileid.u32  }
0x45: {  	s1 =	rddreg [dreg:$0x1];
	p0 =	sne.s32 s2, $0x0  }
0x46: {  	s3 =	rddreg [dreg:$0x2];
	[bflag:$0x3] =	sbarrier.arrive $0xFFFF;
	s2 =	simm.s32 @!p0 $0x1C01  }
0x47: {  	[timem:s3], [sflag:s2] =	dma.local @!p0 [hbm:s0], s1  }
0x48: {  	s0 =	simm.s32 @!p0 $0x1  }
0x49: {  	_ =	swait.ge @!p0 [sflag:s0], s1  }
0x4a: {  	s1 =	ssub.s32 @!p0 $0x0, s1;
	[sflag:s0] =	ssyncset.done @!p0 $0x0  }
0x4b: {  	[sflag:s0] =	ssyncadd.s32 @!p0 s1  }
0x4c: {  	[bflag:$0x3] =	sbarrier.arrive $0xFFFF  }
0x4d: {  	_ =	shalt  }

</sc_bundles>
